<compile_context>
chip_gen: v7x
topology: tpu7x:2x2x1
jax: 0.10.2.dev20260603
libtpu: 0.0.44.dev20260713+nightly
codegen_flags: <defaults>
</compile_context>

<pallas_src>
import dataclasses
import functools

import jax
import jax.numpy as jnp
from jax import lax
from jax.experimental import pallas as pl
from jax.experimental.pallas import tpu as pltpu
from jax.experimental.pallas import tpu_sc as plsc

N = 10000
E = 160000
F = 256
FH = 128
NP = 10240
NR = 10240
ALPHA = 0.2
EPS = 1e-5
NC = 2
NS = 16
CH = 80
NCHUNK = E // CH
RPT = NR // NS

_sc_mesh = plsc.VectorSubcoreMesh(core_axis_name="c", subcore_axis_name="s")

_sc_cp = pltpu.CompilerParams()
if "needs_layout_passes" in pltpu.CompilerParams.__dataclass_fields__:
    _sc_cp = dataclasses.replace(_sc_cp, needs_layout_passes=False)


EPT = E // (NC * NS)
EPT_FULL = (EPT // 16) * 16


@functools.partial(
    pl.kernel,
    out_type=jax.ShapeDtypeStruct((NC * NS * NP,), jnp.float32),
    mesh=_sc_mesh,
    compiler_params=_sc_cp,
    scratch_types=[
        pltpu.VMEM((NP,), jnp.float32),
        pltpu.VMEM((EPT_FULL + 16,), jnp.int32),
    ],
)
def _sc_degree(ef_hbm, degp_hbm, hist_v, idx_v):
    cc = lax.axis_index("c")
    sid = lax.axis_index("s")
    ones = jnp.full((16,), 1.0, jnp.float32)

    @pl.loop(0, NP, step=128)
    def _zero(i):
        for u in range(8):
            hist_v[pl.ds(i + u * 16, 16)] = jnp.zeros((16,), jnp.float32)

    base_e = E + (cc * NS + sid) * EPT
    pltpu.sync_copy(ef_hbm.at[pl.ds(base_e, EPT)], idx_v.at[pl.ds(0, EPT)])

    @pl.loop(0, EPT_FULL, step=64)
    def _scat(i):
        for u in range(4):
            idx = idx_v[pl.ds(i + u * 16, 16)]
            plsc.addupdate_scatter(hist_v, [idx], ones)

    tail = EPT - EPT_FULL
    if tail:
        mask = jnp.arange(16, dtype=jnp.int32) < tail
        idx = jnp.where(mask, idx_v[pl.ds(EPT_FULL, 16)], 0)
        plsc.addupdate_scatter(hist_v, [idx], ones, mask=mask)

    pltpu.sync_copy(hist_v, degp_hbm.at[pl.ds((cc * NS + sid) * NP, NP)])


NBUF = 4
NGRP = 31
TPT = NGRP * NBUF


@functools.partial(
    pl.kernel,
    out_type=[
        jax.ShapeDtypeStruct((NR, FH), jnp.float32),
        jax.ShapeDtypeStruct((NR, FH), jnp.float32),
    ],
    mesh=_sc_mesh,
    compiler_params=_sc_cp,
    scratch_types=[
        pltpu.VMEM((NBUF, 2, 2, CH), jnp.int32),
        pltpu.VMEM((NBUF, CH, FH), jnp.float32),
        pltpu.VMEM_SHARED((NR, FH), jnp.float32),
        pltpu.SemaphoreType.DMA((NBUF, 2)),
        pltpu.SemaphoreType.DMA((NBUF,)),
        pltpu.SemaphoreType.DMA((NBUF,)),
    ],
)
def _sc_aggregate(ef_hbm, xs_hbm, agg0_hbm, agg1_hbm, idx_v, rows_v, agg_sh,
                  sem_i, sem_g, sem_s):
    cc = lax.axis_index("c")
    sid = lax.axis_index("s")
    row0 = sid * RPT
    sbase = cc * E

    def _fetch_idx(j, b, p, sem):
        pltpu.async_copy(ef_hbm.at[pl.ds(sbase + j * CH, CH)], idx_v.at[b, p, 0], sem)
        pltpu.async_copy(ef_hbm.at[pl.ds(2 * E + j * CH, CH)], idx_v.at[b, p, 1], sem)

    def _wait_idx(b, p):
        pltpu.make_async_copy(ef_hbm.at[pl.ds(0, CH)], idx_v.at[b, p, 0],
                              sem_i.at[b, p]).wait()
        pltpu.make_async_copy(ef_hbm.at[pl.ds(0, CH)], idx_v.at[b, p, 1],
                              sem_i.at[b, p]).wait()

    for b in range(NBUF):
        _fetch_idx(b * NS + sid, b, 0, sem_i.at[b, 0])
    pltpu.sync_copy(
        xs_hbm.at[pl.ds(cc * NR + row0, RPT)], agg_sh.at[pl.ds(row0, RPT)]
    )
    for b in range(NBUF):
        _wait_idx(b, 0)
        pltpu.async_copy(
            xs_hbm.at[idx_v.at[b, 0, 0]], rows_v.at[b], sem_g.at[b]
        )
        _fetch_idx((NBUF + b) * NS + sid, b, 1, sem_i.at[b, 1])
    plsc.subcore_barrier()

    def _wait_scatter(b, p):
        pltpu.make_async_copy(
            rows_v.at[b], agg_sh.at[idx_v.at[b, p, 1]], sem_s.at[b]
        ).wait()

    def _run_group(g, phase, first=False):
        for b in range(NBUF):
            if not first:
                _wait_scatter(b, phase)
            _wait_idx(b, phase)
            pltpu.async_copy(
                xs_hbm.at[idx_v.at[b, phase, 0]], rows_v.at[b], sem_g.at[b]
            )
            jn = ((g + 1) * NBUF + b) * NS + sid

            @pl.when(jn < TPT * NS)
            def _():
                _fetch_idx(jn, b, 1 - phase, sem_i.at[b, 1 - phase])
        for b in range(NBUF):
            pltpu.make_async_copy(
                xs_hbm.at[idx_v.at[b, phase, 0]], rows_v.at[b], sem_g.at[b]
            ).wait()
            pltpu.async_copy(
                rows_v.at[b], agg_sh.at[idx_v.at[b, phase, 1]], sem_s.at[b],
                add=True,
            )

    @pl.loop(0, (NGRP - 1) // 2)
    def _group2(gg):
        for b in range(NBUF):
            @pl.when(gg > 0)
            def _():
                _wait_scatter(b, 0)
                _wait_idx(b, 0)
                pltpu.async_copy(
                    xs_hbm.at[idx_v.at[b, 0, 0]], rows_v.at[b], sem_g.at[b]
                )
                _fetch_idx((gg * 2 * NBUF + NBUF + b) * NS + sid, b, 1,
                           sem_i.at[b, 1])
        for b in range(NBUF):
            pltpu.make_async_copy(
                xs_hbm.at[idx_v.at[b, 0, 0]], rows_v.at[b], sem_g.at[b]
            ).wait()
            pltpu.async_copy(
                rows_v.at[b], agg_sh.at[idx_v.at[b, 0, 1]], sem_s.at[b],
                add=True,
            )
        _run_group(gg * 2 + 1, 1)

    _run_group(NGRP - 1, 0)

    for b in range(NBUF):
        _wait_scatter(b, 0)

    for r in range((NCHUNK - TPT * NS) // NS):
        j = (TPT + r) * NS + sid
        pltpu.sync_copy(ef_hbm.at[pl.ds(sbase + j * CH, CH)], idx_v.at[0, 0, 0])
        pltpu.sync_copy(ef_hbm.at[pl.ds(2 * E + j * CH, CH)], idx_v.at[0, 0, 1])
        pltpu.sync_copy(xs_hbm.at[idx_v.at[0, 0, 0]], rows_v.at[0])
        pltpu.sync_copy(rows_v.at[0], agg_sh.at[idx_v.at[0, 0, 1]], add=True)

    plsc.subcore_barrier()

    @pl.when(cc == 0)
    def _out0():
        pltpu.sync_copy(agg_sh.at[pl.ds(row0, RPT)], agg0_hbm.at[pl.ds(row0, RPT)])

    @pl.when(cc == 1)
    def _out1():
        pltpu.sync_copy(agg_sh.at[pl.ds(row0, RPT)], agg1_hbm.at[pl.ds(row0, RPT)])


def _tc_prep_body(x_ref, degp_ref, xs_ref, dinv_ref):
    deg = jnp.sum(degp_ref[...], axis=0) + 1.0
    dinv = lax.rsqrt(deg)
    dcol = dinv[:N].reshape(N, 1)
    dinv_ref[...] = dcol
    xs_ref[0:N, :] = x_ref[:, 0:FH] * dcol
    xs_ref[N:NR, :] = jnp.zeros((NR - N, FH), jnp.float32)
    xs_ref[NR : NR + N, :] = x_ref[:, FH:F] * dcol
    xs_ref[NR + N :, :] = jnp.zeros((NR - N, FH), jnp.float32)


_tc_prep = pl.pallas_call(
    _tc_prep_body,
    out_shape=[
        jax.ShapeDtypeStruct((NC * NR, FH), jnp.float32),
        jax.ShapeDtypeStruct((N, 1), jnp.float32),
    ],
)


def _tc_final_body(agg0_ref, agg1_ref, dinv_ref, w_ref, b_ref, g_ref, be_ref,
                   out_ref):
    dcol = dinv_ref[...]
    z0 = (agg0_ref[0:N, :] * dcol).astype(jnp.bfloat16)
    z1 = (agg1_ref[0:N, :] * dcol).astype(jnp.bfloat16)
    t = (
        jnp.dot(z0, w_ref[0:FH, :].astype(jnp.bfloat16),
                preferred_element_type=jnp.float32)
        + jnp.dot(z1, w_ref[FH:F, :].astype(jnp.bfloat16),
                  preferred_element_type=jnp.float32)
        + b_ref[...]
    )
    mean = jnp.mean(t, axis=0)
    var = jnp.mean(t * t, axis=0) - mean * mean
    o = (t - mean) * lax.rsqrt(var + EPS) * g_ref[...] + be_ref[...]
    out_ref[...] = jnp.where(o >= 0, o, ALPHA * o)


_tc_final = pl.pallas_call(
    _tc_final_body,
    out_shape=jax.ShapeDtypeStruct((N, F), jnp.float32),
)


def kernel(x, edge_idx, W, b, gamma, beta):
    ef2 = edge_idx.reshape(2 * E)
    ef3 = jnp.concatenate([edge_idx[0], edge_idx[0] + NR, edge_idx[1]])
    degp = _sc_degree(ef2).reshape(NC * NS, NP)
    xs, dinv = _tc_prep(x, degp)
    agg0, agg1 = _sc_aggregate(ef3, xs)
    return _tc_final(agg0, agg1, dinv, W, b, gamma, beta)

# --- scband reference (transcript-rebuilt; emitter-appended) ---
"""Pipeline reference for scband-gcnlayer-24068996727343 (READ-ONLY COPY).

The authoritative reference and input builder live on the scoring server;
editing this copy changes nothing except your own understanding.
"""

import jax, jax.numpy as jnp
import numpy as np

N = 10000
E = 160000
IN_F = 256
OUT_F = 256
ALPHA = 0.2
EPS = 1e-5


def setup_inputs(seed: int = 0) -> dict:
    key = jax.random.key(seed)
    k1, k2, k3, k4 = jax.random.split(key, 4)
    x = jax.random.normal(k1, (N, IN_F), dtype=jnp.float32)
    edge_idx = jax.random.randint(k2, (2, E), 0, N, dtype=jnp.int32)
    # GCNConv linear weight (glorot) and bias (zeros, as in PyG default)
    limit = np.sqrt(6.0 / (IN_F + OUT_F))
    W = jax.random.uniform(k3, (IN_F, OUT_F), dtype=jnp.float32, minval=-limit, maxval=limit)
    b = jnp.zeros((OUT_F,), dtype=jnp.float32)
    # BatchNorm1d affine params
    gamma = jnp.ones((OUT_F,), dtype=jnp.float32)
    beta = jnp.zeros((OUT_F,), dtype=jnp.float32)
    return {"x": x, "edge_idx": edge_idx, "W": W, "b": b, "gamma": gamma, "beta": beta}


def reference(x, edge_idx, W, b, gamma, beta):
    # ---- GCNConv (PyG semantics): add self-loops, symmetric norm, linear, aggregate ----
    loop = jnp.arange(N, dtype=edge_idx.dtype)
    src = jnp.concatenate([edge_idx[0], loop])
    dst = jnp.concatenate([edge_idx[1], loop])
    # linear transform first (PyG applies lin before propagate)
    h = x @ W
    # degree computed on target nodes with unit edge weights (incl. self loops)
    deg = jnp.zeros((N,), dtype=jnp.float32).at[dst].add(1.0)
    deg_inv_sqrt = jax.lax.rsqrt(deg)
    deg_inv_sqrt = jnp.where(jnp.isinf(deg_inv_sqrt), 0.0, deg_inv_sqrt)
    norm = deg_inv_sqrt[src] * deg_inv_sqrt[dst]
    msg = h[src] * norm[:, None]
    out = jnp.zeros((N, OUT_F), dtype=jnp.float32).at[dst].add(msg)
    out = out + b
    # ---- BatchNorm1d (training mode: batch statistics, biased variance) ----
    mean = jnp.mean(out, axis=0)
    var = jnp.var(out, axis=0)
    out = (out - mean) * jax.lax.rsqrt(var + EPS) * gamma + beta
    # ---- LeakyReLU(alpha) ----
    out = jnp.where(out >= 0, out, ALPHA * out)
    return out

if __name__ == "__main__":
    import jax
    _d = setup_inputs()
    print(jax.jit(kernel)(*tuple(_d.values())))

</pallas_src>

<mosaic_0001>
#map = affine_map<(d0, d1) -> (0)>
#map1 = affine_map<(d0, d1) -> (0, 0)>
module attributes {stable_mosaic.version = 14 : i64} {
  func.func @_sc_aggregate(%arg0: i32, %arg1: i32, %arg2: memref<480000xi32, #tpu.memory_space<hbm>>, %arg3: memref<20480x128xf32, #tpu.memory_space<hbm>>, %arg4: memref<10240x128xf32, #tpu.memory_space<hbm>>, %arg5: memref<10240x128xf32, #tpu.memory_space<hbm>>, %arg6: memref<4x2x2x80xi32, #tpu.memory_space<vmem>>, %arg7: memref<4x80x128xf32, #tpu.memory_space<vmem>>, %arg8: memref<10240x128xf32, #tpu.memory_space<vmem_shared>>, %arg9: memref<4x2x!tpu.dma_semaphore, #tpu.memory_space<semaphore_mem>>, %arg10: memref<4x!tpu.dma_semaphore, #tpu.memory_space<semaphore_mem>>, %arg11: memref<4x!tpu.dma_semaphore, #tpu.memory_space<semaphore_mem>>) attributes {dimension_semantics = [#tpu.dimension_semantics<core_parallel>, #tpu.dimension_semantics<subcore_parallel>], iteration_bounds = array<i64: 2, 16>, scalar_prefetch = 0 : i64, scratch_operands = 6 : i64, tpu.core_type = #tpu.core_type<sc_vector_subcore>, window_params = [{transform_indices = #map}, {transform_indices = #map1}, {transform_indices = #map1}, {transform_indices = #map1}]} {
    %mul3A = arith.constant 640 : i32
    %mul3A_0 = arith.muli %arg1, %mul3A : i32
    %mul3A_1 = arith.constant 160000 : i32
    %mul3A_2 = arith.muli %arg0, %mul3A_1 : i32
    %add3A = arith.constant 0 : i32
    %add3A_3 = arith.addi %add3A, %arg1 : i32
    %mul3A_4 = arith.constant 80 : i32
    %mul3A_5 = arith.muli %add3A_3, %mul3A_4 : i32
    %add3A_6 = arith.addi %mul3A_2, %mul3A_5 : i32
    %dma_start3A = arith.constant 0 : i32
    %dma_start3A_7 = arith.constant 0 : i32
    %dma_start3A_8 = arith.constant 0 : i32
    %dma_start3A_9 = arith.constant 0 : i32
    %dma_start3A_10 = arith.constant 0 : i32
    %dma_start3A_11 = arith.constant 0 : i32
    %dma_start3A_12 = tpu.memref_slice %arg6[%dma_start3A, %dma_start3A_7, %dma_start3A_8, %dma_start3A_11] : memref<4x2x2x80xi32, #tpu.memory_space<vmem>> -> memref<1x1x1x80xi32, #tpu.memory_space<vmem>>
    %dma_start3A_13 = tpu.memref_squeeze %dma_start3A_12 : memref<1x1x1x80xi32, #tpu.memory_space<vmem>> -> memref<80xi32, #tpu.memory_space<vmem>>
    %dma_start3A_14 = tpu.memref_slice %arg2[%add3A_6] : memref<480000xi32, #tpu.memory_space<hbm>> -> memref<80xi32, #tpu.memory_space<hbm>>
    %dma_start3A_15 = tpu.memref_slice %arg9[%dma_start3A_9, %dma_start3A_10] : memref<4x2x!tpu.dma_semaphore, #tpu.memory_space<semaphore_mem>> -> memref<1x1x!tpu.dma_semaphore, #tpu.memory_space<semaphore_mem>>
    %dma_start3A_16 = tpu.memref_squeeze %dma_start3A_15 : memref<1x1x!tpu.dma_semaphore, #tpu.memory_space<semaphore_mem>> -> memref<!tpu.dma_semaphore, #tpu.memory_space<semaphore_mem>>
    %dma_start3A_17 = arith.constant 0 : i32
    %dma_start3A_18 = tpu.memref_slice %arg6[%dma_start3A, %dma_start3A_7, %dma_start3A_8, %dma_start3A_17] : memref<4x2x2x80xi32, #tpu.memory_space<vmem>> -> memref<1x1x1x80xi32, #tpu.memory_space<vmem>>
    %dma_start3A_19 = tpu.memref_squeeze %dma_start3A_18 : memref<1x1x1x80xi32, #tpu.memory_space<vmem>> -> memref<80xi32, #tpu.memory_space<vmem>>
    %dma_start3A_20 = tpu.memref_slice %arg2[%add3A_6] : memref<480000xi32, #tpu.memory_space<hbm>> -> memref<80xi32, #tpu.memory_space<hbm>>
    tpu.enqueue_dma source(%dma_start3A_20 : memref<80xi32, #tpu.memory_space<hbm>>) target(%dma_start3A_19 : memref<80xi32, #tpu.memory_space<vmem>>) target_semaphore(%dma_start3A_16 : memref<!tpu.dma_semaphore, #tpu.memory_space<semaphore_mem>>)
    %mul3A_21 = arith.constant 80 : i32
    %mul3A_22 = arith.muli %add3A_3, %mul3A_21 : i32
    %add3A_23 = arith.constant 320000 : i32
    %add3A_24 = arith.addi %add3A_23, %mul3A_22 : i32
    %dma_start3A_25 = arith.constant 0 : i32
    %dma_start3A_26 = arith.constant 0 : i32
    %dma_start3A_27 = arith.constant 1 : i32
    %dma_start3A_28 = arith.constant 0 : i32
    %dma_start3A_29 = arith.constant 0 : i32
    %dma_start3A_30 = arith.constant 0 : i32
    %dma_start3A_31 = tpu.memref_slice %arg6[%dma_start3A_25, %dma_start3A_26, %dma_start3A_27, %dma_start3A_30] : memref<4x2x2x80xi32, #tpu.memory_space<vmem>> -> memref<1x1x1x80xi32, #tpu.memory_space<vmem>>
    %dma_start3A_32 = tpu.memref_squeeze %dma_start3A_31 : memref<1x1x1x80xi32, #tpu.memory_space<vmem>> -> memref<80xi32, #tpu.memory_space<vmem>>
    %dma_start3A_33 = tpu.memref_slice %arg2[%add3A_24] : memref<480000xi32, #tpu.memory_space<hbm>> -> memref<80xi32, #tpu.memory_space<hbm>>
    %dma_start3A_34 = tpu.memref_slice %arg9[%dma_start3A_28, %dma_start3A_29] : memref<4x2x!tpu.dma_semaphore, #tpu.memory_space<semaphore_mem>> -> memref<1x1x!tpu.dma_semaphore, #tpu.memory_space<semaphore_mem>>
    %dma_start3A_35 = tpu.memref_squeeze %dma_start3A_34 : memref<1x1x!tpu.dma_semaphore, #tpu.memory_space<semaphore_mem>> -> memref<!tpu.dma_semaphore, #tpu.memory_space<semaphore_mem>>
    %dma_start3A_36 = arith.constant 0 : i32
    %dma_start3A_37 = tpu.memref_slice %arg6[%dma_start3A_25, %dma_start3A_26, %dma_start3A_27, %dma_start3A_36] : memref<4x2x2x80xi32, #tpu.memory_space<vmem>> -> memref<1x1x1x80xi32, #tpu.memory_space<vmem>>
    %dma_start3A_38 = tpu.memref_squeeze %dma_start3A_37 : memref<1x1x1x80xi32, #tpu.memory_space<vmem>> -> memref<80xi32, #tpu.memory_space<vmem>>
    %dma_start3A_39 = tpu.memref_slice %arg2[%add3A_24] : memref<480000xi32, #tpu.memory_space<hbm>> -> memref<80xi32, #tpu.memory_space<hbm>>
    tpu.enqueue_dma source(%dma_start3A_39 : memref<80xi32, #tpu.memory_space<hbm>>) target(%dma_start3A_38 : memref<80xi32, #tpu.memory_space<vmem>>) target_semaphore(%dma_start3A_35 : memref<!tpu.dma_semaphore, #tpu.memory_space<semaphore_mem>>)
    %add3A_40 = arith.constant 16 : i32
    %add3A_41 = arith.addi %add3A_40, %arg1 : i32
    %mul3A_42 = arith.constant 80 : i32
    %mul3A_43 = arith.muli %add3A_41, %mul3A_42 : i32
    %add3A_44 = arith.addi %mul3A_2, %mul3A_43 : i32
    %dma_start3A_45 = arith.constant 1 : i32
    %dma_start3A_46 = arith.constant 0 : i32
    %dma_start3A_47 = arith.constant 0 : i32
    %dma_start3A_48 = arith.constant 1 : i32
    %dma_start3A_49 = arith.constant 0 : i32
    %dma_start3A_50 = arith.constant 0 : i32
    %dma_start3A_51 = tpu.memref_slice %arg6[%dma_start3A_45, %dma_start3A_46, %dma_start3A_47, %dma_start3A_50] : memref<4x2x2x80xi32, #tpu.memory_space<vmem>> -> memref<1x1x1x80xi32, #tpu.memory_space<vmem>>
    %dma_start3A_52 = tpu.memref_squeeze %dma_start3A_51 : memref<1x1x1x80xi32, #tpu.memory_space<vmem>> -> memref<80xi32, #tpu.memory_space<vmem>>
    %dma_start3A_53 = tpu.memref_slice %arg2[%add3A_44] : memref<480000xi32, #tpu.memory_space<hbm>> -> memref<80xi32, #tpu.memory_space<hbm>>
    %dma_start3A_54 = tpu.memref_slice %arg9[%dma_start3A_48, %dma_start3A_49] : memref<4x2x!tpu.dma_semaphore, #tpu.memory_space<semaphore_mem>> -> memref<1x1x!tpu.dma_semaphore, #tpu.memory_space<semaphore_mem>>
    %dma_start3A_55 = tpu.memref_squeeze %dma_start3A_54 : memref<1x1x!tpu.dma_semaphore, #tpu.memory_space<semaphore_mem>> -> memref<!tpu.dma_semaphore, #tpu.memory_space<semaphore_mem>>
    %dma_start3A_56 = arith.constant 0 : i32
    %dma_start3A_57 = tpu.memref_slice %arg6[%dma_start3A_45, %dma_start3A_46, %dma_start3A_47, %dma_start3A_56] : memref<4x2x2x80xi32, #tpu.memory_space<vmem>> -> memref<1x1x1x80xi32, #tpu.memory_space<vmem>>
    %dma_start3A_58 = tpu.memref_squeeze %dma_start3A_57 : memref<1x1x1x80xi32, #tpu.memory_space<vmem>> -> memref<80xi32, #tpu.memory_space<vmem>>
    %dma_start3A_59 = tpu.memref_slice %arg2[%add3A_44] : memref<480000xi32, #tpu.memory_space<hbm>> -> memref<80xi32, #tpu.memory_space<hbm>>
    tpu.enqueue_dma source(%dma_start3A_59 : memref<80xi32, #tpu.memory_space<hbm>>) target(%dma_start3A_58 : memref<80xi32, #tpu.memory_space<vmem>>) target_semaphore(%dma_start3A_55 : memref<!tpu.dma_semaphore, #tpu.memory_space<semaphore_mem>>)
    %mul3A_60 = arith.constant 80 : i32
    %mul3A_61 = arith.muli %add3A_41, %mul3A_60 : i32
    %add3A_62 = arith.constant 320000 : i32
    %add3A_63 = arith.addi %add3A_62, %mul3A_61 : i32
    %dma_start3A_64 = arith.constant 1 : i32
    %dma_start3A_65 = arith.constant 0 : i32
    %dma_start3A_66 = arith.constant 1 : i32
    %dma_start3A_67 = arith.constant 1 : i32
    %dma_start3A_68 = arith.constant 0 : i32
    %dma_start3A_69 = arith.constant 0 : i32
    %dma_start3A_70 = tpu.memref_slice %arg6[%dma_start3A_64, %dma_start3A_65, %dma_start3A_66, %dma_start3A_69] : memref<4x2x2x80xi32, #tpu.memory_space<vmem>> -> memref<1x1x1x80xi32, #tpu.memory_space<vmem>>
    %dma_start3A_71 = tpu.memref_squeeze %dma_start3A_70 : memref<1x1x1x80xi32, #tpu.memory_space<vmem>> -> memref<80xi32, #tpu.memory_space<vmem>>
    %dma_start3A_72 = tpu.memref_slice %arg2[%add3A_63] : memref<480000xi32, #tpu.memory_space<hbm>> -> memref<80xi32, #tpu.memory_space<hbm>>
    %dma_start3A_73 = tpu.memref_slice %arg9[%dma_start3A_67, %dma_start3A_68] : memref<4x2x!tpu.dma_semaphore, #tpu.memory_space<semaphore_mem>> -> memref<1x1x!tpu.dma_semaphore, #tpu.memory_space<semaphore_mem>>
    %dma_start3A_74 = tpu.memref_squeeze %dma_start3A_73 : memref<1x1x!tpu.dma_semaphore, #tpu.memory_space<semaphore_mem>> -> memref<!tpu.dma_semaphore, #tpu.memory_space<semaphore_mem>>
    %dma_start3A_75 = arith.constant 0 : i32
    %dma_start3A_76 = tpu.memref_slice %arg6[%dma_start3A_64, %dma_start3A_65, %dma_start3A_66, %dma_start3A_75] : memref<4x2x2x80xi32, #tpu.memory_space<vmem>> -> memref<1x1x1x80xi32, #tpu.memory_space<vmem>>
    %dma_start3A_77 = tpu.memref_squeeze %dma_start3A_76 : memref<1x1x1x80xi32, #tpu.memory_space<vmem>> -> memref<80xi32, #tpu.memory_space<vmem>>
    %dma_start3A_78 = tpu.memref_slice %arg2[%add3A_63] : memref<480000xi32, #tpu.memory_space<hbm>> -> memref<80xi32, #tpu.memory_space<hbm>>
    tpu.enqueue_dma source(%dma_start3A_78 : memref<80xi32, #tpu.memory_space<hbm>>) target(%dma_start3A_77 : memref<80xi32, #tpu.memory_space<vmem>>) target_semaphore(%dma_start3A_74 : memref<!tpu.dma_semaphore, #tpu.memory_space<semaphore_mem>>)
    %add3A_79 = arith.constant 32 : i32
    %add3A_80 = arith.addi %add3A_79, %arg1 : i32
    %mul3A_81 = arith.constant 80 : i32
    %mul3A_82 = arith.muli %add3A_80, %mul3A_81 : i32
    %add3A_83 = arith.addi %mul3A_2, %mul3A_82 : i32
    %dma_start3A_84 = arith.constant 2 : i32
    %dma_start3A_85 = arith.constant 0 : i32
    %dma_start3A_86 = arith.constant 0 : i32
    %dma_start3A_87 = arith.constant 2 : i32
    %dma_start3A_88 = arith.constant 0 : i32
    %dma_start3A_89 = arith.constant 0 : i32
    %dma_start3A_90 = tpu.memref_slice %arg6[%dma_start3A_84, %dma_start3A_85, %dma_start3A_86, %dma_start3A_89] : memref<4x2x2x80xi32, #tpu.memory_space<vmem>> -> memref<1x1x1x80xi32, #tpu.memory_space<vmem>>
    %dma_start3A_91 = tpu.memref_squeeze %dma_start3A_90 : memref<1x1x1x80xi32, #tpu.memory_space<vmem>> -> memref<80xi32, #tpu.memory_space<vmem>>
    %dma_start3A_92 = tpu.memref_slice %arg2[%add3A_83] : memref<480000xi32, #tpu.memory_space<hbm>> -> memref<80xi32, #tpu.memory_space<hbm>>
    %dma_start3A_93 = tpu.memref_slice %arg9[%dma_start3A_87, %dma_start3A_88] : memref<4x2x!tpu.dma_semaphore, #tpu.memory_space<semaphore_mem>> -> memref<1x1x!tpu.dma_semaphore, #tpu.memory_space<semaphore_mem>>
    %dma_start3A_94 = tpu.memref_squeeze %dma_start3A_93 : memref<1x1x!tpu.dma_semaphore, #tpu.memory_space<semaphore_mem>> -> memref<!tpu.dma_semaphore, #tpu.memory_space<semaphore_mem>>
    %dma_start3A_95 = arith.constant 0 : i32
    %dma_start3A_96 = tpu.memref_slice %arg6[%dma_start3A_84, %dma_start3A_85, %dma_start3A_86, %dma_start3A_95] : memref<4x2x2x80xi32, #tpu.memory_space<vmem>> -> memref<1x1x1x80xi32, #tpu.memory_space<vmem>>
    %dma_start3A_97 = tpu.memref_squeeze %dma_start3A_96 : memref<1x1x1x80xi32, #tpu.memory_space<vmem>> -> memref<80xi32, #tpu.memory_space<vmem>>
    %dma_start3A_98 = tpu.memref_slice %arg2[%add3A_83] : memref<480000xi32, #tpu.memory_space<hbm>> -> memref<80xi32, #tpu.memory_space<hbm>>
    tpu.enqueue_dma source(%dma_start3A_98 : memref<80xi32, #tpu.memory_space<hbm>>) target(%dma_start3A_97 : memref<80xi32, #tpu.memory_space<vmem>>) target_semaphore(%dma_start3A_94 : memref<!tpu.dma_semaphore, #tpu.memory_space<semaphore_mem>>)
    %mul3A_99 = arith.constant 80 : i32
    %mul3A_100 = arith.muli %add3A_80, %mul3A_99 : i32
    %add3A_101 = arith.constant 320000 : i32
    %add3A_102 = arith.addi %add3A_101, %mul3A_100 : i32
    %dma_start3A_103 = arith.constant 2 : i32
    %dma_start3A_104 = arith.constant 0 : i32
    %dma_start3A_105 = arith.constant 1 : i32
    %dma_start3A_106 = arith.constant 2 : i32
    %dma_start3A_107 = arith.constant 0 : i32
    %dma_start3A_108 = arith.constant 0 : i32
    %dma_start3A_109 = tpu.memref_slice %arg6[%dma_start3A_103, %dma_start3A_104, %dma_start3A_105, %dma_start3A_108] : memref<4x2x2x80xi32, #tpu.memory_space<vmem>> -> memref<1x1x1x80xi32, #tpu.memory_space<vmem>>
    %dma_start3A_110 = tpu.memref_squeeze %dma_start3A_109 : memref<1x1x1x80xi32, #tpu.memory_space<vmem>> -> memref<80xi32, #tpu.memory_space<vmem>>
    %dma_start3A_111 = tpu.memref_slice %arg2[%add3A_102] : memref<480000xi32, #tpu.memory_space<hbm>> -> memref<80xi32, #tpu.memory_space<hbm>>
    %dma_start3A_112 = tpu.memref_slice %arg9[%dma_start3A_106, %dma_start3A_107] : memref<4x2x!tpu.dma_semaphore, #tpu.memory_space<semaphore_mem>> -> memref<1x1x!tpu.dma_semaphore, #tpu.memory_space<semaphore_mem>>
    %dma_start3A_113 = tpu.memref_squeeze %dma_start3A_112 : memref<1x1x!tpu.dma_semaphore, #tpu.memory_space<semaphore_mem>> -> memref<!tpu.dma_semaphore, #tpu.memory_space<semaphore_mem>>
    %dma_start3A_114 = arith.constant 0 : i32
    %dma_start3A_115 = tpu.memref_slice %arg6[%dma_start3A_103, %dma_start3A_104, %dma_start3A_105, %dma_start3A_114] : memref<4x2x2x80xi32, #tpu.memory_space<vmem>> -> memref<1x1x1x80xi32, #tpu.memory_space<vmem>>
    %dma_start3A_116 = tpu.memref_squeeze %dma_start3A_115 : memref<1x1x1x80xi32, #tpu.memory_space<vmem>> -> memref<80xi32, #tpu.memory_space<vmem>>
    %dma_start3A_117 = tpu.memref_slice %arg2[%add3A_102] : memref<480000xi32, #tpu.memory_space<hbm>> -> memref<80xi32, #tpu.memory_space<hbm>>
    tpu.enqueue_dma source(%dma_start3A_117 : memref<80xi32, #tpu.memory_space<hbm>>) target(%dma_start3A_116 : memref<80xi32, #tpu.memory_space<vmem>>) target_semaphore(%dma_start3A_113 : memref<!tpu.dma_semaphore, #tpu.memory_space<semaphore_mem>>)
    %add3A_118 = arith.constant 48 : i32
    %add3A_119 = arith.addi %add3A_118, %arg1 : i32
    %mul3A_120 = arith.constant 80 : i32
    %mul3A_121 = arith.muli %add3A_119, %mul3A_120 : i32
    %add3A_122 = arith.addi %mul3A_2, %mul3A_121 : i32
    %dma_start3A_123 = arith.constant 3 : i32
    %dma_start3A_124 = arith.constant 0 : i32
    %dma_start3A_125 = arith.constant 0 : i32
    %dma_start3A_126 = arith.constant 3 : i32
    %dma_start3A_127 = arith.constant 0 : i32
    %dma_start3A_128 = arith.constant 0 : i32
    %dma_start3A_129 = tpu.memref_slice %arg6[%dma_start3A_123, %dma_start3A_124, %dma_start3A_125, %dma_start3A_128] : memref<4x2x2x80xi32, #tpu.memory_space<vmem>> -> memref<1x1x1x80xi32, #tpu.memory_space<vmem>>
    %dma_start3A_130 = tpu.memref_squeeze %dma_start3A_129 : memref<1x1x1x80xi32, #tpu.memory_space<vmem>> -> memref<80xi32, #tpu.memory_space<vmem>>
    %dma_start3A_131 = tpu.memref_slice %arg2[%add3A_122] : memref<480000xi32, #tpu.memory_space<hbm>> -> memref<80xi32, #tpu.memory_space<hbm>>
    %dma_start3A_132 = tpu.memref_slice %arg9[%dma_start3A_126, %dma_start3A_127] : memref<4x2x!tpu.dma_semaphore, #tpu.memory_space<semaphore_mem>> -> memref<1x1x!tpu.dma_semaphore, #tpu.memory_space<semaphore_mem>>
    %dma_start3A_133 = tpu.memref_squeeze %dma_start3A_132 : memref<1x1x!tpu.dma_semaphore, #tpu.memory_space<semaphore_mem>> -> memref<!tpu.dma_semaphore, #tpu.memory_space<semaphore_mem>>
    %dma_start3A_134 = arith.constant 0 : i32
    %dma_start3A_135 = tpu.memref_slice %arg6[%dma_start3A_123, %dma_start3A_124, %dma_start3A_125, %dma_start3A_134] : memref<4x2x2x80xi32, #tpu.memory_space<vmem>> -> memref<1x1x1x80xi32, #tpu.memory_space<vmem>>
    %dma_start3A_136 = tpu.memref_squeeze %dma_start3A_135 : memref<1x1x1x80xi32, #tpu.memory_space<vmem>> -> memref<80xi32, #tpu.memory_space<vmem>>
    %dma_start3A_137 = tpu.memref_slice %arg2[%add3A_122] : memref<480000xi32, #tpu.memory_space<hbm>> -> memref<80xi32, #tpu.memory_space<hbm>>
    tpu.enqueue_dma source(%dma_start3A_137 : memref<80xi32, #tpu.memory_space<hbm>>) target(%dma_start3A_136 : memref<80xi32, #tpu.memory_space<vmem>>) target_semaphore(%dma_start3A_133 : memref<!tpu.dma_semaphore, #tpu.memory_space<semaphore_mem>>)
    %mul3A_138 = arith.constant 80 : i32
    %mul3A_139 = arith.muli %add3A_119, %mul3A_138 : i32
    %add3A_140 = arith.constant 320000 : i32
    %add3A_141 = arith.addi %add3A_140, %mul3A_139 : i32
    %dma_start3A_142 = arith.constant 3 : i32
    %dma_start3A_143 = arith.constant 0 : i32
    %dma_start3A_144 = arith.constant 1 : i32
    %dma_start3A_145 = arith.constant 3 : i32
    %dma_start3A_146 = arith.constant 0 : i32
    %dma_start3A_147 = arith.constant 0 : i32
    %dma_start3A_148 = tpu.memref_slice %arg6[%dma_start3A_142, %dma_start3A_143, %dma_start3A_144, %dma_start3A_147] : memref<4x2x2x80xi32, #tpu.memory_space<vmem>> -> memref<1x1x1x80xi32, #tpu.memory_space<vmem>>
    %dma_start3A_149 = tpu.memref_squeeze %dma_start3A_148 : memref<1x1x1x80xi32, #tpu.memory_space<vmem>> -> memref<80xi32, #tpu.memory_space<vmem>>
    %dma_start3A_150 = tpu.memref_slice %arg2[%add3A_141] : memref<480000xi32, #tpu.memory_space<hbm>> -> memref<80xi32, #tpu.memory_space<hbm>>
    %dma_start3A_151 = tpu.memref_slice %arg9[%dma_start3A_145, %dma_start3A_146] : memref<4x2x!tpu.dma_semaphore, #tpu.memory_space<semaphore_mem>> -> memref<1x1x!tpu.dma_semaphore, #tpu.memory_space<semaphore_mem>>
    %dma_start3A_152 = tpu.memref_squeeze %dma_start3A_151 : memref<1x1x!tpu.dma_semaphore, #tpu.memory_space<semaphore_mem>> -> memref<!tpu.dma_semaphore, #tpu.memory_space<semaphore_mem>>
    %dma_start3A_153 = arith.constant 0 : i32
    %dma_start3A_154 = tpu.memref_slice %arg6[%dma_start3A_142, %dma_start3A_143, %dma_start3A_144, %dma_start3A_153] : memref<4x2x2x80xi32, #tpu.memory_space<vmem>> -> memref<1x1x1x80xi32, #tpu.memory_space<vmem>>
    %dma_start3A_155 = tpu.memref_squeeze %dma_start3A_154 : memref<1x1x1x80xi32, #tpu.memory_space<vmem>> -> memref<80xi32, #tpu.memory_space<vmem>>
    %dma_start3A_156 = tpu.memref_slice %arg2[%add3A_141] : memref<480000xi32, #tpu.memory_space<hbm>> -> memref<80xi32, #tpu.memory_space<hbm>>
    tpu.enqueue_dma source(%dma_start3A_156 : memref<80xi32, #tpu.memory_space<hbm>>) target(%dma_start3A_155 : memref<80xi32, #tpu.memory_space<vmem>>) target_semaphore(%dma_start3A_152 : memref<!tpu.dma_semaphore, #tpu.memory_space<semaphore_mem>>)
    %mul3A_157 = arith.constant 10240 : i32
    %mul3A_158 = arith.muli %arg0, %mul3A_157 : i32
    %add3A_159 = arith.addi %mul3A_158, %mul3A_0 : i32
    "tpu.region"() ({
      %run_scoped3A_1056 = tpu.sem_alloc : memref<!tpu.dma_semaphore, #tpu.memory_space<semaphore_mem>>
      %dma_start3A_1057 = arith.constant 0 : i32
      %dma_start3A_1058 = tpu.memref_slice %arg8[%mul3A_0, %dma_start3A_1057] : memref<10240x128xf32, #tpu.memory_space<vmem_shared>> -> memref<640x128xf32, #tpu.memory_space<vmem_shared>>
      %dma_start3A_1059 = arith.constant 0 : i32
      %dma_start3A_1060 = tpu.memref_slice %arg3[%add3A_159, %dma_start3A_1059] : memref<20480x128xf32, #tpu.memory_space<hbm>> -> memref<640x128xf32, #tpu.memory_space<hbm>>
      tpu.enqueue_dma source(%dma_start3A_1060 : memref<640x128xf32, #tpu.memory_space<hbm>>) target(%dma_start3A_1058 : memref<640x128xf32, #tpu.memory_space<vmem_shared>>) target_semaphore(%run_scoped3A_1056 : memref<!tpu.dma_semaphore, #tpu.memory_space<semaphore_mem>>)
      %dma_wait3A_1061 = arith.constant 0 : i32
      %dma_wait3A_1062 = tpu.memref_slice %arg8[%mul3A_0, %dma_wait3A_1061] : memref<10240x128xf32, #tpu.memory_space<vmem_shared>> -> memref<640x128xf32, #tpu.memory_space<vmem_shared>>
      %dma_wait3A_1063 = arith.constant 0 : i32
      %dma_wait3A_1064 = tpu.memref_slice %arg3[%add3A_159, %dma_wait3A_1063] : memref<20480x128xf32, #tpu.memory_space<hbm>> -> memref<640x128xf32, #tpu.memory_space<hbm>>
      tpu.wait_dma2 semaphore(%run_scoped3A_1056 : memref<!tpu.dma_semaphore, #tpu.memory_space<semaphore_mem>>) src(%dma_wait3A_1064 : memref<640x128xf32, #tpu.memory_space<hbm>>) dst(%dma_wait3A_1062 : memref<640x128xf32, #tpu.memory_space<vmem_shared>>)
      tpu.yield
    }) : () -> ()
    %dma_wait3A = arith.constant 0 : i32
    %dma_wait3A_160 = arith.constant 0 : i32
    %dma_wait3A_161 = arith.constant 0 : i32
    %dma_wait3A_162 = arith.constant 0 : i32
    %dma_wait3A_163 = arith.constant 0 : i32
    %dma_wait3A_164 = arith.constant 0 : i32
    %dma_wait3A_165 = tpu.memref_slice %arg6[%dma_wait3A, %dma_wait3A_160, %dma_wait3A_161, %dma_wait3A_164] : memref<4x2x2x80xi32, #tpu.memory_space<vmem>> -> memref<1x1x1x80xi32, #tpu.memory_space<vmem>>
    %dma_wait3A_166 = tpu.memref_squeeze %dma_wait3A_165 : memref<1x1x1x80xi32, #tpu.memory_space<vmem>> -> memref<80xi32, #tpu.memory_space<vmem>>
    %dma_wait3A_167 = arith.constant 0 : i32
    %dma_wait3A_168 = tpu.memref_slice %arg2[%dma_wait3A_167] : memref<480000xi32, #tpu.memory_space<hbm>> -> memref<80xi32, #tpu.memory_space<hbm>>
    %dma_wait3A_169 = tpu.memref_slice %arg9[%dma_wait3A_162, %dma_wait3A_163] : memref<4x2x!tpu.dma_semaphore, #tpu.memory_space<semaphore_mem>> -> memref<1x1x!tpu.dma_semaphore, #tpu.memory_space<semaphore_mem>>
    %dma_wait3A_170 = tpu.memref_squeeze %dma_wait3A_169 : memref<1x1x!tpu.dma_semaphore, #tpu.memory_space<semaphore_mem>> -> memref<!tpu.dma_semaphore, #tpu.memory_space<semaphore_mem>>
    %dma_wait3A_171 = arith.constant 0 : i32
    %dma_wait3A_172 = tpu.memref_slice %arg6[%dma_wait3A, %dma_wait3A_160, %dma_wait3A_161, %dma_wait3A_171] : memref<4x2x2x80xi32, #tpu.memory_space<vmem>> -> memref<1x1x1x80xi32, #tpu.memory_space<vmem>>
    %dma_wait3A_173 = tpu.memref_squeeze %dma_wait3A_172 : memref<1x1x1x80xi32, #tpu.memory_space<vmem>> -> memref<80xi32, #tpu.memory_space<vmem>>
    %dma_wait3A_174 = arith.constant 0 : i32
    %dma_wait3A_175 = tpu.memref_slice %arg2[%dma_wait3A_174] : memref<480000xi32, #tpu.memory_space<hbm>> -> memref<80xi32, #tpu.memory_space<hbm>>
    tpu.wait_dma2 semaphore(%dma_wait3A_170 : memref<!tpu.dma_semaphore, #tpu.memory_space<semaphore_mem>>) src(%dma_wait3A_175 : memref<80xi32, #tpu.memory_space<hbm>>) dst(%dma_wait3A_173 : memref<80xi32, #tpu.memory_space<vmem>>)
    %dma_wait3A_176 = arith.constant 0 : i32
    %dma_wait3A_177 = arith.constant 0 : i32
    %dma_wait3A_178 = arith.constant 1 : i32
    %dma_wait3A_179 = arith.constant 0 : i32
    %dma_wait3A_180 = arith.constant 0 : i32
    %dma_wait3A_181 = arith.constant 0 : i32
    %dma_wait3A_182 = tpu.memref_slice %arg6[%dma_wait3A_176, %dma_wait3A_177, %dma_wait3A_178, %dma_wait3A_181] : memref<4x2x2x80xi32, #tpu.memory_space<vmem>> -> memref<1x1x1x80xi32, #tpu.memory_space<vmem>>
    %dma_wait3A_183 = tpu.memref_squeeze %dma_wait3A_182 : memref<1x1x1x80xi32, #tpu.memory_space<vmem>> -> memref<80xi32, #tpu.memory_space<vmem>>
    %dma_wait3A_184 = arith.constant 0 : i32
    %dma_wait3A_185 = tpu.memref_slice %arg2[%dma_wait3A_184] : memref<480000xi32, #tpu.memory_space<hbm>> -> memref<80xi32, #tpu.memory_space<hbm>>
    %dma_wait3A_186 = tpu.memref_slice %arg9[%dma_wait3A_179, %dma_wait3A_180] : memref<4x2x!tpu.dma_semaphore, #tpu.memory_space<semaphore_mem>> -> memref<1x1x!tpu.dma_semaphore, #tpu.memory_space<semaphore_mem>>
    %dma_wait3A_187 = tpu.memref_squeeze %dma_wait3A_186 : memref<1x1x!tpu.dma_semaphore, #tpu.memory_space<semaphore_mem>> -> memref<!tpu.dma_semaphore, #tpu.memory_space<semaphore_mem>>
    %dma_wait3A_188 = arith.constant 0 : i32
    %dma_wait3A_189 = tpu.memref_slice %arg6[%dma_wait3A_176, %dma_wait3A_177, %dma_wait3A_178, %dma_wait3A_188] : memref<4x2x2x80xi32, #tpu.memory_space<vmem>> -> memref<1x1x1x80xi32, #tpu.memory_space<vmem>>
    %dma_wait3A_190 = tpu.memref_squeeze %dma_wait3A_189 : memref<1x1x1x80xi32, #tpu.memory_space<vmem>> -> memref<80xi32, #tpu.memory_space<vmem>>
    %dma_wait3A_191 = arith.constant 0 : i32
    %dma_wait3A_192 = tpu.memref_slice %arg2[%dma_wait3A_191] : memref<480000xi32, #tpu.memory_space<hbm>> -> memref<80xi32, #tpu.memory_space<hbm>>
    tpu.wait_dma2 semaphore(%dma_wait3A_187 : memref<!tpu.dma_semaphore, #tpu.memory_space<semaphore_mem>>) src(%dma_wait3A_192 : memref<80xi32, #tpu.memory_space<hbm>>) dst(%dma_wait3A_190 : memref<80xi32, #tpu.memory_space<vmem>>)
    %dma_start3A_193 = arith.constant 0 : i32
    %dma_start3A_194 = arith.constant 0 : i32
    %dma_start3A_195 = arith.constant 0 : i32
    %dma_start3A_196 = arith.constant 0 : i32
    %dma_start3A_197 = arith.constant 0 : i32
    %dma_start3A_198 = arith.constant 0 : i32
    %dma_start3A_199 = arith.constant 0 : i32
    %dma_start3A_200 = tpu.memref_slice %arg7[%dma_start3A_196, %dma_start3A_198, %dma_start3A_199] : memref<4x80x128xf32, #tpu.memory_space<vmem>> -> memref<1x80x128xf32, #tpu.memory_space<vmem>>
    %dma_start3A_201 = tpu.memref_squeeze %dma_start3A_200 : memref<1x80x128xf32, #tpu.memory_space<vmem>> -> memref<80x128xf32, #tpu.memory_space<vmem>>
    %dma_start3A_202 = arith.constant 0 : i32
    %dma_start3A_203 = tpu.memref_slice %arg6[%dma_start3A_193, %dma_start3A_194, %dma_start3A_195, %dma_start3A_202] : memref<4x2x2x80xi32, #tpu.memory_space<vmem>> -> memref<1x1x1x80xi32, #tpu.memory_space<vmem>>
    %dma_start3A_204 = tpu.memref_squeeze %dma_start3A_203 : memref<1x1x1x80xi32, #tpu.memory_space<vmem>> -> memref<80xi32, #tpu.memory_space<vmem>>
    %dma_start3A_205 = arith.constant 0 : i32
    %dma_start3A_206 = arith.constant 0 : i32
    %dma_start3A_207 = tpu.memref_slice %arg3[%dma_start3A_205, %dma_start3A_206] : memref<20480x128xf32, #tpu.memory_space<hbm>> -> memref<20480x128xf32, #tpu.memory_space<hbm>>
    %dma_start3A_208 = tpu.memref_slice %arg10[%dma_start3A_197] : memref<4x!tpu.dma_semaphore, #tpu.memory_space<semaphore_mem>> -> memref<1x!tpu.dma_semaphore, #tpu.memory_space<semaphore_mem>>
    %dma_start3A_209 = tpu.memref_squeeze %dma_start3A_208 : memref<1x!tpu.dma_semaphore, #tpu.memory_space<semaphore_mem>> -> memref<!tpu.dma_semaphore, #tpu.memory_space<semaphore_mem>>
    tpu.enqueue_indirect_dma source(%dma_start3A_207 : memref<20480x128xf32, #tpu.memory_space<hbm>>) target(%dma_start3A_201 : memref<80x128xf32, #tpu.memory_space<vmem>>) offsets(%dma_start3A_204 : memref<80xi32, #tpu.memory_space<vmem>>) semaphore(%dma_start3A_209 : memref<!tpu.dma_semaphore, #tpu.memory_space<semaphore_mem>>)
    %add3A_210 = arith.constant 64 : i32
    %add3A_211 = arith.addi %add3A_210, %arg1 : i32
    %mul3A_212 = arith.constant 80 : i32
    %mul3A_213 = arith.muli %add3A_211, %mul3A_212 : i32
    %add3A_214 = arith.addi %mul3A_2, %mul3A_213 : i32
    %dma_start3A_215 = arith.constant 0 : i32
    %dma_start3A_216 = arith.constant 1 : i32
    %dma_start3A_217 = arith.constant 0 : i32
    %dma_start3A_218 = arith.constant 0 : i32
    %dma_start3A_219 = arith.constant 1 : i32
    %dma_start3A_220 = arith.constant 0 : i32
    %dma_start3A_221 = tpu.memref_slice %arg6[%dma_start3A_215, %dma_start3A_216, %dma_start3A_217, %dma_start3A_220] : memref<4x2x2x80xi32, #tpu.memory_space<vmem>> -> memref<1x1x1x80xi32, #tpu.memory_space<vmem>>
    %dma_start3A_222 = tpu.memref_squeeze %dma_start3A_221 : memref<1x1x1x80xi32, #tpu.memory_space<vmem>> -> memref<80xi32, #tpu.memory_space<vmem>>
    %dma_start3A_223 = tpu.memref_slice %arg2[%add3A_214] : memref<480000xi32, #tpu.memory_space<hbm>> -> memref<80xi32, #tpu.memory_space<hbm>>
    %dma_start3A_224 = tpu.memref_slice %arg9[%dma_start3A_218, %dma_start3A_219] : memref<4x2x!tpu.dma_semaphore, #tpu.memory_space<semaphore_mem>> -> memref<1x1x!tpu.dma_semaphore, #tpu.memory_space<semaphore_mem>>
    %dma_start3A_225 = tpu.memref_squeeze %dma_start3A_224 : memref<1x1x!tpu.dma_semaphore, #tpu.memory_space<semaphore_mem>> -> memref<!tpu.dma_semaphore, #tpu.memory_space<semaphore_mem>>
    %dma_start3A_226 = arith.constant 0 : i32
    %dma_start3A_227 = tpu.memref_slice %arg6[%dma_start3A_215, %dma_start3A_216, %dma_start3A_217, %dma_start3A_226] : memref<4x2x2x80xi32, #tpu.memory_space<vmem>> -> memref<1x1x1x80xi32, #tpu.memory_space<vmem>>
    %dma_start3A_228 = tpu.memref_squeeze %dma_start3A_227 : memref<1x1x1x80xi32, #tpu.memory_space<vmem>> -> memref<80xi32, #tpu.memory_space<vmem>>
    %dma_start3A_229 = tpu.memref_slice %arg2[%add3A_214] : memref<480000xi32, #tpu.memory_space<hbm>> -> memref<80xi32, #tpu.memory_space<hbm>>
    tpu.enqueue_dma source(%dma_start3A_229 : memref<80xi32, #tpu.memory_space<hbm>>) target(%dma_start3A_228 : memref<80xi32, #tpu.memory_space<vmem>>) target_semaphore(%dma_start3A_225 : memref<!tpu.dma_semaphore, #tpu.memory_space<semaphore_mem>>)
    %mul3A_230 = arith.constant 80 : i32
    %mul3A_231 = arith.muli %add3A_211, %mul3A_230 : i32
    %add3A_232 = arith.constant 320000 : i32
    %add3A_233 = arith.addi %add3A_232, %mul3A_231 : i32
    %dma_start3A_234 = arith.constant 0 : i32
    %dma_start3A_235 = arith.constant 1 : i32
    %dma_start3A_236 = arith.constant 1 : i32
    %dma_start3A_237 = arith.constant 0 : i32
    %dma_start3A_238 = arith.constant 1 : i32
    %dma_start3A_239 = arith.constant 0 : i32
    %dma_start3A_240 = tpu.memref_slice %arg6[%dma_start3A_234, %dma_start3A_235, %dma_start3A_236, %dma_start3A_239] : memref<4x2x2x80xi32, #tpu.memory_space<vmem>> -> memref<1x1x1x80xi32, #tpu.memory_space<vmem>>
    %dma_start3A_241 = tpu.memref_squeeze %dma_start3A_240 : memref<1x1x1x80xi32, #tpu.memory_space<vmem>> -> memref<80xi32, #tpu.memory_space<vmem>>
    %dma_start3A_242 = tpu.memref_slice %arg2[%add3A_233] : memref<480000xi32, #tpu.memory_space<hbm>> -> memref<80xi32, #tpu.memory_space<hbm>>
    %dma_start3A_243 = tpu.memref_slice %arg9[%dma_start3A_237, %dma_start3A_238] : memref<4x2x!tpu.dma_semaphore, #tpu.memory_space<semaphore_mem>> -> memref<1x1x!tpu.dma_semaphore, #tpu.memory_space<semaphore_mem>>
    %dma_start3A_244 = tpu.memref_squeeze %dma_start3A_243 : memref<1x1x!tpu.dma_semaphore, #tpu.memory_space<semaphore_mem>> -> memref<!tpu.dma_semaphore, #tpu.memory_space<semaphore_mem>>
    %dma_start3A_245 = arith.constant 0 : i32
    %dma_start3A_246 = tpu.memref_slice %arg6[%dma_start3A_234, %dma_start3A_235, %dma_start3A_236, %dma_start3A_245] : memref<4x2x2x80xi32, #tpu.memory_space<vmem>> -> memref<1x1x1x80xi32, #tpu.memory_space<vmem>>
    %dma_start3A_247 = tpu.memref_squeeze %dma_start3A_246 : memref<1x1x1x80xi32, #tpu.memory_space<vmem>> -> memref<80xi32, #tpu.memory_space<vmem>>
    %dma_start3A_248 = tpu.memref_slice %arg2[%add3A_233] : memref<480000xi32, #tpu.memory_space<hbm>> -> memref<80xi32, #tpu.memory_space<hbm>>
    tpu.enqueue_dma source(%dma_start3A_248 : memref<80xi32, #tpu.memory_space<hbm>>) target(%dma_start3A_247 : memref<80xi32, #tpu.memory_space<vmem>>) target_semaphore(%dma_start3A_244 : memref<!tpu.dma_semaphore, #tpu.memory_space<semaphore_mem>>)
    %dma_wait3A_249 = arith.constant 1 : i32
    %dma_wait3A_250 = arith.constant 0 : i32
    %dma_wait3A_251 = arith.constant 0 : i32
    %dma_wait3A_252 = arith.constant 1 : i32
    %dma_wait3A_253 = arith.constant 0 : i32
    %dma_wait3A_254 = arith.constant 0 : i32
    %dma_wait3A_255 = tpu.memref_slice %arg6[%dma_wait3A_249, %dma_wait3A_250, %dma_wait3A_251, %dma_wait3A_254] : memref<4x2x2x80xi32, #tpu.memory_space<vmem>> -> memref<1x1x1x80xi32, #tpu.memory_space<vmem>>
    %dma_wait3A_256 = tpu.memref_squeeze %dma_wait3A_255 : memref<1x1x1x80xi32, #tpu.memory_space<vmem>> -> memref<80xi32, #tpu.memory_space<vmem>>
    %dma_wait3A_257 = arith.constant 0 : i32
    %dma_wait3A_258 = tpu.memref_slice %arg2[%dma_wait3A_257] : memref<480000xi32, #tpu.memory_space<hbm>> -> memref<80xi32, #tpu.memory_space<hbm>>
    %dma_wait3A_259 = tpu.memref_slice %arg9[%dma_wait3A_252, %dma_wait3A_253] : memref<4x2x!tpu.dma_semaphore, #tpu.memory_space<semaphore_mem>> -> memref<1x1x!tpu.dma_semaphore, #tpu.memory_space<semaphore_mem>>
    %dma_wait3A_260 = tpu.memref_squeeze %dma_wait3A_259 : memref<1x1x!tpu.dma_semaphore, #tpu.memory_space<semaphore_mem>> -> memref<!tpu.dma_semaphore, #tpu.memory_space<semaphore_mem>>
    %dma_wait3A_261 = arith.constant 0 : i32
    %dma_wait3A_262 = tpu.memref_slice %arg6[%dma_wait3A_249, %dma_wait3A_250, %dma_wait3A_251, %dma_wait3A_261] : memref<4x2x2x80xi32, #tpu.memory_space<vmem>> -> memref<1x1x1x80xi32, #tpu.memory_space<vmem>>
    %dma_wait3A_263 = tpu.memref_squeeze %dma_wait3A_262 : memref<1x1x1x80xi32, #tpu.memory_space<vmem>> -> memref<80xi32, #tpu.memory_space<vmem>>
    %dma_wait3A_264 = arith.constant 0 : i32
    %dma_wait3A_265 = tpu.memref_slice %arg2[%dma_wait3A_264] : memref<480000xi32, #tpu.memory_space<hbm>> -> memref<80xi32, #tpu.memory_space<hbm>>
    tpu.wait_dma2 semaphore(%dma_wait3A_260 : memref<!tpu.dma_semaphore, #tpu.memory_space<semaphore_mem>>) src(%dma_wait3A_265 : memref<80xi32, #tpu.memory_space<hbm>>) dst(%dma_wait3A_263 : memref<80xi32, #tpu.memory_space<vmem>>)
    %dma_wait3A_266 = arith.constant 1 : i32
    %dma_wait3A_267 = arith.constant 0 : i32
    %dma_wait3A_268 = arith.constant 1 : i32
    %dma_wait3A_269 = arith.constant 1 : i32
    %dma_wait3A_270 = arith.constant 0 : i32
    %dma_wait3A_271 = arith.constant 0 : i32
    %dma_wait3A_272 = tpu.memref_slice %arg6[%dma_wait3A_266, %dma_wait3A_267, %dma_wait3A_268, %dma_wait3A_271] : memref<4x2x2x80xi32, #tpu.memory_space<vmem>> -> memref<1x1x1x80xi32, #tpu.memory_space<vmem>>
    %dma_wait3A_273 = tpu.memref_squeeze %dma_wait3A_272 : memref<1x1x1x80xi32, #tpu.memory_space<vmem>> -> memref<80xi32, #tpu.memory_space<vmem>>
    %dma_wait3A_274 = arith.constant 0 : i32
    %dma_wait3A_275 = tpu.memref_slice %arg2[%dma_wait3A_274] : memref<480000xi32, #tpu.memory_space<hbm>> -> memref<80xi32, #tpu.memory_space<hbm>>
    %dma_wait3A_276 = tpu.memref_slice %arg9[%dma_wait3A_269, %dma_wait3A_270] : memref<4x2x!tpu.dma_semaphore, #tpu.memory_space<semaphore_mem>> -> memref<1x1x!tpu.dma_semaphore, #tpu.memory_space<semaphore_mem>>
    %dma_wait3A_277 = tpu.memref_squeeze %dma_wait3A_276 : memref<1x1x!tpu.dma_semaphore, #tpu.memory_space<semaphore_mem>> -> memref<!tpu.dma_semaphore, #tpu.memory_space<semaphore_mem>>
    %dma_wait3A_278 = arith.constant 0 : i32
    %dma_wait3A_279 = tpu.memref_slice %arg6[%dma_wait3A_266, %dma_wait3A_267, %dma_wait3A_268, %dma_wait3A_278] : memref<4x2x2x80xi32, #tpu.memory_space<vmem>> -> memref<1x1x1x80xi32, #tpu.memory_space<vmem>>
    %dma_wait3A_280 = tpu.memref_squeeze %dma_wait3A_279 : memref<1x1x1x80xi32, #tpu.memory_space<vmem>> -> memref<80xi32, #tpu.memory_space<vmem>>
    %dma_wait3A_281 = arith.constant 0 : i32
    %dma_wait3A_282 = tpu.memref_slice %arg2[%dma_wait3A_281] : memref<480000xi32, #tpu.memory_space<hbm>> -> memref<80xi32, #tpu.memory_space<hbm>>
    tpu.wait_dma2 semaphore(%dma_wait3A_277 : memref<!tpu.dma_semaphore, #tpu.memory_space<semaphore_mem>>) src(%dma_wait3A_282 : memref<80xi32, #tpu.memory_space<hbm>>) dst(%dma_wait3A_280 : memref<80xi32, #tpu.memory_space<vmem>>)
    %dma_start3A_283 = arith.constant 1 : i32
    %dma_start3A_284 = arith.constant 0 : i32
    %dma_start3A_285 = arith.constant 0 : i32
    %dma_start3A_286 = arith.constant 1 : i32
    %dma_start3A_287 = arith.constant 1 : i32
    %dma_start3A_288 = arith.constant 0 : i32
    %dma_start3A_289 = arith.constant 0 : i32
    %dma_start3A_290 = tpu.memref_slice %arg7[%dma_start3A_286, %dma_start3A_288, %dma_start3A_289] : memref<4x80x128xf32, #tpu.memory_space<vmem>> -> memref<1x80x128xf32, #tpu.memory_space<vmem>>
    %dma_start3A_291 = tpu.memref_squeeze %dma_start3A_290 : memref<1x80x128xf32, #tpu.memory_space<vmem>> -> memref<80x128xf32, #tpu.memory_space<vmem>>
    %dma_start3A_292 = arith.constant 0 : i32
    %dma_start3A_293 = tpu.memref_slice %arg6[%dma_start3A_283, %dma_start3A_284, %dma_start3A_285, %dma_start3A_292] : memref<4x2x2x80xi32, #tpu.memory_space<vmem>> -> memref<1x1x1x80xi32, #tpu.memory_space<vmem>>
    %dma_start3A_294 = tpu.memref_squeeze %dma_start3A_293 : memref<1x1x1x80xi32, #tpu.memory_space<vmem>> -> memref<80xi32, #tpu.memory_space<vmem>>
    %dma_start3A_295 = arith.constant 0 : i32
    %dma_start3A_296 = arith.constant 0 : i32
    %dma_start3A_297 = tpu.memref_slice %arg3[%dma_start3A_295, %dma_start3A_296] : memref<20480x128xf32, #tpu.memory_space<hbm>> -> memref<20480x128xf32, #tpu.memory_space<hbm>>
    %dma_start3A_298 = tpu.memref_slice %arg10[%dma_start3A_287] : memref<4x!tpu.dma_semaphore, #tpu.memory_space<semaphore_mem>> -> memref<1x!tpu.dma_semaphore, #tpu.memory_space<semaphore_mem>>
    %dma_start3A_299 = tpu.memref_squeeze %dma_start3A_298 : memref<1x!tpu.dma_semaphore, #tpu.memory_space<semaphore_mem>> -> memref<!tpu.dma_semaphore, #tpu.memory_space<semaphore_mem>>
    tpu.enqueue_indirect_dma source(%dma_start3A_297 : memref<20480x128xf32, #tpu.memory_space<hbm>>) target(%dma_start3A_291 : memref<80x128xf32, #tpu.memory_space<vmem>>) offsets(%dma_start3A_294 : memref<80xi32, #tpu.memory_space<vmem>>) semaphore(%dma_start3A_299 : memref<!tpu.dma_semaphore, #tpu.memory_space<semaphore_mem>>)
    %add3A_300 = arith.constant 80 : i32
    %add3A_301 = arith.addi %add3A_300, %arg1 : i32
    %mul3A_302 = arith.constant 80 : i32
    %mul3A_303 = arith.muli %add3A_301, %mul3A_302 : i32
    %add3A_304 = arith.addi %mul3A_2, %mul3A_303 : i32
    %dma_start3A_305 = arith.constant 1 : i32
    %dma_start3A_306 = arith.constant 1 : i32
    %dma_start3A_307 = arith.constant 0 : i32
    %dma_start3A_308 = arith.constant 1 : i32
    %dma_start3A_309 = arith.constant 1 : i32
    %dma_start3A_310 = arith.constant 0 : i32
    %dma_start3A_311 = tpu.memref_slice %arg6[%dma_start3A_305, %dma_start3A_306, %dma_start3A_307, %dma_start3A_310] : memref<4x2x2x80xi32, #tpu.memory_space<vmem>> -> memref<1x1x1x80xi32, #tpu.memory_space<vmem>>
    %dma_start3A_312 = tpu.memref_squeeze %dma_start3A_311 : memref<1x1x1x80xi32, #tpu.memory_space<vmem>> -> memref<80xi32, #tpu.memory_space<vmem>>
    %dma_start3A_313 = tpu.memref_slice %arg2[%add3A_304] : memref<480000xi32, #tpu.memory_space<hbm>> -> memref<80xi32, #tpu.memory_space<hbm>>
    %dma_start3A_314 = tpu.memref_slice %arg9[%dma_start3A_308, %dma_start3A_309] : memref<4x2x!tpu.dma_semaphore, #tpu.memory_space<semaphore_mem>> -> memref<1x1x!tpu.dma_semaphore, #tpu.memory_space<semaphore_mem>>
    %dma_start3A_315 = tpu.memref_squeeze %dma_start3A_314 : memref<1x1x!tpu.dma_semaphore, #tpu.memory_space<semaphore_mem>> -> memref<!tpu.dma_semaphore, #tpu.memory_space<semaphore_mem>>
    %dma_start3A_316 = arith.constant 0 : i32
    %dma_start3A_317 = tpu.memref_slice %arg6[%dma_start3A_305, %dma_start3A_306, %dma_start3A_307, %dma_start3A_316] : memref<4x2x2x80xi32, #tpu.memory_space<vmem>> -> memref<1x1x1x80xi32, #tpu.memory_space<vmem>>
    %dma_start3A_318 = tpu.memref_squeeze %dma_start3A_317 : memref<1x1x1x80xi32, #tpu.memory_space<vmem>> -> memref<80xi32, #tpu.memory_space<vmem>>
    %dma_start3A_319 = tpu.memref_slice %arg2[%add3A_304] : memref<480000xi32, #tpu.memory_space<hbm>> -> memref<80xi32, #tpu.memory_space<hbm>>
    tpu.enqueue_dma source(%dma_start3A_319 : memref<80xi32, #tpu.memory_space<hbm>>) target(%dma_start3A_318 : memref<80xi32, #tpu.memory_space<vmem>>) target_semaphore(%dma_start3A_315 : memref<!tpu.dma_semaphore, #tpu.memory_space<semaphore_mem>>)
    %mul3A_320 = arith.constant 80 : i32
    %mul3A_321 = arith.muli %add3A_301, %mul3A_320 : i32
    %add3A_322 = arith.constant 320000 : i32
    %add3A_323 = arith.addi %add3A_322, %mul3A_321 : i32
    %dma_start3A_324 = arith.constant 1 : i32
    %dma_start3A_325 = arith.constant 1 : i32
    %dma_start3A_326 = arith.constant 1 : i32
    %dma_start3A_327 = arith.constant 1 : i32
    %dma_start3A_328 = arith.constant 1 : i32
    %dma_start3A_329 = arith.constant 0 : i32
    %dma_start3A_330 = tpu.memref_slice %arg6[%dma_start3A_324, %dma_start3A_325, %dma_start3A_326, %dma_start3A_329] : memref<4x2x2x80xi32, #tpu.memory_space<vmem>> -> memref<1x1x1x80xi32, #tpu.memory_space<vmem>>
    %dma_start3A_331 = tpu.memref_squeeze %dma_start3A_330 : memref<1x1x1x80xi32, #tpu.memory_space<vmem>> -> memref<80xi32, #tpu.memory_space<vmem>>
    %dma_start3A_332 = tpu.memref_slice %arg2[%add3A_323] : memref<480000xi32, #tpu.memory_space<hbm>> -> memref<80xi32, #tpu.memory_space<hbm>>
    %dma_start3A_333 = tpu.memref_slice %arg9[%dma_start3A_327, %dma_start3A_328] : memref<4x2x!tpu.dma_semaphore, #tpu.memory_space<semaphore_mem>> -> memref<1x1x!tpu.dma_semaphore, #tpu.memory_space<semaphore_mem>>
    %dma_start3A_334 = tpu.memref_squeeze %dma_start3A_333 : memref<1x1x!tpu.dma_semaphore, #tpu.memory_space<semaphore_mem>> -> memref<!tpu.dma_semaphore, #tpu.memory_space<semaphore_mem>>
    %dma_start3A_335 = arith.constant 0 : i32
    %dma_start3A_336 = tpu.memref_slice %arg6[%dma_start3A_324, %dma_start3A_325, %dma_start3A_326, %dma_start3A_335] : memref<4x2x2x80xi32, #tpu.memory_space<vmem>> -> memref<1x1x1x80xi32, #tpu.memory_space<vmem>>
    %dma_start3A_337 = tpu.memref_squeeze %dma_start3A_336 : memref<1x1x1x80xi32, #tpu.memory_space<vmem>> -> memref<80xi32, #tpu.memory_space<vmem>>
    %dma_start3A_338 = tpu.memref_slice %arg2[%add3A_323] : memref<480000xi32, #tpu.memory_space<hbm>> -> memref<80xi32, #tpu.memory_space<hbm>>
    tpu.enqueue_dma source(%dma_start3A_338 : memref<80xi32, #tpu.memory_space<hbm>>) target(%dma_start3A_337 : memref<80xi32, #tpu.memory_space<vmem>>) target_semaphore(%dma_start3A_334 : memref<!tpu.dma_semaphore, #tpu.memory_space<semaphore_mem>>)
    %dma_wait3A_339 = arith.constant 2 : i32
    %dma_wait3A_340 = arith.constant 0 : i32
    %dma_wait3A_341 = arith.constant 0 : i32
    %dma_wait3A_342 = arith.constant 2 : i32
    %dma_wait3A_343 = arith.constant 0 : i32
    %dma_wait3A_344 = arith.constant 0 : i32
    %dma_wait3A_345 = tpu.memref_slice %arg6[%dma_wait3A_339, %dma_wait3A_340, %dma_wait3A_341, %dma_wait3A_344] : memref<4x2x2x80xi32, #tpu.memory_space<vmem>> -> memref<1x1x1x80xi32, #tpu.memory_space<vmem>>
    %dma_wait3A_346 = tpu.memref_squeeze %dma_wait3A_345 : memref<1x1x1x80xi32, #tpu.memory_space<vmem>> -> memref<80xi32, #tpu.memory_space<vmem>>
    %dma_wait3A_347 = arith.constant 0 : i32
    %dma_wait3A_348 = tpu.memref_slice %arg2[%dma_wait3A_347] : memref<480000xi32, #tpu.memory_space<hbm>> -> memref<80xi32, #tpu.memory_space<hbm>>
    %dma_wait3A_349 = tpu.memref_slice %arg9[%dma_wait3A_342, %dma_wait3A_343] : memref<4x2x!tpu.dma_semaphore, #tpu.memory_space<semaphore_mem>> -> memref<1x1x!tpu.dma_semaphore, #tpu.memory_space<semaphore_mem>>
    %dma_wait3A_350 = tpu.memref_squeeze %dma_wait3A_349 : memref<1x1x!tpu.dma_semaphore, #tpu.memory_space<semaphore_mem>> -> memref<!tpu.dma_semaphore, #tpu.memory_space<semaphore_mem>>
    %dma_wait3A_351 = arith.constant 0 : i32
    %dma_wait3A_352 = tpu.memref_slice %arg6[%dma_wait3A_339, %dma_wait3A_340, %dma_wait3A_341, %dma_wait3A_351] : memref<4x2x2x80xi32, #tpu.memory_space<vmem>> -> memref<1x1x1x80xi32, #tpu.memory_space<vmem>>
    %dma_wait3A_353 = tpu.memref_squeeze %dma_wait3A_352 : memref<1x1x1x80xi32, #tpu.memory_space<vmem>> -> memref<80xi32, #tpu.memory_space<vmem>>
    %dma_wait3A_354 = arith.constant 0 : i32
    %dma_wait3A_355 = tpu.memref_slice %arg2[%dma_wait3A_354] : memref<480000xi32, #tpu.memory_space<hbm>> -> memref<80xi32, #tpu.memory_space<hbm>>
    tpu.wait_dma2 semaphore(%dma_wait3A_350 : memref<!tpu.dma_semaphore, #tpu.memory_space<semaphore_mem>>) src(%dma_wait3A_355 : memref<80xi32, #tpu.memory_space<hbm>>) dst(%dma_wait3A_353 : memref<80xi32, #tpu.memory_space<vmem>>)
    %dma_wait3A_356 = arith.constant 2 : i32
    %dma_wait3A_357 = arith.constant 0 : i32
    %dma_wait3A_358 = arith.constant 1 : i32
    %dma_wait3A_359 = arith.constant 2 : i32
    %dma_wait3A_360 = arith.constant 0 : i32
    %dma_wait3A_361 = arith.constant 0 : i32
    %dma_wait3A_362 = tpu.memref_slice %arg6[%dma_wait3A_356, %dma_wait3A_357, %dma_wait3A_358, %dma_wait3A_361] : memref<4x2x2x80xi32, #tpu.memory_space<vmem>> -> memref<1x1x1x80xi32, #tpu.memory_space<vmem>>
    %dma_wait3A_363 = tpu.memref_squeeze %dma_wait3A_362 : memref<1x1x1x80xi32, #tpu.memory_space<vmem>> -> memref<80xi32, #tpu.memory_space<vmem>>
    %dma_wait3A_364 = arith.constant 0 : i32
    %dma_wait3A_365 = tpu.memref_slice %arg2[%dma_wait3A_364] : memref<480000xi32, #tpu.memory_space<hbm>> -> memref<80xi32, #tpu.memory_space<hbm>>
    %dma_wait3A_366 = tpu.memref_slice %arg9[%dma_wait3A_359, %dma_wait3A_360] : memref<4x2x!tpu.dma_semaphore, #tpu.memory_space<semaphore_mem>> -> memref<1x1x!tpu.dma_semaphore, #tpu.memory_space<semaphore_mem>>
    %dma_wait3A_367 = tpu.memref_squeeze %dma_wait3A_366 : memref<1x1x!tpu.dma_semaphore, #tpu.memory_space<semaphore_mem>> -> memref<!tpu.dma_semaphore, #tpu.memory_space<semaphore_mem>>
    %dma_wait3A_368 = arith.constant 0 : i32
    %dma_wait3A_369 = tpu.memref_slice %arg6[%dma_wait3A_356, %dma_wait3A_357, %dma_wait3A_358, %dma_wait3A_368] : memref<4x2x2x80xi32, #tpu.memory_space<vmem>> -> memref<1x1x1x80xi32, #tpu.memory_space<vmem>>
    %dma_wait3A_370 = tpu.memref_squeeze %dma_wait3A_369 : memref<1x1x1x80xi32, #tpu.memory_space<vmem>> -> memref<80xi32, #tpu.memory_space<vmem>>
    %dma_wait3A_371 = arith.constant 0 : i32
    %dma_wait3A_372 = tpu.memref_slice %arg2[%dma_wait3A_371] : memref<480000xi32, #tpu.memory_space<hbm>> -> memref<80xi32, #tpu.memory_space<hbm>>
    tpu.wait_dma2 semaphore(%dma_wait3A_367 : memref<!tpu.dma_semaphore, #tpu.memory_space<semaphore_mem>>) src(%dma_wait3A_372 : memref<80xi32, #tpu.memory_space<hbm>>) dst(%dma_wait3A_370 : memref<80xi32, #tpu.memory_space<vmem>>)
    %dma_start3A_373 = arith.constant 2 : i32
    %dma_start3A_374 = arith.constant 0 : i32
    %dma_start3A_375 = arith.constant 0 : i32
    %dma_start3A_376 = arith.constant 2 : i32
    %dma_start3A_377 = arith.constant 2 : i32
    %dma_start3A_378 = arith.constant 0 : i32
    %dma_start3A_379 = arith.constant 0 : i32
    %dma_start3A_380 = tpu.memref_slice %arg7[%dma_start3A_376, %dma_start3A_378, %dma_start3A_379] : memref<4x80x128xf32, #tpu.memory_space<vmem>> -> memref<1x80x128xf32, #tpu.memory_space<vmem>>
    %dma_start3A_381 = tpu.memref_squeeze %dma_start3A_380 : memref<1x80x128xf32, #tpu.memory_space<vmem>> -> memref<80x128xf32, #tpu.memory_space<vmem>>
    %dma_start3A_382 = arith.constant 0 : i32
    %dma_start3A_383 = tpu.memref_slice %arg6[%dma_start3A_373, %dma_start3A_374, %dma_start3A_375, %dma_start3A_382] : memref<4x2x2x80xi32, #tpu.memory_space<vmem>> -> memref<1x1x1x80xi32, #tpu.memory_space<vmem>>
    %dma_start3A_384 = tpu.memref_squeeze %dma_start3A_383 : memref<1x1x1x80xi32, #tpu.memory_space<vmem>> -> memref<80xi32, #tpu.memory_space<vmem>>
    %dma_start3A_385 = arith.constant 0 : i32
    %dma_start3A_386 = arith.constant 0 : i32
    %dma_start3A_387 = tpu.memref_slice %arg3[%dma_start3A_385, %dma_start3A_386] : memref<20480x128xf32, #tpu.memory_space<hbm>> -> memref<20480x128xf32, #tpu.memory_space<hbm>>
    %dma_start3A_388 = tpu.memref_slice %arg10[%dma_start3A_377] : memref<4x!tpu.dma_semaphore, #tpu.memory_space<semaphore_mem>> -> memref<1x!tpu.dma_semaphore, #tpu.memory_space<semaphore_mem>>
    %dma_start3A_389 = tpu.memref_squeeze %dma_start3A_388 : memref<1x!tpu.dma_semaphore, #tpu.memory_space<semaphore_mem>> -> memref<!tpu.dma_semaphore, #tpu.memory_space<semaphore_mem>>
    tpu.enqueue_indirect_dma source(%dma_start3A_387 : memref<20480x128xf32, #tpu.memory_space<hbm>>) target(%dma_start3A_381 : memref<80x128xf32, #tpu.memory_space<vmem>>) offsets(%dma_start3A_384 : memref<80xi32, #tpu.memory_space<vmem>>) semaphore(%dma_start3A_389 : memref<!tpu.dma_semaphore, #tpu.memory_space<semaphore_mem>>)
    %add3A_390 = arith.constant 96 : i32
    %add3A_391 = arith.addi %add3A_390, %arg1 : i32
    %mul3A_392 = arith.constant 80 : i32
    %mul3A_393 = arith.muli %add3A_391, %mul3A_392 : i32
    %add3A_394 = arith.addi %mul3A_2, %mul3A_393 : i32
    %dma_start3A_395 = arith.constant 2 : i32
    %dma_start3A_396 = arith.constant 1 : i32
    %dma_start3A_397 = arith.constant 0 : i32
    %dma_start3A_398 = arith.constant 2 : i32
    %dma_start3A_399 = arith.constant 1 : i32
    %dma_start3A_400 = arith.constant 0 : i32
    %dma_start3A_401 = tpu.memref_slice %arg6[%dma_start3A_395, %dma_start3A_396, %dma_start3A_397, %dma_start3A_400] : memref<4x2x2x80xi32, #tpu.memory_space<vmem>> -> memref<1x1x1x80xi32, #tpu.memory_space<vmem>>
    %dma_start3A_402 = tpu.memref_squeeze %dma_start3A_401 : memref<1x1x1x80xi32, #tpu.memory_space<vmem>> -> memref<80xi32, #tpu.memory_space<vmem>>
    %dma_start3A_403 = tpu.memref_slice %arg2[%add3A_394] : memref<480000xi32, #tpu.memory_space<hbm>> -> memref<80xi32, #tpu.memory_space<hbm>>
    %dma_start3A_404 = tpu.memref_slice %arg9[%dma_start3A_398, %dma_start3A_399] : memref<4x2x!tpu.dma_semaphore, #tpu.memory_space<semaphore_mem>> -> memref<1x1x!tpu.dma_semaphore, #tpu.memory_space<semaphore_mem>>
    %dma_start3A_405 = tpu.memref_squeeze %dma_start3A_404 : memref<1x1x!tpu.dma_semaphore, #tpu.memory_space<semaphore_mem>> -> memref<!tpu.dma_semaphore, #tpu.memory_space<semaphore_mem>>
    %dma_start3A_406 = arith.constant 0 : i32
    %dma_start3A_407 = tpu.memref_slice %arg6[%dma_start3A_395, %dma_start3A_396, %dma_start3A_397, %dma_start3A_406] : memref<4x2x2x80xi32, #tpu.memory_space<vmem>> -> memref<1x1x1x80xi32, #tpu.memory_space<vmem>>
    %dma_start3A_408 = tpu.memref_squeeze %dma_start3A_407 : memref<1x1x1x80xi32, #tpu.memory_space<vmem>> -> memref<80xi32, #tpu.memory_space<vmem>>
    %dma_start3A_409 = tpu.memref_slice %arg2[%add3A_394] : memref<480000xi32, #tpu.memory_space<hbm>> -> memref<80xi32, #tpu.memory_space<hbm>>
    tpu.enqueue_dma source(%dma_start3A_409 : memref<80xi32, #tpu.memory_space<hbm>>) target(%dma_start3A_408 : memref<80xi32, #tpu.memory_space<vmem>>) target_semaphore(%dma_start3A_405 : memref<!tpu.dma_semaphore, #tpu.memory_space<semaphore_mem>>)
    %mul3A_410 = arith.constant 80 : i32
    %mul3A_411 = arith.muli %add3A_391, %mul3A_410 : i32
    %add3A_412 = arith.constant 320000 : i32
    %add3A_413 = arith.addi %add3A_412, %mul3A_411 : i32
    %dma_start3A_414 = arith.constant 2 : i32
    %dma_start3A_415 = arith.constant 1 : i32
    %dma_start3A_416 = arith.constant 1 : i32
    %dma_start3A_417 = arith.constant 2 : i32
    %dma_start3A_418 = arith.constant 1 : i32
    %dma_start3A_419 = arith.constant 0 : i32
    %dma_start3A_420 = tpu.memref_slice %arg6[%dma_start3A_414, %dma_start3A_415, %dma_start3A_416, %dma_start3A_419] : memref<4x2x2x80xi32, #tpu.memory_space<vmem>> -> memref<1x1x1x80xi32, #tpu.memory_space<vmem>>
    %dma_start3A_421 = tpu.memref_squeeze %dma_start3A_420 : memref<1x1x1x80xi32, #tpu.memory_space<vmem>> -> memref<80xi32, #tpu.memory_space<vmem>>
    %dma_start3A_422 = tpu.memref_slice %arg2[%add3A_413] : memref<480000xi32, #tpu.memory_space<hbm>> -> memref<80xi32, #tpu.memory_space<hbm>>
    %dma_start3A_423 = tpu.memref_slice %arg9[%dma_start3A_417, %dma_start3A_418] : memref<4x2x!tpu.dma_semaphore, #tpu.memory_space<semaphore_mem>> -> memref<1x1x!tpu.dma_semaphore, #tpu.memory_space<semaphore_mem>>
    %dma_start3A_424 = tpu.memref_squeeze %dma_start3A_423 : memref<1x1x!tpu.dma_semaphore, #tpu.memory_space<semaphore_mem>> -> memref<!tpu.dma_semaphore, #tpu.memory_space<semaphore_mem>>
    %dma_start3A_425 = arith.constant 0 : i32
    %dma_start3A_426 = tpu.memref_slice %arg6[%dma_start3A_414, %dma_start3A_415, %dma_start3A_416, %dma_start3A_425] : memref<4x2x2x80xi32, #tpu.memory_space<vmem>> -> memref<1x1x1x80xi32, #tpu.memory_space<vmem>>
    %dma_start3A_427 = tpu.memref_squeeze %dma_start3A_426 : memref<1x1x1x80xi32, #tpu.memory_space<vmem>> -> memref<80xi32, #tpu.memory_space<vmem>>
    %dma_start3A_428 = tpu.memref_slice %arg2[%add3A_413] : memref<480000xi32, #tpu.memory_space<hbm>> -> memref<80xi32, #tpu.memory_space<hbm>>
    tpu.enqueue_dma source(%dma_start3A_428 : memref<80xi32, #tpu.memory_space<hbm>>) target(%dma_start3A_427 : memref<80xi32, #tpu.memory_space<vmem>>) target_semaphore(%dma_start3A_424 : memref<!tpu.dma_semaphore, #tpu.memory_space<semaphore_mem>>)
    %dma_wait3A_429 = arith.constant 3 : i32
    %dma_wait3A_430 = arith.constant 0 : i32
    %dma_wait3A_431 = arith.constant 0 : i32
    %dma_wait3A_432 = arith.constant 3 : i32
    %dma_wait3A_433 = arith.constant 0 : i32
    %dma_wait3A_434 = arith.constant 0 : i32
    %dma_wait3A_435 = tpu.memref_slice %arg6[%dma_wait3A_429, %dma_wait3A_430, %dma_wait3A_431, %dma_wait3A_434] : memref<4x2x2x80xi32, #tpu.memory_space<vmem>> -> memref<1x1x1x80xi32, #tpu.memory_space<vmem>>
    %dma_wait3A_436 = tpu.memref_squeeze %dma_wait3A_435 : memref<1x1x1x80xi32, #tpu.memory_space<vmem>> -> memref<80xi32, #tpu.memory_space<vmem>>
    %dma_wait3A_437 = arith.constant 0 : i32
    %dma_wait3A_438 = tpu.memref_slice %arg2[%dma_wait3A_437] : memref<480000xi32, #tpu.memory_space<hbm>> -> memref<80xi32, #tpu.memory_space<hbm>>
    %dma_wait3A_439 = tpu.memref_slice %arg9[%dma_wait3A_432, %dma_wait3A_433] : memref<4x2x!tpu.dma_semaphore, #tpu.memory_space<semaphore_mem>> -> memref<1x1x!tpu.dma_semaphore, #tpu.memory_space<semaphore_mem>>
    %dma_wait3A_440 = tpu.memref_squeeze %dma_wait3A_439 : memref<1x1x!tpu.dma_semaphore, #tpu.memory_space<semaphore_mem>> -> memref<!tpu.dma_semaphore, #tpu.memory_space<semaphore_mem>>
    %dma_wait3A_441 = arith.constant 0 : i32
    %dma_wait3A_442 = tpu.memref_slice %arg6[%dma_wait3A_429, %dma_wait3A_430, %dma_wait3A_431, %dma_wait3A_441] : memref<4x2x2x80xi32, #tpu.memory_space<vmem>> -> memref<1x1x1x80xi32, #tpu.memory_space<vmem>>
    %dma_wait3A_443 = tpu.memref_squeeze %dma_wait3A_442 : memref<1x1x1x80xi32, #tpu.memory_space<vmem>> -> memref<80xi32, #tpu.memory_space<vmem>>
    %dma_wait3A_444 = arith.constant 0 : i32
    %dma_wait3A_445 = tpu.memref_slice %arg2[%dma_wait3A_444] : memref<480000xi32, #tpu.memory_space<hbm>> -> memref<80xi32, #tpu.memory_space<hbm>>
    tpu.wait_dma2 semaphore(%dma_wait3A_440 : memref<!tpu.dma_semaphore, #tpu.memory_space<semaphore_mem>>) src(%dma_wait3A_445 : memref<80xi32, #tpu.memory_space<hbm>>) dst(%dma_wait3A_443 : memref<80xi32, #tpu.memory_space<vmem>>)
    %dma_wait3A_446 = arith.constant 3 : i32
    %dma_wait3A_447 = arith.constant 0 : i32
    %dma_wait3A_448 = arith.constant 1 : i32
    %dma_wait3A_449 = arith.constant 3 : i32
    %dma_wait3A_450 = arith.constant 0 : i32
    %dma_wait3A_451 = arith.constant 0 : i32
    %dma_wait3A_452 = tpu.memref_slice %arg6[%dma_wait3A_446, %dma_wait3A_447, %dma_wait3A_448, %dma_wait3A_451] : memref<4x2x2x80xi32, #tpu.memory_space<vmem>> -> memref<1x1x1x80xi32, #tpu.memory_space<vmem>>
    %dma_wait3A_453 = tpu.memref_squeeze %dma_wait3A_452 : memref<1x1x1x80xi32, #tpu.memory_space<vmem>> -> memref<80xi32, #tpu.memory_space<vmem>>
    %dma_wait3A_454 = arith.constant 0 : i32
    %dma_wait3A_455 = tpu.memref_slice %arg2[%dma_wait3A_454] : memref<480000xi32, #tpu.memory_space<hbm>> -> memref<80xi32, #tpu.memory_space<hbm>>
    %dma_wait3A_456 = tpu.memref_slice %arg9[%dma_wait3A_449, %dma_wait3A_450] : memref<4x2x!tpu.dma_semaphore, #tpu.memory_space<semaphore_mem>> -> memref<1x1x!tpu.dma_semaphore, #tpu.memory_space<semaphore_mem>>
    %dma_wait3A_457 = tpu.memref_squeeze %dma_wait3A_456 : memref<1x1x!tpu.dma_semaphore, #tpu.memory_space<semaphore_mem>> -> memref<!tpu.dma_semaphore, #tpu.memory_space<semaphore_mem>>
    %dma_wait3A_458 = arith.constant 0 : i32
    %dma_wait3A_459 = tpu.memref_slice %arg6[%dma_wait3A_446, %dma_wait3A_447, %dma_wait3A_448, %dma_wait3A_458] : memref<4x2x2x80xi32, #tpu.memory_space<vmem>> -> memref<1x1x1x80xi32, #tpu.memory_space<vmem>>
    %dma_wait3A_460 = tpu.memref_squeeze %dma_wait3A_459 : memref<1x1x1x80xi32, #tpu.memory_space<vmem>> -> memref<80xi32, #tpu.memory_space<vmem>>
    %dma_wait3A_461 = arith.constant 0 : i32
    %dma_wait3A_462 = tpu.memref_slice %arg2[%dma_wait3A_461] : memref<480000xi32, #tpu.memory_space<hbm>> -> memref<80xi32, #tpu.memory_space<hbm>>
    tpu.wait_dma2 semaphore(%dma_wait3A_457 : memref<!tpu.dma_semaphore, #tpu.memory_space<semaphore_mem>>) src(%dma_wait3A_462 : memref<80xi32, #tpu.memory_space<hbm>>) dst(%dma_wait3A_460 : memref<80xi32, #tpu.memory_space<vmem>>)
    %dma_start3A_463 = arith.constant 3 : i32
    %dma_start3A_464 = arith.constant 0 : i32
    %dma_start3A_465 = arith.constant 0 : i32
    %dma_start3A_466 = arith.constant 3 : i32
    %dma_start3A_467 = arith.constant 3 : i32
    %dma_start3A_468 = arith.constant 0 : i32
    %dma_start3A_469 = arith.constant 0 : i32
    %dma_start3A_470 = tpu.memref_slice %arg7[%dma_start3A_466, %dma_start3A_468, %dma_start3A_469] : memref<4x80x128xf32, #tpu.memory_space<vmem>> -> memref<1x80x128xf32, #tpu.memory_space<vmem>>
    %dma_start3A_471 = tpu.memref_squeeze %dma_start3A_470 : memref<1x80x128xf32, #tpu.memory_space<vmem>> -> memref<80x128xf32, #tpu.memory_space<vmem>>
    %dma_start3A_472 = arith.constant 0 : i32
    %dma_start3A_473 = tpu.memref_slice %arg6[%dma_start3A_463, %dma_start3A_464, %dma_start3A_465, %dma_start3A_472] : memref<4x2x2x80xi32, #tpu.memory_space<vmem>> -> memref<1x1x1x80xi32, #tpu.memory_space<vmem>>
    %dma_start3A_474 = tpu.memref_squeeze %dma_start3A_473 : memref<1x1x1x80xi32, #tpu.memory_space<vmem>> -> memref<80xi32, #tpu.memory_space<vmem>>
    %dma_start3A_475 = arith.constant 0 : i32
    %dma_start3A_476 = arith.constant 0 : i32
    %dma_start3A_477 = tpu.memref_slice %arg3[%dma_start3A_475, %dma_start3A_476] : memref<20480x128xf32, #tpu.memory_space<hbm>> -> memref<20480x128xf32, #tpu.memory_space<hbm>>
    %dma_start3A_478 = tpu.memref_slice %arg10[%dma_start3A_467] : memref<4x!tpu.dma_semaphore, #tpu.memory_space<semaphore_mem>> -> memref<1x!tpu.dma_semaphore, #tpu.memory_space<semaphore_mem>>
    %dma_start3A_479 = tpu.memref_squeeze %dma_start3A_478 : memref<1x!tpu.dma_semaphore, #tpu.memory_space<semaphore_mem>> -> memref<!tpu.dma_semaphore, #tpu.memory_space<semaphore_mem>>
    tpu.enqueue_indirect_dma source(%dma_start3A_477 : memref<20480x128xf32, #tpu.memory_space<hbm>>) target(%dma_start3A_471 : memref<80x128xf32, #tpu.memory_space<vmem>>) offsets(%dma_start3A_474 : memref<80xi32, #tpu.memory_space<vmem>>) semaphore(%dma_start3A_479 : memref<!tpu.dma_semaphore, #tpu.memory_space<semaphore_mem>>)
    %add3A_480 = arith.constant 112 : i32
    %add3A_481 = arith.addi %add3A_480, %arg1 : i32
    %mul3A_482 = arith.constant 80 : i32
    %mul3A_483 = arith.muli %add3A_481, %mul3A_482 : i32
    %add3A_484 = arith.addi %mul3A_2, %mul3A_483 : i32
    %dma_start3A_485 = arith.constant 3 : i32
    %dma_start3A_486 = arith.constant 1 : i32
    %dma_start3A_487 = arith.constant 0 : i32
    %dma_start3A_488 = arith.constant 3 : i32
    %dma_start3A_489 = arith.constant 1 : i32
    %dma_start3A_490 = arith.constant 0 : i32
    %dma_start3A_491 = tpu.memref_slice %arg6[%dma_start3A_485, %dma_start3A_486, %dma_start3A_487, %dma_start3A_490] : memref<4x2x2x80xi32, #tpu.memory_space<vmem>> -> memref<1x1x1x80xi32, #tpu.memory_space<vmem>>
    %dma_start3A_492 = tpu.memref_squeeze %dma_start3A_491 : memref<1x1x1x80xi32, #tpu.memory_space<vmem>> -> memref<80xi32, #tpu.memory_space<vmem>>
    %dma_start3A_493 = tpu.memref_slice %arg2[%add3A_484] : memref<480000xi32, #tpu.memory_space<hbm>> -> memref<80xi32, #tpu.memory_space<hbm>>
    %dma_start3A_494 = tpu.memref_slice %arg9[%dma_start3A_488, %dma_start3A_489] : memref<4x2x!tpu.dma_semaphore, #tpu.memory_space<semaphore_mem>> -> memref<1x1x!tpu.dma_semaphore, #tpu.memory_space<semaphore_mem>>
    %dma_start3A_495 = tpu.memref_squeeze %dma_start3A_494 : memref<1x1x!tpu.dma_semaphore, #tpu.memory_space<semaphore_mem>> -> memref<!tpu.dma_semaphore, #tpu.memory_space<semaphore_mem>>
    %dma_start3A_496 = arith.constant 0 : i32
    %dma_start3A_497 = tpu.memref_slice %arg6[%dma_start3A_485, %dma_start3A_486, %dma_start3A_487, %dma_start3A_496] : memref<4x2x2x80xi32, #tpu.memory_space<vmem>> -> memref<1x1x1x80xi32, #tpu.memory_space<vmem>>
    %dma_start3A_498 = tpu.memref_squeeze %dma_start3A_497 : memref<1x1x1x80xi32, #tpu.memory_space<vmem>> -> memref<80xi32, #tpu.memory_space<vmem>>
    %dma_start3A_499 = tpu.memref_slice %arg2[%add3A_484] : memref<480000xi32, #tpu.memory_space<hbm>> -> memref<80xi32, #tpu.memory_space<hbm>>
    tpu.enqueue_dma source(%dma_start3A_499 : memref<80xi32, #tpu.memory_space<hbm>>) target(%dma_start3A_498 : memref<80xi32, #tpu.memory_space<vmem>>) target_semaphore(%dma_start3A_495 : memref<!tpu.dma_semaphore, #tpu.memory_space<semaphore_mem>>)
    %mul3A_500 = arith.constant 80 : i32
    %mul3A_501 = arith.muli %add3A_481, %mul3A_500 : i32
    %add3A_502 = arith.constant 320000 : i32
    %add3A_503 = arith.addi %add3A_502, %mul3A_501 : i32
    %dma_start3A_504 = arith.constant 3 : i32
    %dma_start3A_505 = arith.constant 1 : i32
    %dma_start3A_506 = arith.constant 1 : i32
    %dma_start3A_507 = arith.constant 3 : i32
    %dma_start3A_508 = arith.constant 1 : i32
    %dma_start3A_509 = arith.constant 0 : i32
    %dma_start3A_510 = tpu.memref_slice %arg6[%dma_start3A_504, %dma_start3A_505, %dma_start3A_506, %dma_start3A_509] : memref<4x2x2x80xi32, #tpu.memory_space<vmem>> -> memref<1x1x1x80xi32, #tpu.memory_space<vmem>>
    %dma_start3A_511 = tpu.memref_squeeze %dma_start3A_510 : memref<1x1x1x80xi32, #tpu.memory_space<vmem>> -> memref<80xi32, #tpu.memory_space<vmem>>
    %dma_start3A_512 = tpu.memref_slice %arg2[%add3A_503] : memref<480000xi32, #tpu.memory_space<hbm>> -> memref<80xi32, #tpu.memory_space<hbm>>
    %dma_start3A_513 = tpu.memref_slice %arg9[%dma_start3A_507, %dma_start3A_508] : memref<4x2x!tpu.dma_semaphore, #tpu.memory_space<semaphore_mem>> -> memref<1x1x!tpu.dma_semaphore, #tpu.memory_space<semaphore_mem>>
    %dma_start3A_514 = tpu.memref_squeeze %dma_start3A_513 : memref<1x1x!tpu.dma_semaphore, #tpu.memory_space<semaphore_mem>> -> memref<!tpu.dma_semaphore, #tpu.memory_space<semaphore_mem>>
    %dma_start3A_515 = arith.constant 0 : i32
    %dma_start3A_516 = tpu.memref_slice %arg6[%dma_start3A_504, %dma_start3A_505, %dma_start3A_506, %dma_start3A_515] : memref<4x2x2x80xi32, #tpu.memory_space<vmem>> -> memref<1x1x1x80xi32, #tpu.memory_space<vmem>>
    %dma_start3A_517 = tpu.memref_squeeze %dma_start3A_516 : memref<1x1x1x80xi32, #tpu.memory_space<vmem>> -> memref<80xi32, #tpu.memory_space<vmem>>
    %dma_start3A_518 = tpu.memref_slice %arg2[%add3A_503] : memref<480000xi32, #tpu.memory_space<hbm>> -> memref<80xi32, #tpu.memory_space<hbm>>
    tpu.enqueue_dma source(%dma_start3A_518 : memref<80xi32, #tpu.memory_space<hbm>>) target(%dma_start3A_517 : memref<80xi32, #tpu.memory_space<vmem>>) target_semaphore(%dma_start3A_514 : memref<!tpu.dma_semaphore, #tpu.memory_space<semaphore_mem>>)
    %barrier3A = arith.constant 0 : index
    tpu.barrier barrier_id(%barrier3A)
    %scan3A = arith.constant 0 : i32
    %scan3A_519 = arith.constant 15 : i32
    %scan3A_520 = arith.addi %scan3A, %scan3A_519 : i32
    %scan3A_521 = arith.constant 1 : i32
    scf.for %scan3A_1056 = %scan3A to %scan3A_520 step %scan3A_521  : i32 {
      %mul3A_1057 = arith.constant 1 : i32
      %mul3A_1058 = arith.muli %scan3A_1056, %mul3A_1057 : i32
      %add3A_1059 = arith.constant 0 : i32
      %add3A_1060 = arith.addi %add3A_1059, %mul3A_1058 : i32
      %gt3A = arith.constant 0 : i32
      %gt3A_1061 = arith.cmpi sgt, %add3A_1060, %gt3A : i32
      %convert_element_type3A_1062 = arith.extui %gt3A_1061 : i1 to i32
      %cond3A_1063 = arith.constant 0 : i32
      %cond3A_1064 = arith.cmpi ne, %convert_element_type3A_1062, %cond3A_1063 : i32
      scf.if %cond3A_1064 {
        %dma_wait3A_1684 = arith.constant 0 : i32
        %dma_wait3A_1685 = arith.constant 0 : i32
        %dma_wait3A_1686 = arith.constant 0 : i32
        %dma_wait3A_1687 = arith.constant 1 : i32
        %dma_wait3A_1688 = arith.constant 0 : i32
        %dma_wait3A_1689 = arith.constant 0 : i32
        %dma_wait3A_1690 = arith.constant 0 : i32
        %dma_wait3A_1691 = tpu.memref_slice %arg7[%dma_wait3A_1684, %dma_wait3A_1689, %dma_wait3A_1690] : memref<4x80x128xf32, #tpu.memory_space<vmem>> -> memref<1x80x128xf32, #tpu.memory_space<vmem>>
        %dma_wait3A_1692 = tpu.memref_squeeze %dma_wait3A_1691 : memref<1x80x128xf32, #tpu.memory_space<vmem>> -> memref<80x128xf32, #tpu.memory_space<vmem>>
        %dma_wait3A_1693 = arith.constant 0 : i32
        %dma_wait3A_1694 = tpu.memref_slice %arg6[%dma_wait3A_1685, %dma_wait3A_1686, %dma_wait3A_1687, %dma_wait3A_1693] : memref<4x2x2x80xi32, #tpu.memory_space<vmem>> -> memref<1x1x1x80xi32, #tpu.memory_space<vmem>>
        %dma_wait3A_1695 = tpu.memref_squeeze %dma_wait3A_1694 : memref<1x1x1x80xi32, #tpu.memory_space<vmem>> -> memref<80xi32, #tpu.memory_space<vmem>>
        %dma_wait3A_1696 = arith.constant 0 : i32
        %dma_wait3A_1697 = arith.constant 0 : i32
        %dma_wait3A_1698 = tpu.memref_slice %arg8[%dma_wait3A_1696, %dma_wait3A_1697] : memref<10240x128xf32, #tpu.memory_space<vmem_shared>> -> memref<10240x128xf32, #tpu.memory_space<vmem_shared>>
        %dma_wait3A_1699 = tpu.memref_slice %arg11[%dma_wait3A_1688] : memref<4x!tpu.dma_semaphore, #tpu.memory_space<semaphore_mem>> -> memref<1x!tpu.dma_semaphore, #tpu.memory_space<semaphore_mem>>
        %dma_wait3A_1700 = tpu.memref_squeeze %dma_wait3A_1699 : memref<1x!tpu.dma_semaphore, #tpu.memory_space<semaphore_mem>> -> memref<!tpu.dma_semaphore, #tpu.memory_space<semaphore_mem>>
        tpu.wait_indirect_dma semaphore(%dma_wait3A_1700 : memref<!tpu.dma_semaphore, #tpu.memory_space<semaphore_mem>>) src(%dma_wait3A_1692 : memref<80x128xf32, #tpu.memory_space<vmem>>) dst(%dma_wait3A_1698 : memref<10240x128xf32, #tpu.memory_space<vmem_shared>>)
        %dma_wait3A_1701 = arith.constant 0 : i32
        %dma_wait3A_1702 = arith.constant 0 : i32
        %dma_wait3A_1703 = arith.constant 0 : i32
        %dma_wait3A_1704 = arith.constant 0 : i32
        %dma_wait3A_1705 = arith.constant 0 : i32
        %dma_wait3A_1706 = arith.constant 0 : i32
        %dma_wait3A_1707 = tpu.memref_slice %arg6[%dma_wait3A_1701, %dma_wait3A_1702, %dma_wait3A_1703, %dma_wait3A_1706] : memref<4x2x2x80xi32, #tpu.memory_space<vmem>> -> memref<1x1x1x80xi32, #tpu.memory_space<vmem>>
        %dma_wait3A_1708 = tpu.memref_squeeze %dma_wait3A_1707 : memref<1x1x1x80xi32, #tpu.memory_space<vmem>> -> memref<80xi32, #tpu.memory_space<vmem>>
        %dma_wait3A_1709 = arith.constant 0 : i32
        %dma_wait3A_1710 = tpu.memref_slice %arg2[%dma_wait3A_1709] : memref<480000xi32, #tpu.memory_space<hbm>> -> memref<80xi32, #tpu.memory_space<hbm>>
        %dma_wait3A_1711 = tpu.memref_slice %arg9[%dma_wait3A_1704, %dma_wait3A_1705] : memref<4x2x!tpu.dma_semaphore, #tpu.memory_space<semaphore_mem>> -> memref<1x1x!tpu.dma_semaphore, #tpu.memory_space<semaphore_mem>>
        %dma_wait3A_1712 = tpu.memref_squeeze %dma_wait3A_1711 : memref<1x1x!tpu.dma_semaphore, #tpu.memory_space<semaphore_mem>> -> memref<!tpu.dma_semaphore, #tpu.memory_space<semaphore_mem>>
        %dma_wait3A_1713 = arith.constant 0 : i32
        %dma_wait3A_1714 = tpu.memref_slice %arg6[%dma_wait3A_1701, %dma_wait3A_1702, %dma_wait3A_1703, %dma_wait3A_1713] : memref<4x2x2x80xi32, #tpu.memory_space<vmem>> -> memref<1x1x1x80xi32, #tpu.memory_space<vmem>>
        %dma_wait3A_1715 = tpu.memref_squeeze %dma_wait3A_1714 : memref<1x1x1x80xi32, #tpu.memory_space<vmem>> -> memref<80xi32, #tpu.memory_space<vmem>>
        %dma_wait3A_1716 = arith.constant 0 : i32
        %dma_wait3A_1717 = tpu.memref_slice %arg2[%dma_wait3A_1716] : memref<480000xi32, #tpu.memory_space<hbm>> -> memref<80xi32, #tpu.memory_space<hbm>>
        tpu.wait_dma2 semaphore(%dma_wait3A_1712 : memref<!tpu.dma_semaphore, #tpu.memory_space<semaphore_mem>>) src(%dma_wait3A_1717 : memref<80xi32, #tpu.memory_space<hbm>>) dst(%dma_wait3A_1715 : memref<80xi32, #tpu.memory_space<vmem>>)
        %dma_wait3A_1718 = arith.constant 0 : i32
        %dma_wait3A_1719 = arith.constant 0 : i32
        %dma_wait3A_1720 = arith.constant 1 : i32
        %dma_wait3A_1721 = arith.constant 0 : i32
        %dma_wait3A_1722 = arith.constant 0 : i32
        %dma_wait3A_1723 = arith.constant 0 : i32
        %dma_wait3A_1724 = tpu.memref_slice %arg6[%dma_wait3A_1718, %dma_wait3A_1719, %dma_wait3A_1720, %dma_wait3A_1723] : memref<4x2x2x80xi32, #tpu.memory_space<vmem>> -> memref<1x1x1x80xi32, #tpu.memory_space<vmem>>
        %dma_wait3A_1725 = tpu.memref_squeeze %dma_wait3A_1724 : memref<1x1x1x80xi32, #tpu.memory_space<vmem>> -> memref<80xi32, #tpu.memory_space<vmem>>
        %dma_wait3A_1726 = arith.constant 0 : i32
        %dma_wait3A_1727 = tpu.memref_slice %arg2[%dma_wait3A_1726] : memref<480000xi32, #tpu.memory_space<hbm>> -> memref<80xi32, #tpu.memory_space<hbm>>
        %dma_wait3A_1728 = tpu.memref_slice %arg9[%dma_wait3A_1721, %dma_wait3A_1722] : memref<4x2x!tpu.dma_semaphore, #tpu.memory_space<semaphore_mem>> -> memref<1x1x!tpu.dma_semaphore, #tpu.memory_space<semaphore_mem>>
        %dma_wait3A_1729 = tpu.memref_squeeze %dma_wait3A_1728 : memref<1x1x!tpu.dma_semaphore, #tpu.memory_space<semaphore_mem>> -> memref<!tpu.dma_semaphore, #tpu.memory_space<semaphore_mem>>
        %dma_wait3A_1730 = arith.constant 0 : i32
        %dma_wait3A_1731 = tpu.memref_slice %arg6[%dma_wait3A_1718, %dma_wait3A_1719, %dma_wait3A_1720, %dma_wait3A_1730] : memref<4x2x2x80xi32, #tpu.memory_space<vmem>> -> memref<1x1x1x80xi32, #tpu.memory_space<vmem>>
        %dma_wait3A_1732 = tpu.memref_squeeze %dma_wait3A_1731 : memref<1x1x1x80xi32, #tpu.memory_space<vmem>> -> memref<80xi32, #tpu.memory_space<vmem>>
        %dma_wait3A_1733 = arith.constant 0 : i32
        %dma_wait3A_1734 = tpu.memref_slice %arg2[%dma_wait3A_1733] : memref<480000xi32, #tpu.memory_space<hbm>> -> memref<80xi32, #tpu.memory_space<hbm>>
        tpu.wait_dma2 semaphore(%dma_wait3A_1729 : memref<!tpu.dma_semaphore, #tpu.memory_space<semaphore_mem>>) src(%dma_wait3A_1734 : memref<80xi32, #tpu.memory_space<hbm>>) dst(%dma_wait3A_1732 : memref<80xi32, #tpu.memory_space<vmem>>)
        %dma_start3A_1735 = arith.constant 0 : i32
        %dma_start3A_1736 = arith.constant 0 : i32
        %dma_start3A_1737 = arith.constant 0 : i32
        %dma_start3A_1738 = arith.constant 0 : i32
        %dma_start3A_1739 = arith.constant 0 : i32
        %dma_start3A_1740 = arith.constant 0 : i32
        %dma_start3A_1741 = arith.constant 0 : i32
        %dma_start3A_1742 = tpu.memref_slice %arg7[%dma_start3A_1738, %dma_start3A_1740, %dma_start3A_1741] : memref<4x80x128xf32, #tpu.memory_space<vmem>> -> memref<1x80x128xf32, #tpu.memory_space<vmem>>
        %dma_start3A_1743 = tpu.memref_squeeze %dma_start3A_1742 : memref<1x80x128xf32, #tpu.memory_space<vmem>> -> memref<80x128xf32, #tpu.memory_space<vmem>>
        %dma_start3A_1744 = arith.constant 0 : i32
        %dma_start3A_1745 = tpu.memref_slice %arg6[%dma_start3A_1735, %dma_start3A_1736, %dma_start3A_1737, %dma_start3A_1744] : memref<4x2x2x80xi32, #tpu.memory_space<vmem>> -> memref<1x1x1x80xi32, #tpu.memory_space<vmem>>
        %dma_start3A_1746 = tpu.memref_squeeze %dma_start3A_1745 : memref<1x1x1x80xi32, #tpu.memory_space<vmem>> -> memref<80xi32, #tpu.memory_space<vmem>>
        %dma_start3A_1747 = arith.constant 0 : i32
        %dma_start3A_1748 = arith.constant 0 : i32
        %dma_start3A_1749 = tpu.memref_slice %arg3[%dma_start3A_1747, %dma_start3A_1748] : memref<20480x128xf32, #tpu.memory_space<hbm>> -> memref<20480x128xf32, #tpu.memory_space<hbm>>
        %dma_start3A_1750 = tpu.memref_slice %arg10[%dma_start3A_1739] : memref<4x!tpu.dma_semaphore, #tpu.memory_space<semaphore_mem>> -> memref<1x!tpu.dma_semaphore, #tpu.memory_space<semaphore_mem>>
        %dma_start3A_1751 = tpu.memref_squeeze %dma_start3A_1750 : memref<1x!tpu.dma_semaphore, #tpu.memory_space<semaphore_mem>> -> memref<!tpu.dma_semaphore, #tpu.memory_space<semaphore_mem>>
        tpu.enqueue_indirect_dma source(%dma_start3A_1749 : memref<20480x128xf32, #tpu.memory_space<hbm>>) target(%dma_start3A_1743 : memref<80x128xf32, #tpu.memory_space<vmem>>) offsets(%dma_start3A_1746 : memref<80xi32, #tpu.memory_space<vmem>>) semaphore(%dma_start3A_1751 : memref<!tpu.dma_semaphore, #tpu.memory_space<semaphore_mem>>)
        %mul3A_1752 = arith.constant 2 : i32
        %mul3A_1753 = arith.muli %add3A_1060, %mul3A_1752 : i32
        %mul3A_1754 = arith.constant 4 : i32
        %mul3A_1755 = arith.muli %mul3A_1753, %mul3A_1754 : i32
        %add3A_1756 = arith.constant 4 : i32
        %add3A_1757 = arith.addi %mul3A_1755, %add3A_1756 : i32
        %add3A_1758 = arith.constant 0 : i32
        %add3A_1759 = arith.addi %add3A_1757, %add3A_1758 : i32
        %mul3A_1760 = arith.constant 16 : i32
        %mul3A_1761 = arith.muli %add3A_1759, %mul3A_1760 : i32
        %add3A_1762 = arith.addi %mul3A_1761, %arg1 : i32
        %mul3A_1763 = arith.constant 80 : i32
        %mul3A_1764 = arith.muli %add3A_1762, %mul3A_1763 : i32
        %add3A_1765 = arith.addi %mul3A_2, %mul3A_1764 : i32
        %dma_start3A_1766 = arith.constant 0 : i32
        %dma_start3A_1767 = arith.constant 1 : i32
        %dma_start3A_1768 = arith.constant 0 : i32
        %dma_start3A_1769 = arith.constant 0 : i32
        %dma_start3A_1770 = arith.constant 1 : i32
        %dma_start3A_1771 = arith.constant 0 : i32
        %dma_start3A_1772 = tpu.memref_slice %arg6[%dma_start3A_1766, %dma_start3A_1767, %dma_start3A_1768, %dma_start3A_1771] : memref<4x2x2x80xi32, #tpu.memory_space<vmem>> -> memref<1x1x1x80xi32, #tpu.memory_space<vmem>>
        %dma_start3A_1773 = tpu.memref_squeeze %dma_start3A_1772 : memref<1x1x1x80xi32, #tpu.memory_space<vmem>> -> memref<80xi32, #tpu.memory_space<vmem>>
        %dma_start3A_1774 = tpu.memref_slice %arg2[%add3A_1765] : memref<480000xi32, #tpu.memory_space<hbm>> -> memref<80xi32, #tpu.memory_space<hbm>>
        %dma_start3A_1775 = tpu.memref_slice %arg9[%dma_start3A_1769, %dma_start3A_1770] : memref<4x2x!tpu.dma_semaphore, #tpu.memory_space<semaphore_mem>> -> memref<1x1x!tpu.dma_semaphore, #tpu.memory_space<semaphore_mem>>
        %dma_start3A_1776 = tpu.memref_squeeze %dma_start3A_1775 : memref<1x1x!tpu.dma_semaphore, #tpu.memory_space<semaphore_mem>> -> memref<!tpu.dma_semaphore, #tpu.memory_space<semaphore_mem>>
        %dma_start3A_1777 = arith.constant 0 : i32
        %dma_start3A_1778 = tpu.memref_slice %arg6[%dma_start3A_1766, %dma_start3A_1767, %dma_start3A_1768, %dma_start3A_1777] : memref<4x2x2x80xi32, #tpu.memory_space<vmem>> -> memref<1x1x1x80xi32, #tpu.memory_space<vmem>>
        %dma_start3A_1779 = tpu.memref_squeeze %dma_start3A_1778 : memref<1x1x1x80xi32, #tpu.memory_space<vmem>> -> memref<80xi32, #tpu.memory_space<vmem>>
        %dma_start3A_1780 = tpu.memref_slice %arg2[%add3A_1765] : memref<480000xi32, #tpu.memory_space<hbm>> -> memref<80xi32, #tpu.memory_space<hbm>>
        tpu.enqueue_dma source(%dma_start3A_1780 : memref<80xi32, #tpu.memory_space<hbm>>) target(%dma_start3A_1779 : memref<80xi32, #tpu.memory_space<vmem>>) target_semaphore(%dma_start3A_1776 : memref<!tpu.dma_semaphore, #tpu.memory_space<semaphore_mem>>)
        %mul3A_1781 = arith.constant 80 : i32
        %mul3A_1782 = arith.muli %add3A_1762, %mul3A_1781 : i32
        %add3A_1783 = arith.constant 320000 : i32
        %add3A_1784 = arith.addi %add3A_1783, %mul3A_1782 : i32
        %dma_start3A_1785 = arith.constant 0 : i32
        %dma_start3A_1786 = arith.constant 1 : i32
        %dma_start3A_1787 = arith.constant 1 : i32
        %dma_start3A_1788 = arith.constant 0 : i32
        %dma_start3A_1789 = arith.constant 1 : i32
        %dma_start3A_1790 = arith.constant 0 : i32
        %dma_start3A_1791 = tpu.memref_slice %arg6[%dma_start3A_1785, %dma_start3A_1786, %dma_start3A_1787, %dma_start3A_1790] : memref<4x2x2x80xi32, #tpu.memory_space<vmem>> -> memref<1x1x1x80xi32, #tpu.memory_space<vmem>>
        %dma_start3A_1792 = tpu.memref_squeeze %dma_start3A_1791 : memref<1x1x1x80xi32, #tpu.memory_space<vmem>> -> memref<80xi32, #tpu.memory_space<vmem>>
        %dma_start3A_1793 = tpu.memref_slice %arg2[%add3A_1784] : memref<480000xi32, #tpu.memory_space<hbm>> -> memref<80xi32, #tpu.memory_space<hbm>>
        %dma_start3A_1794 = tpu.memref_slice %arg9[%dma_start3A_1788, %dma_start3A_1789] : memref<4x2x!tpu.dma_semaphore, #tpu.memory_space<semaphore_mem>> -> memref<1x1x!tpu.dma_semaphore, #tpu.memory_space<semaphore_mem>>
        %dma_start3A_1795 = tpu.memref_squeeze %dma_start3A_1794 : memref<1x1x!tpu.dma_semaphore, #tpu.memory_space<semaphore_mem>> -> memref<!tpu.dma_semaphore, #tpu.memory_space<semaphore_mem>>
        %dma_start3A_1796 = arith.constant 0 : i32
        %dma_start3A_1797 = tpu.memref_slice %arg6[%dma_start3A_1785, %dma_start3A_1786, %dma_start3A_1787, %dma_start3A_1796] : memref<4x2x2x80xi32, #tpu.memory_space<vmem>> -> memref<1x1x1x80xi32, #tpu.memory_space<vmem>>
        %dma_start3A_1798 = tpu.memref_squeeze %dma_start3A_1797 : memref<1x1x1x80xi32, #tpu.memory_space<vmem>> -> memref<80xi32, #tpu.memory_space<vmem>>
        %dma_start3A_1799 = tpu.memref_slice %arg2[%add3A_1784] : memref<480000xi32, #tpu.memory_space<hbm>> -> memref<80xi32, #tpu.memory_space<hbm>>
        tpu.enqueue_dma source(%dma_start3A_1799 : memref<80xi32, #tpu.memory_space<hbm>>) target(%dma_start3A_1798 : memref<80xi32, #tpu.memory_space<vmem>>) target_semaphore(%dma_start3A_1795 : memref<!tpu.dma_semaphore, #tpu.memory_space<semaphore_mem>>)
      } else {
      }
      %gt3A_1065 = arith.constant 0 : i32
      %gt3A_1066 = arith.cmpi sgt, %add3A_1060, %gt3A_1065 : i32
      %convert_element_type3A_1067 = arith.extui %gt3A_1066 : i1 to i32
      %cond3A_1068 = arith.constant 0 : i32
      %cond3A_1069 = arith.cmpi ne, %convert_element_type3A_1067, %cond3A_1068 : i32
      scf.if %cond3A_1069 {
        %dma_wait3A_1684 = arith.constant 1 : i32
        %dma_wait3A_1685 = arith.constant 1 : i32
        %dma_wait3A_1686 = arith.constant 0 : i32
        %dma_wait3A_1687 = arith.constant 1 : i32
        %dma_wait3A_1688 = arith.constant 1 : i32
        %dma_wait3A_1689 = arith.constant 0 : i32
        %dma_wait3A_1690 = arith.constant 0 : i32
        %dma_wait3A_1691 = tpu.memref_slice %arg7[%dma_wait3A_1684, %dma_wait3A_1689, %dma_wait3A_1690] : memref<4x80x128xf32, #tpu.memory_space<vmem>> -> memref<1x80x128xf32, #tpu.memory_space<vmem>>
        %dma_wait3A_1692 = tpu.memref_squeeze %dma_wait3A_1691 : memref<1x80x128xf32, #tpu.memory_space<vmem>> -> memref<80x128xf32, #tpu.memory_space<vmem>>
        %dma_wait3A_1693 = arith.constant 0 : i32
        %dma_wait3A_1694 = tpu.memref_slice %arg6[%dma_wait3A_1685, %dma_wait3A_1686, %dma_wait3A_1687, %dma_wait3A_1693] : memref<4x2x2x80xi32, #tpu.memory_space<vmem>> -> memref<1x1x1x80xi32, #tpu.memory_space<vmem>>
        %dma_wait3A_1695 = tpu.memref_squeeze %dma_wait3A_1694 : memref<1x1x1x80xi32, #tpu.memory_space<vmem>> -> memref<80xi32, #tpu.memory_space<vmem>>
        %dma_wait3A_1696 = arith.constant 0 : i32
        %dma_wait3A_1697 = arith.constant 0 : i32
        %dma_wait3A_1698 = tpu.memref_slice %arg8[%dma_wait3A_1696, %dma_wait3A_1697] : memref<10240x128xf32, #tpu.memory_space<vmem_shared>> -> memref<10240x128xf32, #tpu.memory_space<vmem_shared>>
        %dma_wait3A_1699 = tpu.memref_slice %arg11[%dma_wait3A_1688] : memref<4x!tpu.dma_semaphore, #tpu.memory_space<semaphore_mem>> -> memref<1x!tpu.dma_semaphore, #tpu.memory_space<semaphore_mem>>
        %dma_wait3A_1700 = tpu.memref_squeeze %dma_wait3A_1699 : memref<1x!tpu.dma_semaphore, #tpu.memory_space<semaphore_mem>> -> memref<!tpu.dma_semaphore, #tpu.memory_space<semaphore_mem>>
        tpu.wait_indirect_dma semaphore(%dma_wait3A_1700 : memref<!tpu.dma_semaphore, #tpu.memory_space<semaphore_mem>>) src(%dma_wait3A_1692 : memref<80x128xf32, #tpu.memory_space<vmem>>) dst(%dma_wait3A_1698 : memref<10240x128xf32, #tpu.memory_space<vmem_shared>>)
        %dma_wait3A_1701 = arith.constant 1 : i32
        %dma_wait3A_1702 = arith.constant 0 : i32
        %dma_wait3A_1703 = arith.constant 0 : i32
        %dma_wait3A_1704 = arith.constant 1 : i32
        %dma_wait3A_1705 = arith.constant 0 : i32
        %dma_wait3A_1706 = arith.constant 0 : i32
        %dma_wait3A_1707 = tpu.memref_slice %arg6[%dma_wait3A_1701, %dma_wait3A_1702, %dma_wait3A_1703, %dma_wait3A_1706] : memref<4x2x2x80xi32, #tpu.memory_space<vmem>> -> memref<1x1x1x80xi32, #tpu.memory_space<vmem>>
        %dma_wait3A_1708 = tpu.memref_squeeze %dma_wait3A_1707 : memref<1x1x1x80xi32, #tpu.memory_space<vmem>> -> memref<80xi32, #tpu.memory_space<vmem>>
        %dma_wait3A_1709 = arith.constant 0 : i32
        %dma_wait3A_1710 = tpu.memref_slice %arg2[%dma_wait3A_1709] : memref<480000xi32, #tpu.memory_space<hbm>> -> memref<80xi32, #tpu.memory_space<hbm>>
        %dma_wait3A_1711 = tpu.memref_slice %arg9[%dma_wait3A_1704, %dma_wait3A_1705] : memref<4x2x!tpu.dma_semaphore, #tpu.memory_space<semaphore_mem>> -> memref<1x1x!tpu.dma_semaphore, #tpu.memory_space<semaphore_mem>>
        %dma_wait3A_1712 = tpu.memref_squeeze %dma_wait3A_1711 : memref<1x1x!tpu.dma_semaphore, #tpu.memory_space<semaphore_mem>> -> memref<!tpu.dma_semaphore, #tpu.memory_space<semaphore_mem>>
        %dma_wait3A_1713 = arith.constant 0 : i32
        %dma_wait3A_1714 = tpu.memref_slice %arg6[%dma_wait3A_1701, %dma_wait3A_1702, %dma_wait3A_1703, %dma_wait3A_1713] : memref<4x2x2x80xi32, #tpu.memory_space<vmem>> -> memref<1x1x1x80xi32, #tpu.memory_space<vmem>>
        %dma_wait3A_1715 = tpu.memref_squeeze %dma_wait3A_1714 : memref<1x1x1x80xi32, #tpu.memory_space<vmem>> -> memref<80xi32, #tpu.memory_space<vmem>>
        %dma_wait3A_1716 = arith.constant 0 : i32
        %dma_wait3A_1717 = tpu.memref_slice %arg2[%dma_wait3A_1716] : memref<480000xi32, #tpu.memory_space<hbm>> -> memref<80xi32, #tpu.memory_space<hbm>>
        tpu.wait_dma2 semaphore(%dma_wait3A_1712 : memref<!tpu.dma_semaphore, #tpu.memory_space<semaphore_mem>>) src(%dma_wait3A_1717 : memref<80xi32, #tpu.memory_space<hbm>>) dst(%dma_wait3A_1715 : memref<80xi32, #tpu.memory_space<vmem>>)
        %dma_wait3A_1718 = arith.constant 1 : i32
        %dma_wait3A_1719 = arith.constant 0 : i32
        %dma_wait3A_1720 = arith.constant 1 : i32
        %dma_wait3A_1721 = arith.constant 1 : i32
        %dma_wait3A_1722 = arith.constant 0 : i32
        %dma_wait3A_1723 = arith.constant 0 : i32
        %dma_wait3A_1724 = tpu.memref_slice %arg6[%dma_wait3A_1718, %dma_wait3A_1719, %dma_wait3A_1720, %dma_wait3A_1723] : memref<4x2x2x80xi32, #tpu.memory_space<vmem>> -> memref<1x1x1x80xi32, #tpu.memory_space<vmem>>
        %dma_wait3A_1725 = tpu.memref_squeeze %dma_wait3A_1724 : memref<1x1x1x80xi32, #tpu.memory_space<vmem>> -> memref<80xi32, #tpu.memory_space<vmem>>
        %dma_wait3A_1726 = arith.constant 0 : i32
        %dma_wait3A_1727 = tpu.memref_slice %arg2[%dma_wait3A_1726] : memref<480000xi32, #tpu.memory_space<hbm>> -> memref<80xi32, #tpu.memory_space<hbm>>
        %dma_wait3A_1728 = tpu.memref_slice %arg9[%dma_wait3A_1721, %dma_wait3A_1722] : memref<4x2x!tpu.dma_semaphore, #tpu.memory_space<semaphore_mem>> -> memref<1x1x!tpu.dma_semaphore, #tpu.memory_space<semaphore_mem>>
        %dma_wait3A_1729 = tpu.memref_squeeze %dma_wait3A_1728 : memref<1x1x!tpu.dma_semaphore, #tpu.memory_space<semaphore_mem>> -> memref<!tpu.dma_semaphore, #tpu.memory_space<semaphore_mem>>
        %dma_wait3A_1730 = arith.constant 0 : i32
        %dma_wait3A_1731 = tpu.memref_slice %arg6[%dma_wait3A_1718, %dma_wait3A_1719, %dma_wait3A_1720, %dma_wait3A_1730] : memref<4x2x2x80xi32, #tpu.memory_space<vmem>> -> memref<1x1x1x80xi32, #tpu.memory_space<vmem>>
        %dma_wait3A_1732 = tpu.memref_squeeze %dma_wait3A_1731 : memref<1x1x1x80xi32, #tpu.memory_space<vmem>> -> memref<80xi32, #tpu.memory_space<vmem>>
        %dma_wait3A_1733 = arith.constant 0 : i32
        %dma_wait3A_1734 = tpu.memref_slice %arg2[%dma_wait3A_1733] : memref<480000xi32, #tpu.memory_space<hbm>> -> memref<80xi32, #tpu.memory_space<hbm>>
        tpu.wait_dma2 semaphore(%dma_wait3A_1729 : memref<!tpu.dma_semaphore, #tpu.memory_space<semaphore_mem>>) src(%dma_wait3A_1734 : memref<80xi32, #tpu.memory_space<hbm>>) dst(%dma_wait3A_1732 : memref<80xi32, #tpu.memory_space<vmem>>)
        %dma_start3A_1735 = arith.constant 1 : i32
        %dma_start3A_1736 = arith.constant 0 : i32
        %dma_start3A_1737 = arith.constant 0 : i32
        %dma_start3A_1738 = arith.constant 1 : i32
        %dma_start3A_1739 = arith.constant 1 : i32
        %dma_start3A_1740 = arith.constant 0 : i32
        %dma_start3A_1741 = arith.constant 0 : i32
        %dma_start3A_1742 = tpu.memref_slice %arg7[%dma_start3A_1738, %dma_start3A_1740, %dma_start3A_1741] : memref<4x80x128xf32, #tpu.memory_space<vmem>> -> memref<1x80x128xf32, #tpu.memory_space<vmem>>
        %dma_start3A_1743 = tpu.memref_squeeze %dma_start3A_1742 : memref<1x80x128xf32, #tpu.memory_space<vmem>> -> memref<80x128xf32, #tpu.memory_space<vmem>>
        %dma_start3A_1744 = arith.constant 0 : i32
        %dma_start3A_1745 = tpu.memref_slice %arg6[%dma_start3A_1735, %dma_start3A_1736, %dma_start3A_1737, %dma_start3A_1744] : memref<4x2x2x80xi32, #tpu.memory_space<vmem>> -> memref<1x1x1x80xi32, #tpu.memory_space<vmem>>
        %dma_start3A_1746 = tpu.memref_squeeze %dma_start3A_1745 : memref<1x1x1x80xi32, #tpu.memory_space<vmem>> -> memref<80xi32, #tpu.memory_space<vmem>>
        %dma_start3A_1747 = arith.constant 0 : i32
        %dma_start3A_1748 = arith.constant 0 : i32
        %dma_start3A_1749 = tpu.memref_slice %arg3[%dma_start3A_1747, %dma_start3A_1748] : memref<20480x128xf32, #tpu.memory_space<hbm>> -> memref<20480x128xf32, #tpu.memory_space<hbm>>
        %dma_start3A_1750 = tpu.memref_slice %arg10[%dma_start3A_1739] : memref<4x!tpu.dma_semaphore, #tpu.memory_space<semaphore_mem>> -> memref<1x!tpu.dma_semaphore, #tpu.memory_space<semaphore_mem>>
        %dma_start3A_1751 = tpu.memref_squeeze %dma_start3A_1750 : memref<1x!tpu.dma_semaphore, #tpu.memory_space<semaphore_mem>> -> memref<!tpu.dma_semaphore, #tpu.memory_space<semaphore_mem>>
        tpu.enqueue_indirect_dma source(%dma_start3A_1749 : memref<20480x128xf32, #tpu.memory_space<hbm>>) target(%dma_start3A_1743 : memref<80x128xf32, #tpu.memory_space<vmem>>) offsets(%dma_start3A_1746 : memref<80xi32, #tpu.memory_space<vmem>>) semaphore(%dma_start3A_1751 : memref<!tpu.dma_semaphore, #tpu.memory_space<semaphore_mem>>)
        %mul3A_1752 = arith.constant 2 : i32
        %mul3A_1753 = arith.muli %add3A_1060, %mul3A_1752 : i32
        %mul3A_1754 = arith.constant 4 : i32
        %mul3A_1755 = arith.muli %mul3A_1753, %mul3A_1754 : i32
        %add3A_1756 = arith.constant 4 : i32
        %add3A_1757 = arith.addi %mul3A_1755, %add3A_1756 : i32
        %add3A_1758 = arith.constant 1 : i32
        %add3A_1759 = arith.addi %add3A_1757, %add3A_1758 : i32
        %mul3A_1760 = arith.constant 16 : i32
        %mul3A_1761 = arith.muli %add3A_1759, %mul3A_1760 : i32
        %add3A_1762 = arith.addi %mul3A_1761, %arg1 : i32
        %mul3A_1763 = arith.constant 80 : i32
        %mul3A_1764 = arith.muli %add3A_1762, %mul3A_1763 : i32
        %add3A_1765 = arith.addi %mul3A_2, %mul3A_1764 : i32
        %dma_start3A_1766 = arith.constant 1 : i32
        %dma_start3A_1767 = arith.constant 1 : i32
        %dma_start3A_1768 = arith.constant 0 : i32
        %dma_start3A_1769 = arith.constant 1 : i32
        %dma_start3A_1770 = arith.constant 1 : i32
        %dma_start3A_1771 = arith.constant 0 : i32
        %dma_start3A_1772 = tpu.memref_slice %arg6[%dma_start3A_1766, %dma_start3A_1767, %dma_start3A_1768, %dma_start3A_1771] : memref<4x2x2x80xi32, #tpu.memory_space<vmem>> -> memref<1x1x1x80xi32, #tpu.memory_space<vmem>>
        %dma_start3A_1773 = tpu.memref_squeeze %dma_start3A_1772 : memref<1x1x1x80xi32, #tpu.memory_space<vmem>> -> memref<80xi32, #tpu.memory_space<vmem>>
        %dma_start3A_1774 = tpu.memref_slice %arg2[%add3A_1765] : memref<480000xi32, #tpu.memory_space<hbm>> -> memref<80xi32, #tpu.memory_space<hbm>>
        %dma_start3A_1775 = tpu.memref_slice %arg9[%dma_start3A_1769, %dma_start3A_1770] : memref<4x2x!tpu.dma_semaphore, #tpu.memory_space<semaphore_mem>> -> memref<1x1x!tpu.dma_semaphore, #tpu.memory_space<semaphore_mem>>
        %dma_start3A_1776 = tpu.memref_squeeze %dma_start3A_1775 : memref<1x1x!tpu.dma_semaphore, #tpu.memory_space<semaphore_mem>> -> memref<!tpu.dma_semaphore, #tpu.memory_space<semaphore_mem>>
        %dma_start3A_1777 = arith.constant 0 : i32
        %dma_start3A_1778 = tpu.memref_slice %arg6[%dma_start3A_1766, %dma_start3A_1767, %dma_start3A_1768, %dma_start3A_1777] : memref<4x2x2x80xi32, #tpu.memory_space<vmem>> -> memref<1x1x1x80xi32, #tpu.memory_space<vmem>>
        %dma_start3A_1779 = tpu.memref_squeeze %dma_start3A_1778 : memref<1x1x1x80xi32, #tpu.memory_space<vmem>> -> memref<80xi32, #tpu.memory_space<vmem>>
        %dma_start3A_1780 = tpu.memref_slice %arg2[%add3A_1765] : memref<480000xi32, #tpu.memory_space<hbm>> -> memref<80xi32, #tpu.memory_space<hbm>>
        tpu.enqueue_dma source(%dma_start3A_1780 : memref<80xi32, #tpu.memory_space<hbm>>) target(%dma_start3A_1779 : memref<80xi32, #tpu.memory_space<vmem>>) target_semaphore(%dma_start3A_1776 : memref<!tpu.dma_semaphore, #tpu.memory_space<semaphore_mem>>)
        %mul3A_1781 = arith.constant 80 : i32
        %mul3A_1782 = arith.muli %add3A_1762, %mul3A_1781 : i32
        %add3A_1783 = arith.constant 320000 : i32
        %add3A_1784 = arith.addi %add3A_1783, %mul3A_1782 : i32
        %dma_start3A_1785 = arith.constant 1 : i32
        %dma_start3A_1786 = arith.constant 1 : i32
        %dma_start3A_1787 = arith.constant 1 : i32
        %dma_start3A_1788 = arith.constant 1 : i32
        %dma_start3A_1789 = arith.constant 1 : i32
        %dma_start3A_1790 = arith.constant 0 : i32
        %dma_start3A_1791 = tpu.memref_slice %arg6[%dma_start3A_1785, %dma_start3A_1786, %dma_start3A_1787, %dma_start3A_1790] : memref<4x2x2x80xi32, #tpu.memory_space<vmem>> -> memref<1x1x1x80xi32, #tpu.memory_space<vmem>>
        %dma_start3A_1792 = tpu.memref_squeeze %dma_start3A_1791 : memref<1x1x1x80xi32, #tpu.memory_space<vmem>> -> memref<80xi32, #tpu.memory_space<vmem>>
        %dma_start3A_1793 = tpu.memref_slice %arg2[%add3A_1784] : memref<480000xi32, #tpu.memory_space<hbm>> -> memref<80xi32, #tpu.memory_space<hbm>>
        %dma_start3A_1794 = tpu.memref_slice %arg9[%dma_start3A_1788, %dma_start3A_1789] : memref<4x2x!tpu.dma_semaphore, #tpu.memory_space<semaphore_mem>> -> memref<1x1x!tpu.dma_semaphore, #tpu.memory_space<semaphore_mem>>
        %dma_start3A_1795 = tpu.memref_squeeze %dma_start3A_1794 : memref<1x1x!tpu.dma_semaphore, #tpu.memory_space<semaphore_mem>> -> memref<!tpu.dma_semaphore, #tpu.memory_space<semaphore_mem>>
        %dma_start3A_1796 = arith.constant 0 : i32
        %dma_start3A_1797 = tpu.memref_slice %arg6[%dma_start3A_1785, %dma_start3A_1786, %dma_start3A_1787, %dma_start3A_1796] : memref<4x2x2x80xi32, #tpu.memory_space<vmem>> -> memref<1x1x1x80xi32, #tpu.memory_space<vmem>>
        %dma_start3A_1798 = tpu.memref_squeeze %dma_start3A_1797 : memref<1x1x1x80xi32, #tpu.memory_space<vmem>> -> memref<80xi32, #tpu.memory_space<vmem>>
        %dma_start3A_1799 = tpu.memref_slice %arg2[%add3A_1784] : memref<480000xi32, #tpu.memory_space<hbm>> -> memref<80xi32, #tpu.memory_space<hbm>>
        tpu.enqueue_dma source(%dma_start3A_1799 : memref<80xi32, #tpu.memory_space<hbm>>) target(%dma_start3A_1798 : memref<80xi32, #tpu.memory_space<vmem>>) target_semaphore(%dma_start3A_1795 : memref<!tpu.dma_semaphore, #tpu.memory_space<semaphore_mem>>)
      } else {
      }
      %gt3A_1070 = arith.constant 0 : i32
      %gt3A_1071 = arith.cmpi sgt, %add3A_1060, %gt3A_1070 : i32
      %convert_element_type3A_1072 = arith.extui %gt3A_1071 : i1 to i32
      %cond3A_1073 = arith.constant 0 : i32
      %cond3A_1074 = arith.cmpi ne, %convert_element_type3A_1072, %cond3A_1073 : i32
      scf.if %cond3A_1074 {
        %dma_wait3A_1684 = arith.constant 2 : i32
        %dma_wait3A_1685 = arith.constant 2 : i32
        %dma_wait3A_1686 = arith.constant 0 : i32
        %dma_wait3A_1687 = arith.constant 1 : i32
        %dma_wait3A_1688 = arith.constant 2 : i32
        %dma_wait3A_1689 = arith.constant 0 : i32
        %dma_wait3A_1690 = arith.constant 0 : i32
        %dma_wait3A_1691 = tpu.memref_slice %arg7[%dma_wait3A_1684, %dma_wait3A_1689, %dma_wait3A_1690] : memref<4x80x128xf32, #tpu.memory_space<vmem>> -> memref<1x80x128xf32, #tpu.memory_space<vmem>>
        %dma_wait3A_1692 = tpu.memref_squeeze %dma_wait3A_1691 : memref<1x80x128xf32, #tpu.memory_space<vmem>> -> memref<80x128xf32, #tpu.memory_space<vmem>>
        %dma_wait3A_1693 = arith.constant 0 : i32
        %dma_wait3A_1694 = tpu.memref_slice %arg6[%dma_wait3A_1685, %dma_wait3A_1686, %dma_wait3A_1687, %dma_wait3A_1693] : memref<4x2x2x80xi32, #tpu.memory_space<vmem>> -> memref<1x1x1x80xi32, #tpu.memory_space<vmem>>
        %dma_wait3A_1695 = tpu.memref_squeeze %dma_wait3A_1694 : memref<1x1x1x80xi32, #tpu.memory_space<vmem>> -> memref<80xi32, #tpu.memory_space<vmem>>
        %dma_wait3A_1696 = arith.constant 0 : i32
        %dma_wait3A_1697 = arith.constant 0 : i32
        %dma_wait3A_1698 = tpu.memref_slice %arg8[%dma_wait3A_1696, %dma_wait3A_1697] : memref<10240x128xf32, #tpu.memory_space<vmem_shared>> -> memref<10240x128xf32, #tpu.memory_space<vmem_shared>>
        %dma_wait3A_1699 = tpu.memref_slice %arg11[%dma_wait3A_1688] : memref<4x!tpu.dma_semaphore, #tpu.memory_space<semaphore_mem>> -> memref<1x!tpu.dma_semaphore, #tpu.memory_space<semaphore_mem>>
        %dma_wait3A_1700 = tpu.memref_squeeze %dma_wait3A_1699 : memref<1x!tpu.dma_semaphore, #tpu.memory_space<semaphore_mem>> -> memref<!tpu.dma_semaphore, #tpu.memory_space<semaphore_mem>>
        tpu.wait_indirect_dma semaphore(%dma_wait3A_1700 : memref<!tpu.dma_semaphore, #tpu.memory_space<semaphore_mem>>) src(%dma_wait3A_1692 : memref<80x128xf32, #tpu.memory_space<vmem>>) dst(%dma_wait3A_1698 : memref<10240x128xf32, #tpu.memory_space<vmem_shared>>)
        %dma_wait3A_1701 = arith.constant 2 : i32
        %dma_wait3A_1702 = arith.constant 0 : i32
        %dma_wait3A_1703 = arith.constant 0 : i32
        %dma_wait3A_1704 = arith.constant 2 : i32
        %dma_wait3A_1705 = arith.constant 0 : i32
        %dma_wait3A_1706 = arith.constant 0 : i32
        %dma_wait3A_1707 = tpu.memref_slice %arg6[%dma_wait3A_1701, %dma_wait3A_1702, %dma_wait3A_1703, %dma_wait3A_1706] : memref<4x2x2x80xi32, #tpu.memory_space<vmem>> -> memref<1x1x1x80xi32, #tpu.memory_space<vmem>>
        %dma_wait3A_1708 = tpu.memref_squeeze %dma_wait3A_1707 : memref<1x1x1x80xi32, #tpu.memory_space<vmem>> -> memref<80xi32, #tpu.memory_space<vmem>>
        %dma_wait3A_1709 = arith.constant 0 : i32
        %dma_wait3A_1710 = tpu.memref_slice %arg2[%dma_wait3A_1709] : memref<480000xi32, #tpu.memory_space<hbm>> -> memref<80xi32, #tpu.memory_space<hbm>>
        %dma_wait3A_1711 = tpu.memref_slice %arg9[%dma_wait3A_1704, %dma_wait3A_1705] : memref<4x2x!tpu.dma_semaphore, #tpu.memory_space<semaphore_mem>> -> memref<1x1x!tpu.dma_semaphore, #tpu.memory_space<semaphore_mem>>
        %dma_wait3A_1712 = tpu.memref_squeeze %dma_wait3A_1711 : memref<1x1x!tpu.dma_semaphore, #tpu.memory_space<semaphore_mem>> -> memref<!tpu.dma_semaphore, #tpu.memory_space<semaphore_mem>>
        %dma_wait3A_1713 = arith.constant 0 : i32
        %dma_wait3A_1714 = tpu.memref_slice %arg6[%dma_wait3A_1701, %dma_wait3A_1702, %dma_wait3A_1703, %dma_wait3A_1713] : memref<4x2x2x80xi32, #tpu.memory_space<vmem>> -> memref<1x1x1x80xi32, #tpu.memory_space<vmem>>
        %dma_wait3A_1715 = tpu.memref_squeeze %dma_wait3A_1714 : memref<1x1x1x80xi32, #tpu.memory_space<vmem>> -> memref<80xi32, #tpu.memory_space<vmem>>
        %dma_wait3A_1716 = arith.constant 0 : i32
        %dma_wait3A_1717 = tpu.memref_slice %arg2[%dma_wait3A_1716] : memref<480000xi32, #tpu.memory_space<hbm>> -> memref<80xi32, #tpu.memory_space<hbm>>
        tpu.wait_dma2 semaphore(%dma_wait3A_1712 : memref<!tpu.dma_semaphore, #tpu.memory_space<semaphore_mem>>) src(%dma_wait3A_1717 : memref<80xi32, #tpu.memory_space<hbm>>) dst(%dma_wait3A_1715 : memref<80xi32, #tpu.memory_space<vmem>>)
        %dma_wait3A_1718 = arith.constant 2 : i32
        %dma_wait3A_1719 = arith.constant 0 : i32
        %dma_wait3A_1720 = arith.constant 1 : i32
        %dma_wait3A_1721 = arith.constant 2 : i32
        %dma_wait3A_1722 = arith.constant 0 : i32
        %dma_wait3A_1723 = arith.constant 0 : i32
        %dma_wait3A_1724 = tpu.memref_slice %arg6[%dma_wait3A_1718, %dma_wait3A_1719, %dma_wait3A_1720, %dma_wait3A_1723] : memref<4x2x2x80xi32, #tpu.memory_space<vmem>> -> memref<1x1x1x80xi32, #tpu.memory_space<vmem>>
        %dma_wait3A_1725 = tpu.memref_squeeze %dma_wait3A_1724 : memref<1x1x1x80xi32, #tpu.memory_space<vmem>> -> memref<80xi32, #tpu.memory_space<vmem>>
        %dma_wait3A_1726 = arith.constant 0 : i32
        %dma_wait3A_1727 = tpu.memref_slice %arg2[%dma_wait3A_1726] : memref<480000xi32, #tpu.memory_space<hbm>> -> memref<80xi32, #tpu.memory_space<hbm>>
        %dma_wait3A_1728 = tpu.memref_slice %arg9[%dma_wait3A_1721, %dma_wait3A_1722] : memref<4x2x!tpu.dma_semaphore, #tpu.memory_space<semaphore_mem>> -> memref<1x1x!tpu.dma_semaphore, #tpu.memory_space<semaphore_mem>>
        %dma_wait3A_1729 = tpu.memref_squeeze %dma_wait3A_1728 : memref<1x1x!tpu.dma_semaphore, #tpu.memory_space<semaphore_mem>> -> memref<!tpu.dma_semaphore, #tpu.memory_space<semaphore_mem>>
        %dma_wait3A_1730 = arith.constant 0 : i32
        %dma_wait3A_1731 = tpu.memref_slice %arg6[%dma_wait3A_1718, %dma_wait3A_1719, %dma_wait3A_1720, %dma_wait3A_1730] : memref<4x2x2x80xi32, #tpu.memory_space<vmem>> -> memref<1x1x1x80xi32, #tpu.memory_space<vmem>>
        %dma_wait3A_1732 = tpu.memref_squeeze %dma_wait3A_1731 : memref<1x1x1x80xi32, #tpu.memory_space<vmem>> -> memref<80xi32, #tpu.memory_space<vmem>>
        %dma_wait3A_1733 = arith.constant 0 : i32
        %dma_wait3A_1734 = tpu.memref_slice %arg2[%dma_wait3A_1733] : memref<480000xi32, #tpu.memory_space<hbm>> -> memref<80xi32, #tpu.memory_space<hbm>>
        tpu.wait_dma2 semaphore(%dma_wait3A_1729 : memref<!tpu.dma_semaphore, #tpu.memory_space<semaphore_mem>>) src(%dma_wait3A_1734 : memref<80xi32, #tpu.memory_space<hbm>>) dst(%dma_wait3A_1732 : memref<80xi32, #tpu.memory_space<vmem>>)
        %dma_start3A_1735 = arith.constant 2 : i32
        %dma_start3A_1736 = arith.constant 0 : i32
        %dma_start3A_1737 = arith.constant 0 : i32
        %dma_start3A_1738 = arith.constant 2 : i32
        %dma_start3A_1739 = arith.constant 2 : i32
        %dma_start3A_1740 = arith.constant 0 : i32
        %dma_start3A_1741 = arith.constant 0 : i32
        %dma_start3A_1742 = tpu.memref_slice %arg7[%dma_start3A_1738, %dma_start3A_1740, %dma_start3A_1741] : memref<4x80x128xf32, #tpu.memory_space<vmem>> -> memref<1x80x128xf32, #tpu.memory_space<vmem>>
        %dma_start3A_1743 = tpu.memref_squeeze %dma_start3A_1742 : memref<1x80x128xf32, #tpu.memory_space<vmem>> -> memref<80x128xf32, #tpu.memory_space<vmem>>
        %dma_start3A_1744 = arith.constant 0 : i32
        %dma_start3A_1745 = tpu.memref_slice %arg6[%dma_start3A_1735, %dma_start3A_1736, %dma_start3A_1737, %dma_start3A_1744] : memref<4x2x2x80xi32, #tpu.memory_space<vmem>> -> memref<1x1x1x80xi32, #tpu.memory_space<vmem>>
        %dma_start3A_1746 = tpu.memref_squeeze %dma_start3A_1745 : memref<1x1x1x80xi32, #tpu.memory_space<vmem>> -> memref<80xi32, #tpu.memory_space<vmem>>
        %dma_start3A_1747 = arith.constant 0 : i32
        %dma_start3A_1748 = arith.constant 0 : i32
        %dma_start3A_1749 = tpu.memref_slice %arg3[%dma_start3A_1747, %dma_start3A_1748] : memref<20480x128xf32, #tpu.memory_space<hbm>> -> memref<20480x128xf32, #tpu.memory_space<hbm>>
        %dma_start3A_1750 = tpu.memref_slice %arg10[%dma_start3A_1739] : memref<4x!tpu.dma_semaphore, #tpu.memory_space<semaphore_mem>> -> memref<1x!tpu.dma_semaphore, #tpu.memory_space<semaphore_mem>>
        %dma_start3A_1751 = tpu.memref_squeeze %dma_start3A_1750 : memref<1x!tpu.dma_semaphore, #tpu.memory_space<semaphore_mem>> -> memref<!tpu.dma_semaphore, #tpu.memory_space<semaphore_mem>>
        tpu.enqueue_indirect_dma source(%dma_start3A_1749 : memref<20480x128xf32, #tpu.memory_space<hbm>>) target(%dma_start3A_1743 : memref<80x128xf32, #tpu.memory_space<vmem>>) offsets(%dma_start3A_1746 : memref<80xi32, #tpu.memory_space<vmem>>) semaphore(%dma_start3A_1751 : memref<!tpu.dma_semaphore, #tpu.memory_space<semaphore_mem>>)
        %mul3A_1752 = arith.constant 2 : i32
        %mul3A_1753 = arith.muli %add3A_1060, %mul3A_1752 : i32
        %mul3A_1754 = arith.constant 4 : i32
        %mul3A_1755 = arith.muli %mul3A_1753, %mul3A_1754 : i32
        %add3A_1756 = arith.constant 4 : i32
        %add3A_1757 = arith.addi %mul3A_1755, %add3A_1756 : i32
        %add3A_1758 = arith.constant 2 : i32
        %add3A_1759 = arith.addi %add3A_1757, %add3A_1758 : i32
        %mul3A_1760 = arith.constant 16 : i32
        %mul3A_1761 = arith.muli %add3A_1759, %mul3A_1760 : i32
        %add3A_1762 = arith.addi %mul3A_1761, %arg1 : i32
        %mul3A_1763 = arith.constant 80 : i32
        %mul3A_1764 = arith.muli %add3A_1762, %mul3A_1763 : i32
        %add3A_1765 = arith.addi %mul3A_2, %mul3A_1764 : i32
        %dma_start3A_1766 = arith.constant 2 : i32
        %dma_start3A_1767 = arith.constant 1 : i32
        %dma_start3A_1768 = arith.constant 0 : i32
        %dma_start3A_1769 = arith.constant 2 : i32
        %dma_start3A_1770 = arith.constant 1 : i32
        %dma_start3A_1771 = arith.constant 0 : i32
        %dma_start3A_1772 = tpu.memref_slice %arg6[%dma_start3A_1766, %dma_start3A_1767, %dma_start3A_1768, %dma_start3A_1771] : memref<4x2x2x80xi32, #tpu.memory_space<vmem>> -> memref<1x1x1x80xi32, #tpu.memory_space<vmem>>
        %dma_start3A_1773 = tpu.memref_squeeze %dma_start3A_1772 : memref<1x1x1x80xi32, #tpu.memory_space<vmem>> -> memref<80xi32, #tpu.memory_space<vmem>>
        %dma_start3A_1774 = tpu.memref_slice %arg2[%add3A_1765] : memref<480000xi32, #tpu.memory_space<hbm>> -> memref<80xi32, #tpu.memory_space<hbm>>
        %dma_start3A_1775 = tpu.memref_slice %arg9[%dma_start3A_1769, %dma_start3A_1770] : memref<4x2x!tpu.dma_semaphore, #tpu.memory_space<semaphore_mem>> -> memref<1x1x!tpu.dma_semaphore, #tpu.memory_space<semaphore_mem>>
        %dma_start3A_1776 = tpu.memref_squeeze %dma_start3A_1775 : memref<1x1x!tpu.dma_semaphore, #tpu.memory_space<semaphore_mem>> -> memref<!tpu.dma_semaphore, #tpu.memory_space<semaphore_mem>>
        %dma_start3A_1777 = arith.constant 0 : i32
        %dma_start3A_1778 = tpu.memref_slice %arg6[%dma_start3A_1766, %dma_start3A_1767, %dma_start3A_1768, %dma_start3A_1777] : memref<4x2x2x80xi32, #tpu.memory_space<vmem>> -> memref<1x1x1x80xi32, #tpu.memory_space<vmem>>
        %dma_start3A_1779 = tpu.memref_squeeze %dma_start3A_1778 : memref<1x1x1x80xi32, #tpu.memory_space<vmem>> -> memref<80xi32, #tpu.memory_space<vmem>>
        %dma_start3A_1780 = tpu.memref_slice %arg2[%add3A_1765] : memref<480000xi32, #tpu.memory_space<hbm>> -> memref<80xi32, #tpu.memory_space<hbm>>
        tpu.enqueue_dma source(%dma_start3A_1780 : memref<80xi32, #tpu.memory_space<hbm>>) target(%dma_start3A_1779 : memref<80xi32, #tpu.memory_space<vmem>>) target_semaphore(%dma_start3A_1776 : memref<!tpu.dma_semaphore, #tpu.memory_space<semaphore_mem>>)
        %mul3A_1781 = arith.constant 80 : i32
        %mul3A_1782 = arith.muli %add3A_1762, %mul3A_1781 : i32
        %add3A_1783 = arith.constant 320000 : i32
        %add3A_1784 = arith.addi %add3A_1783, %mul3A_1782 : i32
        %dma_start3A_1785 = arith.constant 2 : i32
        %dma_start3A_1786 = arith.constant 1 : i32
        %dma_start3A_1787 = arith.constant 1 : i32
        %dma_start3A_1788 = arith.constant 2 : i32
        %dma_start3A_1789 = arith.constant 1 : i32
        %dma_start3A_1790 = arith.constant 0 : i32
        %dma_start3A_1791 = tpu.memref_slice %arg6[%dma_start3A_1785, %dma_start3A_1786, %dma_start3A_1787, %dma_start3A_1790] : memref<4x2x2x80xi32, #tpu.memory_space<vmem>> -> memref<1x1x1x80xi32, #tpu.memory_space<vmem>>
        %dma_start3A_1792 = tpu.memref_squeeze %dma_start3A_1791 : memref<1x1x1x80xi32, #tpu.memory_space<vmem>> -> memref<80xi32, #tpu.memory_space<vmem>>
        %dma_start3A_1793 = tpu.memref_slice %arg2[%add3A_1784] : memref<480000xi32, #tpu.memory_space<hbm>> -> memref<80xi32, #tpu.memory_space<hbm>>
        %dma_start3A_1794 = tpu.memref_slice %arg9[%dma_start3A_1788, %dma_start3A_1789] : memref<4x2x!tpu.dma_semaphore, #tpu.memory_space<semaphore_mem>> -> memref<1x1x!tpu.dma_semaphore, #tpu.memory_space<semaphore_mem>>
        %dma_start3A_1795 = tpu.memref_squeeze %dma_start3A_1794 : memref<1x1x!tpu.dma_semaphore, #tpu.memory_space<semaphore_mem>> -> memref<!tpu.dma_semaphore, #tpu.memory_space<semaphore_mem>>
        %dma_start3A_1796 = arith.constant 0 : i32
        %dma_start3A_1797 = tpu.memref_slice %arg6[%dma_start3A_1785, %dma_start3A_1786, %dma_start3A_1787, %dma_start3A_1796] : memref<4x2x2x80xi32, #tpu.memory_space<vmem>> -> memref<1x1x1x80xi32, #tpu.memory_space<vmem>>
        %dma_start3A_1798 = tpu.memref_squeeze %dma_start3A_1797 : memref<1x1x1x80xi32, #tpu.memory_space<vmem>> -> memref<80xi32, #tpu.memory_space<vmem>>
        %dma_start3A_1799 = tpu.memref_slice %arg2[%add3A_1784] : memref<480000xi32, #tpu.memory_space<hbm>> -> memref<80xi32, #tpu.memory_space<hbm>>
        tpu.enqueue_dma source(%dma_start3A_1799 : memref<80xi32, #tpu.memory_space<hbm>>) target(%dma_start3A_1798 : memref<80xi32, #tpu.memory_space<vmem>>) target_semaphore(%dma_start3A_1795 : memref<!tpu.dma_semaphore, #tpu.memory_space<semaphore_mem>>)
      } else {
      }
      %gt3A_1075 = arith.constant 0 : i32
      %gt3A_1076 = arith.cmpi sgt, %add3A_1060, %gt3A_1075 : i32
      %convert_element_type3A_1077 = arith.extui %gt3A_1076 : i1 to i32
      %cond3A_1078 = arith.constant 0 : i32
      %cond3A_1079 = arith.cmpi ne, %convert_element_type3A_1077, %cond3A_1078 : i32
      scf.if %cond3A_1079 {
        %dma_wait3A_1684 = arith.constant 3 : i32
        %dma_wait3A_1685 = arith.constant 3 : i32
        %dma_wait3A_1686 = arith.constant 0 : i32
        %dma_wait3A_1687 = arith.constant 1 : i32
        %dma_wait3A_1688 = arith.constant 3 : i32
        %dma_wait3A_1689 = arith.constant 0 : i32
        %dma_wait3A_1690 = arith.constant 0 : i32
        %dma_wait3A_1691 = tpu.memref_slice %arg7[%dma_wait3A_1684, %dma_wait3A_1689, %dma_wait3A_1690] : memref<4x80x128xf32, #tpu.memory_space<vmem>> -> memref<1x80x128xf32, #tpu.memory_space<vmem>>
        %dma_wait3A_1692 = tpu.memref_squeeze %dma_wait3A_1691 : memref<1x80x128xf32, #tpu.memory_space<vmem>> -> memref<80x128xf32, #tpu.memory_space<vmem>>
        %dma_wait3A_1693 = arith.constant 0 : i32
        %dma_wait3A_1694 = tpu.memref_slice %arg6[%dma_wait3A_1685, %dma_wait3A_1686, %dma_wait3A_1687, %dma_wait3A_1693] : memref<4x2x2x80xi32, #tpu.memory_space<vmem>> -> memref<1x1x1x80xi32, #tpu.memory_space<vmem>>
        %dma_wait3A_1695 = tpu.memref_squeeze %dma_wait3A_1694 : memref<1x1x1x80xi32, #tpu.memory_space<vmem>> -> memref<80xi32, #tpu.memory_space<vmem>>
        %dma_wait3A_1696 = arith.constant 0 : i32
        %dma_wait3A_1697 = arith.constant 0 : i32
        %dma_wait3A_1698 = tpu.memref_slice %arg8[%dma_wait3A_1696, %dma_wait3A_1697] : memref<10240x128xf32, #tpu.memory_space<vmem_shared>> -> memref<10240x128xf32, #tpu.memory_space<vmem_shared>>
        %dma_wait3A_1699 = tpu.memref_slice %arg11[%dma_wait3A_1688] : memref<4x!tpu.dma_semaphore, #tpu.memory_space<semaphore_mem>> -> memref<1x!tpu.dma_semaphore, #tpu.memory_space<semaphore_mem>>
        %dma_wait3A_1700 = tpu.memref_squeeze %dma_wait3A_1699 : memref<1x!tpu.dma_semaphore, #tpu.memory_space<semaphore_mem>> -> memref<!tpu.dma_semaphore, #tpu.memory_space<semaphore_mem>>
        tpu.wait_indirect_dma semaphore(%dma_wait3A_1700 : memref<!tpu.dma_semaphore, #tpu.memory_space<semaphore_mem>>) src(%dma_wait3A_1692 : memref<80x128xf32, #tpu.memory_space<vmem>>) dst(%dma_wait3A_1698 : memref<10240x128xf32, #tpu.memory_space<vmem_shared>>)
        %dma_wait3A_1701 = arith.constant 3 : i32
        %dma_wait3A_1702 = arith.constant 0 : i32
        %dma_wait3A_1703 = arith.constant 0 : i32
        %dma_wait3A_1704 = arith.constant 3 : i32
        %dma_wait3A_1705 = arith.constant 0 : i32
        %dma_wait3A_1706 = arith.constant 0 : i32
        %dma_wait3A_1707 = tpu.memref_slice %arg6[%dma_wait3A_1701, %dma_wait3A_1702, %dma_wait3A_1703, %dma_wait3A_1706] : memref<4x2x2x80xi32, #tpu.memory_space<vmem>> -> memref<1x1x1x80xi32, #tpu.memory_space<vmem>>
        %dma_wait3A_1708 = tpu.memref_squeeze %dma_wait3A_1707 : memref<1x1x1x80xi32, #tpu.memory_space<vmem>> -> memref<80xi32, #tpu.memory_space<vmem>>
        %dma_wait3A_1709 = arith.constant 0 : i32
        %dma_wait3A_1710 = tpu.memref_slice %arg2[%dma_wait3A_1709] : memref<480000xi32, #tpu.memory_space<hbm>> -> memref<80xi32, #tpu.memory_space<hbm>>
        %dma_wait3A_1711 = tpu.memref_slice %arg9[%dma_wait3A_1704, %dma_wait3A_1705] : memref<4x2x!tpu.dma_semaphore, #tpu.memory_space<semaphore_mem>> -> memref<1x1x!tpu.dma_semaphore, #tpu.memory_space<semaphore_mem>>
        %dma_wait3A_1712 = tpu.memref_squeeze %dma_wait3A_1711 : memref<1x1x!tpu.dma_semaphore, #tpu.memory_space<semaphore_mem>> -> memref<!tpu.dma_semaphore, #tpu.memory_space<semaphore_mem>>
        %dma_wait3A_1713 = arith.constant 0 : i32
        %dma_wait3A_1714 = tpu.memref_slice %arg6[%dma_wait3A_1701, %dma_wait3A_1702, %dma_wait3A_1703, %dma_wait3A_1713] : memref<4x2x2x80xi32, #tpu.memory_space<vmem>> -> memref<1x1x1x80xi32, #tpu.memory_space<vmem>>
        %dma_wait3A_1715 = tpu.memref_squeeze %dma_wait3A_1714 : memref<1x1x1x80xi32, #tpu.memory_space<vmem>> -> memref<80xi32, #tpu.memory_space<vmem>>
        %dma_wait3A_1716 = arith.constant 0 : i32
        %dma_wait3A_1717 = tpu.memref_slice %arg2[%dma_wait3A_1716] : memref<480000xi32, #tpu.memory_space<hbm>> -> memref<80xi32, #tpu.memory_space<hbm>>
        tpu.wait_dma2 semaphore(%dma_wait3A_1712 : memref<!tpu.dma_semaphore, #tpu.memory_space<semaphore_mem>>) src(%dma_wait3A_1717 : memref<80xi32, #tpu.memory_space<hbm>>) dst(%dma_wait3A_1715 : memref<80xi32, #tpu.memory_space<vmem>>)
        %dma_wait3A_1718 = arith.constant 3 : i32
        %dma_wait3A_1719 = arith.constant 0 : i32
        %dma_wait3A_1720 = arith.constant 1 : i32
        %dma_wait3A_1721 = arith.constant 3 : i32
        %dma_wait3A_1722 = arith.constant 0 : i32
        %dma_wait3A_1723 = arith.constant 0 : i32
        %dma_wait3A_1724 = tpu.memref_slice %arg6[%dma_wait3A_1718, %dma_wait3A_1719, %dma_wait3A_1720, %dma_wait3A_1723] : memref<4x2x2x80xi32, #tpu.memory_space<vmem>> -> memref<1x1x1x80xi32, #tpu.memory_space<vmem>>
        %dma_wait3A_1725 = tpu.memref_squeeze %dma_wait3A_1724 : memref<1x1x1x80xi32, #tpu.memory_space<vmem>> -> memref<80xi32, #tpu.memory_space<vmem>>
        %dma_wait3A_1726 = arith.constant 0 : i32
        %dma_wait3A_1727 = tpu.memref_slice %arg2[%dma_wait3A_1726] : memref<480000xi32, #tpu.memory_space<hbm>> -> memref<80xi32, #tpu.memory_space<hbm>>
        %dma_wait3A_1728 = tpu.memref_slice %arg9[%dma_wait3A_1721, %dma_wait3A_1722] : memref<4x2x!tpu.dma_semaphore, #tpu.memory_space<semaphore_mem>> -> memref<1x1x!tpu.dma_semaphore, #tpu.memory_space<semaphore_mem>>
        %dma_wait3A_1729 = tpu.memref_squeeze %dma_wait3A_1728 : memref<1x1x!tpu.dma_semaphore, #tpu.memory_space<semaphore_mem>> -> memref<!tpu.dma_semaphore, #tpu.memory_space<semaphore_mem>>
        %dma_wait3A_1730 = arith.constant 0 : i32
        %dma_wait3A_1731 = tpu.memref_slice %arg6[%dma_wait3A_1718, %dma_wait3A_1719, %dma_wait3A_1720, %dma_wait3A_1730] : memref<4x2x2x80xi32, #tpu.memory_space<vmem>> -> memref<1x1x1x80xi32, #tpu.memory_space<vmem>>
        %dma_wait3A_1732 = tpu.memref_squeeze %dma_wait3A_1731 : memref<1x1x1x80xi32, #tpu.memory_space<vmem>> -> memref<80xi32, #tpu.memory_space<vmem>>
        %dma_wait3A_1733 = arith.constant 0 : i32
        %dma_wait3A_1734 = tpu.memref_slice %arg2[%dma_wait3A_1733] : memref<480000xi32, #tpu.memory_space<hbm>> -> memref<80xi32, #tpu.memory_space<hbm>>
        tpu.wait_dma2 semaphore(%dma_wait3A_1729 : memref<!tpu.dma_semaphore, #tpu.memory_space<semaphore_mem>>) src(%dma_wait3A_1734 : memref<80xi32, #tpu.memory_space<hbm>>) dst(%dma_wait3A_1732 : memref<80xi32, #tpu.memory_space<vmem>>)
        %dma_start3A_1735 = arith.constant 3 : i32
        %dma_start3A_1736 = arith.constant 0 : i32
        %dma_start3A_1737 = arith.constant 0 : i32
        %dma_start3A_1738 = arith.constant 3 : i32
        %dma_start3A_1739 = arith.constant 3 : i32
        %dma_start3A_1740 = arith.constant 0 : i32
        %dma_start3A_1741 = arith.constant 0 : i32
        %dma_start3A_1742 = tpu.memref_slice %arg7[%dma_start3A_1738, %dma_start3A_1740, %dma_start3A_1741] : memref<4x80x128xf32, #tpu.memory_space<vmem>> -> memref<1x80x128xf32, #tpu.memory_space<vmem>>
        %dma_start3A_1743 = tpu.memref_squeeze %dma_start3A_1742 : memref<1x80x128xf32, #tpu.memory_space<vmem>> -> memref<80x128xf32, #tpu.memory_space<vmem>>
        %dma_start3A_1744 = arith.constant 0 : i32
        %dma_start3A_1745 = tpu.memref_slice %arg6[%dma_start3A_1735, %dma_start3A_1736, %dma_start3A_1737, %dma_start3A_1744] : memref<4x2x2x80xi32, #tpu.memory_space<vmem>> -> memref<1x1x1x80xi32, #tpu.memory_space<vmem>>
        %dma_start3A_1746 = tpu.memref_squeeze %dma_start3A_1745 : memref<1x1x1x80xi32, #tpu.memory_space<vmem>> -> memref<80xi32, #tpu.memory_space<vmem>>
        %dma_start3A_1747 = arith.constant 0 : i32
        %dma_start3A_1748 = arith.constant 0 : i32
        %dma_start3A_1749 = tpu.memref_slice %arg3[%dma_start3A_1747, %dma_start3A_1748] : memref<20480x128xf32, #tpu.memory_space<hbm>> -> memref<20480x128xf32, #tpu.memory_space<hbm>>
        %dma_start3A_1750 = tpu.memref_slice %arg10[%dma_start3A_1739] : memref<4x!tpu.dma_semaphore, #tpu.memory_space<semaphore_mem>> -> memref<1x!tpu.dma_semaphore, #tpu.memory_space<semaphore_mem>>
        %dma_start3A_1751 = tpu.memref_squeeze %dma_start3A_1750 : memref<1x!tpu.dma_semaphore, #tpu.memory_space<semaphore_mem>> -> memref<!tpu.dma_semaphore, #tpu.memory_space<semaphore_mem>>
        tpu.enqueue_indirect_dma source(%dma_start3A_1749 : memref<20480x128xf32, #tpu.memory_space<hbm>>) target(%dma_start3A_1743 : memref<80x128xf32, #tpu.memory_space<vmem>>) offsets(%dma_start3A_1746 : memref<80xi32, #tpu.memory_space<vmem>>) semaphore(%dma_start3A_1751 : memref<!tpu.dma_semaphore, #tpu.memory_space<semaphore_mem>>)
        %mul3A_1752 = arith.constant 2 : i32
        %mul3A_1753 = arith.muli %add3A_1060, %mul3A_1752 : i32
        %mul3A_1754 = arith.constant 4 : i32
        %mul3A_1755 = arith.muli %mul3A_1753, %mul3A_1754 : i32
        %add3A_1756 = arith.constant 4 : i32
        %add3A_1757 = arith.addi %mul3A_1755, %add3A_1756 : i32
        %add3A_1758 = arith.constant 3 : i32
        %add3A_1759 = arith.addi %add3A_1757, %add3A_1758 : i32
        %mul3A_1760 = arith.constant 16 : i32
        %mul3A_1761 = arith.muli %add3A_1759, %mul3A_1760 : i32
        %add3A_1762 = arith.addi %mul3A_1761, %arg1 : i32
        %mul3A_1763 = arith.constant 80 : i32
        %mul3A_1764 = arith.muli %add3A_1762, %mul3A_1763 : i32
        %add3A_1765 = arith.addi %mul3A_2, %mul3A_1764 : i32
        %dma_start3A_1766 = arith.constant 3 : i32
        %dma_start3A_1767 = arith.constant 1 : i32
        %dma_start3A_1768 = arith.constant 0 : i32
        %dma_start3A_1769 = arith.constant 3 : i32
        %dma_start3A_1770 = arith.constant 1 : i32
        %dma_start3A_1771 = arith.constant 0 : i32
        %dma_start3A_1772 = tpu.memref_slice %arg6[%dma_start3A_1766, %dma_start3A_1767, %dma_start3A_1768, %dma_start3A_1771] : memref<4x2x2x80xi32, #tpu.memory_space<vmem>> -> memref<1x1x1x80xi32, #tpu.memory_space<vmem>>
        %dma_start3A_1773 = tpu.memref_squeeze %dma_start3A_1772 : memref<1x1x1x80xi32, #tpu.memory_space<vmem>> -> memref<80xi32, #tpu.memory_space<vmem>>
        %dma_start3A_1774 = tpu.memref_slice %arg2[%add3A_1765] : memref<480000xi32, #tpu.memory_space<hbm>> -> memref<80xi32, #tpu.memory_space<hbm>>
        %dma_start3A_1775 = tpu.memref_slice %arg9[%dma_start3A_1769, %dma_start3A_1770] : memref<4x2x!tpu.dma_semaphore, #tpu.memory_space<semaphore_mem>> -> memref<1x1x!tpu.dma_semaphore, #tpu.memory_space<semaphore_mem>>
        %dma_start3A_1776 = tpu.memref_squeeze %dma_start3A_1775 : memref<1x1x!tpu.dma_semaphore, #tpu.memory_space<semaphore_mem>> -> memref<!tpu.dma_semaphore, #tpu.memory_space<semaphore_mem>>
        %dma_start3A_1777 = arith.constant 0 : i32
        %dma_start3A_1778 = tpu.memref_slice %arg6[%dma_start3A_1766, %dma_start3A_1767, %dma_start3A_1768, %dma_start3A_1777] : memref<4x2x2x80xi32, #tpu.memory_space<vmem>> -> memref<1x1x1x80xi32, #tpu.memory_space<vmem>>
        %dma_start3A_1779 = tpu.memref_squeeze %dma_start3A_1778 : memref<1x1x1x80xi32, #tpu.memory_space<vmem>> -> memref<80xi32, #tpu.memory_space<vmem>>
        %dma_start3A_1780 = tpu.memref_slice %arg2[%add3A_1765] : memref<480000xi32, #tpu.memory_space<hbm>> -> memref<80xi32, #tpu.memory_space<hbm>>
        tpu.enqueue_dma source(%dma_start3A_1780 : memref<80xi32, #tpu.memory_space<hbm>>) target(%dma_start3A_1779 : memref<80xi32, #tpu.memory_space<vmem>>) target_semaphore(%dma_start3A_1776 : memref<!tpu.dma_semaphore, #tpu.memory_space<semaphore_mem>>)
        %mul3A_1781 = arith.constant 80 : i32
        %mul3A_1782 = arith.muli %add3A_1762, %mul3A_1781 : i32
        %add3A_1783 = arith.constant 320000 : i32
        %add3A_1784 = arith.addi %add3A_1783, %mul3A_1782 : i32
        %dma_start3A_1785 = arith.constant 3 : i32
        %dma_start3A_1786 = arith.constant 1 : i32
        %dma_start3A_1787 = arith.constant 1 : i32
        %dma_start3A_1788 = arith.constant 3 : i32
        %dma_start3A_1789 = arith.constant 1 : i32
        %dma_start3A_1790 = arith.constant 0 : i32
        %dma_start3A_1791 = tpu.memref_slice %arg6[%dma_start3A_1785, %dma_start3A_1786, %dma_start3A_1787, %dma_start3A_1790] : memref<4x2x2x80xi32, #tpu.memory_space<vmem>> -> memref<1x1x1x80xi32, #tpu.memory_space<vmem>>
        %dma_start3A_1792 = tpu.memref_squeeze %dma_start3A_1791 : memref<1x1x1x80xi32, #tpu.memory_space<vmem>> -> memref<80xi32, #tpu.memory_space<vmem>>
        %dma_start3A_1793 = tpu.memref_slice %arg2[%add3A_1784] : memref<480000xi32, #tpu.memory_space<hbm>> -> memref<80xi32, #tpu.memory_space<hbm>>
        %dma_start3A_1794 = tpu.memref_slice %arg9[%dma_start3A_1788, %dma_start3A_1789] : memref<4x2x!tpu.dma_semaphore, #tpu.memory_space<semaphore_mem>> -> memref<1x1x!tpu.dma_semaphore, #tpu.memory_space<semaphore_mem>>
        %dma_start3A_1795 = tpu.memref_squeeze %dma_start3A_1794 : memref<1x1x!tpu.dma_semaphore, #tpu.memory_space<semaphore_mem>> -> memref<!tpu.dma_semaphore, #tpu.memory_space<semaphore_mem>>
        %dma_start3A_1796 = arith.constant 0 : i32
        %dma_start3A_1797 = tpu.memref_slice %arg6[%dma_start3A_1785, %dma_start3A_1786, %dma_start3A_1787, %dma_start3A_1796] : memref<4x2x2x80xi32, #tpu.memory_space<vmem>> -> memref<1x1x1x80xi32, #tpu.memory_space<vmem>>
        %dma_start3A_1798 = tpu.memref_squeeze %dma_start3A_1797 : memref<1x1x1x80xi32, #tpu.memory_space<vmem>> -> memref<80xi32, #tpu.memory_space<vmem>>
        %dma_start3A_1799 = tpu.memref_slice %arg2[%add3A_1784] : memref<480000xi32, #tpu.memory_space<hbm>> -> memref<80xi32, #tpu.memory_space<hbm>>
        tpu.enqueue_dma source(%dma_start3A_1799 : memref<80xi32, #tpu.memory_space<hbm>>) target(%dma_start3A_1798 : memref<80xi32, #tpu.memory_space<vmem>>) target_semaphore(%dma_start3A_1795 : memref<!tpu.dma_semaphore, #tpu.memory_space<semaphore_mem>>)
      } else {
      }
      %dma_wait3A_1080 = arith.constant 0 : i32
      %dma_wait3A_1081 = arith.constant 0 : i32
      %dma_wait3A_1082 = arith.constant 0 : i32
      %dma_wait3A_1083 = arith.constant 0 : i32
      %dma_wait3A_1084 = arith.constant 0 : i32
      %dma_wait3A_1085 = arith.constant 0 : i32
      %dma_wait3A_1086 = arith.constant 0 : i32
      %dma_wait3A_1087 = tpu.memref_slice %arg7[%dma_wait3A_1083, %dma_wait3A_1085, %dma_wait3A_1086] : memref<4x80x128xf32, #tpu.memory_space<vmem>> -> memref<1x80x128xf32, #tpu.memory_space<vmem>>
      %dma_wait3A_1088 = tpu.memref_squeeze %dma_wait3A_1087 : memref<1x80x128xf32, #tpu.memory_space<vmem>> -> memref<80x128xf32, #tpu.memory_space<vmem>>
      %dma_wait3A_1089 = arith.constant 0 : i32
      %dma_wait3A_1090 = tpu.memref_slice %arg6[%dma_wait3A_1080, %dma_wait3A_1081, %dma_wait3A_1082, %dma_wait3A_1089] : memref<4x2x2x80xi32, #tpu.memory_space<vmem>> -> memref<1x1x1x80xi32, #tpu.memory_space<vmem>>
      %dma_wait3A_1091 = tpu.memref_squeeze %dma_wait3A_1090 : memref<1x1x1x80xi32, #tpu.memory_space<vmem>> -> memref<80xi32, #tpu.memory_space<vmem>>
      %dma_wait3A_1092 = arith.constant 0 : i32
      %dma_wait3A_1093 = arith.constant 0 : i32
      %dma_wait3A_1094 = tpu.memref_slice %arg3[%dma_wait3A_1092, %dma_wait3A_1093] : memref<20480x128xf32, #tpu.memory_space<hbm>> -> memref<20480x128xf32, #tpu.memory_space<hbm>>
      %dma_wait3A_1095 = tpu.memref_slice %arg10[%dma_wait3A_1084] : memref<4x!tpu.dma_semaphore, #tpu.memory_space<semaphore_mem>> -> memref<1x!tpu.dma_semaphore, #tpu.memory_space<semaphore_mem>>
      %dma_wait3A_1096 = tpu.memref_squeeze %dma_wait3A_1095 : memref<1x!tpu.dma_semaphore, #tpu.memory_space<semaphore_mem>> -> memref<!tpu.dma_semaphore, #tpu.memory_space<semaphore_mem>>
      tpu.wait_indirect_dma semaphore(%dma_wait3A_1096 : memref<!tpu.dma_semaphore, #tpu.memory_space<semaphore_mem>>) src(%dma_wait3A_1094 : memref<20480x128xf32, #tpu.memory_space<hbm>>) dst(%dma_wait3A_1088 : memref<80x128xf32, #tpu.memory_space<vmem>>)
      %dma_start3A_1097 = arith.constant 0 : i32
      %dma_start3A_1098 = arith.constant 0 : i32
      %dma_start3A_1099 = arith.constant 0 : i32
      %dma_start3A_1100 = arith.constant 1 : i32
      %dma_start3A_1101 = arith.constant 0 : i32
      %dma_start3A_1102 = arith.constant 0 : i32
      %dma_start3A_1103 = arith.constant 0 : i32
      %dma_start3A_1104 = tpu.memref_slice %arg7[%dma_start3A_1097, %dma_start3A_1102, %dma_start3A_1103] : memref<4x80x128xf32, #tpu.memory_space<vmem>> -> memref<1x80x128xf32, #tpu.memory_space<vmem>>
      %dma_start3A_1105 = tpu.memref_squeeze %dma_start3A_1104 : memref<1x80x128xf32, #tpu.memory_space<vmem>> -> memref<80x128xf32, #tpu.memory_space<vmem>>
      %dma_start3A_1106 = arith.constant 0 : i32
      %dma_start3A_1107 = tpu.memref_slice %arg6[%dma_start3A_1098, %dma_start3A_1099, %dma_start3A_1100, %dma_start3A_1106] : memref<4x2x2x80xi32, #tpu.memory_space<vmem>> -> memref<1x1x1x80xi32, #tpu.memory_space<vmem>>
      %dma_start3A_1108 = tpu.memref_squeeze %dma_start3A_1107 : memref<1x1x1x80xi32, #tpu.memory_space<vmem>> -> memref<80xi32, #tpu.memory_space<vmem>>
      %dma_start3A_1109 = arith.constant 0 : i32
      %dma_start3A_1110 = arith.constant 0 : i32
      %dma_start3A_1111 = tpu.memref_slice %arg8[%dma_start3A_1109, %dma_start3A_1110] : memref<10240x128xf32, #tpu.memory_space<vmem_shared>> -> memref<10240x128xf32, #tpu.memory_space<vmem_shared>>
      %dma_start3A_1112 = tpu.memref_slice %arg11[%dma_start3A_1101] : memref<4x!tpu.dma_semaphore, #tpu.memory_space<semaphore_mem>> -> memref<1x!tpu.dma_semaphore, #tpu.memory_space<semaphore_mem>>
      %dma_start3A_1113 = tpu.memref_squeeze %dma_start3A_1112 : memref<1x!tpu.dma_semaphore, #tpu.memory_space<semaphore_mem>> -> memref<!tpu.dma_semaphore, #tpu.memory_space<semaphore_mem>>
      tpu.enqueue_indirect_dma source(%dma_start3A_1105 : memref<80x128xf32, #tpu.memory_space<vmem>>) target(%dma_start3A_1111 : memref<10240x128xf32, #tpu.memory_space<vmem_shared>>) offsets(%dma_start3A_1108 : memref<80xi32, #tpu.memory_space<vmem>>) semaphore(%dma_start3A_1113 : memref<!tpu.dma_semaphore, #tpu.memory_space<semaphore_mem>>) {add = true}
      %dma_wait3A_1114 = arith.constant 1 : i32
      %dma_wait3A_1115 = arith.constant 0 : i32
      %dma_wait3A_1116 = arith.constant 0 : i32
      %dma_wait3A_1117 = arith.constant 1 : i32
      %dma_wait3A_1118 = arith.constant 1 : i32
      %dma_wait3A_1119 = arith.constant 0 : i32
      %dma_wait3A_1120 = arith.constant 0 : i32
      %dma_wait3A_1121 = tpu.memref_slice %arg7[%dma_wait3A_1117, %dma_wait3A_1119, %dma_wait3A_1120] : memref<4x80x128xf32, #tpu.memory_space<vmem>> -> memref<1x80x128xf32, #tpu.memory_space<vmem>>
      %dma_wait3A_1122 = tpu.memref_squeeze %dma_wait3A_1121 : memref<1x80x128xf32, #tpu.memory_space<vmem>> -> memref<80x128xf32, #tpu.memory_space<vmem>>
      %dma_wait3A_1123 = arith.constant 0 : i32
      %dma_wait3A_1124 = tpu.memref_slice %arg6[%dma_wait3A_1114, %dma_wait3A_1115, %dma_wait3A_1116, %dma_wait3A_1123] : memref<4x2x2x80xi32, #tpu.memory_space<vmem>> -> memref<1x1x1x80xi32, #tpu.memory_space<vmem>>
      %dma_wait3A_1125 = tpu.memref_squeeze %dma_wait3A_1124 : memref<1x1x1x80xi32, #tpu.memory_space<vmem>> -> memref<80xi32, #tpu.memory_space<vmem>>
      %dma_wait3A_1126 = arith.constant 0 : i32
      %dma_wait3A_1127 = arith.constant 0 : i32
      %dma_wait3A_1128 = tpu.memref_slice %arg3[%dma_wait3A_1126, %dma_wait3A_1127] : memref<20480x128xf32, #tpu.memory_space<hbm>> -> memref<20480x128xf32, #tpu.memory_space<hbm>>
      %dma_wait3A_1129 = tpu.memref_slice %arg10[%dma_wait3A_1118] : memref<4x!tpu.dma_semaphore, #tpu.memory_space<semaphore_mem>> -> memref<1x!tpu.dma_semaphore, #tpu.memory_space<semaphore_mem>>
      %dma_wait3A_1130 = tpu.memref_squeeze %dma_wait3A_1129 : memref<1x!tpu.dma_semaphore, #tpu.memory_space<semaphore_mem>> -> memref<!tpu.dma_semaphore, #tpu.memory_space<semaphore_mem>>
      tpu.wait_indirect_dma semaphore(%dma_wait3A_1130 : memref<!tpu.dma_semaphore, #tpu.memory_space<semaphore_mem>>) src(%dma_wait3A_1128 : memref<20480x128xf32, #tpu.memory_space<hbm>>) dst(%dma_wait3A_1122 : memref<80x128xf32, #tpu.memory_space<vmem>>)
      %dma_start3A_1131 = arith.constant 1 : i32
      %dma_start3A_1132 = arith.constant 1 : i32
      %dma_start3A_1133 = arith.constant 0 : i32
      %dma_start3A_1134 = arith.constant 1 : i32
      %dma_start3A_1135 = arith.constant 1 : i32
      %dma_start3A_1136 = arith.constant 0 : i32
      %dma_start3A_1137 = arith.constant 0 : i32
      %dma_start3A_1138 = tpu.memref_slice %arg7[%dma_start3A_1131, %dma_start3A_1136, %dma_start3A_1137] : memref<4x80x128xf32, #tpu.memory_space<vmem>> -> memref<1x80x128xf32, #tpu.memory_space<vmem>>
      %dma_start3A_1139 = tpu.memref_squeeze %dma_start3A_1138 : memref<1x80x128xf32, #tpu.memory_space<vmem>> -> memref<80x128xf32, #tpu.memory_space<vmem>>
      %dma_start3A_1140 = arith.constant 0 : i32
      %dma_start3A_1141 = tpu.memref_slice %arg6[%dma_start3A_1132, %dma_start3A_1133, %dma_start3A_1134, %dma_start3A_1140] : memref<4x2x2x80xi32, #tpu.memory_space<vmem>> -> memref<1x1x1x80xi32, #tpu.memory_space<vmem>>
      %dma_start3A_1142 = tpu.memref_squeeze %dma_start3A_1141 : memref<1x1x1x80xi32, #tpu.memory_space<vmem>> -> memref<80xi32, #tpu.memory_space<vmem>>
      %dma_start3A_1143 = arith.constant 0 : i32
      %dma_start3A_1144 = arith.constant 0 : i32
      %dma_start3A_1145 = tpu.memref_slice %arg8[%dma_start3A_1143, %dma_start3A_1144] : memref<10240x128xf32, #tpu.memory_space<vmem_shared>> -> memref<10240x128xf32, #tpu.memory_space<vmem_shared>>
      %dma_start3A_1146 = tpu.memref_slice %arg11[%dma_start3A_1135] : memref<4x!tpu.dma_semaphore, #tpu.memory_space<semaphore_mem>> -> memref<1x!tpu.dma_semaphore, #tpu.memory_space<semaphore_mem>>
      %dma_start3A_1147 = tpu.memref_squeeze %dma_start3A_1146 : memref<1x!tpu.dma_semaphore, #tpu.memory_space<semaphore_mem>> -> memref<!tpu.dma_semaphore, #tpu.memory_space<semaphore_mem>>
      tpu.enqueue_indirect_dma source(%dma_start3A_1139 : memref<80x128xf32, #tpu.memory_space<vmem>>) target(%dma_start3A_1145 : memref<10240x128xf32, #tpu.memory_space<vmem_shared>>) offsets(%dma_start3A_1142 : memref<80xi32, #tpu.memory_space<vmem>>) semaphore(%dma_start3A_1147 : memref<!tpu.dma_semaphore, #tpu.memory_space<semaphore_mem>>) {add = true}
      %dma_wait3A_1148 = arith.constant 2 : i32
      %dma_wait3A_1149 = arith.constant 0 : i32
      %dma_wait3A_1150 = arith.constant 0 : i32
      %dma_wait3A_1151 = arith.constant 2 : i32
      %dma_wait3A_1152 = arith.constant 2 : i32
      %dma_wait3A_1153 = arith.constant 0 : i32
      %dma_wait3A_1154 = arith.constant 0 : i32
      %dma_wait3A_1155 = tpu.memref_slice %arg7[%dma_wait3A_1151, %dma_wait3A_1153, %dma_wait3A_1154] : memref<4x80x128xf32, #tpu.memory_space<vmem>> -> memref<1x80x128xf32, #tpu.memory_space<vmem>>
      %dma_wait3A_1156 = tpu.memref_squeeze %dma_wait3A_1155 : memref<1x80x128xf32, #tpu.memory_space<vmem>> -> memref<80x128xf32, #tpu.memory_space<vmem>>
      %dma_wait3A_1157 = arith.constant 0 : i32
      %dma_wait3A_1158 = tpu.memref_slice %arg6[%dma_wait3A_1148, %dma_wait3A_1149, %dma_wait3A_1150, %dma_wait3A_1157] : memref<4x2x2x80xi32, #tpu.memory_space<vmem>> -> memref<1x1x1x80xi32, #tpu.memory_space<vmem>>
      %dma_wait3A_1159 = tpu.memref_squeeze %dma_wait3A_1158 : memref<1x1x1x80xi32, #tpu.memory_space<vmem>> -> memref<80xi32, #tpu.memory_space<vmem>>
      %dma_wait3A_1160 = arith.constant 0 : i32
      %dma_wait3A_1161 = arith.constant 0 : i32
      %dma_wait3A_1162 = tpu.memref_slice %arg3[%dma_wait3A_1160, %dma_wait3A_1161] : memref<20480x128xf32, #tpu.memory_space<hbm>> -> memref<20480x128xf32, #tpu.memory_space<hbm>>
      %dma_wait3A_1163 = tpu.memref_slice %arg10[%dma_wait3A_1152] : memref<4x!tpu.dma_semaphore, #tpu.memory_space<semaphore_mem>> -> memref<1x!tpu.dma_semaphore, #tpu.memory_space<semaphore_mem>>
      %dma_wait3A_1164 = tpu.memref_squeeze %dma_wait3A_1163 : memref<1x!tpu.dma_semaphore, #tpu.memory_space<semaphore_mem>> -> memref<!tpu.dma_semaphore, #tpu.memory_space<semaphore_mem>>
      tpu.wait_indirect_dma semaphore(%dma_wait3A_1164 : memref<!tpu.dma_semaphore, #tpu.memory_space<semaphore_mem>>) src(%dma_wait3A_1162 : memref<20480x128xf32, #tpu.memory_space<hbm>>) dst(%dma_wait3A_1156 : memref<80x128xf32, #tpu.memory_space<vmem>>)
      %dma_start3A_1165 = arith.constant 2 : i32
      %dma_start3A_1166 = arith.constant 2 : i32
      %dma_start3A_1167 = arith.constant 0 : i32
      %dma_start3A_1168 = arith.constant 1 : i32
      %dma_start3A_1169 = arith.constant 2 : i32
      %dma_start3A_1170 = arith.constant 0 : i32
      %dma_start3A_1171 = arith.constant 0 : i32
      %dma_start3A_1172 = tpu.memref_slice %arg7[%dma_start3A_1165, %dma_start3A_1170, %dma_start3A_1171] : memref<4x80x128xf32, #tpu.memory_space<vmem>> -> memref<1x80x128xf32, #tpu.memory_space<vmem>>
      %dma_start3A_1173 = tpu.memref_squeeze %dma_start3A_1172 : memref<1x80x128xf32, #tpu.memory_space<vmem>> -> memref<80x128xf32, #tpu.memory_space<vmem>>
      %dma_start3A_1174 = arith.constant 0 : i32
      %dma_start3A_1175 = tpu.memref_slice %arg6[%dma_start3A_1166, %dma_start3A_1167, %dma_start3A_1168, %dma_start3A_1174] : memref<4x2x2x80xi32, #tpu.memory_space<vmem>> -> memref<1x1x1x80xi32, #tpu.memory_space<vmem>>
      %dma_start3A_1176 = tpu.memref_squeeze %dma_start3A_1175 : memref<1x1x1x80xi32, #tpu.memory_space<vmem>> -> memref<80xi32, #tpu.memory_space<vmem>>
      %dma_start3A_1177 = arith.constant 0 : i32
      %dma_start3A_1178 = arith.constant 0 : i32
      %dma_start3A_1179 = tpu.memref_slice %arg8[%dma_start3A_1177, %dma_start3A_1178] : memref<10240x128xf32, #tpu.memory_space<vmem_shared>> -> memref<10240x128xf32, #tpu.memory_space<vmem_shared>>
      %dma_start3A_1180 = tpu.memref_slice %arg11[%dma_start3A_1169] : memref<4x!tpu.dma_semaphore, #tpu.memory_space<semaphore_mem>> -> memref<1x!tpu.dma_semaphore, #tpu.memory_space<semaphore_mem>>
      %dma_start3A_1181 = tpu.memref_squeeze %dma_start3A_1180 : memref<1x!tpu.dma_semaphore, #tpu.memory_space<semaphore_mem>> -> memref<!tpu.dma_semaphore, #tpu.memory_space<semaphore_mem>>
      tpu.enqueue_indirect_dma source(%dma_start3A_1173 : memref<80x128xf32, #tpu.memory_space<vmem>>) target(%dma_start3A_1179 : memref<10240x128xf32, #tpu.memory_space<vmem_shared>>) offsets(%dma_start3A_1176 : memref<80xi32, #tpu.memory_space<vmem>>) semaphore(%dma_start3A_1181 : memref<!tpu.dma_semaphore, #tpu.memory_space<semaphore_mem>>) {add = true}
      %dma_wait3A_1182 = arith.constant 3 : i32
      %dma_wait3A_1183 = arith.constant 0 : i32
      %dma_wait3A_1184 = arith.constant 0 : i32
      %dma_wait3A_1185 = arith.constant 3 : i32
      %dma_wait3A_1186 = arith.constant 3 : i32
      %dma_wait3A_1187 = arith.constant 0 : i32
      %dma_wait3A_1188 = arith.constant 0 : i32
      %dma_wait3A_1189 = tpu.memref_slice %arg7[%dma_wait3A_1185, %dma_wait3A_1187, %dma_wait3A_1188] : memref<4x80x128xf32, #tpu.memory_space<vmem>> -> memref<1x80x128xf32, #tpu.memory_space<vmem>>
      %dma_wait3A_1190 = tpu.memref_squeeze %dma_wait3A_1189 : memref<1x80x128xf32, #tpu.memory_space<vmem>> -> memref<80x128xf32, #tpu.memory_space<vmem>>
      %dma_wait3A_1191 = arith.constant 0 : i32
      %dma_wait3A_1192 = tpu.memref_slice %arg6[%dma_wait3A_1182, %dma_wait3A_1183, %dma_wait3A_1184, %dma_wait3A_1191] : memref<4x2x2x80xi32, #tpu.memory_space<vmem>> -> memref<1x1x1x80xi32, #tpu.memory_space<vmem>>
      %dma_wait3A_1193 = tpu.memref_squeeze %dma_wait3A_1192 : memref<1x1x1x80xi32, #tpu.memory_space<vmem>> -> memref<80xi32, #tpu.memory_space<vmem>>
      %dma_wait3A_1194 = arith.constant 0 : i32
      %dma_wait3A_1195 = arith.constant 0 : i32
      %dma_wait3A_1196 = tpu.memref_slice %arg3[%dma_wait3A_1194, %dma_wait3A_1195] : memref<20480x128xf32, #tpu.memory_space<hbm>> -> memref<20480x128xf32, #tpu.memory_space<hbm>>
      %dma_wait3A_1197 = tpu.memref_slice %arg10[%dma_wait3A_1186] : memref<4x!tpu.dma_semaphore, #tpu.memory_space<semaphore_mem>> -> memref<1x!tpu.dma_semaphore, #tpu.memory_space<semaphore_mem>>
      %dma_wait3A_1198 = tpu.memref_squeeze %dma_wait3A_1197 : memref<1x!tpu.dma_semaphore, #tpu.memory_space<semaphore_mem>> -> memref<!tpu.dma_semaphore, #tpu.memory_space<semaphore_mem>>
      tpu.wait_indirect_dma semaphore(%dma_wait3A_1198 : memref<!tpu.dma_semaphore, #tpu.memory_space<semaphore_mem>>) src(%dma_wait3A_1196 : memref<20480x128xf32, #tpu.memory_space<hbm>>) dst(%dma_wait3A_1190 : memref<80x128xf32, #tpu.memory_space<vmem>>)
      %dma_start3A_1199 = arith.constant 3 : i32
      %dma_start3A_1200 = arith.constant 3 : i32
      %dma_start3A_1201 = arith.constant 0 : i32
      %dma_start3A_1202 = arith.constant 1 : i32
      %dma_start3A_1203 = arith.constant 3 : i32
      %dma_start3A_1204 = arith.constant 0 : i32
      %dma_start3A_1205 = arith.constant 0 : i32
      %dma_start3A_1206 = tpu.memref_slice %arg7[%dma_start3A_1199, %dma_start3A_1204, %dma_start3A_1205] : memref<4x80x128xf32, #tpu.memory_space<vmem>> -> memref<1x80x128xf32, #tpu.memory_space<vmem>>
      %dma_start3A_1207 = tpu.memref_squeeze %dma_start3A_1206 : memref<1x80x128xf32, #tpu.memory_space<vmem>> -> memref<80x128xf32, #tpu.memory_space<vmem>>
      %dma_start3A_1208 = arith.constant 0 : i32
      %dma_start3A_1209 = tpu.memref_slice %arg6[%dma_start3A_1200, %dma_start3A_1201, %dma_start3A_1202, %dma_start3A_1208] : memref<4x2x2x80xi32, #tpu.memory_space<vmem>> -> memref<1x1x1x80xi32, #tpu.memory_space<vmem>>
      %dma_start3A_1210 = tpu.memref_squeeze %dma_start3A_1209 : memref<1x1x1x80xi32, #tpu.memory_space<vmem>> -> memref<80xi32, #tpu.memory_space<vmem>>
      %dma_start3A_1211 = arith.constant 0 : i32
      %dma_start3A_1212 = arith.constant 0 : i32
      %dma_start3A_1213 = tpu.memref_slice %arg8[%dma_start3A_1211, %dma_start3A_1212] : memref<10240x128xf32, #tpu.memory_space<vmem_shared>> -> memref<10240x128xf32, #tpu.memory_space<vmem_shared>>
      %dma_start3A_1214 = tpu.memref_slice %arg11[%dma_start3A_1203] : memref<4x!tpu.dma_semaphore, #tpu.memory_space<semaphore_mem>> -> memref<1x!tpu.dma_semaphore, #tpu.memory_space<semaphore_mem>>
      %dma_start3A_1215 = tpu.memref_squeeze %dma_start3A_1214 : memref<1x!tpu.dma_semaphore, #tpu.memory_space<semaphore_mem>> -> memref<!tpu.dma_semaphore, #tpu.memory_space<semaphore_mem>>
      tpu.enqueue_indirect_dma source(%dma_start3A_1207 : memref<80x128xf32, #tpu.memory_space<vmem>>) target(%dma_start3A_1213 : memref<10240x128xf32, #tpu.memory_space<vmem_shared>>) offsets(%dma_start3A_1210 : memref<80xi32, #tpu.memory_space<vmem>>) semaphore(%dma_start3A_1215 : memref<!tpu.dma_semaphore, #tpu.memory_space<semaphore_mem>>) {add = true}
      %mul3A_1216 = arith.constant 2 : i32
      %mul3A_1217 = arith.muli %add3A_1060, %mul3A_1216 : i32
      %add3A_1218 = arith.constant 1 : i32
      %add3A_1219 = arith.addi %mul3A_1217, %add3A_1218 : i32
      %dma_wait3A_1220 = arith.constant 0 : i32
      %dma_wait3A_1221 = arith.constant 0 : i32
      %dma_wait3A_1222 = arith.constant 1 : i32
      %dma_wait3A_1223 = arith.constant 1 : i32
      %dma_wait3A_1224 = arith.constant 0 : i32
      %dma_wait3A_1225 = arith.constant 0 : i32
      %dma_wait3A_1226 = arith.constant 0 : i32
      %dma_wait3A_1227 = tpu.memref_slice %arg7[%dma_wait3A_1220, %dma_wait3A_1225, %dma_wait3A_1226] : memref<4x80x128xf32, #tpu.memory_space<vmem>> -> memref<1x80x128xf32, #tpu.memory_space<vmem>>
      %dma_wait3A_1228 = tpu.memref_squeeze %dma_wait3A_1227 : memref<1x80x128xf32, #tpu.memory_space<vmem>> -> memref<80x128xf32, #tpu.memory_space<vmem>>
      %dma_wait3A_1229 = arith.constant 0 : i32
      %dma_wait3A_1230 = tpu.memref_slice %arg6[%dma_wait3A_1221, %dma_wait3A_1222, %dma_wait3A_1223, %dma_wait3A_1229] : memref<4x2x2x80xi32, #tpu.memory_space<vmem>> -> memref<1x1x1x80xi32, #tpu.memory_space<vmem>>
      %dma_wait3A_1231 = tpu.memref_squeeze %dma_wait3A_1230 : memref<1x1x1x80xi32, #tpu.memory_space<vmem>> -> memref<80xi32, #tpu.memory_space<vmem>>
      %dma_wait3A_1232 = arith.constant 0 : i32
      %dma_wait3A_1233 = arith.constant 0 : i32
      %dma_wait3A_1234 = tpu.memref_slice %arg8[%dma_wait3A_1232, %dma_wait3A_1233] : memref<10240x128xf32, #tpu.memory_space<vmem_shared>> -> memref<10240x128xf32, #tpu.memory_space<vmem_shared>>
      %dma_wait3A_1235 = tpu.memref_slice %arg11[%dma_wait3A_1224] : memref<4x!tpu.dma_semaphore, #tpu.memory_space<semaphore_mem>> -> memref<1x!tpu.dma_semaphore, #tpu.memory_space<semaphore_mem>>
      %dma_wait3A_1236 = tpu.memref_squeeze %dma_wait3A_1235 : memref<1x!tpu.dma_semaphore, #tpu.memory_space<semaphore_mem>> -> memref<!tpu.dma_semaphore, #tpu.memory_space<semaphore_mem>>
      tpu.wait_indirect_dma semaphore(%dma_wait3A_1236 : memref<!tpu.dma_semaphore, #tpu.memory_space<semaphore_mem>>) src(%dma_wait3A_1228 : memref<80x128xf32, #tpu.memory_space<vmem>>) dst(%dma_wait3A_1234 : memref<10240x128xf32, #tpu.memory_space<vmem_shared>>)
      %dma_wait3A_1237 = arith.constant 0 : i32
      %dma_wait3A_1238 = arith.constant 1 : i32
      %dma_wait3A_1239 = arith.constant 0 : i32
      %dma_wait3A_1240 = arith.constant 0 : i32
      %dma_wait3A_1241 = arith.constant 1 : i32
      %dma_wait3A_1242 = arith.constant 0 : i32
      %dma_wait3A_1243 = tpu.memref_slice %arg6[%dma_wait3A_1237, %dma_wait3A_1238, %dma_wait3A_1239, %dma_wait3A_1242] : memref<4x2x2x80xi32, #tpu.memory_space<vmem>> -> memref<1x1x1x80xi32, #tpu.memory_space<vmem>>
      %dma_wait3A_1244 = tpu.memref_squeeze %dma_wait3A_1243 : memref<1x1x1x80xi32, #tpu.memory_space<vmem>> -> memref<80xi32, #tpu.memory_space<vmem>>
      %dma_wait3A_1245 = arith.constant 0 : i32
      %dma_wait3A_1246 = tpu.memref_slice %arg2[%dma_wait3A_1245] : memref<480000xi32, #tpu.memory_space<hbm>> -> memref<80xi32, #tpu.memory_space<hbm>>
      %dma_wait3A_1247 = tpu.memref_slice %arg9[%dma_wait3A_1240, %dma_wait3A_1241] : memref<4x2x!tpu.dma_semaphore, #tpu.memory_space<semaphore_mem>> -> memref<1x1x!tpu.dma_semaphore, #tpu.memory_space<semaphore_mem>>
      %dma_wait3A_1248 = tpu.memref_squeeze %dma_wait3A_1247 : memref<1x1x!tpu.dma_semaphore, #tpu.memory_space<semaphore_mem>> -> memref<!tpu.dma_semaphore, #tpu.memory_space<semaphore_mem>>
      %dma_wait3A_1249 = arith.constant 0 : i32
      %dma_wait3A_1250 = tpu.memref_slice %arg6[%dma_wait3A_1237, %dma_wait3A_1238, %dma_wait3A_1239, %dma_wait3A_1249] : memref<4x2x2x80xi32, #tpu.memory_space<vmem>> -> memref<1x1x1x80xi32, #tpu.memory_space<vmem>>
      %dma_wait3A_1251 = tpu.memref_squeeze %dma_wait3A_1250 : memref<1x1x1x80xi32, #tpu.memory_space<vmem>> -> memref<80xi32, #tpu.memory_space<vmem>>
      %dma_wait3A_1252 = arith.constant 0 : i32
      %dma_wait3A_1253 = tpu.memref_slice %arg2[%dma_wait3A_1252] : memref<480000xi32, #tpu.memory_space<hbm>> -> memref<80xi32, #tpu.memory_space<hbm>>
      tpu.wait_dma2 semaphore(%dma_wait3A_1248 : memref<!tpu.dma_semaphore, #tpu.memory_space<semaphore_mem>>) src(%dma_wait3A_1253 : memref<80xi32, #tpu.memory_space<hbm>>) dst(%dma_wait3A_1251 : memref<80xi32, #tpu.memory_space<vmem>>)
      %dma_wait3A_1254 = arith.constant 0 : i32
      %dma_wait3A_1255 = arith.constant 1 : i32
      %dma_wait3A_1256 = arith.constant 1 : i32
      %dma_wait3A_1257 = arith.constant 0 : i32
      %dma_wait3A_1258 = arith.constant 1 : i32
      %dma_wait3A_1259 = arith.constant 0 : i32
      %dma_wait3A_1260 = tpu.memref_slice %arg6[%dma_wait3A_1254, %dma_wait3A_1255, %dma_wait3A_1256, %dma_wait3A_1259] : memref<4x2x2x80xi32, #tpu.memory_space<vmem>> -> memref<1x1x1x80xi32, #tpu.memory_space<vmem>>
      %dma_wait3A_1261 = tpu.memref_squeeze %dma_wait3A_1260 : memref<1x1x1x80xi32, #tpu.memory_space<vmem>> -> memref<80xi32, #tpu.memory_space<vmem>>
      %dma_wait3A_1262 = arith.constant 0 : i32
      %dma_wait3A_1263 = tpu.memref_slice %arg2[%dma_wait3A_1262] : memref<480000xi32, #tpu.memory_space<hbm>> -> memref<80xi32, #tpu.memory_space<hbm>>
      %dma_wait3A_1264 = tpu.memref_slice %arg9[%dma_wait3A_1257, %dma_wait3A_1258] : memref<4x2x!tpu.dma_semaphore, #tpu.memory_space<semaphore_mem>> -> memref<1x1x!tpu.dma_semaphore, #tpu.memory_space<semaphore_mem>>
      %dma_wait3A_1265 = tpu.memref_squeeze %dma_wait3A_1264 : memref<1x1x!tpu.dma_semaphore, #tpu.memory_space<semaphore_mem>> -> memref<!tpu.dma_semaphore, #tpu.memory_space<semaphore_mem>>
      %dma_wait3A_1266 = arith.constant 0 : i32
      %dma_wait3A_1267 = tpu.memref_slice %arg6[%dma_wait3A_1254, %dma_wait3A_1255, %dma_wait3A_1256, %dma_wait3A_1266] : memref<4x2x2x80xi32, #tpu.memory_space<vmem>> -> memref<1x1x1x80xi32, #tpu.memory_space<vmem>>
      %dma_wait3A_1268 = tpu.memref_squeeze %dma_wait3A_1267 : memref<1x1x1x80xi32, #tpu.memory_space<vmem>> -> memref<80xi32, #tpu.memory_space<vmem>>
      %dma_wait3A_1269 = arith.constant 0 : i32
      %dma_wait3A_1270 = tpu.memref_slice %arg2[%dma_wait3A_1269] : memref<480000xi32, #tpu.memory_space<hbm>> -> memref<80xi32, #tpu.memory_space<hbm>>
      tpu.wait_dma2 semaphore(%dma_wait3A_1265 : memref<!tpu.dma_semaphore, #tpu.memory_space<semaphore_mem>>) src(%dma_wait3A_1270 : memref<80xi32, #tpu.memory_space<hbm>>) dst(%dma_wait3A_1268 : memref<80xi32, #tpu.memory_space<vmem>>)
      %dma_start3A_1271 = arith.constant 0 : i32
      %dma_start3A_1272 = arith.constant 1 : i32
      %dma_start3A_1273 = arith.constant 0 : i32
      %dma_start3A_1274 = arith.constant 0 : i32
      %dma_start3A_1275 = arith.constant 0 : i32
      %dma_start3A_1276 = arith.constant 0 : i32
      %dma_start3A_1277 = arith.constant 0 : i32
      %dma_start3A_1278 = tpu.memref_slice %arg7[%dma_start3A_1274, %dma_start3A_1276, %dma_start3A_1277] : memref<4x80x128xf32, #tpu.memory_space<vmem>> -> memref<1x80x128xf32, #tpu.memory_space<vmem>>
      %dma_start3A_1279 = tpu.memref_squeeze %dma_start3A_1278 : memref<1x80x128xf32, #tpu.memory_space<vmem>> -> memref<80x128xf32, #tpu.memory_space<vmem>>
      %dma_start3A_1280 = arith.constant 0 : i32
      %dma_start3A_1281 = tpu.memref_slice %arg6[%dma_start3A_1271, %dma_start3A_1272, %dma_start3A_1273, %dma_start3A_1280] : memref<4x2x2x80xi32, #tpu.memory_space<vmem>> -> memref<1x1x1x80xi32, #tpu.memory_space<vmem>>
      %dma_start3A_1282 = tpu.memref_squeeze %dma_start3A_1281 : memref<1x1x1x80xi32, #tpu.memory_space<vmem>> -> memref<80xi32, #tpu.memory_space<vmem>>
      %dma_start3A_1283 = arith.constant 0 : i32
      %dma_start3A_1284 = arith.constant 0 : i32
      %dma_start3A_1285 = tpu.memref_slice %arg3[%dma_start3A_1283, %dma_start3A_1284] : memref<20480x128xf32, #tpu.memory_space<hbm>> -> memref<20480x128xf32, #tpu.memory_space<hbm>>
      %dma_start3A_1286 = tpu.memref_slice %arg10[%dma_start3A_1275] : memref<4x!tpu.dma_semaphore, #tpu.memory_space<semaphore_mem>> -> memref<1x!tpu.dma_semaphore, #tpu.memory_space<semaphore_mem>>
      %dma_start3A_1287 = tpu.memref_squeeze %dma_start3A_1286 : memref<1x!tpu.dma_semaphore, #tpu.memory_space<semaphore_mem>> -> memref<!tpu.dma_semaphore, #tpu.memory_space<semaphore_mem>>
      tpu.enqueue_indirect_dma source(%dma_start3A_1285 : memref<20480x128xf32, #tpu.memory_space<hbm>>) target(%dma_start3A_1279 : memref<80x128xf32, #tpu.memory_space<vmem>>) offsets(%dma_start3A_1282 : memref<80xi32, #tpu.memory_space<vmem>>) semaphore(%dma_start3A_1287 : memref<!tpu.dma_semaphore, #tpu.memory_space<semaphore_mem>>)
      %add3A_1288 = arith.constant 1 : i32
      %add3A_1289 = arith.addi %add3A_1219, %add3A_1288 : i32
      %mul3A_1290 = arith.constant 4 : i32
      %mul3A_1291 = arith.muli %add3A_1289, %mul3A_1290 : i32
      %add3A_1292 = arith.constant 0 : i32
      %add3A_1293 = arith.addi %mul3A_1291, %add3A_1292 : i32
      %mul3A_1294 = arith.constant 16 : i32
      %mul3A_1295 = arith.muli %add3A_1293, %mul3A_1294 : i32
      %add3A_1296 = arith.addi %mul3A_1295, %arg1 : i32
      %lt3A_1297 = arith.constant 1984 : i32
      %lt3A_1298 = arith.cmpi slt, %add3A_1296, %lt3A_1297 : i32
      %convert_element_type3A_1299 = arith.extui %lt3A_1298 : i1 to i32
      %cond3A_1300 = arith.constant 0 : i32
      %cond3A_1301 = arith.cmpi ne, %convert_element_type3A_1299, %cond3A_1300 : i32
      scf.if %cond3A_1301 {
        %mul3A_1684 = arith.constant 80 : i32
        %mul3A_1685 = arith.muli %add3A_1296, %mul3A_1684 : i32
        %add3A_1686 = arith.addi %mul3A_2, %mul3A_1685 : i32
        %dma_start3A_1687 = arith.constant 0 : i32
        %dma_start3A_1688 = arith.constant 0 : i32
        %dma_start3A_1689 = arith.constant 0 : i32
        %dma_start3A_1690 = arith.constant 0 : i32
        %dma_start3A_1691 = arith.constant 0 : i32
        %dma_start3A_1692 = arith.constant 0 : i32
        %dma_start3A_1693 = tpu.memref_slice %arg6[%dma_start3A_1687, %dma_start3A_1688, %dma_start3A_1689, %dma_start3A_1692] : memref<4x2x2x80xi32, #tpu.memory_space<vmem>> -> memref<1x1x1x80xi32, #tpu.memory_space<vmem>>
        %dma_start3A_1694 = tpu.memref_squeeze %dma_start3A_1693 : memref<1x1x1x80xi32, #tpu.memory_space<vmem>> -> memref<80xi32, #tpu.memory_space<vmem>>
        %dma_start3A_1695 = tpu.memref_slice %arg2[%add3A_1686] : memref<480000xi32, #tpu.memory_space<hbm>> -> memref<80xi32, #tpu.memory_space<hbm>>
        %dma_start3A_1696 = tpu.memref_slice %arg9[%dma_start3A_1690, %dma_start3A_1691] : memref<4x2x!tpu.dma_semaphore, #tpu.memory_space<semaphore_mem>> -> memref<1x1x!tpu.dma_semaphore, #tpu.memory_space<semaphore_mem>>
        %dma_start3A_1697 = tpu.memref_squeeze %dma_start3A_1696 : memref<1x1x!tpu.dma_semaphore, #tpu.memory_space<semaphore_mem>> -> memref<!tpu.dma_semaphore, #tpu.memory_space<semaphore_mem>>
        %dma_start3A_1698 = arith.constant 0 : i32
        %dma_start3A_1699 = tpu.memref_slice %arg6[%dma_start3A_1687, %dma_start3A_1688, %dma_start3A_1689, %dma_start3A_1698] : memref<4x2x2x80xi32, #tpu.memory_space<vmem>> -> memref<1x1x1x80xi32, #tpu.memory_space<vmem>>
        %dma_start3A_1700 = tpu.memref_squeeze %dma_start3A_1699 : memref<1x1x1x80xi32, #tpu.memory_space<vmem>> -> memref<80xi32, #tpu.memory_space<vmem>>
        %dma_start3A_1701 = tpu.memref_slice %arg2[%add3A_1686] : memref<480000xi32, #tpu.memory_space<hbm>> -> memref<80xi32, #tpu.memory_space<hbm>>
        tpu.enqueue_dma source(%dma_start3A_1701 : memref<80xi32, #tpu.memory_space<hbm>>) target(%dma_start3A_1700 : memref<80xi32, #tpu.memory_space<vmem>>) target_semaphore(%dma_start3A_1697 : memref<!tpu.dma_semaphore, #tpu.memory_space<semaphore_mem>>)
        %mul3A_1702 = arith.constant 80 : i32
        %mul3A_1703 = arith.muli %add3A_1296, %mul3A_1702 : i32
        %add3A_1704 = arith.constant 320000 : i32
        %add3A_1705 = arith.addi %add3A_1704, %mul3A_1703 : i32
        %dma_start3A_1706 = arith.constant 0 : i32
        %dma_start3A_1707 = arith.constant 0 : i32
        %dma_start3A_1708 = arith.constant 1 : i32
        %dma_start3A_1709 = arith.constant 0 : i32
        %dma_start3A_1710 = arith.constant 0 : i32
        %dma_start3A_1711 = arith.constant 0 : i32
        %dma_start3A_1712 = tpu.memref_slice %arg6[%dma_start3A_1706, %dma_start3A_1707, %dma_start3A_1708, %dma_start3A_1711] : memref<4x2x2x80xi32, #tpu.memory_space<vmem>> -> memref<1x1x1x80xi32, #tpu.memory_space<vmem>>
        %dma_start3A_1713 = tpu.memref_squeeze %dma_start3A_1712 : memref<1x1x1x80xi32, #tpu.memory_space<vmem>> -> memref<80xi32, #tpu.memory_space<vmem>>
        %dma_start3A_1714 = tpu.memref_slice %arg2[%add3A_1705] : memref<480000xi32, #tpu.memory_space<hbm>> -> memref<80xi32, #tpu.memory_space<hbm>>
        %dma_start3A_1715 = tpu.memref_slice %arg9[%dma_start3A_1709, %dma_start3A_1710] : memref<4x2x!tpu.dma_semaphore, #tpu.memory_space<semaphore_mem>> -> memref<1x1x!tpu.dma_semaphore, #tpu.memory_space<semaphore_mem>>
        %dma_start3A_1716 = tpu.memref_squeeze %dma_start3A_1715 : memref<1x1x!tpu.dma_semaphore, #tpu.memory_space<semaphore_mem>> -> memref<!tpu.dma_semaphore, #tpu.memory_space<semaphore_mem>>
        %dma_start3A_1717 = arith.constant 0 : i32
        %dma_start3A_1718 = tpu.memref_slice %arg6[%dma_start3A_1706, %dma_start3A_1707, %dma_start3A_1708, %dma_start3A_1717] : memref<4x2x2x80xi32, #tpu.memory_space<vmem>> -> memref<1x1x1x80xi32, #tpu.memory_space<vmem>>
        %dma_start3A_1719 = tpu.memref_squeeze %dma_start3A_1718 : memref<1x1x1x80xi32, #tpu.memory_space<vmem>> -> memref<80xi32, #tpu.memory_space<vmem>>
        %dma_start3A_1720 = tpu.memref_slice %arg2[%add3A_1705] : memref<480000xi32, #tpu.memory_space<hbm>> -> memref<80xi32, #tpu.memory_space<hbm>>
        tpu.enqueue_dma source(%dma_start3A_1720 : memref<80xi32, #tpu.memory_space<hbm>>) target(%dma_start3A_1719 : memref<80xi32, #tpu.memory_space<vmem>>) target_semaphore(%dma_start3A_1716 : memref<!tpu.dma_semaphore, #tpu.memory_space<semaphore_mem>>)
      } else {
      }
      %dma_wait3A_1302 = arith.constant 1 : i32
      %dma_wait3A_1303 = arith.constant 1 : i32
      %dma_wait3A_1304 = arith.constant 1 : i32
      %dma_wait3A_1305 = arith.constant 1 : i32
      %dma_wait3A_1306 = arith.constant 1 : i32
      %dma_wait3A_1307 = arith.constant 0 : i32
      %dma_wait3A_1308 = arith.constant 0 : i32
      %dma_wait3A_1309 = tpu.memref_slice %arg7[%dma_wait3A_1302, %dma_wait3A_1307, %dma_wait3A_1308] : memref<4x80x128xf32, #tpu.memory_space<vmem>> -> memref<1x80x128xf32, #tpu.memory_space<vmem>>
      %dma_wait3A_1310 = tpu.memref_squeeze %dma_wait3A_1309 : memref<1x80x128xf32, #tpu.memory_space<vmem>> -> memref<80x128xf32, #tpu.memory_space<vmem>>
      %dma_wait3A_1311 = arith.constant 0 : i32
      %dma_wait3A_1312 = tpu.memref_slice %arg6[%dma_wait3A_1303, %dma_wait3A_1304, %dma_wait3A_1305, %dma_wait3A_1311] : memref<4x2x2x80xi32, #tpu.memory_space<vmem>> -> memref<1x1x1x80xi32, #tpu.memory_space<vmem>>
      %dma_wait3A_1313 = tpu.memref_squeeze %dma_wait3A_1312 : memref<1x1x1x80xi32, #tpu.memory_space<vmem>> -> memref<80xi32, #tpu.memory_space<vmem>>
      %dma_wait3A_1314 = arith.constant 0 : i32
      %dma_wait3A_1315 = arith.constant 0 : i32
      %dma_wait3A_1316 = tpu.memref_slice %arg8[%dma_wait3A_1314, %dma_wait3A_1315] : memref<10240x128xf32, #tpu.memory_space<vmem_shared>> -> memref<10240x128xf32, #tpu.memory_space<vmem_shared>>
      %dma_wait3A_1317 = tpu.memref_slice %arg11[%dma_wait3A_1306] : memref<4x!tpu.dma_semaphore, #tpu.memory_space<semaphore_mem>> -> memref<1x!tpu.dma_semaphore, #tpu.memory_space<semaphore_mem>>
      %dma_wait3A_1318 = tpu.memref_squeeze %dma_wait3A_1317 : memref<1x!tpu.dma_semaphore, #tpu.memory_space<semaphore_mem>> -> memref<!tpu.dma_semaphore, #tpu.memory_space<semaphore_mem>>
      tpu.wait_indirect_dma semaphore(%dma_wait3A_1318 : memref<!tpu.dma_semaphore, #tpu.memory_space<semaphore_mem>>) src(%dma_wait3A_1310 : memref<80x128xf32, #tpu.memory_space<vmem>>) dst(%dma_wait3A_1316 : memref<10240x128xf32, #tpu.memory_space<vmem_shared>>)
      %dma_wait3A_1319 = arith.constant 1 : i32
      %dma_wait3A_1320 = arith.constant 1 : i32
      %dma_wait3A_1321 = arith.constant 0 : i32
      %dma_wait3A_1322 = arith.constant 1 : i32
      %dma_wait3A_1323 = arith.constant 1 : i32
      %dma_wait3A_1324 = arith.constant 0 : i32
      %dma_wait3A_1325 = tpu.memref_slice %arg6[%dma_wait3A_1319, %dma_wait3A_1320, %dma_wait3A_1321, %dma_wait3A_1324] : memref<4x2x2x80xi32, #tpu.memory_space<vmem>> -> memref<1x1x1x80xi32, #tpu.memory_space<vmem>>
      %dma_wait3A_1326 = tpu.memref_squeeze %dma_wait3A_1325 : memref<1x1x1x80xi32, #tpu.memory_space<vmem>> -> memref<80xi32, #tpu.memory_space<vmem>>
      %dma_wait3A_1327 = arith.constant 0 : i32
      %dma_wait3A_1328 = tpu.memref_slice %arg2[%dma_wait3A_1327] : memref<480000xi32, #tpu.memory_space<hbm>> -> memref<80xi32, #tpu.memory_space<hbm>>
      %dma_wait3A_1329 = tpu.memref_slice %arg9[%dma_wait3A_1322, %dma_wait3A_1323] : memref<4x2x!tpu.dma_semaphore, #tpu.memory_space<semaphore_mem>> -> memref<1x1x!tpu.dma_semaphore, #tpu.memory_space<semaphore_mem>>
      %dma_wait3A_1330 = tpu.memref_squeeze %dma_wait3A_1329 : memref<1x1x!tpu.dma_semaphore, #tpu.memory_space<semaphore_mem>> -> memref<!tpu.dma_semaphore, #tpu.memory_space<semaphore_mem>>
      %dma_wait3A_1331 = arith.constant 0 : i32
      %dma_wait3A_1332 = tpu.memref_slice %arg6[%dma_wait3A_1319, %dma_wait3A_1320, %dma_wait3A_1321, %dma_wait3A_1331] : memref<4x2x2x80xi32, #tpu.memory_space<vmem>> -> memref<1x1x1x80xi32, #tpu.memory_space<vmem>>
      %dma_wait3A_1333 = tpu.memref_squeeze %dma_wait3A_1332 : memref<1x1x1x80xi32, #tpu.memory_space<vmem>> -> memref<80xi32, #tpu.memory_space<vmem>>
      %dma_wait3A_1334 = arith.constant 0 : i32
      %dma_wait3A_1335 = tpu.memref_slice %arg2[%dma_wait3A_1334] : memref<480000xi32, #tpu.memory_space<hbm>> -> memref<80xi32, #tpu.memory_space<hbm>>
      tpu.wait_dma2 semaphore(%dma_wait3A_1330 : memref<!tpu.dma_semaphore, #tpu.memory_space<semaphore_mem>>) src(%dma_wait3A_1335 : memref<80xi32, #tpu.memory_space<hbm>>) dst(%dma_wait3A_1333 : memref<80xi32, #tpu.memory_space<vmem>>)
      %dma_wait3A_1336 = arith.constant 1 : i32
      %dma_wait3A_1337 = arith.constant 1 : i32
      %dma_wait3A_1338 = arith.constant 1 : i32
      %dma_wait3A_1339 = arith.constant 1 : i32
      %dma_wait3A_1340 = arith.constant 1 : i32
      %dma_wait3A_1341 = arith.constant 0 : i32
      %dma_wait3A_1342 = tpu.memref_slice %arg6[%dma_wait3A_1336, %dma_wait3A_1337, %dma_wait3A_1338, %dma_wait3A_1341] : memref<4x2x2x80xi32, #tpu.memory_space<vmem>> -> memref<1x1x1x80xi32, #tpu.memory_space<vmem>>
      %dma_wait3A_1343 = tpu.memref_squeeze %dma_wait3A_1342 : memref<1x1x1x80xi32, #tpu.memory_space<vmem>> -> memref<80xi32, #tpu.memory_space<vmem>>
      %dma_wait3A_1344 = arith.constant 0 : i32
      %dma_wait3A_1345 = tpu.memref_slice %arg2[%dma_wait3A_1344] : memref<480000xi32, #tpu.memory_space<hbm>> -> memref<80xi32, #tpu.memory_space<hbm>>
      %dma_wait3A_1346 = tpu.memref_slice %arg9[%dma_wait3A_1339, %dma_wait3A_1340] : memref<4x2x!tpu.dma_semaphore, #tpu.memory_space<semaphore_mem>> -> memref<1x1x!tpu.dma_semaphore, #tpu.memory_space<semaphore_mem>>
      %dma_wait3A_1347 = tpu.memref_squeeze %dma_wait3A_1346 : memref<1x1x!tpu.dma_semaphore, #tpu.memory_space<semaphore_mem>> -> memref<!tpu.dma_semaphore, #tpu.memory_space<semaphore_mem>>
      %dma_wait3A_1348 = arith.constant 0 : i32
      %dma_wait3A_1349 = tpu.memref_slice %arg6[%dma_wait3A_1336, %dma_wait3A_1337, %dma_wait3A_1338, %dma_wait3A_1348] : memref<4x2x2x80xi32, #tpu.memory_space<vmem>> -> memref<1x1x1x80xi32, #tpu.memory_space<vmem>>
      %dma_wait3A_1350 = tpu.memref_squeeze %dma_wait3A_1349 : memref<1x1x1x80xi32, #tpu.memory_space<vmem>> -> memref<80xi32, #tpu.memory_space<vmem>>
      %dma_wait3A_1351 = arith.constant 0 : i32
      %dma_wait3A_1352 = tpu.memref_slice %arg2[%dma_wait3A_1351] : memref<480000xi32, #tpu.memory_space<hbm>> -> memref<80xi32, #tpu.memory_space<hbm>>
      tpu.wait_dma2 semaphore(%dma_wait3A_1347 : memref<!tpu.dma_semaphore, #tpu.memory_space<semaphore_mem>>) src(%dma_wait3A_1352 : memref<80xi32, #tpu.memory_space<hbm>>) dst(%dma_wait3A_1350 : memref<80xi32, #tpu.memory_space<vmem>>)
      %dma_start3A_1353 = arith.constant 1 : i32
      %dma_start3A_1354 = arith.constant 1 : i32
      %dma_start3A_1355 = arith.constant 0 : i32
      %dma_start3A_1356 = arith.constant 1 : i32
      %dma_start3A_1357 = arith.constant 1 : i32
      %dma_start3A_1358 = arith.constant 0 : i32
      %dma_start3A_1359 = arith.constant 0 : i32
      %dma_start3A_1360 = tpu.memref_slice %arg7[%dma_start3A_1356, %dma_start3A_1358, %dma_start3A_1359] : memref<4x80x128xf32, #tpu.memory_space<vmem>> -> memref<1x80x128xf32, #tpu.memory_space<vmem>>
      %dma_start3A_1361 = tpu.memref_squeeze %dma_start3A_1360 : memref<1x80x128xf32, #tpu.memory_space<vmem>> -> memref<80x128xf32, #tpu.memory_space<vmem>>
      %dma_start3A_1362 = arith.constant 0 : i32
      %dma_start3A_1363 = tpu.memref_slice %arg6[%dma_start3A_1353, %dma_start3A_1354, %dma_start3A_1355, %dma_start3A_1362] : memref<4x2x2x80xi32, #tpu.memory_space<vmem>> -> memref<1x1x1x80xi32, #tpu.memory_space<vmem>>
      %dma_start3A_1364 = tpu.memref_squeeze %dma_start3A_1363 : memref<1x1x1x80xi32, #tpu.memory_space<vmem>> -> memref<80xi32, #tpu.memory_space<vmem>>
      %dma_start3A_1365 = arith.constant 0 : i32
      %dma_start3A_1366 = arith.constant 0 : i32
      %dma_start3A_1367 = tpu.memref_slice %arg3[%dma_start3A_1365, %dma_start3A_1366] : memref<20480x128xf32, #tpu.memory_space<hbm>> -> memref<20480x128xf32, #tpu.memory_space<hbm>>
      %dma_start3A_1368 = tpu.memref_slice %arg10[%dma_start3A_1357] : memref<4x!tpu.dma_semaphore, #tpu.memory_space<semaphore_mem>> -> memref<1x!tpu.dma_semaphore, #tpu.memory_space<semaphore_mem>>
      %dma_start3A_1369 = tpu.memref_squeeze %dma_start3A_1368 : memref<1x!tpu.dma_semaphore, #tpu.memory_space<semaphore_mem>> -> memref<!tpu.dma_semaphore, #tpu.memory_space<semaphore_mem>>
      tpu.enqueue_indirect_dma source(%dma_start3A_1367 : memref<20480x128xf32, #tpu.memory_space<hbm>>) target(%dma_start3A_1361 : memref<80x128xf32, #tpu.memory_space<vmem>>) offsets(%dma_start3A_1364 : memref<80xi32, #tpu.memory_space<vmem>>) semaphore(%dma_start3A_1369 : memref<!tpu.dma_semaphore, #tpu.memory_space<semaphore_mem>>)
      %add3A_1370 = arith.constant 1 : i32
      %add3A_1371 = arith.addi %add3A_1219, %add3A_1370 : i32
      %mul3A_1372 = arith.constant 4 : i32
      %mul3A_1373 = arith.muli %add3A_1371, %mul3A_1372 : i32
      %add3A_1374 = arith.constant 1 : i32
      %add3A_1375 = arith.addi %mul3A_1373, %add3A_1374 : i32
      %mul3A_1376 = arith.constant 16 : i32
      %mul3A_1377 = arith.muli %add3A_1375, %mul3A_1376 : i32
      %add3A_1378 = arith.addi %mul3A_1377, %arg1 : i32
      %lt3A_1379 = arith.constant 1984 : i32
      %lt3A_1380 = arith.cmpi slt, %add3A_1378, %lt3A_1379 : i32
      %convert_element_type3A_1381 = arith.extui %lt3A_1380 : i1 to i32
      %cond3A_1382 = arith.constant 0 : i32
      %cond3A_1383 = arith.cmpi ne, %convert_element_type3A_1381, %cond3A_1382 : i32
      scf.if %cond3A_1383 {
        %mul3A_1684 = arith.constant 80 : i32
        %mul3A_1685 = arith.muli %add3A_1378, %mul3A_1684 : i32
        %add3A_1686 = arith.addi %mul3A_2, %mul3A_1685 : i32
        %dma_start3A_1687 = arith.constant 1 : i32
        %dma_start3A_1688 = arith.constant 0 : i32
        %dma_start3A_1689 = arith.constant 0 : i32
        %dma_start3A_1690 = arith.constant 1 : i32
        %dma_start3A_1691 = arith.constant 0 : i32
        %dma_start3A_1692 = arith.constant 0 : i32
        %dma_start3A_1693 = tpu.memref_slice %arg6[%dma_start3A_1687, %dma_start3A_1688, %dma_start3A_1689, %dma_start3A_1692] : memref<4x2x2x80xi32, #tpu.memory_space<vmem>> -> memref<1x1x1x80xi32, #tpu.memory_space<vmem>>
        %dma_start3A_1694 = tpu.memref_squeeze %dma_start3A_1693 : memref<1x1x1x80xi32, #tpu.memory_space<vmem>> -> memref<80xi32, #tpu.memory_space<vmem>>
        %dma_start3A_1695 = tpu.memref_slice %arg2[%add3A_1686] : memref<480000xi32, #tpu.memory_space<hbm>> -> memref<80xi32, #tpu.memory_space<hbm>>
        %dma_start3A_1696 = tpu.memref_slice %arg9[%dma_start3A_1690, %dma_start3A_1691] : memref<4x2x!tpu.dma_semaphore, #tpu.memory_space<semaphore_mem>> -> memref<1x1x!tpu.dma_semaphore, #tpu.memory_space<semaphore_mem>>
        %dma_start3A_1697 = tpu.memref_squeeze %dma_start3A_1696 : memref<1x1x!tpu.dma_semaphore, #tpu.memory_space<semaphore_mem>> -> memref<!tpu.dma_semaphore, #tpu.memory_space<semaphore_mem>>
        %dma_start3A_1698 = arith.constant 0 : i32
        %dma_start3A_1699 = tpu.memref_slice %arg6[%dma_start3A_1687, %dma_start3A_1688, %dma_start3A_1689, %dma_start3A_1698] : memref<4x2x2x80xi32, #tpu.memory_space<vmem>> -> memref<1x1x1x80xi32, #tpu.memory_space<vmem>>
        %dma_start3A_1700 = tpu.memref_squeeze %dma_start3A_1699 : memref<1x1x1x80xi32, #tpu.memory_space<vmem>> -> memref<80xi32, #tpu.memory_space<vmem>>
        %dma_start3A_1701 = tpu.memref_slice %arg2[%add3A_1686] : memref<480000xi32, #tpu.memory_space<hbm>> -> memref<80xi32, #tpu.memory_space<hbm>>
        tpu.enqueue_dma source(%dma_start3A_1701 : memref<80xi32, #tpu.memory_space<hbm>>) target(%dma_start3A_1700 : memref<80xi32, #tpu.memory_space<vmem>>) target_semaphore(%dma_start3A_1697 : memref<!tpu.dma_semaphore, #tpu.memory_space<semaphore_mem>>)
        %mul3A_1702 = arith.constant 80 : i32
        %mul3A_1703 = arith.muli %add3A_1378, %mul3A_1702 : i32
        %add3A_1704 = arith.constant 320000 : i32
        %add3A_1705 = arith.addi %add3A_1704, %mul3A_1703 : i32
        %dma_start3A_1706 = arith.constant 1 : i32
        %dma_start3A_1707 = arith.constant 0 : i32
        %dma_start3A_1708 = arith.constant 1 : i32
        %dma_start3A_1709 = arith.constant 1 : i32
        %dma_start3A_1710 = arith.constant 0 : i32
        %dma_start3A_1711 = arith.constant 0 : i32
        %dma_start3A_1712 = tpu.memref_slice %arg6[%dma_start3A_1706, %dma_start3A_1707, %dma_start3A_1708, %dma_start3A_1711] : memref<4x2x2x80xi32, #tpu.memory_space<vmem>> -> memref<1x1x1x80xi32, #tpu.memory_space<vmem>>
        %dma_start3A_1713 = tpu.memref_squeeze %dma_start3A_1712 : memref<1x1x1x80xi32, #tpu.memory_space<vmem>> -> memref<80xi32, #tpu.memory_space<vmem>>
        %dma_start3A_1714 = tpu.memref_slice %arg2[%add3A_1705] : memref<480000xi32, #tpu.memory_space<hbm>> -> memref<80xi32, #tpu.memory_space<hbm>>
        %dma_start3A_1715 = tpu.memref_slice %arg9[%dma_start3A_1709, %dma_start3A_1710] : memref<4x2x!tpu.dma_semaphore, #tpu.memory_space<semaphore_mem>> -> memref<1x1x!tpu.dma_semaphore, #tpu.memory_space<semaphore_mem>>
        %dma_start3A_1716 = tpu.memref_squeeze %dma_start3A_1715 : memref<1x1x!tpu.dma_semaphore, #tpu.memory_space<semaphore_mem>> -> memref<!tpu.dma_semaphore, #tpu.memory_space<semaphore_mem>>
        %dma_start3A_1717 = arith.constant 0 : i32
        %dma_start3A_1718 = tpu.memref_slice %arg6[%dma_start3A_1706, %dma_start3A_1707, %dma_start3A_1708, %dma_start3A_1717] : memref<4x2x2x80xi32, #tpu.memory_space<vmem>> -> memref<1x1x1x80xi32, #tpu.memory_space<vmem>>
        %dma_start3A_1719 = tpu.memref_squeeze %dma_start3A_1718 : memref<1x1x1x80xi32, #tpu.memory_space<vmem>> -> memref<80xi32, #tpu.memory_space<vmem>>
        %dma_start3A_1720 = tpu.memref_slice %arg2[%add3A_1705] : memref<480000xi32, #tpu.memory_space<hbm>> -> memref<80xi32, #tpu.memory_space<hbm>>
        tpu.enqueue_dma source(%dma_start3A_1720 : memref<80xi32, #tpu.memory_space<hbm>>) target(%dma_start3A_1719 : memref<80xi32, #tpu.memory_space<vmem>>) target_semaphore(%dma_start3A_1716 : memref<!tpu.dma_semaphore, #tpu.memory_space<semaphore_mem>>)
      } else {
      }
      %dma_wait3A_1384 = arith.constant 2 : i32
      %dma_wait3A_1385 = arith.constant 2 : i32
      %dma_wait3A_1386 = arith.constant 1 : i32
      %dma_wait3A_1387 = arith.constant 1 : i32
      %dma_wait3A_1388 = arith.constant 2 : i32
      %dma_wait3A_1389 = arith.constant 0 : i32
      %dma_wait3A_1390 = arith.constant 0 : i32
      %dma_wait3A_1391 = tpu.memref_slice %arg7[%dma_wait3A_1384, %dma_wait3A_1389, %dma_wait3A_1390] : memref<4x80x128xf32, #tpu.memory_space<vmem>> -> memref<1x80x128xf32, #tpu.memory_space<vmem>>
      %dma_wait3A_1392 = tpu.memref_squeeze %dma_wait3A_1391 : memref<1x80x128xf32, #tpu.memory_space<vmem>> -> memref<80x128xf32, #tpu.memory_space<vmem>>
      %dma_wait3A_1393 = arith.constant 0 : i32
      %dma_wait3A_1394 = tpu.memref_slice %arg6[%dma_wait3A_1385, %dma_wait3A_1386, %dma_wait3A_1387, %dma_wait3A_1393] : memref<4x2x2x80xi32, #tpu.memory_space<vmem>> -> memref<1x1x1x80xi32, #tpu.memory_space<vmem>>
      %dma_wait3A_1395 = tpu.memref_squeeze %dma_wait3A_1394 : memref<1x1x1x80xi32, #tpu.memory_space<vmem>> -> memref<80xi32, #tpu.memory_space<vmem>>
      %dma_wait3A_1396 = arith.constant 0 : i32
      %dma_wait3A_1397 = arith.constant 0 : i32
      %dma_wait3A_1398 = tpu.memref_slice %arg8[%dma_wait3A_1396, %dma_wait3A_1397] : memref<10240x128xf32, #tpu.memory_space<vmem_shared>> -> memref<10240x128xf32, #tpu.memory_space<vmem_shared>>
      %dma_wait3A_1399 = tpu.memref_slice %arg11[%dma_wait3A_1388] : memref<4x!tpu.dma_semaphore, #tpu.memory_space<semaphore_mem>> -> memref<1x!tpu.dma_semaphore, #tpu.memory_space<semaphore_mem>>
      %dma_wait3A_1400 = tpu.memref_squeeze %dma_wait3A_1399 : memref<1x!tpu.dma_semaphore, #tpu.memory_space<semaphore_mem>> -> memref<!tpu.dma_semaphore, #tpu.memory_space<semaphore_mem>>
      tpu.wait_indirect_dma semaphore(%dma_wait3A_1400 : memref<!tpu.dma_semaphore, #tpu.memory_space<semaphore_mem>>) src(%dma_wait3A_1392 : memref<80x128xf32, #tpu.memory_space<vmem>>) dst(%dma_wait3A_1398 : memref<10240x128xf32, #tpu.memory_space<vmem_shared>>)
      %dma_wait3A_1401 = arith.constant 2 : i32
      %dma_wait3A_1402 = arith.constant 1 : i32
      %dma_wait3A_1403 = arith.constant 0 : i32
      %dma_wait3A_1404 = arith.constant 2 : i32
      %dma_wait3A_1405 = arith.constant 1 : i32
      %dma_wait3A_1406 = arith.constant 0 : i32
      %dma_wait3A_1407 = tpu.memref_slice %arg6[%dma_wait3A_1401, %dma_wait3A_1402, %dma_wait3A_1403, %dma_wait3A_1406] : memref<4x2x2x80xi32, #tpu.memory_space<vmem>> -> memref<1x1x1x80xi32, #tpu.memory_space<vmem>>
      %dma_wait3A_1408 = tpu.memref_squeeze %dma_wait3A_1407 : memref<1x1x1x80xi32, #tpu.memory_space<vmem>> -> memref<80xi32, #tpu.memory_space<vmem>>
      %dma_wait3A_1409 = arith.constant 0 : i32
      %dma_wait3A_1410 = tpu.memref_slice %arg2[%dma_wait3A_1409] : memref<480000xi32, #tpu.memory_space<hbm>> -> memref<80xi32, #tpu.memory_space<hbm>>
      %dma_wait3A_1411 = tpu.memref_slice %arg9[%dma_wait3A_1404, %dma_wait3A_1405] : memref<4x2x!tpu.dma_semaphore, #tpu.memory_space<semaphore_mem>> -> memref<1x1x!tpu.dma_semaphore, #tpu.memory_space<semaphore_mem>>
      %dma_wait3A_1412 = tpu.memref_squeeze %dma_wait3A_1411 : memref<1x1x!tpu.dma_semaphore, #tpu.memory_space<semaphore_mem>> -> memref<!tpu.dma_semaphore, #tpu.memory_space<semaphore_mem>>
      %dma_wait3A_1413 = arith.constant 0 : i32
      %dma_wait3A_1414 = tpu.memref_slice %arg6[%dma_wait3A_1401, %dma_wait3A_1402, %dma_wait3A_1403, %dma_wait3A_1413] : memref<4x2x2x80xi32, #tpu.memory_space<vmem>> -> memref<1x1x1x80xi32, #tpu.memory_space<vmem>>
      %dma_wait3A_1415 = tpu.memref_squeeze %dma_wait3A_1414 : memref<1x1x1x80xi32, #tpu.memory_space<vmem>> -> memref<80xi32, #tpu.memory_space<vmem>>
      %dma_wait3A_1416 = arith.constant 0 : i32
      %dma_wait3A_1417 = tpu.memref_slice %arg2[%dma_wait3A_1416] : memref<480000xi32, #tpu.memory_space<hbm>> -> memref<80xi32, #tpu.memory_space<hbm>>
      tpu.wait_dma2 semaphore(%dma_wait3A_1412 : memref<!tpu.dma_semaphore, #tpu.memory_space<semaphore_mem>>) src(%dma_wait3A_1417 : memref<80xi32, #tpu.memory_space<hbm>>) dst(%dma_wait3A_1415 : memref<80xi32, #tpu.memory_space<vmem>>)
      %dma_wait3A_1418 = arith.constant 2 : i32
      %dma_wait3A_1419 = arith.constant 1 : i32
      %dma_wait3A_1420 = arith.constant 1 : i32
      %dma_wait3A_1421 = arith.constant 2 : i32
      %dma_wait3A_1422 = arith.constant 1 : i32
      %dma_wait3A_1423 = arith.constant 0 : i32
      %dma_wait3A_1424 = tpu.memref_slice %arg6[%dma_wait3A_1418, %dma_wait3A_1419, %dma_wait3A_1420, %dma_wait3A_1423] : memref<4x2x2x80xi32, #tpu.memory_space<vmem>> -> memref<1x1x1x80xi32, #tpu.memory_space<vmem>>
      %dma_wait3A_1425 = tpu.memref_squeeze %dma_wait3A_1424 : memref<1x1x1x80xi32, #tpu.memory_space<vmem>> -> memref<80xi32, #tpu.memory_space<vmem>>
      %dma_wait3A_1426 = arith.constant 0 : i32
      %dma_wait3A_1427 = tpu.memref_slice %arg2[%dma_wait3A_1426] : memref<480000xi32, #tpu.memory_space<hbm>> -> memref<80xi32, #tpu.memory_space<hbm>>
      %dma_wait3A_1428 = tpu.memref_slice %arg9[%dma_wait3A_1421, %dma_wait3A_1422] : memref<4x2x!tpu.dma_semaphore, #tpu.memory_space<semaphore_mem>> -> memref<1x1x!tpu.dma_semaphore, #tpu.memory_space<semaphore_mem>>
      %dma_wait3A_1429 = tpu.memref_squeeze %dma_wait3A_1428 : memref<1x1x!tpu.dma_semaphore, #tpu.memory_space<semaphore_mem>> -> memref<!tpu.dma_semaphore, #tpu.memory_space<semaphore_mem>>
      %dma_wait3A_1430 = arith.constant 0 : i32
      %dma_wait3A_1431 = tpu.memref_slice %arg6[%dma_wait3A_1418, %dma_wait3A_1419, %dma_wait3A_1420, %dma_wait3A_1430] : memref<4x2x2x80xi32, #tpu.memory_space<vmem>> -> memref<1x1x1x80xi32, #tpu.memory_space<vmem>>
      %dma_wait3A_1432 = tpu.memref_squeeze %dma_wait3A_1431 : memref<1x1x1x80xi32, #tpu.memory_space<vmem>> -> memref<80xi32, #tpu.memory_space<vmem>>
      %dma_wait3A_1433 = arith.constant 0 : i32
      %dma_wait3A_1434 = tpu.memref_slice %arg2[%dma_wait3A_1433] : memref<480000xi32, #tpu.memory_space<hbm>> -> memref<80xi32, #tpu.memory_space<hbm>>
      tpu.wait_dma2 semaphore(%dma_wait3A_1429 : memref<!tpu.dma_semaphore, #tpu.memory_space<semaphore_mem>>) src(%dma_wait3A_1434 : memref<80xi32, #tpu.memory_space<hbm>>) dst(%dma_wait3A_1432 : memref<80xi32, #tpu.memory_space<vmem>>)
      %dma_start3A_1435 = arith.constant 2 : i32
      %dma_start3A_1436 = arith.constant 1 : i32
      %dma_start3A_1437 = arith.constant 0 : i32
      %dma_start3A_1438 = arith.constant 2 : i32
      %dma_start3A_1439 = arith.constant 2 : i32
      %dma_start3A_1440 = arith.constant 0 : i32
      %dma_start3A_1441 = arith.constant 0 : i32
      %dma_start3A_1442 = tpu.memref_slice %arg7[%dma_start3A_1438, %dma_start3A_1440, %dma_start3A_1441] : memref<4x80x128xf32, #tpu.memory_space<vmem>> -> memref<1x80x128xf32, #tpu.memory_space<vmem>>
      %dma_start3A_1443 = tpu.memref_squeeze %dma_start3A_1442 : memref<1x80x128xf32, #tpu.memory_space<vmem>> -> memref<80x128xf32, #tpu.memory_space<vmem>>
      %dma_start3A_1444 = arith.constant 0 : i32
      %dma_start3A_1445 = tpu.memref_slice %arg6[%dma_start3A_1435, %dma_start3A_1436, %dma_start3A_1437, %dma_start3A_1444] : memref<4x2x2x80xi32, #tpu.memory_space<vmem>> -> memref<1x1x1x80xi32, #tpu.memory_space<vmem>>
      %dma_start3A_1446 = tpu.memref_squeeze %dma_start3A_1445 : memref<1x1x1x80xi32, #tpu.memory_space<vmem>> -> memref<80xi32, #tpu.memory_space<vmem>>
      %dma_start3A_1447 = arith.constant 0 : i32
      %dma_start3A_1448 = arith.constant 0 : i32
      %dma_start3A_1449 = tpu.memref_slice %arg3[%dma_start3A_1447, %dma_start3A_1448] : memref<20480x128xf32, #tpu.memory_space<hbm>> -> memref<20480x128xf32, #tpu.memory_space<hbm>>
      %dma_start3A_1450 = tpu.memref_slice %arg10[%dma_start3A_1439] : memref<4x!tpu.dma_semaphore, #tpu.memory_space<semaphore_mem>> -> memref<1x!tpu.dma_semaphore, #tpu.memory_space<semaphore_mem>>
      %dma_start3A_1451 = tpu.memref_squeeze %dma_start3A_1450 : memref<1x!tpu.dma_semaphore, #tpu.memory_space<semaphore_mem>> -> memref<!tpu.dma_semaphore, #tpu.memory_space<semaphore_mem>>
      tpu.enqueue_indirect_dma source(%dma_start3A_1449 : memref<20480x128xf32, #tpu.memory_space<hbm>>) target(%dma_start3A_1443 : memref<80x128xf32, #tpu.memory_space<vmem>>) offsets(%dma_start3A_1446 : memref<80xi32, #tpu.memory_space<vmem>>) semaphore(%dma_start3A_1451 : memref<!tpu.dma_semaphore, #tpu.memory_space<semaphore_mem>>)
      %add3A_1452 = arith.constant 1 : i32
      %add3A_1453 = arith.addi %add3A_1219, %add3A_1452 : i32
      %mul3A_1454 = arith.constant 4 : i32
      %mul3A_1455 = arith.muli %add3A_1453, %mul3A_1454 : i32
      %add3A_1456 = arith.constant 2 : i32
      %add3A_1457 = arith.addi %mul3A_1455, %add3A_1456 : i32
      %mul3A_1458 = arith.constant 16 : i32
      %mul3A_1459 = arith.muli %add3A_1457, %mul3A_1458 : i32
      %add3A_1460 = arith.addi %mul3A_1459, %arg1 : i32
      %lt3A_1461 = arith.constant 1984 : i32
      %lt3A_1462 = arith.cmpi slt, %add3A_1460, %lt3A_1461 : i32
      %convert_element_type3A_1463 = arith.extui %lt3A_1462 : i1 to i32
      %cond3A_1464 = arith.constant 0 : i32
      %cond3A_1465 = arith.cmpi ne, %convert_element_type3A_1463, %cond3A_1464 : i32
      scf.if %cond3A_1465 {
        %mul3A_1684 = arith.constant 80 : i32
        %mul3A_1685 = arith.muli %add3A_1460, %mul3A_1684 : i32
        %add3A_1686 = arith.addi %mul3A_2, %mul3A_1685 : i32
        %dma_start3A_1687 = arith.constant 2 : i32
        %dma_start3A_1688 = arith.constant 0 : i32
        %dma_start3A_1689 = arith.constant 0 : i32
        %dma_start3A_1690 = arith.constant 2 : i32
        %dma_start3A_1691 = arith.constant 0 : i32
        %dma_start3A_1692 = arith.constant 0 : i32
        %dma_start3A_1693 = tpu.memref_slice %arg6[%dma_start3A_1687, %dma_start3A_1688, %dma_start3A_1689, %dma_start3A_1692] : memref<4x2x2x80xi32, #tpu.memory_space<vmem>> -> memref<1x1x1x80xi32, #tpu.memory_space<vmem>>
        %dma_start3A_1694 = tpu.memref_squeeze %dma_start3A_1693 : memref<1x1x1x80xi32, #tpu.memory_space<vmem>> -> memref<80xi32, #tpu.memory_space<vmem>>
        %dma_start3A_1695 = tpu.memref_slice %arg2[%add3A_1686] : memref<480000xi32, #tpu.memory_space<hbm>> -> memref<80xi32, #tpu.memory_space<hbm>>
        %dma_start3A_1696 = tpu.memref_slice %arg9[%dma_start3A_1690, %dma_start3A_1691] : memref<4x2x!tpu.dma_semaphore, #tpu.memory_space<semaphore_mem>> -> memref<1x1x!tpu.dma_semaphore, #tpu.memory_space<semaphore_mem>>
        %dma_start3A_1697 = tpu.memref_squeeze %dma_start3A_1696 : memref<1x1x!tpu.dma_semaphore, #tpu.memory_space<semaphore_mem>> -> memref<!tpu.dma_semaphore, #tpu.memory_space<semaphore_mem>>
        %dma_start3A_1698 = arith.constant 0 : i32
        %dma_start3A_1699 = tpu.memref_slice %arg6[%dma_start3A_1687, %dma_start3A_1688, %dma_start3A_1689, %dma_start3A_1698] : memref<4x2x2x80xi32, #tpu.memory_space<vmem>> -> memref<1x1x1x80xi32, #tpu.memory_space<vmem>>
        %dma_start3A_1700 = tpu.memref_squeeze %dma_start3A_1699 : memref<1x1x1x80xi32, #tpu.memory_space<vmem>> -> memref<80xi32, #tpu.memory_space<vmem>>
        %dma_start3A_1701 = tpu.memref_slice %arg2[%add3A_1686] : memref<480000xi32, #tpu.memory_space<hbm>> -> memref<80xi32, #tpu.memory_space<hbm>>
        tpu.enqueue_dma source(%dma_start3A_1701 : memref<80xi32, #tpu.memory_space<hbm>>) target(%dma_start3A_1700 : memref<80xi32, #tpu.memory_space<vmem>>) target_semaphore(%dma_start3A_1697 : memref<!tpu.dma_semaphore, #tpu.memory_space<semaphore_mem>>)
        %mul3A_1702 = arith.constant 80 : i32
        %mul3A_1703 = arith.muli %add3A_1460, %mul3A_1702 : i32
        %add3A_1704 = arith.constant 320000 : i32
        %add3A_1705 = arith.addi %add3A_1704, %mul3A_1703 : i32
        %dma_start3A_1706 = arith.constant 2 : i32
        %dma_start3A_1707 = arith.constant 0 : i32
        %dma_start3A_1708 = arith.constant 1 : i32
        %dma_start3A_1709 = arith.constant 2 : i32
        %dma_start3A_1710 = arith.constant 0 : i32
        %dma_start3A_1711 = arith.constant 0 : i32
        %dma_start3A_1712 = tpu.memref_slice %arg6[%dma_start3A_1706, %dma_start3A_1707, %dma_start3A_1708, %dma_start3A_1711] : memref<4x2x2x80xi32, #tpu.memory_space<vmem>> -> memref<1x1x1x80xi32, #tpu.memory_space<vmem>>
        %dma_start3A_1713 = tpu.memref_squeeze %dma_start3A_1712 : memref<1x1x1x80xi32, #tpu.memory_space<vmem>> -> memref<80xi32, #tpu.memory_space<vmem>>
        %dma_start3A_1714 = tpu.memref_slice %arg2[%add3A_1705] : memref<480000xi32, #tpu.memory_space<hbm>> -> memref<80xi32, #tpu.memory_space<hbm>>
        %dma_start3A_1715 = tpu.memref_slice %arg9[%dma_start3A_1709, %dma_start3A_1710] : memref<4x2x!tpu.dma_semaphore, #tpu.memory_space<semaphore_mem>> -> memref<1x1x!tpu.dma_semaphore, #tpu.memory_space<semaphore_mem>>
        %dma_start3A_1716 = tpu.memref_squeeze %dma_start3A_1715 : memref<1x1x!tpu.dma_semaphore, #tpu.memory_space<semaphore_mem>> -> memref<!tpu.dma_semaphore, #tpu.memory_space<semaphore_mem>>
        %dma_start3A_1717 = arith.constant 0 : i32
        %dma_start3A_1718 = tpu.memref_slice %arg6[%dma_start3A_1706, %dma_start3A_1707, %dma_start3A_1708, %dma_start3A_1717] : memref<4x2x2x80xi32, #tpu.memory_space<vmem>> -> memref<1x1x1x80xi32, #tpu.memory_space<vmem>>
        %dma_start3A_1719 = tpu.memref_squeeze %dma_start3A_1718 : memref<1x1x1x80xi32, #tpu.memory_space<vmem>> -> memref<80xi32, #tpu.memory_space<vmem>>
        %dma_start3A_1720 = tpu.memref_slice %arg2[%add3A_1705] : memref<480000xi32, #tpu.memory_space<hbm>> -> memref<80xi32, #tpu.memory_space<hbm>>
        tpu.enqueue_dma source(%dma_start3A_1720 : memref<80xi32, #tpu.memory_space<hbm>>) target(%dma_start3A_1719 : memref<80xi32, #tpu.memory_space<vmem>>) target_semaphore(%dma_start3A_1716 : memref<!tpu.dma_semaphore, #tpu.memory_space<semaphore_mem>>)
      } else {
      }
      %dma_wait3A_1466 = arith.constant 3 : i32
      %dma_wait3A_1467 = arith.constant 3 : i32
      %dma_wait3A_1468 = arith.constant 1 : i32
      %dma_wait3A_1469 = arith.constant 1 : i32
      %dma_wait3A_1470 = arith.constant 3 : i32
      %dma_wait3A_1471 = arith.constant 0 : i32
      %dma_wait3A_1472 = arith.constant 0 : i32
      %dma_wait3A_1473 = tpu.memref_slice %arg7[%dma_wait3A_1466, %dma_wait3A_1471, %dma_wait3A_1472] : memref<4x80x128xf32, #tpu.memory_space<vmem>> -> memref<1x80x128xf32, #tpu.memory_space<vmem>>
      %dma_wait3A_1474 = tpu.memref_squeeze %dma_wait3A_1473 : memref<1x80x128xf32, #tpu.memory_space<vmem>> -> memref<80x128xf32, #tpu.memory_space<vmem>>
      %dma_wait3A_1475 = arith.constant 0 : i32
      %dma_wait3A_1476 = tpu.memref_slice %arg6[%dma_wait3A_1467, %dma_wait3A_1468, %dma_wait3A_1469, %dma_wait3A_1475] : memref<4x2x2x80xi32, #tpu.memory_space<vmem>> -> memref<1x1x1x80xi32, #tpu.memory_space<vmem>>
      %dma_wait3A_1477 = tpu.memref_squeeze %dma_wait3A_1476 : memref<1x1x1x80xi32, #tpu.memory_space<vmem>> -> memref<80xi32, #tpu.memory_space<vmem>>
      %dma_wait3A_1478 = arith.constant 0 : i32
      %dma_wait3A_1479 = arith.constant 0 : i32
      %dma_wait3A_1480 = tpu.memref_slice %arg8[%dma_wait3A_1478, %dma_wait3A_1479] : memref<10240x128xf32, #tpu.memory_space<vmem_shared>> -> memref<10240x128xf32, #tpu.memory_space<vmem_shared>>
      %dma_wait3A_1481 = tpu.memref_slice %arg11[%dma_wait3A_1470] : memref<4x!tpu.dma_semaphore, #tpu.memory_space<semaphore_mem>> -> memref<1x!tpu.dma_semaphore, #tpu.memory_space<semaphore_mem>>
      %dma_wait3A_1482 = tpu.memref_squeeze %dma_wait3A_1481 : memref<1x!tpu.dma_semaphore, #tpu.memory_space<semaphore_mem>> -> memref<!tpu.dma_semaphore, #tpu.memory_space<semaphore_mem>>
      tpu.wait_indirect_dma semaphore(%dma_wait3A_1482 : memref<!tpu.dma_semaphore, #tpu.memory_space<semaphore_mem>>) src(%dma_wait3A_1474 : memref<80x128xf32, #tpu.memory_space<vmem>>) dst(%dma_wait3A_1480 : memref<10240x128xf32, #tpu.memory_space<vmem_shared>>)
      %dma_wait3A_1483 = arith.constant 3 : i32
      %dma_wait3A_1484 = arith.constant 1 : i32
      %dma_wait3A_1485 = arith.constant 0 : i32
      %dma_wait3A_1486 = arith.constant 3 : i32
      %dma_wait3A_1487 = arith.constant 1 : i32
      %dma_wait3A_1488 = arith.constant 0 : i32
      %dma_wait3A_1489 = tpu.memref_slice %arg6[%dma_wait3A_1483, %dma_wait3A_1484, %dma_wait3A_1485, %dma_wait3A_1488] : memref<4x2x2x80xi32, #tpu.memory_space<vmem>> -> memref<1x1x1x80xi32, #tpu.memory_space<vmem>>
      %dma_wait3A_1490 = tpu.memref_squeeze %dma_wait3A_1489 : memref<1x1x1x80xi32, #tpu.memory_space<vmem>> -> memref<80xi32, #tpu.memory_space<vmem>>
      %dma_wait3A_1491 = arith.constant 0 : i32
      %dma_wait3A_1492 = tpu.memref_slice %arg2[%dma_wait3A_1491] : memref<480000xi32, #tpu.memory_space<hbm>> -> memref<80xi32, #tpu.memory_space<hbm>>
      %dma_wait3A_1493 = tpu.memref_slice %arg9[%dma_wait3A_1486, %dma_wait3A_1487] : memref<4x2x!tpu.dma_semaphore, #tpu.memory_space<semaphore_mem>> -> memref<1x1x!tpu.dma_semaphore, #tpu.memory_space<semaphore_mem>>
      %dma_wait3A_1494 = tpu.memref_squeeze %dma_wait3A_1493 : memref<1x1x!tpu.dma_semaphore, #tpu.memory_space<semaphore_mem>> -> memref<!tpu.dma_semaphore, #tpu.memory_space<semaphore_mem>>
      %dma_wait3A_1495 = arith.constant 0 : i32
      %dma_wait3A_1496 = tpu.memref_slice %arg6[%dma_wait3A_1483, %dma_wait3A_1484, %dma_wait3A_1485, %dma_wait3A_1495] : memref<4x2x2x80xi32, #tpu.memory_space<vmem>> -> memref<1x1x1x80xi32, #tpu.memory_space<vmem>>
      %dma_wait3A_1497 = tpu.memref_squeeze %dma_wait3A_1496 : memref<1x1x1x80xi32, #tpu.memory_space<vmem>> -> memref<80xi32, #tpu.memory_space<vmem>>
      %dma_wait3A_1498 = arith.constant 0 : i32
      %dma_wait3A_1499 = tpu.memref_slice %arg2[%dma_wait3A_1498] : memref<480000xi32, #tpu.memory_space<hbm>> -> memref<80xi32, #tpu.memory_space<hbm>>
      tpu.wait_dma2 semaphore(%dma_wait3A_1494 : memref<!tpu.dma_semaphore, #tpu.memory_space<semaphore_mem>>) src(%dma_wait3A_1499 : memref<80xi32, #tpu.memory_space<hbm>>) dst(%dma_wait3A_1497 : memref<80xi32, #tpu.memory_space<vmem>>)
      %dma_wait3A_1500 = arith.constant 3 : i32
      %dma_wait3A_1501 = arith.constant 1 : i32
      %dma_wait3A_1502 = arith.constant 1 : i32
      %dma_wait3A_1503 = arith.constant 3 : i32
      %dma_wait3A_1504 = arith.constant 1 : i32
      %dma_wait3A_1505 = arith.constant 0 : i32
      %dma_wait3A_1506 = tpu.memref_slice %arg6[%dma_wait3A_1500, %dma_wait3A_1501, %dma_wait3A_1502, %dma_wait3A_1505] : memref<4x2x2x80xi32, #tpu.memory_space<vmem>> -> memref<1x1x1x80xi32, #tpu.memory_space<vmem>>
      %dma_wait3A_1507 = tpu.memref_squeeze %dma_wait3A_1506 : memref<1x1x1x80xi32, #tpu.memory_space<vmem>> -> memref<80xi32, #tpu.memory_space<vmem>>
      %dma_wait3A_1508 = arith.constant 0 : i32
      %dma_wait3A_1509 = tpu.memref_slice %arg2[%dma_wait3A_1508] : memref<480000xi32, #tpu.memory_space<hbm>> -> memref<80xi32, #tpu.memory_space<hbm>>
      %dma_wait3A_1510 = tpu.memref_slice %arg9[%dma_wait3A_1503, %dma_wait3A_1504] : memref<4x2x!tpu.dma_semaphore, #tpu.memory_space<semaphore_mem>> -> memref<1x1x!tpu.dma_semaphore, #tpu.memory_space<semaphore_mem>>
      %dma_wait3A_1511 = tpu.memref_squeeze %dma_wait3A_1510 : memref<1x1x!tpu.dma_semaphore, #tpu.memory_space<semaphore_mem>> -> memref<!tpu.dma_semaphore, #tpu.memory_space<semaphore_mem>>
      %dma_wait3A_1512 = arith.constant 0 : i32
      %dma_wait3A_1513 = tpu.memref_slice %arg6[%dma_wait3A_1500, %dma_wait3A_1501, %dma_wait3A_1502, %dma_wait3A_1512] : memref<4x2x2x80xi32, #tpu.memory_space<vmem>> -> memref<1x1x1x80xi32, #tpu.memory_space<vmem>>
      %dma_wait3A_1514 = tpu.memref_squeeze %dma_wait3A_1513 : memref<1x1x1x80xi32, #tpu.memory_space<vmem>> -> memref<80xi32, #tpu.memory_space<vmem>>
      %dma_wait3A_1515 = arith.constant 0 : i32
      %dma_wait3A_1516 = tpu.memref_slice %arg2[%dma_wait3A_1515] : memref<480000xi32, #tpu.memory_space<hbm>> -> memref<80xi32, #tpu.memory_space<hbm>>
      tpu.wait_dma2 semaphore(%dma_wait3A_1511 : memref<!tpu.dma_semaphore, #tpu.memory_space<semaphore_mem>>) src(%dma_wait3A_1516 : memref<80xi32, #tpu.memory_space<hbm>>) dst(%dma_wait3A_1514 : memref<80xi32, #tpu.memory_space<vmem>>)
      %dma_start3A_1517 = arith.constant 3 : i32
      %dma_start3A_1518 = arith.constant 1 : i32
      %dma_start3A_1519 = arith.constant 0 : i32
      %dma_start3A_1520 = arith.constant 3 : i32
      %dma_start3A_1521 = arith.constant 3 : i32
      %dma_start3A_1522 = arith.constant 0 : i32
      %dma_start3A_1523 = arith.constant 0 : i32
      %dma_start3A_1524 = tpu.memref_slice %arg7[%dma_start3A_1520, %dma_start3A_1522, %dma_start3A_1523] : memref<4x80x128xf32, #tpu.memory_space<vmem>> -> memref<1x80x128xf32, #tpu.memory_space<vmem>>
      %dma_start3A_1525 = tpu.memref_squeeze %dma_start3A_1524 : memref<1x80x128xf32, #tpu.memory_space<vmem>> -> memref<80x128xf32, #tpu.memory_space<vmem>>
      %dma_start3A_1526 = arith.constant 0 : i32
      %dma_start3A_1527 = tpu.memref_slice %arg6[%dma_start3A_1517, %dma_start3A_1518, %dma_start3A_1519, %dma_start3A_1526] : memref<4x2x2x80xi32, #tpu.memory_space<vmem>> -> memref<1x1x1x80xi32, #tpu.memory_space<vmem>>
      %dma_start3A_1528 = tpu.memref_squeeze %dma_start3A_1527 : memref<1x1x1x80xi32, #tpu.memory_space<vmem>> -> memref<80xi32, #tpu.memory_space<vmem>>
      %dma_start3A_1529 = arith.constant 0 : i32
      %dma_start3A_1530 = arith.constant 0 : i32
      %dma_start3A_1531 = tpu.memref_slice %arg3[%dma_start3A_1529, %dma_start3A_1530] : memref<20480x128xf32, #tpu.memory_space<hbm>> -> memref<20480x128xf32, #tpu.memory_space<hbm>>
      %dma_start3A_1532 = tpu.memref_slice %arg10[%dma_start3A_1521] : memref<4x!tpu.dma_semaphore, #tpu.memory_space<semaphore_mem>> -> memref<1x!tpu.dma_semaphore, #tpu.memory_space<semaphore_mem>>
      %dma_start3A_1533 = tpu.memref_squeeze %dma_start3A_1532 : memref<1x!tpu.dma_semaphore, #tpu.memory_space<semaphore_mem>> -> memref<!tpu.dma_semaphore, #tpu.memory_space<semaphore_mem>>
      tpu.enqueue_indirect_dma source(%dma_start3A_1531 : memref<20480x128xf32, #tpu.memory_space<hbm>>) target(%dma_start3A_1525 : memref<80x128xf32, #tpu.memory_space<vmem>>) offsets(%dma_start3A_1528 : memref<80xi32, #tpu.memory_space<vmem>>) semaphore(%dma_start3A_1533 : memref<!tpu.dma_semaphore, #tpu.memory_space<semaphore_mem>>)
      %add3A_1534 = arith.constant 1 : i32
      %add3A_1535 = arith.addi %add3A_1219, %add3A_1534 : i32
      %mul3A_1536 = arith.constant 4 : i32
      %mul3A_1537 = arith.muli %add3A_1535, %mul3A_1536 : i32
      %add3A_1538 = arith.constant 3 : i32
      %add3A_1539 = arith.addi %mul3A_1537, %add3A_1538 : i32
      %mul3A_1540 = arith.constant 16 : i32
      %mul3A_1541 = arith.muli %add3A_1539, %mul3A_1540 : i32
      %add3A_1542 = arith.addi %mul3A_1541, %arg1 : i32
      %lt3A_1543 = arith.constant 1984 : i32
      %lt3A_1544 = arith.cmpi slt, %add3A_1542, %lt3A_1543 : i32
      %convert_element_type3A_1545 = arith.extui %lt3A_1544 : i1 to i32
      %cond3A_1546 = arith.constant 0 : i32
      %cond3A_1547 = arith.cmpi ne, %convert_element_type3A_1545, %cond3A_1546 : i32
      scf.if %cond3A_1547 {
        %mul3A_1684 = arith.constant 80 : i32
        %mul3A_1685 = arith.muli %add3A_1542, %mul3A_1684 : i32
        %add3A_1686 = arith.addi %mul3A_2, %mul3A_1685 : i32
        %dma_start3A_1687 = arith.constant 3 : i32
        %dma_start3A_1688 = arith.constant 0 : i32
        %dma_start3A_1689 = arith.constant 0 : i32
        %dma_start3A_1690 = arith.constant 3 : i32
        %dma_start3A_1691 = arith.constant 0 : i32
        %dma_start3A_1692 = arith.constant 0 : i32
        %dma_start3A_1693 = tpu.memref_slice %arg6[%dma_start3A_1687, %dma_start3A_1688, %dma_start3A_1689, %dma_start3A_1692] : memref<4x2x2x80xi32, #tpu.memory_space<vmem>> -> memref<1x1x1x80xi32, #tpu.memory_space<vmem>>
        %dma_start3A_1694 = tpu.memref_squeeze %dma_start3A_1693 : memref<1x1x1x80xi32, #tpu.memory_space<vmem>> -> memref<80xi32, #tpu.memory_space<vmem>>
        %dma_start3A_1695 = tpu.memref_slice %arg2[%add3A_1686] : memref<480000xi32, #tpu.memory_space<hbm>> -> memref<80xi32, #tpu.memory_space<hbm>>
        %dma_start3A_1696 = tpu.memref_slice %arg9[%dma_start3A_1690, %dma_start3A_1691] : memref<4x2x!tpu.dma_semaphore, #tpu.memory_space<semaphore_mem>> -> memref<1x1x!tpu.dma_semaphore, #tpu.memory_space<semaphore_mem>>
        %dma_start3A_1697 = tpu.memref_squeeze %dma_start3A_1696 : memref<1x1x!tpu.dma_semaphore, #tpu.memory_space<semaphore_mem>> -> memref<!tpu.dma_semaphore, #tpu.memory_space<semaphore_mem>>
        %dma_start3A_1698 = arith.constant 0 : i32
        %dma_start3A_1699 = tpu.memref_slice %arg6[%dma_start3A_1687, %dma_start3A_1688, %dma_start3A_1689, %dma_start3A_1698] : memref<4x2x2x80xi32, #tpu.memory_space<vmem>> -> memref<1x1x1x80xi32, #tpu.memory_space<vmem>>
        %dma_start3A_1700 = tpu.memref_squeeze %dma_start3A_1699 : memref<1x1x1x80xi32, #tpu.memory_space<vmem>> -> memref<80xi32, #tpu.memory_space<vmem>>
        %dma_start3A_1701 = tpu.memref_slice %arg2[%add3A_1686] : memref<480000xi32, #tpu.memory_space<hbm>> -> memref<80xi32, #tpu.memory_space<hbm>>
        tpu.enqueue_dma source(%dma_start3A_1701 : memref<80xi32, #tpu.memory_space<hbm>>) target(%dma_start3A_1700 : memref<80xi32, #tpu.memory_space<vmem>>) target_semaphore(%dma_start3A_1697 : memref<!tpu.dma_semaphore, #tpu.memory_space<semaphore_mem>>)
        %mul3A_1702 = arith.constant 80 : i32
        %mul3A_1703 = arith.muli %add3A_1542, %mul3A_1702 : i32
        %add3A_1704 = arith.constant 320000 : i32
        %add3A_1705 = arith.addi %add3A_1704, %mul3A_1703 : i32
        %dma_start3A_1706 = arith.constant 3 : i32
        %dma_start3A_1707 = arith.constant 0 : i32
        %dma_start3A_1708 = arith.constant 1 : i32
        %dma_start3A_1709 = arith.constant 3 : i32
        %dma_start3A_1710 = arith.constant 0 : i32
        %dma_start3A_1711 = arith.constant 0 : i32
        %dma_start3A_1712 = tpu.memref_slice %arg6[%dma_start3A_1706, %dma_start3A_1707, %dma_start3A_1708, %dma_start3A_1711] : memref<4x2x2x80xi32, #tpu.memory_space<vmem>> -> memref<1x1x1x80xi32, #tpu.memory_space<vmem>>
        %dma_start3A_1713 = tpu.memref_squeeze %dma_start3A_1712 : memref<1x1x1x80xi32, #tpu.memory_space<vmem>> -> memref<80xi32, #tpu.memory_space<vmem>>
        %dma_start3A_1714 = tpu.memref_slice %arg2[%add3A_1705] : memref<480000xi32, #tpu.memory_space<hbm>> -> memref<80xi32, #tpu.memory_space<hbm>>
        %dma_start3A_1715 = tpu.memref_slice %arg9[%dma_start3A_1709, %dma_start3A_1710] : memref<4x2x!tpu.dma_semaphore, #tpu.memory_space<semaphore_mem>> -> memref<1x1x!tpu.dma_semaphore, #tpu.memory_space<semaphore_mem>>
        %dma_start3A_1716 = tpu.memref_squeeze %dma_start3A_1715 : memref<1x1x!tpu.dma_semaphore, #tpu.memory_space<semaphore_mem>> -> memref<!tpu.dma_semaphore, #tpu.memory_space<semaphore_mem>>
        %dma_start3A_1717 = arith.constant 0 : i32
        %dma_start3A_1718 = tpu.memref_slice %arg6[%dma_start3A_1706, %dma_start3A_1707, %dma_start3A_1708, %dma_start3A_1717] : memref<4x2x2x80xi32, #tpu.memory_space<vmem>> -> memref<1x1x1x80xi32, #tpu.memory_space<vmem>>
        %dma_start3A_1719 = tpu.memref_squeeze %dma_start3A_1718 : memref<1x1x1x80xi32, #tpu.memory_space<vmem>> -> memref<80xi32, #tpu.memory_space<vmem>>
        %dma_start3A_1720 = tpu.memref_slice %arg2[%add3A_1705] : memref<480000xi32, #tpu.memory_space<hbm>> -> memref<80xi32, #tpu.memory_space<hbm>>
        tpu.enqueue_dma source(%dma_start3A_1720 : memref<80xi32, #tpu.memory_space<hbm>>) target(%dma_start3A_1719 : memref<80xi32, #tpu.memory_space<vmem>>) target_semaphore(%dma_start3A_1716 : memref<!tpu.dma_semaphore, #tpu.memory_space<semaphore_mem>>)
      } else {
      }
      %dma_wait3A_1548 = arith.constant 0 : i32
      %dma_wait3A_1549 = arith.constant 1 : i32
      %dma_wait3A_1550 = arith.constant 0 : i32
      %dma_wait3A_1551 = arith.constant 0 : i32
      %dma_wait3A_1552 = arith.constant 0 : i32
      %dma_wait3A_1553 = arith.constant 0 : i32
      %dma_wait3A_1554 = arith.constant 0 : i32
      %dma_wait3A_1555 = tpu.memref_slice %arg7[%dma_wait3A_1551, %dma_wait3A_1553, %dma_wait3A_1554] : memref<4x80x128xf32, #tpu.memory_space<vmem>> -> memref<1x80x128xf32, #tpu.memory_space<vmem>>
      %dma_wait3A_1556 = tpu.memref_squeeze %dma_wait3A_1555 : memref<1x80x128xf32, #tpu.memory_space<vmem>> -> memref<80x128xf32, #tpu.memory_space<vmem>>
      %dma_wait3A_1557 = arith.constant 0 : i32
      %dma_wait3A_1558 = tpu.memref_slice %arg6[%dma_wait3A_1548, %dma_wait3A_1549, %dma_wait3A_1550, %dma_wait3A_1557] : memref<4x2x2x80xi32, #tpu.memory_space<vmem>> -> memref<1x1x1x80xi32, #tpu.memory_space<vmem>>
      %dma_wait3A_1559 = tpu.memref_squeeze %dma_wait3A_1558 : memref<1x1x1x80xi32, #tpu.memory_space<vmem>> -> memref<80xi32, #tpu.memory_space<vmem>>
      %dma_wait3A_1560 = arith.constant 0 : i32
      %dma_wait3A_1561 = arith.constant 0 : i32
      %dma_wait3A_1562 = tpu.memref_slice %arg3[%dma_wait3A_1560, %dma_wait3A_1561] : memref<20480x128xf32, #tpu.memory_space<hbm>> -> memref<20480x128xf32, #tpu.memory_space<hbm>>
      %dma_wait3A_1563 = tpu.memref_slice %arg10[%dma_wait3A_1552] : memref<4x!tpu.dma_semaphore, #tpu.memory_space<semaphore_mem>> -> memref<1x!tpu.dma_semaphore, #tpu.memory_space<semaphore_mem>>
      %dma_wait3A_1564 = tpu.memref_squeeze %dma_wait3A_1563 : memref<1x!tpu.dma_semaphore, #tpu.memory_space<semaphore_mem>> -> memref<!tpu.dma_semaphore, #tpu.memory_space<semaphore_mem>>
      tpu.wait_indirect_dma semaphore(%dma_wait3A_1564 : memref<!tpu.dma_semaphore, #tpu.memory_space<semaphore_mem>>) src(%dma_wait3A_1562 : memref<20480x128xf32, #tpu.memory_space<hbm>>) dst(%dma_wait3A_1556 : memref<80x128xf32, #tpu.memory_space<vmem>>)
      %dma_start3A_1565 = arith.constant 0 : i32
      %dma_start3A_1566 = arith.constant 0 : i32
      %dma_start3A_1567 = arith.constant 1 : i32
      %dma_start3A_1568 = arith.constant 1 : i32
      %dma_start3A_1569 = arith.constant 0 : i32
      %dma_start3A_1570 = arith.constant 0 : i32
      %dma_start3A_1571 = arith.constant 0 : i32
      %dma_start3A_1572 = tpu.memref_slice %arg7[%dma_start3A_1565, %dma_start3A_1570, %dma_start3A_1571] : memref<4x80x128xf32, #tpu.memory_space<vmem>> -> memref<1x80x128xf32, #tpu.memory_space<vmem>>
      %dma_start3A_1573 = tpu.memref_squeeze %dma_start3A_1572 : memref<1x80x128xf32, #tpu.memory_space<vmem>> -> memref<80x128xf32, #tpu.memory_space<vmem>>
      %dma_start3A_1574 = arith.constant 0 : i32
      %dma_start3A_1575 = tpu.memref_slice %arg6[%dma_start3A_1566, %dma_start3A_1567, %dma_start3A_1568, %dma_start3A_1574] : memref<4x2x2x80xi32, #tpu.memory_space<vmem>> -> memref<1x1x1x80xi32, #tpu.memory_space<vmem>>
      %dma_start3A_1576 = tpu.memref_squeeze %dma_start3A_1575 : memref<1x1x1x80xi32, #tpu.memory_space<vmem>> -> memref<80xi32, #tpu.memory_space<vmem>>
      %dma_start3A_1577 = arith.constant 0 : i32
      %dma_start3A_1578 = arith.constant 0 : i32
      %dma_start3A_1579 = tpu.memref_slice %arg8[%dma_start3A_1577, %dma_start3A_1578] : memref<10240x128xf32, #tpu.memory_space<vmem_shared>> -> memref<10240x128xf32, #tpu.memory_space<vmem_shared>>
      %dma_start3A_1580 = tpu.memref_slice %arg11[%dma_start3A_1569] : memref<4x!tpu.dma_semaphore, #tpu.memory_space<semaphore_mem>> -> memref<1x!tpu.dma_semaphore, #tpu.memory_space<semaphore_mem>>
      %dma_start3A_1581 = tpu.memref_squeeze %dma_start3A_1580 : memref<1x!tpu.dma_semaphore, #tpu.memory_space<semaphore_mem>> -> memref<!tpu.dma_semaphore, #tpu.memory_space<semaphore_mem>>
      tpu.enqueue_indirect_dma source(%dma_start3A_1573 : memref<80x128xf32, #tpu.memory_space<vmem>>) target(%dma_start3A_1579 : memref<10240x128xf32, #tpu.memory_space<vmem_shared>>) offsets(%dma_start3A_1576 : memref<80xi32, #tpu.memory_space<vmem>>) semaphore(%dma_start3A_1581 : memref<!tpu.dma_semaphore, #tpu.memory_space<semaphore_mem>>) {add = true}
      %dma_wait3A_1582 = arith.constant 1 : i32
      %dma_wait3A_1583 = arith.constant 1 : i32
      %dma_wait3A_1584 = arith.constant 0 : i32
      %dma_wait3A_1585 = arith.constant 1 : i32
      %dma_wait3A_1586 = arith.constant 1 : i32
      %dma_wait3A_1587 = arith.constant 0 : i32
      %dma_wait3A_1588 = arith.constant 0 : i32
      %dma_wait3A_1589 = tpu.memref_slice %arg7[%dma_wait3A_1585, %dma_wait3A_1587, %dma_wait3A_1588] : memref<4x80x128xf32, #tpu.memory_space<vmem>> -> memref<1x80x128xf32, #tpu.memory_space<vmem>>
      %dma_wait3A_1590 = tpu.memref_squeeze %dma_wait3A_1589 : memref<1x80x128xf32, #tpu.memory_space<vmem>> -> memref<80x128xf32, #tpu.memory_space<vmem>>
      %dma_wait3A_1591 = arith.constant 0 : i32
      %dma_wait3A_1592 = tpu.memref_slice %arg6[%dma_wait3A_1582, %dma_wait3A_1583, %dma_wait3A_1584, %dma_wait3A_1591] : memref<4x2x2x80xi32, #tpu.memory_space<vmem>> -> memref<1x1x1x80xi32, #tpu.memory_space<vmem>>
      %dma_wait3A_1593 = tpu.memref_squeeze %dma_wait3A_1592 : memref<1x1x1x80xi32, #tpu.memory_space<vmem>> -> memref<80xi32, #tpu.memory_space<vmem>>
      %dma_wait3A_1594 = arith.constant 0 : i32
      %dma_wait3A_1595 = arith.constant 0 : i32
      %dma_wait3A_1596 = tpu.memref_slice %arg3[%dma_wait3A_1594, %dma_wait3A_1595] : memref<20480x128xf32, #tpu.memory_space<hbm>> -> memref<20480x128xf32, #tpu.memory_space<hbm>>
      %dma_wait3A_1597 = tpu.memref_slice %arg10[%dma_wait3A_1586] : memref<4x!tpu.dma_semaphore, #tpu.memory_space<semaphore_mem>> -> memref<1x!tpu.dma_semaphore, #tpu.memory_space<semaphore_mem>>
      %dma_wait3A_1598 = tpu.memref_squeeze %dma_wait3A_1597 : memref<1x!tpu.dma_semaphore, #tpu.memory_space<semaphore_mem>> -> memref<!tpu.dma_semaphore, #tpu.memory_space<semaphore_mem>>
      tpu.wait_indirect_dma semaphore(%dma_wait3A_1598 : memref<!tpu.dma_semaphore, #tpu.memory_space<semaphore_mem>>) src(%dma_wait3A_1596 : memref<20480x128xf32, #tpu.memory_space<hbm>>) dst(%dma_wait3A_1590 : memref<80x128xf32, #tpu.memory_space<vmem>>)
      %dma_start3A_1599 = arith.constant 1 : i32
      %dma_start3A_1600 = arith.constant 1 : i32
      %dma_start3A_1601 = arith.constant 1 : i32
      %dma_start3A_1602 = arith.constant 1 : i32
      %dma_start3A_1603 = arith.constant 1 : i32
      %dma_start3A_1604 = arith.constant 0 : i32
      %dma_start3A_1605 = arith.constant 0 : i32
      %dma_start3A_1606 = tpu.memref_slice %arg7[%dma_start3A_1599, %dma_start3A_1604, %dma_start3A_1605] : memref<4x80x128xf32, #tpu.memory_space<vmem>> -> memref<1x80x128xf32, #tpu.memory_space<vmem>>
      %dma_start3A_1607 = tpu.memref_squeeze %dma_start3A_1606 : memref<1x80x128xf32, #tpu.memory_space<vmem>> -> memref<80x128xf32, #tpu.memory_space<vmem>>
      %dma_start3A_1608 = arith.constant 0 : i32
      %dma_start3A_1609 = tpu.memref_slice %arg6[%dma_start3A_1600, %dma_start3A_1601, %dma_start3A_1602, %dma_start3A_1608] : memref<4x2x2x80xi32, #tpu.memory_space<vmem>> -> memref<1x1x1x80xi32, #tpu.memory_space<vmem>>
      %dma_start3A_1610 = tpu.memref_squeeze %dma_start3A_1609 : memref<1x1x1x80xi32, #tpu.memory_space<vmem>> -> memref<80xi32, #tpu.memory_space<vmem>>
      %dma_start3A_1611 = arith.constant 0 : i32
      %dma_start3A_1612 = arith.constant 0 : i32
      %dma_start3A_1613 = tpu.memref_slice %arg8[%dma_start3A_1611, %dma_start3A_1612] : memref<10240x128xf32, #tpu.memory_space<vmem_shared>> -> memref<10240x128xf32, #tpu.memory_space<vmem_shared>>
      %dma_start3A_1614 = tpu.memref_slice %arg11[%dma_start3A_1603] : memref<4x!tpu.dma_semaphore, #tpu.memory_space<semaphore_mem>> -> memref<1x!tpu.dma_semaphore, #tpu.memory_space<semaphore_mem>>
      %dma_start3A_1615 = tpu.memref_squeeze %dma_start3A_1614 : memref<1x!tpu.dma_semaphore, #tpu.memory_space<semaphore_mem>> -> memref<!tpu.dma_semaphore, #tpu.memory_space<semaphore_mem>>
      tpu.enqueue_indirect_dma source(%dma_start3A_1607 : memref<80x128xf32, #tpu.memory_space<vmem>>) target(%dma_start3A_1613 : memref<10240x128xf32, #tpu.memory_space<vmem_shared>>) offsets(%dma_start3A_1610 : memref<80xi32, #tpu.memory_space<vmem>>) semaphore(%dma_start3A_1615 : memref<!tpu.dma_semaphore, #tpu.memory_space<semaphore_mem>>) {add = true}
      %dma_wait3A_1616 = arith.constant 2 : i32
      %dma_wait3A_1617 = arith.constant 1 : i32
      %dma_wait3A_1618 = arith.constant 0 : i32
      %dma_wait3A_1619 = arith.constant 2 : i32
      %dma_wait3A_1620 = arith.constant 2 : i32
      %dma_wait3A_1621 = arith.constant 0 : i32
      %dma_wait3A_1622 = arith.constant 0 : i32
      %dma_wait3A_1623 = tpu.memref_slice %arg7[%dma_wait3A_1619, %dma_wait3A_1621, %dma_wait3A_1622] : memref<4x80x128xf32, #tpu.memory_space<vmem>> -> memref<1x80x128xf32, #tpu.memory_space<vmem>>
      %dma_wait3A_1624 = tpu.memref_squeeze %dma_wait3A_1623 : memref<1x80x128xf32, #tpu.memory_space<vmem>> -> memref<80x128xf32, #tpu.memory_space<vmem>>
      %dma_wait3A_1625 = arith.constant 0 : i32
      %dma_wait3A_1626 = tpu.memref_slice %arg6[%dma_wait3A_1616, %dma_wait3A_1617, %dma_wait3A_1618, %dma_wait3A_1625] : memref<4x2x2x80xi32, #tpu.memory_space<vmem>> -> memref<1x1x1x80xi32, #tpu.memory_space<vmem>>
      %dma_wait3A_1627 = tpu.memref_squeeze %dma_wait3A_1626 : memref<1x1x1x80xi32, #tpu.memory_space<vmem>> -> memref<80xi32, #tpu.memory_space<vmem>>
      %dma_wait3A_1628 = arith.constant 0 : i32
      %dma_wait3A_1629 = arith.constant 0 : i32
      %dma_wait3A_1630 = tpu.memref_slice %arg3[%dma_wait3A_1628, %dma_wait3A_1629] : memref<20480x128xf32, #tpu.memory_space<hbm>> -> memref<20480x128xf32, #tpu.memory_space<hbm>>
      %dma_wait3A_1631 = tpu.memref_slice %arg10[%dma_wait3A_1620] : memref<4x!tpu.dma_semaphore, #tpu.memory_space<semaphore_mem>> -> memref<1x!tpu.dma_semaphore, #tpu.memory_space<semaphore_mem>>
      %dma_wait3A_1632 = tpu.memref_squeeze %dma_wait3A_1631 : memref<1x!tpu.dma_semaphore, #tpu.memory_space<semaphore_mem>> -> memref<!tpu.dma_semaphore, #tpu.memory_space<semaphore_mem>>
      tpu.wait_indirect_dma semaphore(%dma_wait3A_1632 : memref<!tpu.dma_semaphore, #tpu.memory_space<semaphore_mem>>) src(%dma_wait3A_1630 : memref<20480x128xf32, #tpu.memory_space<hbm>>) dst(%dma_wait3A_1624 : memref<80x128xf32, #tpu.memory_space<vmem>>)
      %dma_start3A_1633 = arith.constant 2 : i32
      %dma_start3A_1634 = arith.constant 2 : i32
      %dma_start3A_1635 = arith.constant 1 : i32
      %dma_start3A_1636 = arith.constant 1 : i32
      %dma_start3A_1637 = arith.constant 2 : i32
      %dma_start3A_1638 = arith.constant 0 : i32
      %dma_start3A_1639 = arith.constant 0 : i32
      %dma_start3A_1640 = tpu.memref_slice %arg7[%dma_start3A_1633, %dma_start3A_1638, %dma_start3A_1639] : memref<4x80x128xf32, #tpu.memory_space<vmem>> -> memref<1x80x128xf32, #tpu.memory_space<vmem>>
      %dma_start3A_1641 = tpu.memref_squeeze %dma_start3A_1640 : memref<1x80x128xf32, #tpu.memory_space<vmem>> -> memref<80x128xf32, #tpu.memory_space<vmem>>
      %dma_start3A_1642 = arith.constant 0 : i32
      %dma_start3A_1643 = tpu.memref_slice %arg6[%dma_start3A_1634, %dma_start3A_1635, %dma_start3A_1636, %dma_start3A_1642] : memref<4x2x2x80xi32, #tpu.memory_space<vmem>> -> memref<1x1x1x80xi32, #tpu.memory_space<vmem>>
      %dma_start3A_1644 = tpu.memref_squeeze %dma_start3A_1643 : memref<1x1x1x80xi32, #tpu.memory_space<vmem>> -> memref<80xi32, #tpu.memory_space<vmem>>
      %dma_start3A_1645 = arith.constant 0 : i32
      %dma_start3A_1646 = arith.constant 0 : i32
      %dma_start3A_1647 = tpu.memref_slice %arg8[%dma_start3A_1645, %dma_start3A_1646] : memref<10240x128xf32, #tpu.memory_space<vmem_shared>> -> memref<10240x128xf32, #tpu.memory_space<vmem_shared>>
      %dma_start3A_1648 = tpu.memref_slice %arg11[%dma_start3A_1637] : memref<4x!tpu.dma_semaphore, #tpu.memory_space<semaphore_mem>> -> memref<1x!tpu.dma_semaphore, #tpu.memory_space<semaphore_mem>>
      %dma_start3A_1649 = tpu.memref_squeeze %dma_start3A_1648 : memref<1x!tpu.dma_semaphore, #tpu.memory_space<semaphore_mem>> -> memref<!tpu.dma_semaphore, #tpu.memory_space<semaphore_mem>>
      tpu.enqueue_indirect_dma source(%dma_start3A_1641 : memref<80x128xf32, #tpu.memory_space<vmem>>) target(%dma_start3A_1647 : memref<10240x128xf32, #tpu.memory_space<vmem_shared>>) offsets(%dma_start3A_1644 : memref<80xi32, #tpu.memory_space<vmem>>) semaphore(%dma_start3A_1649 : memref<!tpu.dma_semaphore, #tpu.memory_space<semaphore_mem>>) {add = true}
      %dma_wait3A_1650 = arith.constant 3 : i32
      %dma_wait3A_1651 = arith.constant 1 : i32
      %dma_wait3A_1652 = arith.constant 0 : i32
      %dma_wait3A_1653 = arith.constant 3 : i32
      %dma_wait3A_1654 = arith.constant 3 : i32
      %dma_wait3A_1655 = arith.constant 0 : i32
      %dma_wait3A_1656 = arith.constant 0 : i32
      %dma_wait3A_1657 = tpu.memref_slice %arg7[%dma_wait3A_1653, %dma_wait3A_1655, %dma_wait3A_1656] : memref<4x80x128xf32, #tpu.memory_space<vmem>> -> memref<1x80x128xf32, #tpu.memory_space<vmem>>
      %dma_wait3A_1658 = tpu.memref_squeeze %dma_wait3A_1657 : memref<1x80x128xf32, #tpu.memory_space<vmem>> -> memref<80x128xf32, #tpu.memory_space<vmem>>
      %dma_wait3A_1659 = arith.constant 0 : i32
      %dma_wait3A_1660 = tpu.memref_slice %arg6[%dma_wait3A_1650, %dma_wait3A_1651, %dma_wait3A_1652, %dma_wait3A_1659] : memref<4x2x2x80xi32, #tpu.memory_space<vmem>> -> memref<1x1x1x80xi32, #tpu.memory_space<vmem>>
      %dma_wait3A_1661 = tpu.memref_squeeze %dma_wait3A_1660 : memref<1x1x1x80xi32, #tpu.memory_space<vmem>> -> memref<80xi32, #tpu.memory_space<vmem>>
      %dma_wait3A_1662 = arith.constant 0 : i32
      %dma_wait3A_1663 = arith.constant 0 : i32
      %dma_wait3A_1664 = tpu.memref_slice %arg3[%dma_wait3A_1662, %dma_wait3A_1663] : memref<20480x128xf32, #tpu.memory_space<hbm>> -> memref<20480x128xf32, #tpu.memory_space<hbm>>
      %dma_wait3A_1665 = tpu.memref_slice %arg10[%dma_wait3A_1654] : memref<4x!tpu.dma_semaphore, #tpu.memory_space<semaphore_mem>> -> memref<1x!tpu.dma_semaphore, #tpu.memory_space<semaphore_mem>>
      %dma_wait3A_1666 = tpu.memref_squeeze %dma_wait3A_1665 : memref<1x!tpu.dma_semaphore, #tpu.memory_space<semaphore_mem>> -> memref<!tpu.dma_semaphore, #tpu.memory_space<semaphore_mem>>
      tpu.wait_indirect_dma semaphore(%dma_wait3A_1666 : memref<!tpu.dma_semaphore, #tpu.memory_space<semaphore_mem>>) src(%dma_wait3A_1664 : memref<20480x128xf32, #tpu.memory_space<hbm>>) dst(%dma_wait3A_1658 : memref<80x128xf32, #tpu.memory_space<vmem>>)
      %dma_start3A_1667 = arith.constant 3 : i32
      %dma_start3A_1668 = arith.constant 3 : i32
      %dma_start3A_1669 = arith.constant 1 : i32
      %dma_start3A_1670 = arith.constant 1 : i32
      %dma_start3A_1671 = arith.constant 3 : i32
      %dma_start3A_1672 = arith.constant 0 : i32
      %dma_start3A_1673 = arith.constant 0 : i32
      %dma_start3A_1674 = tpu.memref_slice %arg7[%dma_start3A_1667, %dma_start3A_1672, %dma_start3A_1673] : memref<4x80x128xf32, #tpu.memory_space<vmem>> -> memref<1x80x128xf32, #tpu.memory_space<vmem>>
      %dma_start3A_1675 = tpu.memref_squeeze %dma_start3A_1674 : memref<1x80x128xf32, #tpu.memory_space<vmem>> -> memref<80x128xf32, #tpu.memory_space<vmem>>
      %dma_start3A_1676 = arith.constant 0 : i32
      %dma_start3A_1677 = tpu.memref_slice %arg6[%dma_start3A_1668, %dma_start3A_1669, %dma_start3A_1670, %dma_start3A_1676] : memref<4x2x2x80xi32, #tpu.memory_space<vmem>> -> memref<1x1x1x80xi32, #tpu.memory_space<vmem>>
      %dma_start3A_1678 = tpu.memref_squeeze %dma_start3A_1677 : memref<1x1x1x80xi32, #tpu.memory_space<vmem>> -> memref<80xi32, #tpu.memory_space<vmem>>
      %dma_start3A_1679 = arith.constant 0 : i32
      %dma_start3A_1680 = arith.constant 0 : i32
      %dma_start3A_1681 = tpu.memref_slice %arg8[%dma_start3A_1679, %dma_start3A_1680] : memref<10240x128xf32, #tpu.memory_space<vmem_shared>> -> memref<10240x128xf32, #tpu.memory_space<vmem_shared>>
      %dma_start3A_1682 = tpu.memref_slice %arg11[%dma_start3A_1671] : memref<4x!tpu.dma_semaphore, #tpu.memory_space<semaphore_mem>> -> memref<1x!tpu.dma_semaphore, #tpu.memory_space<semaphore_mem>>
      %dma_start3A_1683 = tpu.memref_squeeze %dma_start3A_1682 : memref<1x!tpu.dma_semaphore, #tpu.memory_space<semaphore_mem>> -> memref<!tpu.dma_semaphore, #tpu.memory_space<semaphore_mem>>
      tpu.enqueue_indirect_dma source(%dma_start3A_1675 : memref<80x128xf32, #tpu.memory_space<vmem>>) target(%dma_start3A_1681 : memref<10240x128xf32, #tpu.memory_space<vmem_shared>>) offsets(%dma_start3A_1678 : memref<80xi32, #tpu.memory_space<vmem>>) semaphore(%dma_start3A_1683 : memref<!tpu.dma_semaphore, #tpu.memory_space<semaphore_mem>>) {add = true}
    }
    %scan3A_522 = arith.constant 15 : i32
    %dma_wait3A_523 = arith.constant 0 : i32
    %dma_wait3A_524 = arith.constant 0 : i32
    %dma_wait3A_525 = arith.constant 0 : i32
    %dma_wait3A_526 = arith.constant 1 : i32
    %dma_wait3A_527 = arith.constant 0 : i32
    %dma_wait3A_528 = arith.constant 0 : i32
    %dma_wait3A_529 = arith.constant 0 : i32
    %dma_wait3A_530 = tpu.memref_slice %arg7[%dma_wait3A_523, %dma_wait3A_528, %dma_wait3A_529] : memref<4x80x128xf32, #tpu.memory_space<vmem>> -> memref<1x80x128xf32, #tpu.memory_space<vmem>>
    %dma_wait3A_531 = tpu.memref_squeeze %dma_wait3A_530 : memref<1x80x128xf32, #tpu.memory_space<vmem>> -> memref<80x128xf32, #tpu.memory_space<vmem>>
    %dma_wait3A_532 = arith.constant 0 : i32
    %dma_wait3A_533 = tpu.memref_slice %arg6[%dma_wait3A_524, %dma_wait3A_525, %dma_wait3A_526, %dma_wait3A_532] : memref<4x2x2x80xi32, #tpu.memory_space<vmem>> -> memref<1x1x1x80xi32, #tpu.memory_space<vmem>>
    %dma_wait3A_534 = tpu.memref_squeeze %dma_wait3A_533 : memref<1x1x1x80xi32, #tpu.memory_space<vmem>> -> memref<80xi32, #tpu.memory_space<vmem>>
    %dma_wait3A_535 = arith.constant 0 : i32
    %dma_wait3A_536 = arith.constant 0 : i32
    %dma_wait3A_537 = tpu.memref_slice %arg8[%dma_wait3A_535, %dma_wait3A_536] : memref<10240x128xf32, #tpu.memory_space<vmem_shared>> -> memref<10240x128xf32, #tpu.memory_space<vmem_shared>>
    %dma_wait3A_538 = tpu.memref_slice %arg11[%dma_wait3A_527] : memref<4x!tpu.dma_semaphore, #tpu.memory_space<semaphore_mem>> -> memref<1x!tpu.dma_semaphore, #tpu.memory_space<semaphore_mem>>
    %dma_wait3A_539 = tpu.memref_squeeze %dma_wait3A_538 : memref<1x!tpu.dma_semaphore, #tpu.memory_space<semaphore_mem>> -> memref<!tpu.dma_semaphore, #tpu.memory_space<semaphore_mem>>
    tpu.wait_indirect_dma semaphore(%dma_wait3A_539 : memref<!tpu.dma_semaphore, #tpu.memory_space<semaphore_mem>>) src(%dma_wait3A_531 : memref<80x128xf32, #tpu.memory_space<vmem>>) dst(%dma_wait3A_537 : memref<10240x128xf32, #tpu.memory_space<vmem_shared>>)
    %dma_wait3A_540 = arith.constant 0 : i32
    %dma_wait3A_541 = arith.constant 0 : i32
    %dma_wait3A_542 = arith.constant 0 : i32
    %dma_wait3A_543 = arith.constant 0 : i32
    %dma_wait3A_544 = arith.constant 0 : i32
    %dma_wait3A_545 = arith.constant 0 : i32
    %dma_wait3A_546 = tpu.memref_slice %arg6[%dma_wait3A_540, %dma_wait3A_541, %dma_wait3A_542, %dma_wait3A_545] : memref<4x2x2x80xi32, #tpu.memory_space<vmem>> -> memref<1x1x1x80xi32, #tpu.memory_space<vmem>>
    %dma_wait3A_547 = tpu.memref_squeeze %dma_wait3A_546 : memref<1x1x1x80xi32, #tpu.memory_space<vmem>> -> memref<80xi32, #tpu.memory_space<vmem>>
    %dma_wait3A_548 = arith.constant 0 : i32
    %dma_wait3A_549 = tpu.memref_slice %arg2[%dma_wait3A_548] : memref<480000xi32, #tpu.memory_space<hbm>> -> memref<80xi32, #tpu.memory_space<hbm>>
    %dma_wait3A_550 = tpu.memref_slice %arg9[%dma_wait3A_543, %dma_wait3A_544] : memref<4x2x!tpu.dma_semaphore, #tpu.memory_space<semaphore_mem>> -> memref<1x1x!tpu.dma_semaphore, #tpu.memory_space<semaphore_mem>>
    %dma_wait3A_551 = tpu.memref_squeeze %dma_wait3A_550 : memref<1x1x!tpu.dma_semaphore, #tpu.memory_space<semaphore_mem>> -> memref<!tpu.dma_semaphore, #tpu.memory_space<semaphore_mem>>
    %dma_wait3A_552 = arith.constant 0 : i32
    %dma_wait3A_553 = tpu.memref_slice %arg6[%dma_wait3A_540, %dma_wait3A_541, %dma_wait3A_542, %dma_wait3A_552] : memref<4x2x2x80xi32, #tpu.memory_space<vmem>> -> memref<1x1x1x80xi32, #tpu.memory_space<vmem>>
    %dma_wait3A_554 = tpu.memref_squeeze %dma_wait3A_553 : memref<1x1x1x80xi32, #tpu.memory_space<vmem>> -> memref<80xi32, #tpu.memory_space<vmem>>
    %dma_wait3A_555 = arith.constant 0 : i32
    %dma_wait3A_556 = tpu.memref_slice %arg2[%dma_wait3A_555] : memref<480000xi32, #tpu.memory_space<hbm>> -> memref<80xi32, #tpu.memory_space<hbm>>
    tpu.wait_dma2 semaphore(%dma_wait3A_551 : memref<!tpu.dma_semaphore, #tpu.memory_space<semaphore_mem>>) src(%dma_wait3A_556 : memref<80xi32, #tpu.memory_space<hbm>>) dst(%dma_wait3A_554 : memref<80xi32, #tpu.memory_space<vmem>>)
    %dma_wait3A_557 = arith.constant 0 : i32
    %dma_wait3A_558 = arith.constant 0 : i32
    %dma_wait3A_559 = arith.constant 1 : i32
    %dma_wait3A_560 = arith.constant 0 : i32
    %dma_wait3A_561 = arith.constant 0 : i32
    %dma_wait3A_562 = arith.constant 0 : i32
    %dma_wait3A_563 = tpu.memref_slice %arg6[%dma_wait3A_557, %dma_wait3A_558, %dma_wait3A_559, %dma_wait3A_562] : memref<4x2x2x80xi32, #tpu.memory_space<vmem>> -> memref<1x1x1x80xi32, #tpu.memory_space<vmem>>
    %dma_wait3A_564 = tpu.memref_squeeze %dma_wait3A_563 : memref<1x1x1x80xi32, #tpu.memory_space<vmem>> -> memref<80xi32, #tpu.memory_space<vmem>>
    %dma_wait3A_565 = arith.constant 0 : i32
    %dma_wait3A_566 = tpu.memref_slice %arg2[%dma_wait3A_565] : memref<480000xi32, #tpu.memory_space<hbm>> -> memref<80xi32, #tpu.memory_space<hbm>>
    %dma_wait3A_567 = tpu.memref_slice %arg9[%dma_wait3A_560, %dma_wait3A_561] : memref<4x2x!tpu.dma_semaphore, #tpu.memory_space<semaphore_mem>> -> memref<1x1x!tpu.dma_semaphore, #tpu.memory_space<semaphore_mem>>
    %dma_wait3A_568 = tpu.memref_squeeze %dma_wait3A_567 : memref<1x1x!tpu.dma_semaphore, #tpu.memory_space<semaphore_mem>> -> memref<!tpu.dma_semaphore, #tpu.memory_space<semaphore_mem>>
    %dma_wait3A_569 = arith.constant 0 : i32
    %dma_wait3A_570 = tpu.memref_slice %arg6[%dma_wait3A_557, %dma_wait3A_558, %dma_wait3A_559, %dma_wait3A_569] : memref<4x2x2x80xi32, #tpu.memory_space<vmem>> -> memref<1x1x1x80xi32, #tpu.memory_space<vmem>>
    %dma_wait3A_571 = tpu.memref_squeeze %dma_wait3A_570 : memref<1x1x1x80xi32, #tpu.memory_space<vmem>> -> memref<80xi32, #tpu.memory_space<vmem>>
    %dma_wait3A_572 = arith.constant 0 : i32
    %dma_wait3A_573 = tpu.memref_slice %arg2[%dma_wait3A_572] : memref<480000xi32, #tpu.memory_space<hbm>> -> memref<80xi32, #tpu.memory_space<hbm>>
    tpu.wait_dma2 semaphore(%dma_wait3A_568 : memref<!tpu.dma_semaphore, #tpu.memory_space<semaphore_mem>>) src(%dma_wait3A_573 : memref<80xi32, #tpu.memory_space<hbm>>) dst(%dma_wait3A_571 : memref<80xi32, #tpu.memory_space<vmem>>)
    %dma_start3A_574 = arith.constant 0 : i32
    %dma_start3A_575 = arith.constant 0 : i32
    %dma_start3A_576 = arith.constant 0 : i32
    %dma_start3A_577 = arith.constant 0 : i32
    %dma_start3A_578 = arith.constant 0 : i32
    %dma_start3A_579 = arith.constant 0 : i32
    %dma_start3A_580 = arith.constant 0 : i32
    %dma_start3A_581 = tpu.memref_slice %arg7[%dma_start3A_577, %dma_start3A_579, %dma_start3A_580] : memref<4x80x128xf32, #tpu.memory_space<vmem>> -> memref<1x80x128xf32, #tpu.memory_space<vmem>>
    %dma_start3A_582 = tpu.memref_squeeze %dma_start3A_581 : memref<1x80x128xf32, #tpu.memory_space<vmem>> -> memref<80x128xf32, #tpu.memory_space<vmem>>
    %dma_start3A_583 = arith.constant 0 : i32
    %dma_start3A_584 = tpu.memref_slice %arg6[%dma_start3A_574, %dma_start3A_575, %dma_start3A_576, %dma_start3A_583] : memref<4x2x2x80xi32, #tpu.memory_space<vmem>> -> memref<1x1x1x80xi32, #tpu.memory_space<vmem>>
    %dma_start3A_585 = tpu.memref_squeeze %dma_start3A_584 : memref<1x1x1x80xi32, #tpu.memory_space<vmem>> -> memref<80xi32, #tpu.memory_space<vmem>>
    %dma_start3A_586 = arith.constant 0 : i32
    %dma_start3A_587 = arith.constant 0 : i32
    %dma_start3A_588 = tpu.memref_slice %arg3[%dma_start3A_586, %dma_start3A_587] : memref<20480x128xf32, #tpu.memory_space<hbm>> -> memref<20480x128xf32, #tpu.memory_space<hbm>>
    %dma_start3A_589 = tpu.memref_slice %arg10[%dma_start3A_578] : memref<4x!tpu.dma_semaphore, #tpu.memory_space<semaphore_mem>> -> memref<1x!tpu.dma_semaphore, #tpu.memory_space<semaphore_mem>>
    %dma_start3A_590 = tpu.memref_squeeze %dma_start3A_589 : memref<1x!tpu.dma_semaphore, #tpu.memory_space<semaphore_mem>> -> memref<!tpu.dma_semaphore, #tpu.memory_space<semaphore_mem>>
    tpu.enqueue_indirect_dma source(%dma_start3A_588 : memref<20480x128xf32, #tpu.memory_space<hbm>>) target(%dma_start3A_582 : memref<80x128xf32, #tpu.memory_space<vmem>>) offsets(%dma_start3A_585 : memref<80xi32, #tpu.memory_space<vmem>>) semaphore(%dma_start3A_590 : memref<!tpu.dma_semaphore, #tpu.memory_space<semaphore_mem>>)
    %add3A_591 = arith.constant 1984 : i32
    %add3A_592 = arith.addi %add3A_591, %arg1 : i32
    %lt3A = arith.constant 1984 : i32
    %lt3A_593 = arith.cmpi slt, %add3A_592, %lt3A : i32
    %convert_element_type3A = arith.extui %lt3A_593 : i1 to i32
    %cond3A = arith.constant 0 : i32
    %cond3A_594 = arith.cmpi ne, %convert_element_type3A, %cond3A : i32
    scf.if %cond3A_594 {
      %mul3A_1056 = arith.constant 80 : i32
      %mul3A_1057 = arith.muli %add3A_592, %mul3A_1056 : i32
      %add3A_1058 = arith.addi %mul3A_2, %mul3A_1057 : i32
      %dma_start3A_1059 = arith.constant 0 : i32
      %dma_start3A_1060 = arith.constant 1 : i32
      %dma_start3A_1061 = arith.constant 0 : i32
      %dma_start3A_1062 = arith.constant 0 : i32
      %dma_start3A_1063 = arith.constant 1 : i32
      %dma_start3A_1064 = arith.constant 0 : i32
      %dma_start3A_1065 = tpu.memref_slice %arg6[%dma_start3A_1059, %dma_start3A_1060, %dma_start3A_1061, %dma_start3A_1064] : memref<4x2x2x80xi32, #tpu.memory_space<vmem>> -> memref<1x1x1x80xi32, #tpu.memory_space<vmem>>
      %dma_start3A_1066 = tpu.memref_squeeze %dma_start3A_1065 : memref<1x1x1x80xi32, #tpu.memory_space<vmem>> -> memref<80xi32, #tpu.memory_space<vmem>>
      %dma_start3A_1067 = tpu.memref_slice %arg2[%add3A_1058] : memref<480000xi32, #tpu.memory_space<hbm>> -> memref<80xi32, #tpu.memory_space<hbm>>
      %dma_start3A_1068 = tpu.memref_slice %arg9[%dma_start3A_1062, %dma_start3A_1063] : memref<4x2x!tpu.dma_semaphore, #tpu.memory_space<semaphore_mem>> -> memref<1x1x!tpu.dma_semaphore, #tpu.memory_space<semaphore_mem>>
      %dma_start3A_1069 = tpu.memref_squeeze %dma_start3A_1068 : memref<1x1x!tpu.dma_semaphore, #tpu.memory_space<semaphore_mem>> -> memref<!tpu.dma_semaphore, #tpu.memory_space<semaphore_mem>>
      %dma_start3A_1070 = arith.constant 0 : i32
      %dma_start3A_1071 = tpu.memref_slice %arg6[%dma_start3A_1059, %dma_start3A_1060, %dma_start3A_1061, %dma_start3A_1070] : memref<4x2x2x80xi32, #tpu.memory_space<vmem>> -> memref<1x1x1x80xi32, #tpu.memory_space<vmem>>
      %dma_start3A_1072 = tpu.memref_squeeze %dma_start3A_1071 : memref<1x1x1x80xi32, #tpu.memory_space<vmem>> -> memref<80xi32, #tpu.memory_space<vmem>>
      %dma_start3A_1073 = tpu.memref_slice %arg2[%add3A_1058] : memref<480000xi32, #tpu.memory_space<hbm>> -> memref<80xi32, #tpu.memory_space<hbm>>
      tpu.enqueue_dma source(%dma_start3A_1073 : memref<80xi32, #tpu.memory_space<hbm>>) target(%dma_start3A_1072 : memref<80xi32, #tpu.memory_space<vmem>>) target_semaphore(%dma_start3A_1069 : memref<!tpu.dma_semaphore, #tpu.memory_space<semaphore_mem>>)
      %mul3A_1074 = arith.constant 80 : i32
      %mul3A_1075 = arith.muli %add3A_592, %mul3A_1074 : i32
      %add3A_1076 = arith.constant 320000 : i32
      %add3A_1077 = arith.addi %add3A_1076, %mul3A_1075 : i32
      %dma_start3A_1078 = arith.constant 0 : i32
      %dma_start3A_1079 = arith.constant 1 : i32
      %dma_start3A_1080 = arith.constant 1 : i32
      %dma_start3A_1081 = arith.constant 0 : i32
      %dma_start3A_1082 = arith.constant 1 : i32
      %dma_start3A_1083 = arith.constant 0 : i32
      %dma_start3A_1084 = tpu.memref_slice %arg6[%dma_start3A_1078, %dma_start3A_1079, %dma_start3A_1080, %dma_start3A_1083] : memref<4x2x2x80xi32, #tpu.memory_space<vmem>> -> memref<1x1x1x80xi32, #tpu.memory_space<vmem>>
      %dma_start3A_1085 = tpu.memref_squeeze %dma_start3A_1084 : memref<1x1x1x80xi32, #tpu.memory_space<vmem>> -> memref<80xi32, #tpu.memory_space<vmem>>
      %dma_start3A_1086 = tpu.memref_slice %arg2[%add3A_1077] : memref<480000xi32, #tpu.memory_space<hbm>> -> memref<80xi32, #tpu.memory_space<hbm>>
      %dma_start3A_1087 = tpu.memref_slice %arg9[%dma_start3A_1081, %dma_start3A_1082] : memref<4x2x!tpu.dma_semaphore, #tpu.memory_space<semaphore_mem>> -> memref<1x1x!tpu.dma_semaphore, #tpu.memory_space<semaphore_mem>>
      %dma_start3A_1088 = tpu.memref_squeeze %dma_start3A_1087 : memref<1x1x!tpu.dma_semaphore, #tpu.memory_space<semaphore_mem>> -> memref<!tpu.dma_semaphore, #tpu.memory_space<semaphore_mem>>
      %dma_start3A_1089 = arith.constant 0 : i32
      %dma_start3A_1090 = tpu.memref_slice %arg6[%dma_start3A_1078, %dma_start3A_1079, %dma_start3A_1080, %dma_start3A_1089] : memref<4x2x2x80xi32, #tpu.memory_space<vmem>> -> memref<1x1x1x80xi32, #tpu.memory_space<vmem>>
      %dma_start3A_1091 = tpu.memref_squeeze %dma_start3A_1090 : memref<1x1x1x80xi32, #tpu.memory_space<vmem>> -> memref<80xi32, #tpu.memory_space<vmem>>
      %dma_start3A_1092 = tpu.memref_slice %arg2[%add3A_1077] : memref<480000xi32, #tpu.memory_space<hbm>> -> memref<80xi32, #tpu.memory_space<hbm>>
      tpu.enqueue_dma source(%dma_start3A_1092 : memref<80xi32, #tpu.memory_space<hbm>>) target(%dma_start3A_1091 : memref<80xi32, #tpu.memory_space<vmem>>) target_semaphore(%dma_start3A_1088 : memref<!tpu.dma_semaphore, #tpu.memory_space<semaphore_mem>>)
    } else {
    }
    %dma_wait3A_595 = arith.constant 1 : i32
    %dma_wait3A_596 = arith.constant 1 : i32
    %dma_wait3A_597 = arith.constant 0 : i32
    %dma_wait3A_598 = arith.constant 1 : i32
    %dma_wait3A_599 = arith.constant 1 : i32
    %dma_wait3A_600 = arith.constant 0 : i32
    %dma_wait3A_601 = arith.constant 0 : i32
    %dma_wait3A_602 = tpu.memref_slice %arg7[%dma_wait3A_595, %dma_wait3A_600, %dma_wait3A_601] : memref<4x80x128xf32, #tpu.memory_space<vmem>> -> memref<1x80x128xf32, #tpu.memory_space<vmem>>
    %dma_wait3A_603 = tpu.memref_squeeze %dma_wait3A_602 : memref<1x80x128xf32, #tpu.memory_space<vmem>> -> memref<80x128xf32, #tpu.memory_space<vmem>>
    %dma_wait3A_604 = arith.constant 0 : i32
    %dma_wait3A_605 = tpu.memref_slice %arg6[%dma_wait3A_596, %dma_wait3A_597, %dma_wait3A_598, %dma_wait3A_604] : memref<4x2x2x80xi32, #tpu.memory_space<vmem>> -> memref<1x1x1x80xi32, #tpu.memory_space<vmem>>
    %dma_wait3A_606 = tpu.memref_squeeze %dma_wait3A_605 : memref<1x1x1x80xi32, #tpu.memory_space<vmem>> -> memref<80xi32, #tpu.memory_space<vmem>>
    %dma_wait3A_607 = arith.constant 0 : i32
    %dma_wait3A_608 = arith.constant 0 : i32
    %dma_wait3A_609 = tpu.memref_slice %arg8[%dma_wait3A_607, %dma_wait3A_608] : memref<10240x128xf32, #tpu.memory_space<vmem_shared>> -> memref<10240x128xf32, #tpu.memory_space<vmem_shared>>
    %dma_wait3A_610 = tpu.memref_slice %arg11[%dma_wait3A_599] : memref<4x!tpu.dma_semaphore, #tpu.memory_space<semaphore_mem>> -> memref<1x!tpu.dma_semaphore, #tpu.memory_space<semaphore_mem>>
    %dma_wait3A_611 = tpu.memref_squeeze %dma_wait3A_610 : memref<1x!tpu.dma_semaphore, #tpu.memory_space<semaphore_mem>> -> memref<!tpu.dma_semaphore, #tpu.memory_space<semaphore_mem>>
    tpu.wait_indirect_dma semaphore(%dma_wait3A_611 : memref<!tpu.dma_semaphore, #tpu.memory_space<semaphore_mem>>) src(%dma_wait3A_603 : memref<80x128xf32, #tpu.memory_space<vmem>>) dst(%dma_wait3A_609 : memref<10240x128xf32, #tpu.memory_space<vmem_shared>>)
    %dma_wait3A_612 = arith.constant 1 : i32
    %dma_wait3A_613 = arith.constant 0 : i32
    %dma_wait3A_614 = arith.constant 0 : i32
    %dma_wait3A_615 = arith.constant 1 : i32
    %dma_wait3A_616 = arith.constant 0 : i32
    %dma_wait3A_617 = arith.constant 0 : i32
    %dma_wait3A_618 = tpu.memref_slice %arg6[%dma_wait3A_612, %dma_wait3A_613, %dma_wait3A_614, %dma_wait3A_617] : memref<4x2x2x80xi32, #tpu.memory_space<vmem>> -> memref<1x1x1x80xi32, #tpu.memory_space<vmem>>
    %dma_wait3A_619 = tpu.memref_squeeze %dma_wait3A_618 : memref<1x1x1x80xi32, #tpu.memory_space<vmem>> -> memref<80xi32, #tpu.memory_space<vmem>>
    %dma_wait3A_620 = arith.constant 0 : i32
    %dma_wait3A_621 = tpu.memref_slice %arg2[%dma_wait3A_620] : memref<480000xi32, #tpu.memory_space<hbm>> -> memref<80xi32, #tpu.memory_space<hbm>>
    %dma_wait3A_622 = tpu.memref_slice %arg9[%dma_wait3A_615, %dma_wait3A_616] : memref<4x2x!tpu.dma_semaphore, #tpu.memory_space<semaphore_mem>> -> memref<1x1x!tpu.dma_semaphore, #tpu.memory_space<semaphore_mem>>
    %dma_wait3A_623 = tpu.memref_squeeze %dma_wait3A_622 : memref<1x1x!tpu.dma_semaphore, #tpu.memory_space<semaphore_mem>> -> memref<!tpu.dma_semaphore, #tpu.memory_space<semaphore_mem>>
    %dma_wait3A_624 = arith.constant 0 : i32
    %dma_wait3A_625 = tpu.memref_slice %arg6[%dma_wait3A_612, %dma_wait3A_613, %dma_wait3A_614, %dma_wait3A_624] : memref<4x2x2x80xi32, #tpu.memory_space<vmem>> -> memref<1x1x1x80xi32, #tpu.memory_space<vmem>>
    %dma_wait3A_626 = tpu.memref_squeeze %dma_wait3A_625 : memref<1x1x1x80xi32, #tpu.memory_space<vmem>> -> memref<80xi32, #tpu.memory_space<vmem>>
    %dma_wait3A_627 = arith.constant 0 : i32
    %dma_wait3A_628 = tpu.memref_slice %arg2[%dma_wait3A_627] : memref<480000xi32, #tpu.memory_space<hbm>> -> memref<80xi32, #tpu.memory_space<hbm>>
    tpu.wait_dma2 semaphore(%dma_wait3A_623 : memref<!tpu.dma_semaphore, #tpu.memory_space<semaphore_mem>>) src(%dma_wait3A_628 : memref<80xi32, #tpu.memory_space<hbm>>) dst(%dma_wait3A_626 : memref<80xi32, #tpu.memory_space<vmem>>)
    %dma_wait3A_629 = arith.constant 1 : i32
    %dma_wait3A_630 = arith.constant 0 : i32
    %dma_wait3A_631 = arith.constant 1 : i32
    %dma_wait3A_632 = arith.constant 1 : i32
    %dma_wait3A_633 = arith.constant 0 : i32
    %dma_wait3A_634 = arith.constant 0 : i32
    %dma_wait3A_635 = tpu.memref_slice %arg6[%dma_wait3A_629, %dma_wait3A_630, %dma_wait3A_631, %dma_wait3A_634] : memref<4x2x2x80xi32, #tpu.memory_space<vmem>> -> memref<1x1x1x80xi32, #tpu.memory_space<vmem>>
    %dma_wait3A_636 = tpu.memref_squeeze %dma_wait3A_635 : memref<1x1x1x80xi32, #tpu.memory_space<vmem>> -> memref<80xi32, #tpu.memory_space<vmem>>
    %dma_wait3A_637 = arith.constant 0 : i32
    %dma_wait3A_638 = tpu.memref_slice %arg2[%dma_wait3A_637] : memref<480000xi32, #tpu.memory_space<hbm>> -> memref<80xi32, #tpu.memory_space<hbm>>
    %dma_wait3A_639 = tpu.memref_slice %arg9[%dma_wait3A_632, %dma_wait3A_633] : memref<4x2x!tpu.dma_semaphore, #tpu.memory_space<semaphore_mem>> -> memref<1x1x!tpu.dma_semaphore, #tpu.memory_space<semaphore_mem>>
    %dma_wait3A_640 = tpu.memref_squeeze %dma_wait3A_639 : memref<1x1x!tpu.dma_semaphore, #tpu.memory_space<semaphore_mem>> -> memref<!tpu.dma_semaphore, #tpu.memory_space<semaphore_mem>>
    %dma_wait3A_641 = arith.constant 0 : i32
    %dma_wait3A_642 = tpu.memref_slice %arg6[%dma_wait3A_629, %dma_wait3A_630, %dma_wait3A_631, %dma_wait3A_641] : memref<4x2x2x80xi32, #tpu.memory_space<vmem>> -> memref<1x1x1x80xi32, #tpu.memory_space<vmem>>
    %dma_wait3A_643 = tpu.memref_squeeze %dma_wait3A_642 : memref<1x1x1x80xi32, #tpu.memory_space<vmem>> -> memref<80xi32, #tpu.memory_space<vmem>>
    %dma_wait3A_644 = arith.constant 0 : i32
    %dma_wait3A_645 = tpu.memref_slice %arg2[%dma_wait3A_644] : memref<480000xi32, #tpu.memory_space<hbm>> -> memref<80xi32, #tpu.memory_space<hbm>>
    tpu.wait_dma2 semaphore(%dma_wait3A_640 : memref<!tpu.dma_semaphore, #tpu.memory_space<semaphore_mem>>) src(%dma_wait3A_645 : memref<80xi32, #tpu.memory_space<hbm>>) dst(%dma_wait3A_643 : memref<80xi32, #tpu.memory_space<vmem>>)
    %dma_start3A_646 = arith.constant 1 : i32
    %dma_start3A_647 = arith.constant 0 : i32
    %dma_start3A_648 = arith.constant 0 : i32
    %dma_start3A_649 = arith.constant 1 : i32
    %dma_start3A_650 = arith.constant 1 : i32
    %dma_start3A_651 = arith.constant 0 : i32
    %dma_start3A_652 = arith.constant 0 : i32
    %dma_start3A_653 = tpu.memref_slice %arg7[%dma_start3A_649, %dma_start3A_651, %dma_start3A_652] : memref<4x80x128xf32, #tpu.memory_space<vmem>> -> memref<1x80x128xf32, #tpu.memory_space<vmem>>
    %dma_start3A_654 = tpu.memref_squeeze %dma_start3A_653 : memref<1x80x128xf32, #tpu.memory_space<vmem>> -> memref<80x128xf32, #tpu.memory_space<vmem>>
    %dma_start3A_655 = arith.constant 0 : i32
    %dma_start3A_656 = tpu.memref_slice %arg6[%dma_start3A_646, %dma_start3A_647, %dma_start3A_648, %dma_start3A_655] : memref<4x2x2x80xi32, #tpu.memory_space<vmem>> -> memref<1x1x1x80xi32, #tpu.memory_space<vmem>>
    %dma_start3A_657 = tpu.memref_squeeze %dma_start3A_656 : memref<1x1x1x80xi32, #tpu.memory_space<vmem>> -> memref<80xi32, #tpu.memory_space<vmem>>
    %dma_start3A_658 = arith.constant 0 : i32
    %dma_start3A_659 = arith.constant 0 : i32
    %dma_start3A_660 = tpu.memref_slice %arg3[%dma_start3A_658, %dma_start3A_659] : memref<20480x128xf32, #tpu.memory_space<hbm>> -> memref<20480x128xf32, #tpu.memory_space<hbm>>
    %dma_start3A_661 = tpu.memref_slice %arg10[%dma_start3A_650] : memref<4x!tpu.dma_semaphore, #tpu.memory_space<semaphore_mem>> -> memref<1x!tpu.dma_semaphore, #tpu.memory_space<semaphore_mem>>
    %dma_start3A_662 = tpu.memref_squeeze %dma_start3A_661 : memref<1x!tpu.dma_semaphore, #tpu.memory_space<semaphore_mem>> -> memref<!tpu.dma_semaphore, #tpu.memory_space<semaphore_mem>>
    tpu.enqueue_indirect_dma source(%dma_start3A_660 : memref<20480x128xf32, #tpu.memory_space<hbm>>) target(%dma_start3A_654 : memref<80x128xf32, #tpu.memory_space<vmem>>) offsets(%dma_start3A_657 : memref<80xi32, #tpu.memory_space<vmem>>) semaphore(%dma_start3A_662 : memref<!tpu.dma_semaphore, #tpu.memory_space<semaphore_mem>>)
    %add3A_663 = arith.constant 2000 : i32
    %add3A_664 = arith.addi %add3A_663, %arg1 : i32
    %lt3A_665 = arith.constant 1984 : i32
    %lt3A_666 = arith.cmpi slt, %add3A_664, %lt3A_665 : i32
    %convert_element_type3A_667 = arith.extui %lt3A_666 : i1 to i32
    %cond3A_668 = arith.constant 0 : i32
    %cond3A_669 = arith.cmpi ne, %convert_element_type3A_667, %cond3A_668 : i32
    scf.if %cond3A_669 {
      %mul3A_1056 = arith.constant 80 : i32
      %mul3A_1057 = arith.muli %add3A_664, %mul3A_1056 : i32
      %add3A_1058 = arith.addi %mul3A_2, %mul3A_1057 : i32
      %dma_start3A_1059 = arith.constant 1 : i32
      %dma_start3A_1060 = arith.constant 1 : i32
      %dma_start3A_1061 = arith.constant 0 : i32
      %dma_start3A_1062 = arith.constant 1 : i32
      %dma_start3A_1063 = arith.constant 1 : i32
      %dma_start3A_1064 = arith.constant 0 : i32
      %dma_start3A_1065 = tpu.memref_slice %arg6[%dma_start3A_1059, %dma_start3A_1060, %dma_start3A_1061, %dma_start3A_1064] : memref<4x2x2x80xi32, #tpu.memory_space<vmem>> -> memref<1x1x1x80xi32, #tpu.memory_space<vmem>>
      %dma_start3A_1066 = tpu.memref_squeeze %dma_start3A_1065 : memref<1x1x1x80xi32, #tpu.memory_space<vmem>> -> memref<80xi32, #tpu.memory_space<vmem>>
      %dma_start3A_1067 = tpu.memref_slice %arg2[%add3A_1058] : memref<480000xi32, #tpu.memory_space<hbm>> -> memref<80xi32, #tpu.memory_space<hbm>>
      %dma_start3A_1068 = tpu.memref_slice %arg9[%dma_start3A_1062, %dma_start3A_1063] : memref<4x2x!tpu.dma_semaphore, #tpu.memory_space<semaphore_mem>> -> memref<1x1x!tpu.dma_semaphore, #tpu.memory_space<semaphore_mem>>
      %dma_start3A_1069 = tpu.memref_squeeze %dma_start3A_1068 : memref<1x1x!tpu.dma_semaphore, #tpu.memory_space<semaphore_mem>> -> memref<!tpu.dma_semaphore, #tpu.memory_space<semaphore_mem>>
      %dma_start3A_1070 = arith.constant 0 : i32
      %dma_start3A_1071 = tpu.memref_slice %arg6[%dma_start3A_1059, %dma_start3A_1060, %dma_start3A_1061, %dma_start3A_1070] : memref<4x2x2x80xi32, #tpu.memory_space<vmem>> -> memref<1x1x1x80xi32, #tpu.memory_space<vmem>>
      %dma_start3A_1072 = tpu.memref_squeeze %dma_start3A_1071 : memref<1x1x1x80xi32, #tpu.memory_space<vmem>> -> memref<80xi32, #tpu.memory_space<vmem>>
      %dma_start3A_1073 = tpu.memref_slice %arg2[%add3A_1058] : memref<480000xi32, #tpu.memory_space<hbm>> -> memref<80xi32, #tpu.memory_space<hbm>>
      tpu.enqueue_dma source(%dma_start3A_1073 : memref<80xi32, #tpu.memory_space<hbm>>) target(%dma_start3A_1072 : memref<80xi32, #tpu.memory_space<vmem>>) target_semaphore(%dma_start3A_1069 : memref<!tpu.dma_semaphore, #tpu.memory_space<semaphore_mem>>)
      %mul3A_1074 = arith.constant 80 : i32
      %mul3A_1075 = arith.muli %add3A_664, %mul3A_1074 : i32
      %add3A_1076 = arith.constant 320000 : i32
      %add3A_1077 = arith.addi %add3A_1076, %mul3A_1075 : i32
      %dma_start3A_1078 = arith.constant 1 : i32
      %dma_start3A_1079 = arith.constant 1 : i32
      %dma_start3A_1080 = arith.constant 1 : i32
      %dma_start3A_1081 = arith.constant 1 : i32
      %dma_start3A_1082 = arith.constant 1 : i32
      %dma_start3A_1083 = arith.constant 0 : i32
      %dma_start3A_1084 = tpu.memref_slice %arg6[%dma_start3A_1078, %dma_start3A_1079, %dma_start3A_1080, %dma_start3A_1083] : memref<4x2x2x80xi32, #tpu.memory_space<vmem>> -> memref<1x1x1x80xi32, #tpu.memory_space<vmem>>
      %dma_start3A_1085 = tpu.memref_squeeze %dma_start3A_1084 : memref<1x1x1x80xi32, #tpu.memory_space<vmem>> -> memref<80xi32, #tpu.memory_space<vmem>>
      %dma_start3A_1086 = tpu.memref_slice %arg2[%add3A_1077] : memref<480000xi32, #tpu.memory_space<hbm>> -> memref<80xi32, #tpu.memory_space<hbm>>
      %dma_start3A_1087 = tpu.memref_slice %arg9[%dma_start3A_1081, %dma_start3A_1082] : memref<4x2x!tpu.dma_semaphore, #tpu.memory_space<semaphore_mem>> -> memref<1x1x!tpu.dma_semaphore, #tpu.memory_space<semaphore_mem>>
      %dma_start3A_1088 = tpu.memref_squeeze %dma_start3A_1087 : memref<1x1x!tpu.dma_semaphore, #tpu.memory_space<semaphore_mem>> -> memref<!tpu.dma_semaphore, #tpu.memory_space<semaphore_mem>>
      %dma_start3A_1089 = arith.constant 0 : i32
      %dma_start3A_1090 = tpu.memref_slice %arg6[%dma_start3A_1078, %dma_start3A_1079, %dma_start3A_1080, %dma_start3A_1089] : memref<4x2x2x80xi32, #tpu.memory_space<vmem>> -> memref<1x1x1x80xi32, #tpu.memory_space<vmem>>
      %dma_start3A_1091 = tpu.memref_squeeze %dma_start3A_1090 : memref<1x1x1x80xi32, #tpu.memory_space<vmem>> -> memref<80xi32, #tpu.memory_space<vmem>>
      %dma_start3A_1092 = tpu.memref_slice %arg2[%add3A_1077] : memref<480000xi32, #tpu.memory_space<hbm>> -> memref<80xi32, #tpu.memory_space<hbm>>
      tpu.enqueue_dma source(%dma_start3A_1092 : memref<80xi32, #tpu.memory_space<hbm>>) target(%dma_start3A_1091 : memref<80xi32, #tpu.memory_space<vmem>>) target_semaphore(%dma_start3A_1088 : memref<!tpu.dma_semaphore, #tpu.memory_space<semaphore_mem>>)
    } else {
    }
    %dma_wait3A_670 = arith.constant 2 : i32
    %dma_wait3A_671 = arith.constant 2 : i32
    %dma_wait3A_672 = arith.constant 0 : i32
    %dma_wait3A_673 = arith.constant 1 : i32
    %dma_wait3A_674 = arith.constant 2 : i32
    %dma_wait3A_675 = arith.constant 0 : i32
    %dma_wait3A_676 = arith.constant 0 : i32
    %dma_wait3A_677 = tpu.memref_slice %arg7[%dma_wait3A_670, %dma_wait3A_675, %dma_wait3A_676] : memref<4x80x128xf32, #tpu.memory_space<vmem>> -> memref<1x80x128xf32, #tpu.memory_space<vmem>>
    %dma_wait3A_678 = tpu.memref_squeeze %dma_wait3A_677 : memref<1x80x128xf32, #tpu.memory_space<vmem>> -> memref<80x128xf32, #tpu.memory_space<vmem>>
    %dma_wait3A_679 = arith.constant 0 : i32
    %dma_wait3A_680 = tpu.memref_slice %arg6[%dma_wait3A_671, %dma_wait3A_672, %dma_wait3A_673, %dma_wait3A_679] : memref<4x2x2x80xi32, #tpu.memory_space<vmem>> -> memref<1x1x1x80xi32, #tpu.memory_space<vmem>>
    %dma_wait3A_681 = tpu.memref_squeeze %dma_wait3A_680 : memref<1x1x1x80xi32, #tpu.memory_space<vmem>> -> memref<80xi32, #tpu.memory_space<vmem>>
    %dma_wait3A_682 = arith.constant 0 : i32
    %dma_wait3A_683 = arith.constant 0 : i32
    %dma_wait3A_684 = tpu.memref_slice %arg8[%dma_wait3A_682, %dma_wait3A_683] : memref<10240x128xf32, #tpu.memory_space<vmem_shared>> -> memref<10240x128xf32, #tpu.memory_space<vmem_shared>>
    %dma_wait3A_685 = tpu.memref_slice %arg11[%dma_wait3A_674] : memref<4x!tpu.dma_semaphore, #tpu.memory_space<semaphore_mem>> -> memref<1x!tpu.dma_semaphore, #tpu.memory_space<semaphore_mem>>
    %dma_wait3A_686 = tpu.memref_squeeze %dma_wait3A_685 : memref<1x!tpu.dma_semaphore, #tpu.memory_space<semaphore_mem>> -> memref<!tpu.dma_semaphore, #tpu.memory_space<semaphore_mem>>
    tpu.wait_indirect_dma semaphore(%dma_wait3A_686 : memref<!tpu.dma_semaphore, #tpu.memory_space<semaphore_mem>>) src(%dma_wait3A_678 : memref<80x128xf32, #tpu.memory_space<vmem>>) dst(%dma_wait3A_684 : memref<10240x128xf32, #tpu.memory_space<vmem_shared>>)
    %dma_wait3A_687 = arith.constant 2 : i32
    %dma_wait3A_688 = arith.constant 0 : i32
    %dma_wait3A_689 = arith.constant 0 : i32
    %dma_wait3A_690 = arith.constant 2 : i32
    %dma_wait3A_691 = arith.constant 0 : i32
    %dma_wait3A_692 = arith.constant 0 : i32
    %dma_wait3A_693 = tpu.memref_slice %arg6[%dma_wait3A_687, %dma_wait3A_688, %dma_wait3A_689, %dma_wait3A_692] : memref<4x2x2x80xi32, #tpu.memory_space<vmem>> -> memref<1x1x1x80xi32, #tpu.memory_space<vmem>>
    %dma_wait3A_694 = tpu.memref_squeeze %dma_wait3A_693 : memref<1x1x1x80xi32, #tpu.memory_space<vmem>> -> memref<80xi32, #tpu.memory_space<vmem>>
    %dma_wait3A_695 = arith.constant 0 : i32
    %dma_wait3A_696 = tpu.memref_slice %arg2[%dma_wait3A_695] : memref<480000xi32, #tpu.memory_space<hbm>> -> memref<80xi32, #tpu.memory_space<hbm>>
    %dma_wait3A_697 = tpu.memref_slice %arg9[%dma_wait3A_690, %dma_wait3A_691] : memref<4x2x!tpu.dma_semaphore, #tpu.memory_space<semaphore_mem>> -> memref<1x1x!tpu.dma_semaphore, #tpu.memory_space<semaphore_mem>>
    %dma_wait3A_698 = tpu.memref_squeeze %dma_wait3A_697 : memref<1x1x!tpu.dma_semaphore, #tpu.memory_space<semaphore_mem>> -> memref<!tpu.dma_semaphore, #tpu.memory_space<semaphore_mem>>
    %dma_wait3A_699 = arith.constant 0 : i32
    %dma_wait3A_700 = tpu.memref_slice %arg6[%dma_wait3A_687, %dma_wait3A_688, %dma_wait3A_689, %dma_wait3A_699] : memref<4x2x2x80xi32, #tpu.memory_space<vmem>> -> memref<1x1x1x80xi32, #tpu.memory_space<vmem>>
    %dma_wait3A_701 = tpu.memref_squeeze %dma_wait3A_700 : memref<1x1x1x80xi32, #tpu.memory_space<vmem>> -> memref<80xi32, #tpu.memory_space<vmem>>
    %dma_wait3A_702 = arith.constant 0 : i32
    %dma_wait3A_703 = tpu.memref_slice %arg2[%dma_wait3A_702] : memref<480000xi32, #tpu.memory_space<hbm>> -> memref<80xi32, #tpu.memory_space<hbm>>
    tpu.wait_dma2 semaphore(%dma_wait3A_698 : memref<!tpu.dma_semaphore, #tpu.memory_space<semaphore_mem>>) src(%dma_wait3A_703 : memref<80xi32, #tpu.memory_space<hbm>>) dst(%dma_wait3A_701 : memref<80xi32, #tpu.memory_space<vmem>>)
    %dma_wait3A_704 = arith.constant 2 : i32
    %dma_wait3A_705 = arith.constant 0 : i32
    %dma_wait3A_706 = arith.constant 1 : i32
    %dma_wait3A_707 = arith.constant 2 : i32
    %dma_wait3A_708 = arith.constant 0 : i32
    %dma_wait3A_709 = arith.constant 0 : i32
    %dma_wait3A_710 = tpu.memref_slice %arg6[%dma_wait3A_704, %dma_wait3A_705, %dma_wait3A_706, %dma_wait3A_709] : memref<4x2x2x80xi32, #tpu.memory_space<vmem>> -> memref<1x1x1x80xi32, #tpu.memory_space<vmem>>
    %dma_wait3A_711 = tpu.memref_squeeze %dma_wait3A_710 : memref<1x1x1x80xi32, #tpu.memory_space<vmem>> -> memref<80xi32, #tpu.memory_space<vmem>>
    %dma_wait3A_712 = arith.constant 0 : i32
    %dma_wait3A_713 = tpu.memref_slice %arg2[%dma_wait3A_712] : memref<480000xi32, #tpu.memory_space<hbm>> -> memref<80xi32, #tpu.memory_space<hbm>>
    %dma_wait3A_714 = tpu.memref_slice %arg9[%dma_wait3A_707, %dma_wait3A_708] : memref<4x2x!tpu.dma_semaphore, #tpu.memory_space<semaphore_mem>> -> memref<1x1x!tpu.dma_semaphore, #tpu.memory_space<semaphore_mem>>
    %dma_wait3A_715 = tpu.memref_squeeze %dma_wait3A_714 : memref<1x1x!tpu.dma_semaphore, #tpu.memory_space<semaphore_mem>> -> memref<!tpu.dma_semaphore, #tpu.memory_space<semaphore_mem>>
    %dma_wait3A_716 = arith.constant 0 : i32
    %dma_wait3A_717 = tpu.memref_slice %arg6[%dma_wait3A_704, %dma_wait3A_705, %dma_wait3A_706, %dma_wait3A_716] : memref<4x2x2x80xi32, #tpu.memory_space<vmem>> -> memref<1x1x1x80xi32, #tpu.memory_space<vmem>>
    %dma_wait3A_718 = tpu.memref_squeeze %dma_wait3A_717 : memref<1x1x1x80xi32, #tpu.memory_space<vmem>> -> memref<80xi32, #tpu.memory_space<vmem>>
    %dma_wait3A_719 = arith.constant 0 : i32
    %dma_wait3A_720 = tpu.memref_slice %arg2[%dma_wait3A_719] : memref<480000xi32, #tpu.memory_space<hbm>> -> memref<80xi32, #tpu.memory_space<hbm>>
    tpu.wait_dma2 semaphore(%dma_wait3A_715 : memref<!tpu.dma_semaphore, #tpu.memory_space<semaphore_mem>>) src(%dma_wait3A_720 : memref<80xi32, #tpu.memory_space<hbm>>) dst(%dma_wait3A_718 : memref<80xi32, #tpu.memory_space<vmem>>)
    %dma_start3A_721 = arith.constant 2 : i32
    %dma_start3A_722 = arith.constant 0 : i32
    %dma_start3A_723 = arith.constant 0 : i32
    %dma_start3A_724 = arith.constant 2 : i32
    %dma_start3A_725 = arith.constant 2 : i32
    %dma_start3A_726 = arith.constant 0 : i32
    %dma_start3A_727 = arith.constant 0 : i32
    %dma_start3A_728 = tpu.memref_slice %arg7[%dma_start3A_724, %dma_start3A_726, %dma_start3A_727] : memref<4x80x128xf32, #tpu.memory_space<vmem>> -> memref<1x80x128xf32, #tpu.memory_space<vmem>>
    %dma_start3A_729 = tpu.memref_squeeze %dma_start3A_728 : memref<1x80x128xf32, #tpu.memory_space<vmem>> -> memref<80x128xf32, #tpu.memory_space<vmem>>
    %dma_start3A_730 = arith.constant 0 : i32
    %dma_start3A_731 = tpu.memref_slice %arg6[%dma_start3A_721, %dma_start3A_722, %dma_start3A_723, %dma_start3A_730] : memref<4x2x2x80xi32, #tpu.memory_space<vmem>> -> memref<1x1x1x80xi32, #tpu.memory_space<vmem>>
    %dma_start3A_732 = tpu.memref_squeeze %dma_start3A_731 : memref<1x1x1x80xi32, #tpu.memory_space<vmem>> -> memref<80xi32, #tpu.memory_space<vmem>>
    %dma_start3A_733 = arith.constant 0 : i32
    %dma_start3A_734 = arith.constant 0 : i32
    %dma_start3A_735 = tpu.memref_slice %arg3[%dma_start3A_733, %dma_start3A_734] : memref<20480x128xf32, #tpu.memory_space<hbm>> -> memref<20480x128xf32, #tpu.memory_space<hbm>>
    %dma_start3A_736 = tpu.memref_slice %arg10[%dma_start3A_725] : memref<4x!tpu.dma_semaphore, #tpu.memory_space<semaphore_mem>> -> memref<1x!tpu.dma_semaphore, #tpu.memory_space<semaphore_mem>>
    %dma_start3A_737 = tpu.memref_squeeze %dma_start3A_736 : memref<1x!tpu.dma_semaphore, #tpu.memory_space<semaphore_mem>> -> memref<!tpu.dma_semaphore, #tpu.memory_space<semaphore_mem>>
    tpu.enqueue_indirect_dma source(%dma_start3A_735 : memref<20480x128xf32, #tpu.memory_space<hbm>>) target(%dma_start3A_729 : memref<80x128xf32, #tpu.memory_space<vmem>>) offsets(%dma_start3A_732 : memref<80xi32, #tpu.memory_space<vmem>>) semaphore(%dma_start3A_737 : memref<!tpu.dma_semaphore, #tpu.memory_space<semaphore_mem>>)
    %add3A_738 = arith.constant 2016 : i32
    %add3A_739 = arith.addi %add3A_738, %arg1 : i32
    %lt3A_740 = arith.constant 1984 : i32
    %lt3A_741 = arith.cmpi slt, %add3A_739, %lt3A_740 : i32
    %convert_element_type3A_742 = arith.extui %lt3A_741 : i1 to i32
    %cond3A_743 = arith.constant 0 : i32
    %cond3A_744 = arith.cmpi ne, %convert_element_type3A_742, %cond3A_743 : i32
    scf.if %cond3A_744 {
      %mul3A_1056 = arith.constant 80 : i32
      %mul3A_1057 = arith.muli %add3A_739, %mul3A_1056 : i32
      %add3A_1058 = arith.addi %mul3A_2, %mul3A_1057 : i32
      %dma_start3A_1059 = arith.constant 2 : i32
      %dma_start3A_1060 = arith.constant 1 : i32
      %dma_start3A_1061 = arith.constant 0 : i32
      %dma_start3A_1062 = arith.constant 2 : i32
      %dma_start3A_1063 = arith.constant 1 : i32
      %dma_start3A_1064 = arith.constant 0 : i32
      %dma_start3A_1065 = tpu.memref_slice %arg6[%dma_start3A_1059, %dma_start3A_1060, %dma_start3A_1061, %dma_start3A_1064] : memref<4x2x2x80xi32, #tpu.memory_space<vmem>> -> memref<1x1x1x80xi32, #tpu.memory_space<vmem>>
      %dma_start3A_1066 = tpu.memref_squeeze %dma_start3A_1065 : memref<1x1x1x80xi32, #tpu.memory_space<vmem>> -> memref<80xi32, #tpu.memory_space<vmem>>
      %dma_start3A_1067 = tpu.memref_slice %arg2[%add3A_1058] : memref<480000xi32, #tpu.memory_space<hbm>> -> memref<80xi32, #tpu.memory_space<hbm>>
      %dma_start3A_1068 = tpu.memref_slice %arg9[%dma_start3A_1062, %dma_start3A_1063] : memref<4x2x!tpu.dma_semaphore, #tpu.memory_space<semaphore_mem>> -> memref<1x1x!tpu.dma_semaphore, #tpu.memory_space<semaphore_mem>>
      %dma_start3A_1069 = tpu.memref_squeeze %dma_start3A_1068 : memref<1x1x!tpu.dma_semaphore, #tpu.memory_space<semaphore_mem>> -> memref<!tpu.dma_semaphore, #tpu.memory_space<semaphore_mem>>
      %dma_start3A_1070 = arith.constant 0 : i32
      %dma_start3A_1071 = tpu.memref_slice %arg6[%dma_start3A_1059, %dma_start3A_1060, %dma_start3A_1061, %dma_start3A_1070] : memref<4x2x2x80xi32, #tpu.memory_space<vmem>> -> memref<1x1x1x80xi32, #tpu.memory_space<vmem>>
      %dma_start3A_1072 = tpu.memref_squeeze %dma_start3A_1071 : memref<1x1x1x80xi32, #tpu.memory_space<vmem>> -> memref<80xi32, #tpu.memory_space<vmem>>
      %dma_start3A_1073 = tpu.memref_slice %arg2[%add3A_1058] : memref<480000xi32, #tpu.memory_space<hbm>> -> memref<80xi32, #tpu.memory_space<hbm>>
      tpu.enqueue_dma source(%dma_start3A_1073 : memref<80xi32, #tpu.memory_space<hbm>>) target(%dma_start3A_1072 : memref<80xi32, #tpu.memory_space<vmem>>) target_semaphore(%dma_start3A_1069 : memref<!tpu.dma_semaphore, #tpu.memory_space<semaphore_mem>>)
      %mul3A_1074 = arith.constant 80 : i32
      %mul3A_1075 = arith.muli %add3A_739, %mul3A_1074 : i32
      %add3A_1076 = arith.constant 320000 : i32
      %add3A_1077 = arith.addi %add3A_1076, %mul3A_1075 : i32
      %dma_start3A_1078 = arith.constant 2 : i32
      %dma_start3A_1079 = arith.constant 1 : i32
      %dma_start3A_1080 = arith.constant 1 : i32
      %dma_start3A_1081 = arith.constant 2 : i32
      %dma_start3A_1082 = arith.constant 1 : i32
      %dma_start3A_1083 = arith.constant 0 : i32
      %dma_start3A_1084 = tpu.memref_slice %arg6[%dma_start3A_1078, %dma_start3A_1079, %dma_start3A_1080, %dma_start3A_1083] : memref<4x2x2x80xi32, #tpu.memory_space<vmem>> -> memref<1x1x1x80xi32, #tpu.memory_space<vmem>>
      %dma_start3A_1085 = tpu.memref_squeeze %dma_start3A_1084 : memref<1x1x1x80xi32, #tpu.memory_space<vmem>> -> memref<80xi32, #tpu.memory_space<vmem>>
      %dma_start3A_1086 = tpu.memref_slice %arg2[%add3A_1077] : memref<480000xi32, #tpu.memory_space<hbm>> -> memref<80xi32, #tpu.memory_space<hbm>>
      %dma_start3A_1087 = tpu.memref_slice %arg9[%dma_start3A_1081, %dma_start3A_1082] : memref<4x2x!tpu.dma_semaphore, #tpu.memory_space<semaphore_mem>> -> memref<1x1x!tpu.dma_semaphore, #tpu.memory_space<semaphore_mem>>
      %dma_start3A_1088 = tpu.memref_squeeze %dma_start3A_1087 : memref<1x1x!tpu.dma_semaphore, #tpu.memory_space<semaphore_mem>> -> memref<!tpu.dma_semaphore, #tpu.memory_space<semaphore_mem>>
      %dma_start3A_1089 = arith.constant 0 : i32
      %dma_start3A_1090 = tpu.memref_slice %arg6[%dma_start3A_1078, %dma_start3A_1079, %dma_start3A_1080, %dma_start3A_1089] : memref<4x2x2x80xi32, #tpu.memory_space<vmem>> -> memref<1x1x1x80xi32, #tpu.memory_space<vmem>>
      %dma_start3A_1091 = tpu.memref_squeeze %dma_start3A_1090 : memref<1x1x1x80xi32, #tpu.memory_space<vmem>> -> memref<80xi32, #tpu.memory_space<vmem>>
      %dma_start3A_1092 = tpu.memref_slice %arg2[%add3A_1077] : memref<480000xi32, #tpu.memory_space<hbm>> -> memref<80xi32, #tpu.memory_space<hbm>>
      tpu.enqueue_dma source(%dma_start3A_1092 : memref<80xi32, #tpu.memory_space<hbm>>) target(%dma_start3A_1091 : memref<80xi32, #tpu.memory_space<vmem>>) target_semaphore(%dma_start3A_1088 : memref<!tpu.dma_semaphore, #tpu.memory_space<semaphore_mem>>)
    } else {
    }
    %dma_wait3A_745 = arith.constant 3 : i32
    %dma_wait3A_746 = arith.constant 3 : i32
    %dma_wait3A_747 = arith.constant 0 : i32
    %dma_wait3A_748 = arith.constant 1 : i32
    %dma_wait3A_749 = arith.constant 3 : i32
    %dma_wait3A_750 = arith.constant 0 : i32
    %dma_wait3A_751 = arith.constant 0 : i32
    %dma_wait3A_752 = tpu.memref_slice %arg7[%dma_wait3A_745, %dma_wait3A_750, %dma_wait3A_751] : memref<4x80x128xf32, #tpu.memory_space<vmem>> -> memref<1x80x128xf32, #tpu.memory_space<vmem>>
    %dma_wait3A_753 = tpu.memref_squeeze %dma_wait3A_752 : memref<1x80x128xf32, #tpu.memory_space<vmem>> -> memref<80x128xf32, #tpu.memory_space<vmem>>
    %dma_wait3A_754 = arith.constant 0 : i32
    %dma_wait3A_755 = tpu.memref_slice %arg6[%dma_wait3A_746, %dma_wait3A_747, %dma_wait3A_748, %dma_wait3A_754] : memref<4x2x2x80xi32, #tpu.memory_space<vmem>> -> memref<1x1x1x80xi32, #tpu.memory_space<vmem>>
    %dma_wait3A_756 = tpu.memref_squeeze %dma_wait3A_755 : memref<1x1x1x80xi32, #tpu.memory_space<vmem>> -> memref<80xi32, #tpu.memory_space<vmem>>
    %dma_wait3A_757 = arith.constant 0 : i32
    %dma_wait3A_758 = arith.constant 0 : i32
    %dma_wait3A_759 = tpu.memref_slice %arg8[%dma_wait3A_757, %dma_wait3A_758] : memref<10240x128xf32, #tpu.memory_space<vmem_shared>> -> memref<10240x128xf32, #tpu.memory_space<vmem_shared>>
    %dma_wait3A_760 = tpu.memref_slice %arg11[%dma_wait3A_749] : memref<4x!tpu.dma_semaphore, #tpu.memory_space<semaphore_mem>> -> memref<1x!tpu.dma_semaphore, #tpu.memory_space<semaphore_mem>>
    %dma_wait3A_761 = tpu.memref_squeeze %dma_wait3A_760 : memref<1x!tpu.dma_semaphore, #tpu.memory_space<semaphore_mem>> -> memref<!tpu.dma_semaphore, #tpu.memory_space<semaphore_mem>>
    tpu.wait_indirect_dma semaphore(%dma_wait3A_761 : memref<!tpu.dma_semaphore, #tpu.memory_space<semaphore_mem>>) src(%dma_wait3A_753 : memref<80x128xf32, #tpu.memory_space<vmem>>) dst(%dma_wait3A_759 : memref<10240x128xf32, #tpu.memory_space<vmem_shared>>)
    %dma_wait3A_762 = arith.constant 3 : i32
    %dma_wait3A_763 = arith.constant 0 : i32
    %dma_wait3A_764 = arith.constant 0 : i32
    %dma_wait3A_765 = arith.constant 3 : i32
    %dma_wait3A_766 = arith.constant 0 : i32
    %dma_wait3A_767 = arith.constant 0 : i32
    %dma_wait3A_768 = tpu.memref_slice %arg6[%dma_wait3A_762, %dma_wait3A_763, %dma_wait3A_764, %dma_wait3A_767] : memref<4x2x2x80xi32, #tpu.memory_space<vmem>> -> memref<1x1x1x80xi32, #tpu.memory_space<vmem>>
    %dma_wait3A_769 = tpu.memref_squeeze %dma_wait3A_768 : memref<1x1x1x80xi32, #tpu.memory_space<vmem>> -> memref<80xi32, #tpu.memory_space<vmem>>
    %dma_wait3A_770 = arith.constant 0 : i32
    %dma_wait3A_771 = tpu.memref_slice %arg2[%dma_wait3A_770] : memref<480000xi32, #tpu.memory_space<hbm>> -> memref<80xi32, #tpu.memory_space<hbm>>
    %dma_wait3A_772 = tpu.memref_slice %arg9[%dma_wait3A_765, %dma_wait3A_766] : memref<4x2x!tpu.dma_semaphore, #tpu.memory_space<semaphore_mem>> -> memref<1x1x!tpu.dma_semaphore, #tpu.memory_space<semaphore_mem>>
    %dma_wait3A_773 = tpu.memref_squeeze %dma_wait3A_772 : memref<1x1x!tpu.dma_semaphore, #tpu.memory_space<semaphore_mem>> -> memref<!tpu.dma_semaphore, #tpu.memory_space<semaphore_mem>>
    %dma_wait3A_774 = arith.constant 0 : i32
    %dma_wait3A_775 = tpu.memref_slice %arg6[%dma_wait3A_762, %dma_wait3A_763, %dma_wait3A_764, %dma_wait3A_774] : memref<4x2x2x80xi32, #tpu.memory_space<vmem>> -> memref<1x1x1x80xi32, #tpu.memory_space<vmem>>
    %dma_wait3A_776 = tpu.memref_squeeze %dma_wait3A_775 : memref<1x1x1x80xi32, #tpu.memory_space<vmem>> -> memref<80xi32, #tpu.memory_space<vmem>>
    %dma_wait3A_777 = arith.constant 0 : i32
    %dma_wait3A_778 = tpu.memref_slice %arg2[%dma_wait3A_777] : memref<480000xi32, #tpu.memory_space<hbm>> -> memref<80xi32, #tpu.memory_space<hbm>>
    tpu.wait_dma2 semaphore(%dma_wait3A_773 : memref<!tpu.dma_semaphore, #tpu.memory_space<semaphore_mem>>) src(%dma_wait3A_778 : memref<80xi32, #tpu.memory_space<hbm>>) dst(%dma_wait3A_776 : memref<80xi32, #tpu.memory_space<vmem>>)
    %dma_wait3A_779 = arith.constant 3 : i32
    %dma_wait3A_780 = arith.constant 0 : i32
    %dma_wait3A_781 = arith.constant 1 : i32
    %dma_wait3A_782 = arith.constant 3 : i32
    %dma_wait3A_783 = arith.constant 0 : i32
    %dma_wait3A_784 = arith.constant 0 : i32
    %dma_wait3A_785 = tpu.memref_slice %arg6[%dma_wait3A_779, %dma_wait3A_780, %dma_wait3A_781, %dma_wait3A_784] : memref<4x2x2x80xi32, #tpu.memory_space<vmem>> -> memref<1x1x1x80xi32, #tpu.memory_space<vmem>>
    %dma_wait3A_786 = tpu.memref_squeeze %dma_wait3A_785 : memref<1x1x1x80xi32, #tpu.memory_space<vmem>> -> memref<80xi32, #tpu.memory_space<vmem>>
    %dma_wait3A_787 = arith.constant 0 : i32
    %dma_wait3A_788 = tpu.memref_slice %arg2[%dma_wait3A_787] : memref<480000xi32, #tpu.memory_space<hbm>> -> memref<80xi32, #tpu.memory_space<hbm>>
    %dma_wait3A_789 = tpu.memref_slice %arg9[%dma_wait3A_782, %dma_wait3A_783] : memref<4x2x!tpu.dma_semaphore, #tpu.memory_space<semaphore_mem>> -> memref<1x1x!tpu.dma_semaphore, #tpu.memory_space<semaphore_mem>>
    %dma_wait3A_790 = tpu.memref_squeeze %dma_wait3A_789 : memref<1x1x!tpu.dma_semaphore, #tpu.memory_space<semaphore_mem>> -> memref<!tpu.dma_semaphore, #tpu.memory_space<semaphore_mem>>
    %dma_wait3A_791 = arith.constant 0 : i32
    %dma_wait3A_792 = tpu.memref_slice %arg6[%dma_wait3A_779, %dma_wait3A_780, %dma_wait3A_781, %dma_wait3A_791] : memref<4x2x2x80xi32, #tpu.memory_space<vmem>> -> memref<1x1x1x80xi32, #tpu.memory_space<vmem>>
    %dma_wait3A_793 = tpu.memref_squeeze %dma_wait3A_792 : memref<1x1x1x80xi32, #tpu.memory_space<vmem>> -> memref<80xi32, #tpu.memory_space<vmem>>
    %dma_wait3A_794 = arith.constant 0 : i32
    %dma_wait3A_795 = tpu.memref_slice %arg2[%dma_wait3A_794] : memref<480000xi32, #tpu.memory_space<hbm>> -> memref<80xi32, #tpu.memory_space<hbm>>
    tpu.wait_dma2 semaphore(%dma_wait3A_790 : memref<!tpu.dma_semaphore, #tpu.memory_space<semaphore_mem>>) src(%dma_wait3A_795 : memref<80xi32, #tpu.memory_space<hbm>>) dst(%dma_wait3A_793 : memref<80xi32, #tpu.memory_space<vmem>>)
    %dma_start3A_796 = arith.constant 3 : i32
    %dma_start3A_797 = arith.constant 0 : i32
    %dma_start3A_798 = arith.constant 0 : i32
    %dma_start3A_799 = arith.constant 3 : i32
    %dma_start3A_800 = arith.constant 3 : i32
    %dma_start3A_801 = arith.constant 0 : i32
    %dma_start3A_802 = arith.constant 0 : i32
    %dma_start3A_803 = tpu.memref_slice %arg7[%dma_start3A_799, %dma_start3A_801, %dma_start3A_802] : memref<4x80x128xf32, #tpu.memory_space<vmem>> -> memref<1x80x128xf32, #tpu.memory_space<vmem>>
    %dma_start3A_804 = tpu.memref_squeeze %dma_start3A_803 : memref<1x80x128xf32, #tpu.memory_space<vmem>> -> memref<80x128xf32, #tpu.memory_space<vmem>>
    %dma_start3A_805 = arith.constant 0 : i32
    %dma_start3A_806 = tpu.memref_slice %arg6[%dma_start3A_796, %dma_start3A_797, %dma_start3A_798, %dma_start3A_805] : memref<4x2x2x80xi32, #tpu.memory_space<vmem>> -> memref<1x1x1x80xi32, #tpu.memory_space<vmem>>
    %dma_start3A_807 = tpu.memref_squeeze %dma_start3A_806 : memref<1x1x1x80xi32, #tpu.memory_space<vmem>> -> memref<80xi32, #tpu.memory_space<vmem>>
    %dma_start3A_808 = arith.constant 0 : i32
    %dma_start3A_809 = arith.constant 0 : i32
    %dma_start3A_810 = tpu.memref_slice %arg3[%dma_start3A_808, %dma_start3A_809] : memref<20480x128xf32, #tpu.memory_space<hbm>> -> memref<20480x128xf32, #tpu.memory_space<hbm>>
    %dma_start3A_811 = tpu.memref_slice %arg10[%dma_start3A_800] : memref<4x!tpu.dma_semaphore, #tpu.memory_space<semaphore_mem>> -> memref<1x!tpu.dma_semaphore, #tpu.memory_space<semaphore_mem>>
    %dma_start3A_812 = tpu.memref_squeeze %dma_start3A_811 : memref<1x!tpu.dma_semaphore, #tpu.memory_space<semaphore_mem>> -> memref<!tpu.dma_semaphore, #tpu.memory_space<semaphore_mem>>
    tpu.enqueue_indirect_dma source(%dma_start3A_810 : memref<20480x128xf32, #tpu.memory_space<hbm>>) target(%dma_start3A_804 : memref<80x128xf32, #tpu.memory_space<vmem>>) offsets(%dma_start3A_807 : memref<80xi32, #tpu.memory_space<vmem>>) semaphore(%dma_start3A_812 : memref<!tpu.dma_semaphore, #tpu.memory_space<semaphore_mem>>)
    %add3A_813 = arith.constant 2032 : i32
    %add3A_814 = arith.addi %add3A_813, %arg1 : i32
    %lt3A_815 = arith.constant 1984 : i32
    %lt3A_816 = arith.cmpi slt, %add3A_814, %lt3A_815 : i32
    %convert_element_type3A_817 = arith.extui %lt3A_816 : i1 to i32
    %cond3A_818 = arith.constant 0 : i32
    %cond3A_819 = arith.cmpi ne, %convert_element_type3A_817, %cond3A_818 : i32
    scf.if %cond3A_819 {
      %mul3A_1056 = arith.constant 80 : i32
      %mul3A_1057 = arith.muli %add3A_814, %mul3A_1056 : i32
      %add3A_1058 = arith.addi %mul3A_2, %mul3A_1057 : i32
      %dma_start3A_1059 = arith.constant 3 : i32
      %dma_start3A_1060 = arith.constant 1 : i32
      %dma_start3A_1061 = arith.constant 0 : i32
      %dma_start3A_1062 = arith.constant 3 : i32
      %dma_start3A_1063 = arith.constant 1 : i32
      %dma_start3A_1064 = arith.constant 0 : i32
      %dma_start3A_1065 = tpu.memref_slice %arg6[%dma_start3A_1059, %dma_start3A_1060, %dma_start3A_1061, %dma_start3A_1064] : memref<4x2x2x80xi32, #tpu.memory_space<vmem>> -> memref<1x1x1x80xi32, #tpu.memory_space<vmem>>
      %dma_start3A_1066 = tpu.memref_squeeze %dma_start3A_1065 : memref<1x1x1x80xi32, #tpu.memory_space<vmem>> -> memref<80xi32, #tpu.memory_space<vmem>>
      %dma_start3A_1067 = tpu.memref_slice %arg2[%add3A_1058] : memref<480000xi32, #tpu.memory_space<hbm>> -> memref<80xi32, #tpu.memory_space<hbm>>
      %dma_start3A_1068 = tpu.memref_slice %arg9[%dma_start3A_1062, %dma_start3A_1063] : memref<4x2x!tpu.dma_semaphore, #tpu.memory_space<semaphore_mem>> -> memref<1x1x!tpu.dma_semaphore, #tpu.memory_space<semaphore_mem>>
      %dma_start3A_1069 = tpu.memref_squeeze %dma_start3A_1068 : memref<1x1x!tpu.dma_semaphore, #tpu.memory_space<semaphore_mem>> -> memref<!tpu.dma_semaphore, #tpu.memory_space<semaphore_mem>>
      %dma_start3A_1070 = arith.constant 0 : i32
      %dma_start3A_1071 = tpu.memref_slice %arg6[%dma_start3A_1059, %dma_start3A_1060, %dma_start3A_1061, %dma_start3A_1070] : memref<4x2x2x80xi32, #tpu.memory_space<vmem>> -> memref<1x1x1x80xi32, #tpu.memory_space<vmem>>
      %dma_start3A_1072 = tpu.memref_squeeze %dma_start3A_1071 : memref<1x1x1x80xi32, #tpu.memory_space<vmem>> -> memref<80xi32, #tpu.memory_space<vmem>>
      %dma_start3A_1073 = tpu.memref_slice %arg2[%add3A_1058] : memref<480000xi32, #tpu.memory_space<hbm>> -> memref<80xi32, #tpu.memory_space<hbm>>
      tpu.enqueue_dma source(%dma_start3A_1073 : memref<80xi32, #tpu.memory_space<hbm>>) target(%dma_start3A_1072 : memref<80xi32, #tpu.memory_space<vmem>>) target_semaphore(%dma_start3A_1069 : memref<!tpu.dma_semaphore, #tpu.memory_space<semaphore_mem>>)
      %mul3A_1074 = arith.constant 80 : i32
      %mul3A_1075 = arith.muli %add3A_814, %mul3A_1074 : i32
      %add3A_1076 = arith.constant 320000 : i32
      %add3A_1077 = arith.addi %add3A_1076, %mul3A_1075 : i32
      %dma_start3A_1078 = arith.constant 3 : i32
      %dma_start3A_1079 = arith.constant 1 : i32
      %dma_start3A_1080 = arith.constant 1 : i32
      %dma_start3A_1081 = arith.constant 3 : i32
      %dma_start3A_1082 = arith.constant 1 : i32
      %dma_start3A_1083 = arith.constant 0 : i32
      %dma_start3A_1084 = tpu.memref_slice %arg6[%dma_start3A_1078, %dma_start3A_1079, %dma_start3A_1080, %dma_start3A_1083] : memref<4x2x2x80xi32, #tpu.memory_space<vmem>> -> memref<1x1x1x80xi32, #tpu.memory_space<vmem>>
      %dma_start3A_1085 = tpu.memref_squeeze %dma_start3A_1084 : memref<1x1x1x80xi32, #tpu.memory_space<vmem>> -> memref<80xi32, #tpu.memory_space<vmem>>
      %dma_start3A_1086 = tpu.memref_slice %arg2[%add3A_1077] : memref<480000xi32, #tpu.memory_space<hbm>> -> memref<80xi32, #tpu.memory_space<hbm>>
      %dma_start3A_1087 = tpu.memref_slice %arg9[%dma_start3A_1081, %dma_start3A_1082] : memref<4x2x!tpu.dma_semaphore, #tpu.memory_space<semaphore_mem>> -> memref<1x1x!tpu.dma_semaphore, #tpu.memory_space<semaphore_mem>>
      %dma_start3A_1088 = tpu.memref_squeeze %dma_start3A_1087 : memref<1x1x!tpu.dma_semaphore, #tpu.memory_space<semaphore_mem>> -> memref<!tpu.dma_semaphore, #tpu.memory_space<semaphore_mem>>
      %dma_start3A_1089 = arith.constant 0 : i32
      %dma_start3A_1090 = tpu.memref_slice %arg6[%dma_start3A_1078, %dma_start3A_1079, %dma_start3A_1080, %dma_start3A_1089] : memref<4x2x2x80xi32, #tpu.memory_space<vmem>> -> memref<1x1x1x80xi32, #tpu.memory_space<vmem>>
      %dma_start3A_1091 = tpu.memref_squeeze %dma_start3A_1090 : memref<1x1x1x80xi32, #tpu.memory_space<vmem>> -> memref<80xi32, #tpu.memory_space<vmem>>
      %dma_start3A_1092 = tpu.memref_slice %arg2[%add3A_1077] : memref<480000xi32, #tpu.memory_space<hbm>> -> memref<80xi32, #tpu.memory_space<hbm>>
      tpu.enqueue_dma source(%dma_start3A_1092 : memref<80xi32, #tpu.memory_space<hbm>>) target(%dma_start3A_1091 : memref<80xi32, #tpu.memory_space<vmem>>) target_semaphore(%dma_start3A_1088 : memref<!tpu.dma_semaphore, #tpu.memory_space<semaphore_mem>>)
    } else {
    }
    %dma_wait3A_820 = arith.constant 0 : i32
    %dma_wait3A_821 = arith.constant 0 : i32
    %dma_wait3A_822 = arith.constant 0 : i32
    %dma_wait3A_823 = arith.constant 0 : i32
    %dma_wait3A_824 = arith.constant 0 : i32
    %dma_wait3A_825 = arith.constant 0 : i32
    %dma_wait3A_826 = arith.constant 0 : i32
    %dma_wait3A_827 = tpu.memref_slice %arg7[%dma_wait3A_823, %dma_wait3A_825, %dma_wait3A_826] : memref<4x80x128xf32, #tpu.memory_space<vmem>> -> memref<1x80x128xf32, #tpu.memory_space<vmem>>
    %dma_wait3A_828 = tpu.memref_squeeze %dma_wait3A_827 : memref<1x80x128xf32, #tpu.memory_space<vmem>> -> memref<80x128xf32, #tpu.memory_space<vmem>>
    %dma_wait3A_829 = arith.constant 0 : i32
    %dma_wait3A_830 = tpu.memref_slice %arg6[%dma_wait3A_820, %dma_wait3A_821, %dma_wait3A_822, %dma_wait3A_829] : memref<4x2x2x80xi32, #tpu.memory_space<vmem>> -> memref<1x1x1x80xi32, #tpu.memory_space<vmem>>
    %dma_wait3A_831 = tpu.memref_squeeze %dma_wait3A_830 : memref<1x1x1x80xi32, #tpu.memory_space<vmem>> -> memref<80xi32, #tpu.memory_space<vmem>>
    %dma_wait3A_832 = arith.constant 0 : i32
    %dma_wait3A_833 = arith.constant 0 : i32
    %dma_wait3A_834 = tpu.memref_slice %arg3[%dma_wait3A_832, %dma_wait3A_833] : memref<20480x128xf32, #tpu.memory_space<hbm>> -> memref<20480x128xf32, #tpu.memory_space<hbm>>
    %dma_wait3A_835 = tpu.memref_slice %arg10[%dma_wait3A_824] : memref<4x!tpu.dma_semaphore, #tpu.memory_space<semaphore_mem>> -> memref<1x!tpu.dma_semaphore, #tpu.memory_space<semaphore_mem>>
    %dma_wait3A_836 = tpu.memref_squeeze %dma_wait3A_835 : memref<1x!tpu.dma_semaphore, #tpu.memory_space<semaphore_mem>> -> memref<!tpu.dma_semaphore, #tpu.memory_space<semaphore_mem>>
    tpu.wait_indirect_dma semaphore(%dma_wait3A_836 : memref<!tpu.dma_semaphore, #tpu.memory_space<semaphore_mem>>) src(%dma_wait3A_834 : memref<20480x128xf32, #tpu.memory_space<hbm>>) dst(%dma_wait3A_828 : memref<80x128xf32, #tpu.memory_space<vmem>>)
    %dma_start3A_837 = arith.constant 0 : i32
    %dma_start3A_838 = arith.constant 0 : i32
    %dma_start3A_839 = arith.constant 0 : i32
    %dma_start3A_840 = arith.constant 1 : i32
    %dma_start3A_841 = arith.constant 0 : i32
    %dma_start3A_842 = arith.constant 0 : i32
    %dma_start3A_843 = arith.constant 0 : i32
    %dma_start3A_844 = tpu.memref_slice %arg7[%dma_start3A_837, %dma_start3A_842, %dma_start3A_843] : memref<4x80x128xf32, #tpu.memory_space<vmem>> -> memref<1x80x128xf32, #tpu.memory_space<vmem>>
    %dma_start3A_845 = tpu.memref_squeeze %dma_start3A_844 : memref<1x80x128xf32, #tpu.memory_space<vmem>> -> memref<80x128xf32, #tpu.memory_space<vmem>>
    %dma_start3A_846 = arith.constant 0 : i32
    %dma_start3A_847 = tpu.memref_slice %arg6[%dma_start3A_838, %dma_start3A_839, %dma_start3A_840, %dma_start3A_846] : memref<4x2x2x80xi32, #tpu.memory_space<vmem>> -> memref<1x1x1x80xi32, #tpu.memory_space<vmem>>
    %dma_start3A_848 = tpu.memref_squeeze %dma_start3A_847 : memref<1x1x1x80xi32, #tpu.memory_space<vmem>> -> memref<80xi32, #tpu.memory_space<vmem>>
    %dma_start3A_849 = arith.constant 0 : i32
    %dma_start3A_850 = arith.constant 0 : i32
    %dma_start3A_851 = tpu.memref_slice %arg8[%dma_start3A_849, %dma_start3A_850] : memref<10240x128xf32, #tpu.memory_space<vmem_shared>> -> memref<10240x128xf32, #tpu.memory_space<vmem_shared>>
    %dma_start3A_852 = tpu.memref_slice %arg11[%dma_start3A_841] : memref<4x!tpu.dma_semaphore, #tpu.memory_space<semaphore_mem>> -> memref<1x!tpu.dma_semaphore, #tpu.memory_space<semaphore_mem>>
    %dma_start3A_853 = tpu.memref_squeeze %dma_start3A_852 : memref<1x!tpu.dma_semaphore, #tpu.memory_space<semaphore_mem>> -> memref<!tpu.dma_semaphore, #tpu.memory_space<semaphore_mem>>
    tpu.enqueue_indirect_dma source(%dma_start3A_845 : memref<80x128xf32, #tpu.memory_space<vmem>>) target(%dma_start3A_851 : memref<10240x128xf32, #tpu.memory_space<vmem_shared>>) offsets(%dma_start3A_848 : memref<80xi32, #tpu.memory_space<vmem>>) semaphore(%dma_start3A_853 : memref<!tpu.dma_semaphore, #tpu.memory_space<semaphore_mem>>) {add = true}
    %dma_wait3A_854 = arith.constant 1 : i32
    %dma_wait3A_855 = arith.constant 0 : i32
    %dma_wait3A_856 = arith.constant 0 : i32
    %dma_wait3A_857 = arith.constant 1 : i32
    %dma_wait3A_858 = arith.constant 1 : i32
    %dma_wait3A_859 = arith.constant 0 : i32
    %dma_wait3A_860 = arith.constant 0 : i32
    %dma_wait3A_861 = tpu.memref_slice %arg7[%dma_wait3A_857, %dma_wait3A_859, %dma_wait3A_860] : memref<4x80x128xf32, #tpu.memory_space<vmem>> -> memref<1x80x128xf32, #tpu.memory_space<vmem>>
    %dma_wait3A_862 = tpu.memref_squeeze %dma_wait3A_861 : memref<1x80x128xf32, #tpu.memory_space<vmem>> -> memref<80x128xf32, #tpu.memory_space<vmem>>
    %dma_wait3A_863 = arith.constant 0 : i32
    %dma_wait3A_864 = tpu.memref_slice %arg6[%dma_wait3A_854, %dma_wait3A_855, %dma_wait3A_856, %dma_wait3A_863] : memref<4x2x2x80xi32, #tpu.memory_space<vmem>> -> memref<1x1x1x80xi32, #tpu.memory_space<vmem>>
    %dma_wait3A_865 = tpu.memref_squeeze %dma_wait3A_864 : memref<1x1x1x80xi32, #tpu.memory_space<vmem>> -> memref<80xi32, #tpu.memory_space<vmem>>
    %dma_wait3A_866 = arith.constant 0 : i32
    %dma_wait3A_867 = arith.constant 0 : i32
    %dma_wait3A_868 = tpu.memref_slice %arg3[%dma_wait3A_866, %dma_wait3A_867] : memref<20480x128xf32, #tpu.memory_space<hbm>> -> memref<20480x128xf32, #tpu.memory_space<hbm>>
    %dma_wait3A_869 = tpu.memref_slice %arg10[%dma_wait3A_858] : memref<4x!tpu.dma_semaphore, #tpu.memory_space<semaphore_mem>> -> memref<1x!tpu.dma_semaphore, #tpu.memory_space<semaphore_mem>>
    %dma_wait3A_870 = tpu.memref_squeeze %dma_wait3A_869 : memref<1x!tpu.dma_semaphore, #tpu.memory_space<semaphore_mem>> -> memref<!tpu.dma_semaphore, #tpu.memory_space<semaphore_mem>>
    tpu.wait_indirect_dma semaphore(%dma_wait3A_870 : memref<!tpu.dma_semaphore, #tpu.memory_space<semaphore_mem>>) src(%dma_wait3A_868 : memref<20480x128xf32, #tpu.memory_space<hbm>>) dst(%dma_wait3A_862 : memref<80x128xf32, #tpu.memory_space<vmem>>)
    %dma_start3A_871 = arith.constant 1 : i32
    %dma_start3A_872 = arith.constant 1 : i32
    %dma_start3A_873 = arith.constant 0 : i32
    %dma_start3A_874 = arith.constant 1 : i32
    %dma_start3A_875 = arith.constant 1 : i32
    %dma_start3A_876 = arith.constant 0 : i32
    %dma_start3A_877 = arith.constant 0 : i32
    %dma_start3A_878 = tpu.memref_slice %arg7[%dma_start3A_871, %dma_start3A_876, %dma_start3A_877] : memref<4x80x128xf32, #tpu.memory_space<vmem>> -> memref<1x80x128xf32, #tpu.memory_space<vmem>>
    %dma_start3A_879 = tpu.memref_squeeze %dma_start3A_878 : memref<1x80x128xf32, #tpu.memory_space<vmem>> -> memref<80x128xf32, #tpu.memory_space<vmem>>
    %dma_start3A_880 = arith.constant 0 : i32
    %dma_start3A_881 = tpu.memref_slice %arg6[%dma_start3A_872, %dma_start3A_873, %dma_start3A_874, %dma_start3A_880] : memref<4x2x2x80xi32, #tpu.memory_space<vmem>> -> memref<1x1x1x80xi32, #tpu.memory_space<vmem>>
    %dma_start3A_882 = tpu.memref_squeeze %dma_start3A_881 : memref<1x1x1x80xi32, #tpu.memory_space<vmem>> -> memref<80xi32, #tpu.memory_space<vmem>>
    %dma_start3A_883 = arith.constant 0 : i32
    %dma_start3A_884 = arith.constant 0 : i32
    %dma_start3A_885 = tpu.memref_slice %arg8[%dma_start3A_883, %dma_start3A_884] : memref<10240x128xf32, #tpu.memory_space<vmem_shared>> -> memref<10240x128xf32, #tpu.memory_space<vmem_shared>>
    %dma_start3A_886 = tpu.memref_slice %arg11[%dma_start3A_875] : memref<4x!tpu.dma_semaphore, #tpu.memory_space<semaphore_mem>> -> memref<1x!tpu.dma_semaphore, #tpu.memory_space<semaphore_mem>>
    %dma_start3A_887 = tpu.memref_squeeze %dma_start3A_886 : memref<1x!tpu.dma_semaphore, #tpu.memory_space<semaphore_mem>> -> memref<!tpu.dma_semaphore, #tpu.memory_space<semaphore_mem>>
    tpu.enqueue_indirect_dma source(%dma_start3A_879 : memref<80x128xf32, #tpu.memory_space<vmem>>) target(%dma_start3A_885 : memref<10240x128xf32, #tpu.memory_space<vmem_shared>>) offsets(%dma_start3A_882 : memref<80xi32, #tpu.memory_space<vmem>>) semaphore(%dma_start3A_887 : memref<!tpu.dma_semaphore, #tpu.memory_space<semaphore_mem>>) {add = true}
    %dma_wait3A_888 = arith.constant 2 : i32
    %dma_wait3A_889 = arith.constant 0 : i32
    %dma_wait3A_890 = arith.constant 0 : i32
    %dma_wait3A_891 = arith.constant 2 : i32
    %dma_wait3A_892 = arith.constant 2 : i32
    %dma_wait3A_893 = arith.constant 0 : i32
    %dma_wait3A_894 = arith.constant 0 : i32
    %dma_wait3A_895 = tpu.memref_slice %arg7[%dma_wait3A_891, %dma_wait3A_893, %dma_wait3A_894] : memref<4x80x128xf32, #tpu.memory_space<vmem>> -> memref<1x80x128xf32, #tpu.memory_space<vmem>>
    %dma_wait3A_896 = tpu.memref_squeeze %dma_wait3A_895 : memref<1x80x128xf32, #tpu.memory_space<vmem>> -> memref<80x128xf32, #tpu.memory_space<vmem>>
    %dma_wait3A_897 = arith.constant 0 : i32
    %dma_wait3A_898 = tpu.memref_slice %arg6[%dma_wait3A_888, %dma_wait3A_889, %dma_wait3A_890, %dma_wait3A_897] : memref<4x2x2x80xi32, #tpu.memory_space<vmem>> -> memref<1x1x1x80xi32, #tpu.memory_space<vmem>>
    %dma_wait3A_899 = tpu.memref_squeeze %dma_wait3A_898 : memref<1x1x1x80xi32, #tpu.memory_space<vmem>> -> memref<80xi32, #tpu.memory_space<vmem>>
    %dma_wait3A_900 = arith.constant 0 : i32
    %dma_wait3A_901 = arith.constant 0 : i32
    %dma_wait3A_902 = tpu.memref_slice %arg3[%dma_wait3A_900, %dma_wait3A_901] : memref<20480x128xf32, #tpu.memory_space<hbm>> -> memref<20480x128xf32, #tpu.memory_space<hbm>>
    %dma_wait3A_903 = tpu.memref_slice %arg10[%dma_wait3A_892] : memref<4x!tpu.dma_semaphore, #tpu.memory_space<semaphore_mem>> -> memref<1x!tpu.dma_semaphore, #tpu.memory_space<semaphore_mem>>
    %dma_wait3A_904 = tpu.memref_squeeze %dma_wait3A_903 : memref<1x!tpu.dma_semaphore, #tpu.memory_space<semaphore_mem>> -> memref<!tpu.dma_semaphore, #tpu.memory_space<semaphore_mem>>
    tpu.wait_indirect_dma semaphore(%dma_wait3A_904 : memref<!tpu.dma_semaphore, #tpu.memory_space<semaphore_mem>>) src(%dma_wait3A_902 : memref<20480x128xf32, #tpu.memory_space<hbm>>) dst(%dma_wait3A_896 : memref<80x128xf32, #tpu.memory_space<vmem>>)
    %dma_start3A_905 = arith.constant 2 : i32
    %dma_start3A_906 = arith.constant 2 : i32
    %dma_start3A_907 = arith.constant 0 : i32
    %dma_start3A_908 = arith.constant 1 : i32
    %dma_start3A_909 = arith.constant 2 : i32
    %dma_start3A_910 = arith.constant 0 : i32
    %dma_start3A_911 = arith.constant 0 : i32
    %dma_start3A_912 = tpu.memref_slice %arg7[%dma_start3A_905, %dma_start3A_910, %dma_start3A_911] : memref<4x80x128xf32, #tpu.memory_space<vmem>> -> memref<1x80x128xf32, #tpu.memory_space<vmem>>
    %dma_start3A_913 = tpu.memref_squeeze %dma_start3A_912 : memref<1x80x128xf32, #tpu.memory_space<vmem>> -> memref<80x128xf32, #tpu.memory_space<vmem>>
    %dma_start3A_914 = arith.constant 0 : i32
    %dma_start3A_915 = tpu.memref_slice %arg6[%dma_start3A_906, %dma_start3A_907, %dma_start3A_908, %dma_start3A_914] : memref<4x2x2x80xi32, #tpu.memory_space<vmem>> -> memref<1x1x1x80xi32, #tpu.memory_space<vmem>>
    %dma_start3A_916 = tpu.memref_squeeze %dma_start3A_915 : memref<1x1x1x80xi32, #tpu.memory_space<vmem>> -> memref<80xi32, #tpu.memory_space<vmem>>
    %dma_start3A_917 = arith.constant 0 : i32
    %dma_start3A_918 = arith.constant 0 : i32
    %dma_start3A_919 = tpu.memref_slice %arg8[%dma_start3A_917, %dma_start3A_918] : memref<10240x128xf32, #tpu.memory_space<vmem_shared>> -> memref<10240x128xf32, #tpu.memory_space<vmem_shared>>
    %dma_start3A_920 = tpu.memref_slice %arg11[%dma_start3A_909] : memref<4x!tpu.dma_semaphore, #tpu.memory_space<semaphore_mem>> -> memref<1x!tpu.dma_semaphore, #tpu.memory_space<semaphore_mem>>
    %dma_start3A_921 = tpu.memref_squeeze %dma_start3A_920 : memref<1x!tpu.dma_semaphore, #tpu.memory_space<semaphore_mem>> -> memref<!tpu.dma_semaphore, #tpu.memory_space<semaphore_mem>>
    tpu.enqueue_indirect_dma source(%dma_start3A_913 : memref<80x128xf32, #tpu.memory_space<vmem>>) target(%dma_start3A_919 : memref<10240x128xf32, #tpu.memory_space<vmem_shared>>) offsets(%dma_start3A_916 : memref<80xi32, #tpu.memory_space<vmem>>) semaphore(%dma_start3A_921 : memref<!tpu.dma_semaphore, #tpu.memory_space<semaphore_mem>>) {add = true}
    %dma_wait3A_922 = arith.constant 3 : i32
    %dma_wait3A_923 = arith.constant 0 : i32
    %dma_wait3A_924 = arith.constant 0 : i32
    %dma_wait3A_925 = arith.constant 3 : i32
    %dma_wait3A_926 = arith.constant 3 : i32
    %dma_wait3A_927 = arith.constant 0 : i32
    %dma_wait3A_928 = arith.constant 0 : i32
    %dma_wait3A_929 = tpu.memref_slice %arg7[%dma_wait3A_925, %dma_wait3A_927, %dma_wait3A_928] : memref<4x80x128xf32, #tpu.memory_space<vmem>> -> memref<1x80x128xf32, #tpu.memory_space<vmem>>
    %dma_wait3A_930 = tpu.memref_squeeze %dma_wait3A_929 : memref<1x80x128xf32, #tpu.memory_space<vmem>> -> memref<80x128xf32, #tpu.memory_space<vmem>>
    %dma_wait3A_931 = arith.constant 0 : i32
    %dma_wait3A_932 = tpu.memref_slice %arg6[%dma_wait3A_922, %dma_wait3A_923, %dma_wait3A_924, %dma_wait3A_931] : memref<4x2x2x80xi32, #tpu.memory_space<vmem>> -> memref<1x1x1x80xi32, #tpu.memory_space<vmem>>
    %dma_wait3A_933 = tpu.memref_squeeze %dma_wait3A_932 : memref<1x1x1x80xi32, #tpu.memory_space<vmem>> -> memref<80xi32, #tpu.memory_space<vmem>>
    %dma_wait3A_934 = arith.constant 0 : i32
    %dma_wait3A_935 = arith.constant 0 : i32
    %dma_wait3A_936 = tpu.memref_slice %arg3[%dma_wait3A_934, %dma_wait3A_935] : memref<20480x128xf32, #tpu.memory_space<hbm>> -> memref<20480x128xf32, #tpu.memory_space<hbm>>
    %dma_wait3A_937 = tpu.memref_slice %arg10[%dma_wait3A_926] : memref<4x!tpu.dma_semaphore, #tpu.memory_space<semaphore_mem>> -> memref<1x!tpu.dma_semaphore, #tpu.memory_space<semaphore_mem>>
    %dma_wait3A_938 = tpu.memref_squeeze %dma_wait3A_937 : memref<1x!tpu.dma_semaphore, #tpu.memory_space<semaphore_mem>> -> memref<!tpu.dma_semaphore, #tpu.memory_space<semaphore_mem>>
    tpu.wait_indirect_dma semaphore(%dma_wait3A_938 : memref<!tpu.dma_semaphore, #tpu.memory_space<semaphore_mem>>) src(%dma_wait3A_936 : memref<20480x128xf32, #tpu.memory_space<hbm>>) dst(%dma_wait3A_930 : memref<80x128xf32, #tpu.memory_space<vmem>>)
    %dma_start3A_939 = arith.constant 3 : i32
    %dma_start3A_940 = arith.constant 3 : i32
    %dma_start3A_941 = arith.constant 0 : i32
    %dma_start3A_942 = arith.constant 1 : i32
    %dma_start3A_943 = arith.constant 3 : i32
    %dma_start3A_944 = arith.constant 0 : i32
    %dma_start3A_945 = arith.constant 0 : i32
    %dma_start3A_946 = tpu.memref_slice %arg7[%dma_start3A_939, %dma_start3A_944, %dma_start3A_945] : memref<4x80x128xf32, #tpu.memory_space<vmem>> -> memref<1x80x128xf32, #tpu.memory_space<vmem>>
    %dma_start3A_947 = tpu.memref_squeeze %dma_start3A_946 : memref<1x80x128xf32, #tpu.memory_space<vmem>> -> memref<80x128xf32, #tpu.memory_space<vmem>>
    %dma_start3A_948 = arith.constant 0 : i32
    %dma_start3A_949 = tpu.memref_slice %arg6[%dma_start3A_940, %dma_start3A_941, %dma_start3A_942, %dma_start3A_948] : memref<4x2x2x80xi32, #tpu.memory_space<vmem>> -> memref<1x1x1x80xi32, #tpu.memory_space<vmem>>
    %dma_start3A_950 = tpu.memref_squeeze %dma_start3A_949 : memref<1x1x1x80xi32, #tpu.memory_space<vmem>> -> memref<80xi32, #tpu.memory_space<vmem>>
    %dma_start3A_951 = arith.constant 0 : i32
    %dma_start3A_952 = arith.constant 0 : i32
    %dma_start3A_953 = tpu.memref_slice %arg8[%dma_start3A_951, %dma_start3A_952] : memref<10240x128xf32, #tpu.memory_space<vmem_shared>> -> memref<10240x128xf32, #tpu.memory_space<vmem_shared>>
    %dma_start3A_954 = tpu.memref_slice %arg11[%dma_start3A_943] : memref<4x!tpu.dma_semaphore, #tpu.memory_space<semaphore_mem>> -> memref<1x!tpu.dma_semaphore, #tpu.memory_space<semaphore_mem>>
    %dma_start3A_955 = tpu.memref_squeeze %dma_start3A_954 : memref<1x!tpu.dma_semaphore, #tpu.memory_space<semaphore_mem>> -> memref<!tpu.dma_semaphore, #tpu.memory_space<semaphore_mem>>
    tpu.enqueue_indirect_dma source(%dma_start3A_947 : memref<80x128xf32, #tpu.memory_space<vmem>>) target(%dma_start3A_953 : memref<10240x128xf32, #tpu.memory_space<vmem_shared>>) offsets(%dma_start3A_950 : memref<80xi32, #tpu.memory_space<vmem>>) semaphore(%dma_start3A_955 : memref<!tpu.dma_semaphore, #tpu.memory_space<semaphore_mem>>) {add = true}
    %dma_wait3A_956 = arith.constant 0 : i32
    %dma_wait3A_957 = arith.constant 0 : i32
    %dma_wait3A_958 = arith.constant 0 : i32
    %dma_wait3A_959 = arith.constant 1 : i32
    %dma_wait3A_960 = arith.constant 0 : i32
    %dma_wait3A_961 = arith.constant 0 : i32
    %dma_wait3A_962 = arith.constant 0 : i32
    %dma_wait3A_963 = tpu.memref_slice %arg7[%dma_wait3A_956, %dma_wait3A_961, %dma_wait3A_962] : memref<4x80x128xf32, #tpu.memory_space<vmem>> -> memref<1x80x128xf32, #tpu.memory_space<vmem>>
    %dma_wait3A_964 = tpu.memref_squeeze %dma_wait3A_963 : memref<1x80x128xf32, #tpu.memory_space<vmem>> -> memref<80x128xf32, #tpu.memory_space<vmem>>
    %dma_wait3A_965 = arith.constant 0 : i32
    %dma_wait3A_966 = tpu.memref_slice %arg6[%dma_wait3A_957, %dma_wait3A_958, %dma_wait3A_959, %dma_wait3A_965] : memref<4x2x2x80xi32, #tpu.memory_space<vmem>> -> memref<1x1x1x80xi32, #tpu.memory_space<vmem>>
    %dma_wait3A_967 = tpu.memref_squeeze %dma_wait3A_966 : memref<1x1x1x80xi32, #tpu.memory_space<vmem>> -> memref<80xi32, #tpu.memory_space<vmem>>
    %dma_wait3A_968 = arith.constant 0 : i32
    %dma_wait3A_969 = arith.constant 0 : i32
    %dma_wait3A_970 = tpu.memref_slice %arg8[%dma_wait3A_968, %dma_wait3A_969] : memref<10240x128xf32, #tpu.memory_space<vmem_shared>> -> memref<10240x128xf32, #tpu.memory_space<vmem_shared>>
    %dma_wait3A_971 = tpu.memref_slice %arg11[%dma_wait3A_960] : memref<4x!tpu.dma_semaphore, #tpu.memory_space<semaphore_mem>> -> memref<1x!tpu.dma_semaphore, #tpu.memory_space<semaphore_mem>>
    %dma_wait3A_972 = tpu.memref_squeeze %dma_wait3A_971 : memref<1x!tpu.dma_semaphore, #tpu.memory_space<semaphore_mem>> -> memref<!tpu.dma_semaphore, #tpu.memory_space<semaphore_mem>>
    tpu.wait_indirect_dma semaphore(%dma_wait3A_972 : memref<!tpu.dma_semaphore, #tpu.memory_space<semaphore_mem>>) src(%dma_wait3A_964 : memref<80x128xf32, #tpu.memory_space<vmem>>) dst(%dma_wait3A_970 : memref<10240x128xf32, #tpu.memory_space<vmem_shared>>)
    %dma_wait3A_973 = arith.constant 1 : i32
    %dma_wait3A_974 = arith.constant 1 : i32
    %dma_wait3A_975 = arith.constant 0 : i32
    %dma_wait3A_976 = arith.constant 1 : i32
    %dma_wait3A_977 = arith.constant 1 : i32
    %dma_wait3A_978 = arith.constant 0 : i32
    %dma_wait3A_979 = arith.constant 0 : i32
    %dma_wait3A_980 = tpu.memref_slice %arg7[%dma_wait3A_973, %dma_wait3A_978, %dma_wait3A_979] : memref<4x80x128xf32, #tpu.memory_space<vmem>> -> memref<1x80x128xf32, #tpu.memory_space<vmem>>
    %dma_wait3A_981 = tpu.memref_squeeze %dma_wait3A_980 : memref<1x80x128xf32, #tpu.memory_space<vmem>> -> memref<80x128xf32, #tpu.memory_space<vmem>>
    %dma_wait3A_982 = arith.constant 0 : i32
    %dma_wait3A_983 = tpu.memref_slice %arg6[%dma_wait3A_974, %dma_wait3A_975, %dma_wait3A_976, %dma_wait3A_982] : memref<4x2x2x80xi32, #tpu.memory_space<vmem>> -> memref<1x1x1x80xi32, #tpu.memory_space<vmem>>
    %dma_wait3A_984 = tpu.memref_squeeze %dma_wait3A_983 : memref<1x1x1x80xi32, #tpu.memory_space<vmem>> -> memref<80xi32, #tpu.memory_space<vmem>>
    %dma_wait3A_985 = arith.constant 0 : i32
    %dma_wait3A_986 = arith.constant 0 : i32
    %dma_wait3A_987 = tpu.memref_slice %arg8[%dma_wait3A_985, %dma_wait3A_986] : memref<10240x128xf32, #tpu.memory_space<vmem_shared>> -> memref<10240x128xf32, #tpu.memory_space<vmem_shared>>
    %dma_wait3A_988 = tpu.memref_slice %arg11[%dma_wait3A_977] : memref<4x!tpu.dma_semaphore, #tpu.memory_space<semaphore_mem>> -> memref<1x!tpu.dma_semaphore, #tpu.memory_space<semaphore_mem>>
    %dma_wait3A_989 = tpu.memref_squeeze %dma_wait3A_988 : memref<1x!tpu.dma_semaphore, #tpu.memory_space<semaphore_mem>> -> memref<!tpu.dma_semaphore, #tpu.memory_space<semaphore_mem>>
    tpu.wait_indirect_dma semaphore(%dma_wait3A_989 : memref<!tpu.dma_semaphore, #tpu.memory_space<semaphore_mem>>) src(%dma_wait3A_981 : memref<80x128xf32, #tpu.memory_space<vmem>>) dst(%dma_wait3A_987 : memref<10240x128xf32, #tpu.memory_space<vmem_shared>>)
    %dma_wait3A_990 = arith.constant 2 : i32
    %dma_wait3A_991 = arith.constant 2 : i32
    %dma_wait3A_992 = arith.constant 0 : i32
    %dma_wait3A_993 = arith.constant 1 : i32
    %dma_wait3A_994 = arith.constant 2 : i32
    %dma_wait3A_995 = arith.constant 0 : i32
    %dma_wait3A_996 = arith.constant 0 : i32
    %dma_wait3A_997 = tpu.memref_slice %arg7[%dma_wait3A_990, %dma_wait3A_995, %dma_wait3A_996] : memref<4x80x128xf32, #tpu.memory_space<vmem>> -> memref<1x80x128xf32, #tpu.memory_space<vmem>>
    %dma_wait3A_998 = tpu.memref_squeeze %dma_wait3A_997 : memref<1x80x128xf32, #tpu.memory_space<vmem>> -> memref<80x128xf32, #tpu.memory_space<vmem>>
    %dma_wait3A_999 = arith.constant 0 : i32
    %dma_wait3A_1000 = tpu.memref_slice %arg6[%dma_wait3A_991, %dma_wait3A_992, %dma_wait3A_993, %dma_wait3A_999] : memref<4x2x2x80xi32, #tpu.memory_space<vmem>> -> memref<1x1x1x80xi32, #tpu.memory_space<vmem>>
    %dma_wait3A_1001 = tpu.memref_squeeze %dma_wait3A_1000 : memref<1x1x1x80xi32, #tpu.memory_space<vmem>> -> memref<80xi32, #tpu.memory_space<vmem>>
    %dma_wait3A_1002 = arith.constant 0 : i32
    %dma_wait3A_1003 = arith.constant 0 : i32
    %dma_wait3A_1004 = tpu.memref_slice %arg8[%dma_wait3A_1002, %dma_wait3A_1003] : memref<10240x128xf32, #tpu.memory_space<vmem_shared>> -> memref<10240x128xf32, #tpu.memory_space<vmem_shared>>
    %dma_wait3A_1005 = tpu.memref_slice %arg11[%dma_wait3A_994] : memref<4x!tpu.dma_semaphore, #tpu.memory_space<semaphore_mem>> -> memref<1x!tpu.dma_semaphore, #tpu.memory_space<semaphore_mem>>
    %dma_wait3A_1006 = tpu.memref_squeeze %dma_wait3A_1005 : memref<1x!tpu.dma_semaphore, #tpu.memory_space<semaphore_mem>> -> memref<!tpu.dma_semaphore, #tpu.memory_space<semaphore_mem>>
    tpu.wait_indirect_dma semaphore(%dma_wait3A_1006 : memref<!tpu.dma_semaphore, #tpu.memory_space<semaphore_mem>>) src(%dma_wait3A_998 : memref<80x128xf32, #tpu.memory_space<vmem>>) dst(%dma_wait3A_1004 : memref<10240x128xf32, #tpu.memory_space<vmem_shared>>)
    %dma_wait3A_1007 = arith.constant 3 : i32
    %dma_wait3A_1008 = arith.constant 3 : i32
    %dma_wait3A_1009 = arith.constant 0 : i32
    %dma_wait3A_1010 = arith.constant 1 : i32
    %dma_wait3A_1011 = arith.constant 3 : i32
    %dma_wait3A_1012 = arith.constant 0 : i32
    %dma_wait3A_1013 = arith.constant 0 : i32
    %dma_wait3A_1014 = tpu.memref_slice %arg7[%dma_wait3A_1007, %dma_wait3A_1012, %dma_wait3A_1013] : memref<4x80x128xf32, #tpu.memory_space<vmem>> -> memref<1x80x128xf32, #tpu.memory_space<vmem>>
    %dma_wait3A_1015 = tpu.memref_squeeze %dma_wait3A_1014 : memref<1x80x128xf32, #tpu.memory_space<vmem>> -> memref<80x128xf32, #tpu.memory_space<vmem>>
    %dma_wait3A_1016 = arith.constant 0 : i32
    %dma_wait3A_1017 = tpu.memref_slice %arg6[%dma_wait3A_1008, %dma_wait3A_1009, %dma_wait3A_1010, %dma_wait3A_1016] : memref<4x2x2x80xi32, #tpu.memory_space<vmem>> -> memref<1x1x1x80xi32, #tpu.memory_space<vmem>>
    %dma_wait3A_1018 = tpu.memref_squeeze %dma_wait3A_1017 : memref<1x1x1x80xi32, #tpu.memory_space<vmem>> -> memref<80xi32, #tpu.memory_space<vmem>>
    %dma_wait3A_1019 = arith.constant 0 : i32
    %dma_wait3A_1020 = arith.constant 0 : i32
    %dma_wait3A_1021 = tpu.memref_slice %arg8[%dma_wait3A_1019, %dma_wait3A_1020] : memref<10240x128xf32, #tpu.memory_space<vmem_shared>> -> memref<10240x128xf32, #tpu.memory_space<vmem_shared>>
    %dma_wait3A_1022 = tpu.memref_slice %arg11[%dma_wait3A_1011] : memref<4x!tpu.dma_semaphore, #tpu.memory_space<semaphore_mem>> -> memref<1x!tpu.dma_semaphore, #tpu.memory_space<semaphore_mem>>
    %dma_wait3A_1023 = tpu.memref_squeeze %dma_wait3A_1022 : memref<1x!tpu.dma_semaphore, #tpu.memory_space<semaphore_mem>> -> memref<!tpu.dma_semaphore, #tpu.memory_space<semaphore_mem>>
    tpu.wait_indirect_dma semaphore(%dma_wait3A_1023 : memref<!tpu.dma_semaphore, #tpu.memory_space<semaphore_mem>>) src(%dma_wait3A_1015 : memref<80x128xf32, #tpu.memory_space<vmem>>) dst(%dma_wait3A_1021 : memref<10240x128xf32, #tpu.memory_space<vmem_shared>>)
    %add3A_1024 = arith.constant 1984 : i32
    %add3A_1025 = arith.addi %add3A_1024, %arg1 : i32
    %mul3A_1026 = arith.constant 80 : i32
    %mul3A_1027 = arith.muli %add3A_1025, %mul3A_1026 : i32
    %add3A_1028 = arith.addi %mul3A_2, %mul3A_1027 : i32
    %run_scoped3A = arith.constant 0 : i32
    %run_scoped3A_1029 = arith.constant 0 : i32
    %run_scoped3A_1030 = arith.constant 0 : i32
    "tpu.region"() ({
      %run_scoped3A_1056 = tpu.sem_alloc : memref<!tpu.dma_semaphore, #tpu.memory_space<semaphore_mem>>
      %dma_start3A_1057 = arith.constant 0 : i32
      %dma_start3A_1058 = tpu.memref_slice %arg6[%run_scoped3A, %run_scoped3A_1029, %run_scoped3A_1030, %dma_start3A_1057] : memref<4x2x2x80xi32, #tpu.memory_space<vmem>> -> memref<1x1x1x80xi32, #tpu.memory_space<vmem>>
      %dma_start3A_1059 = tpu.memref_squeeze %dma_start3A_1058 : memref<1x1x1x80xi32, #tpu.memory_space<vmem>> -> memref<80xi32, #tpu.memory_space<vmem>>
      %dma_start3A_1060 = tpu.memref_slice %arg2[%add3A_1028] : memref<480000xi32, #tpu.memory_space<hbm>> -> memref<80xi32, #tpu.memory_space<hbm>>
      %dma_start3A_1061 = arith.constant 0 : i32
      %dma_start3A_1062 = tpu.memref_slice %arg6[%run_scoped3A, %run_scoped3A_1029, %run_scoped3A_1030, %dma_start3A_1061] : memref<4x2x2x80xi32, #tpu.memory_space<vmem>> -> memref<1x1x1x80xi32, #tpu.memory_space<vmem>>
      %dma_start3A_1063 = tpu.memref_squeeze %dma_start3A_1062 : memref<1x1x1x80xi32, #tpu.memory_space<vmem>> -> memref<80xi32, #tpu.memory_space<vmem>>
      %dma_start3A_1064 = tpu.memref_slice %arg2[%add3A_1028] : memref<480000xi32, #tpu.memory_space<hbm>> -> memref<80xi32, #tpu.memory_space<hbm>>
      tpu.enqueue_dma source(%dma_start3A_1064 : memref<80xi32, #tpu.memory_space<hbm>>) target(%dma_start3A_1063 : memref<80xi32, #tpu.memory_space<vmem>>) target_semaphore(%run_scoped3A_1056 : memref<!tpu.dma_semaphore, #tpu.memory_space<semaphore_mem>>)
      %dma_wait3A_1065 = arith.constant 0 : i32
      %dma_wait3A_1066 = tpu.memref_slice %arg6[%run_scoped3A, %run_scoped3A_1029, %run_scoped3A_1030, %dma_wait3A_1065] : memref<4x2x2x80xi32, #tpu.memory_space<vmem>> -> memref<1x1x1x80xi32, #tpu.memory_space<vmem>>
      %dma_wait3A_1067 = tpu.memref_squeeze %dma_wait3A_1066 : memref<1x1x1x80xi32, #tpu.memory_space<vmem>> -> memref<80xi32, #tpu.memory_space<vmem>>
      %dma_wait3A_1068 = tpu.memref_slice %arg2[%add3A_1028] : memref<480000xi32, #tpu.memory_space<hbm>> -> memref<80xi32, #tpu.memory_space<hbm>>
      %dma_wait3A_1069 = arith.constant 0 : i32
      %dma_wait3A_1070 = tpu.memref_slice %arg6[%run_scoped3A, %run_scoped3A_1029, %run_scoped3A_1030, %dma_wait3A_1069] : memref<4x2x2x80xi32, #tpu.memory_space<vmem>> -> memref<1x1x1x80xi32, #tpu.memory_space<vmem>>
      %dma_wait3A_1071 = tpu.memref_squeeze %dma_wait3A_1070 : memref<1x1x1x80xi32, #tpu.memory_space<vmem>> -> memref<80xi32, #tpu.memory_space<vmem>>
      %dma_wait3A_1072 = tpu.memref_slice %arg2[%add3A_1028] : memref<480000xi32, #tpu.memory_space<hbm>> -> memref<80xi32, #tpu.memory_space<hbm>>
      tpu.wait_dma2 semaphore(%run_scoped3A_1056 : memref<!tpu.dma_semaphore, #tpu.memory_space<semaphore_mem>>) src(%dma_wait3A_1072 : memref<80xi32, #tpu.memory_space<hbm>>) dst(%dma_wait3A_1071 : memref<80xi32, #tpu.memory_space<vmem>>)
      tpu.yield
    }) : () -> ()
    %mul3A_1031 = arith.constant 80 : i32
    %mul3A_1032 = arith.muli %add3A_1025, %mul3A_1031 : i32
    %add3A_1033 = arith.constant 320000 : i32
    %add3A_1034 = arith.addi %add3A_1033, %mul3A_1032 : i32
    %run_scoped3A_1035 = arith.constant 0 : i32
    %run_scoped3A_1036 = arith.constant 0 : i32
    %run_scoped3A_1037 = arith.constant 1 : i32
    "tpu.region"() ({
      %run_scoped3A_1056 = tpu.sem_alloc : memref<!tpu.dma_semaphore, #tpu.memory_space<semaphore_mem>>
      %dma_start3A_1057 = arith.constant 0 : i32
      %dma_start3A_1058 = tpu.memref_slice %arg6[%run_scoped3A_1035, %run_scoped3A_1036, %run_scoped3A_1037, %dma_start3A_1057] : memref<4x2x2x80xi32, #tpu.memory_space<vmem>> -> memref<1x1x1x80xi32, #tpu.memory_space<vmem>>
      %dma_start3A_1059 = tpu.memref_squeeze %dma_start3A_1058 : memref<1x1x1x80xi32, #tpu.memory_space<vmem>> -> memref<80xi32, #tpu.memory_space<vmem>>
      %dma_start3A_1060 = tpu.memref_slice %arg2[%add3A_1034] : memref<480000xi32, #tpu.memory_space<hbm>> -> memref<80xi32, #tpu.memory_space<hbm>>
      %dma_start3A_1061 = arith.constant 0 : i32
      %dma_start3A_1062 = tpu.memref_slice %arg6[%run_scoped3A_1035, %run_scoped3A_1036, %run_scoped3A_1037, %dma_start3A_1061] : memref<4x2x2x80xi32, #tpu.memory_space<vmem>> -> memref<1x1x1x80xi32, #tpu.memory_space<vmem>>
      %dma_start3A_1063 = tpu.memref_squeeze %dma_start3A_1062 : memref<1x1x1x80xi32, #tpu.memory_space<vmem>> -> memref<80xi32, #tpu.memory_space<vmem>>
      %dma_start3A_1064 = tpu.memref_slice %arg2[%add3A_1034] : memref<480000xi32, #tpu.memory_space<hbm>> -> memref<80xi32, #tpu.memory_space<hbm>>
      tpu.enqueue_dma source(%dma_start3A_1064 : memref<80xi32, #tpu.memory_space<hbm>>) target(%dma_start3A_1063 : memref<80xi32, #tpu.memory_space<vmem>>) target_semaphore(%run_scoped3A_1056 : memref<!tpu.dma_semaphore, #tpu.memory_space<semaphore_mem>>)
      %dma_wait3A_1065 = arith.constant 0 : i32
      %dma_wait3A_1066 = tpu.memref_slice %arg6[%run_scoped3A_1035, %run_scoped3A_1036, %run_scoped3A_1037, %dma_wait3A_1065] : memref<4x2x2x80xi32, #tpu.memory_space<vmem>> -> memref<1x1x1x80xi32, #tpu.memory_space<vmem>>
      %dma_wait3A_1067 = tpu.memref_squeeze %dma_wait3A_1066 : memref<1x1x1x80xi32, #tpu.memory_space<vmem>> -> memref<80xi32, #tpu.memory_space<vmem>>
      %dma_wait3A_1068 = tpu.memref_slice %arg2[%add3A_1034] : memref<480000xi32, #tpu.memory_space<hbm>> -> memref<80xi32, #tpu.memory_space<hbm>>
      %dma_wait3A_1069 = arith.constant 0 : i32
      %dma_wait3A_1070 = tpu.memref_slice %arg6[%run_scoped3A_1035, %run_scoped3A_1036, %run_scoped3A_1037, %dma_wait3A_1069] : memref<4x2x2x80xi32, #tpu.memory_space<vmem>> -> memref<1x1x1x80xi32, #tpu.memory_space<vmem>>
      %dma_wait3A_1071 = tpu.memref_squeeze %dma_wait3A_1070 : memref<1x1x1x80xi32, #tpu.memory_space<vmem>> -> memref<80xi32, #tpu.memory_space<vmem>>
      %dma_wait3A_1072 = tpu.memref_slice %arg2[%add3A_1034] : memref<480000xi32, #tpu.memory_space<hbm>> -> memref<80xi32, #tpu.memory_space<hbm>>
      tpu.wait_dma2 semaphore(%run_scoped3A_1056 : memref<!tpu.dma_semaphore, #tpu.memory_space<semaphore_mem>>) src(%dma_wait3A_1072 : memref<80xi32, #tpu.memory_space<hbm>>) dst(%dma_wait3A_1071 : memref<80xi32, #tpu.memory_space<vmem>>)
      tpu.yield
    }) : () -> ()
    %run_scoped3A_1038 = arith.constant 0 : i32
    %run_scoped3A_1039 = arith.constant 0 : i32
    %run_scoped3A_1040 = arith.constant 0 : i32
    %run_scoped3A_1041 = arith.constant 0 : i32
    "tpu.region"() ({
      %run_scoped3A_1056 = tpu.sem_alloc : memref<!tpu.dma_semaphore, #tpu.memory_space<semaphore_mem>>
      %dma_start3A_1057 = arith.constant 0 : i32
      %dma_start3A_1058 = arith.constant 0 : i32
      %dma_start3A_1059 = tpu.memref_slice %arg7[%run_scoped3A_1041, %dma_start3A_1057, %dma_start3A_1058] : memref<4x80x128xf32, #tpu.memory_space<vmem>> -> memref<1x80x128xf32, #tpu.memory_space<vmem>>
      %dma_start3A_1060 = tpu.memref_squeeze %dma_start3A_1059 : memref<1x80x128xf32, #tpu.memory_space<vmem>> -> memref<80x128xf32, #tpu.memory_space<vmem>>
      %dma_start3A_1061 = arith.constant 0 : i32
      %dma_start3A_1062 = tpu.memref_slice %arg6[%run_scoped3A_1038, %run_scoped3A_1039, %run_scoped3A_1040, %dma_start3A_1061] : memref<4x2x2x80xi32, #tpu.memory_space<vmem>> -> memref<1x1x1x80xi32, #tpu.memory_space<vmem>>
      %dma_start3A_1063 = tpu.memref_squeeze %dma_start3A_1062 : memref<1x1x1x80xi32, #tpu.memory_space<vmem>> -> memref<80xi32, #tpu.memory_space<vmem>>
      %dma_start3A_1064 = arith.constant 0 : i32
      %dma_start3A_1065 = arith.constant 0 : i32
      %dma_start3A_1066 = tpu.memref_slice %arg3[%dma_start3A_1064, %dma_start3A_1065] : memref<20480x128xf32, #tpu.memory_space<hbm>> -> memref<20480x128xf32, #tpu.memory_space<hbm>>
      tpu.enqueue_indirect_dma source(%dma_start3A_1066 : memref<20480x128xf32, #tpu.memory_space<hbm>>) target(%dma_start3A_1060 : memref<80x128xf32, #tpu.memory_space<vmem>>) offsets(%dma_start3A_1063 : memref<80xi32, #tpu.memory_space<vmem>>) semaphore(%run_scoped3A_1056 : memref<!tpu.dma_semaphore, #tpu.memory_space<semaphore_mem>>)
      %dma_wait3A_1067 = arith.constant 0 : i32
      %dma_wait3A_1068 = arith.constant 0 : i32
      %dma_wait3A_1069 = tpu.memref_slice %arg7[%run_scoped3A_1041, %dma_wait3A_1067, %dma_wait3A_1068] : memref<4x80x128xf32, #tpu.memory_space<vmem>> -> memref<1x80x128xf32, #tpu.memory_space<vmem>>
      %dma_wait3A_1070 = tpu.memref_squeeze %dma_wait3A_1069 : memref<1x80x128xf32, #tpu.memory_space<vmem>> -> memref<80x128xf32, #tpu.memory_space<vmem>>
      %dma_wait3A_1071 = arith.constant 0 : i32
      %dma_wait3A_1072 = tpu.memref_slice %arg6[%run_scoped3A_1038, %run_scoped3A_1039, %run_scoped3A_1040, %dma_wait3A_1071] : memref<4x2x2x80xi32, #tpu.memory_space<vmem>> -> memref<1x1x1x80xi32, #tpu.memory_space<vmem>>
      %dma_wait3A_1073 = tpu.memref_squeeze %dma_wait3A_1072 : memref<1x1x1x80xi32, #tpu.memory_space<vmem>> -> memref<80xi32, #tpu.memory_space<vmem>>
      %dma_wait3A_1074 = arith.constant 0 : i32
      %dma_wait3A_1075 = arith.constant 0 : i32
      %dma_wait3A_1076 = tpu.memref_slice %arg3[%dma_wait3A_1074, %dma_wait3A_1075] : memref<20480x128xf32, #tpu.memory_space<hbm>> -> memref<20480x128xf32, #tpu.memory_space<hbm>>
      tpu.wait_indirect_dma semaphore(%run_scoped3A_1056 : memref<!tpu.dma_semaphore, #tpu.memory_space<semaphore_mem>>) src(%dma_wait3A_1076 : memref<20480x128xf32, #tpu.memory_space<hbm>>) dst(%dma_wait3A_1070 : memref<80x128xf32, #tpu.memory_space<vmem>>)
      tpu.yield
    }) : () -> ()
    %run_scoped3A_1042 = arith.constant 0 : i32
    %run_scoped3A_1043 = arith.constant 0 : i32
    %run_scoped3A_1044 = arith.constant 0 : i32
    %run_scoped3A_1045 = arith.constant 1 : i32
    "tpu.region"() ({
      %run_scoped3A_1056 = tpu.sem_alloc : memref<!tpu.dma_semaphore, #tpu.memory_space<semaphore_mem>>
      %dma_start3A_1057 = arith.constant 0 : i32
      %dma_start3A_1058 = arith.constant 0 : i32
      %dma_start3A_1059 = tpu.memref_slice %arg7[%run_scoped3A_1042, %dma_start3A_1057, %dma_start3A_1058] : memref<4x80x128xf32, #tpu.memory_space<vmem>> -> memref<1x80x128xf32, #tpu.memory_space<vmem>>
      %dma_start3A_1060 = tpu.memref_squeeze %dma_start3A_1059 : memref<1x80x128xf32, #tpu.memory_space<vmem>> -> memref<80x128xf32, #tpu.memory_space<vmem>>
      %dma_start3A_1061 = arith.constant 0 : i32
      %dma_start3A_1062 = tpu.memref_slice %arg6[%run_scoped3A_1043, %run_scoped3A_1044, %run_scoped3A_1045, %dma_start3A_1061] : memref<4x2x2x80xi32, #tpu.memory_space<vmem>> -> memref<1x1x1x80xi32, #tpu.memory_space<vmem>>
      %dma_start3A_1063 = tpu.memref_squeeze %dma_start3A_1062 : memref<1x1x1x80xi32, #tpu.memory_space<vmem>> -> memref<80xi32, #tpu.memory_space<vmem>>
      %dma_start3A_1064 = arith.constant 0 : i32
      %dma_start3A_1065 = arith.constant 0 : i32
      %dma_start3A_1066 = tpu.memref_slice %arg8[%dma_start3A_1064, %dma_start3A_1065] : memref<10240x128xf32, #tpu.memory_space<vmem_shared>> -> memref<10240x128xf32, #tpu.memory_space<vmem_shared>>
      tpu.enqueue_indirect_dma source(%dma_start3A_1060 : memref<80x128xf32, #tpu.memory_space<vmem>>) target(%dma_start3A_1066 : memref<10240x128xf32, #tpu.memory_space<vmem_shared>>) offsets(%dma_start3A_1063 : memref<80xi32, #tpu.memory_space<vmem>>) semaphore(%run_scoped3A_1056 : memref<!tpu.dma_semaphore, #tpu.memory_space<semaphore_mem>>) {add = true}
      %dma_wait3A_1067 = arith.constant 0 : i32
      %dma_wait3A_1068 = arith.constant 0 : i32
      %dma_wait3A_1069 = tpu.memref_slice %arg7[%run_scoped3A_1042, %dma_wait3A_1067, %dma_wait3A_1068] : memref<4x80x128xf32, #tpu.memory_space<vmem>> -> memref<1x80x128xf32, #tpu.memory_space<vmem>>
      %dma_wait3A_1070 = tpu.memref_squeeze %dma_wait3A_1069 : memref<1x80x128xf32, #tpu.memory_space<vmem>> -> memref<80x128xf32, #tpu.memory_space<vmem>>
      %dma_wait3A_1071 = arith.constant 0 : i32
      %dma_wait3A_1072 = tpu.memref_slice %arg6[%run_scoped3A_1043, %run_scoped3A_1044, %run_scoped3A_1045, %dma_wait3A_1071] : memref<4x2x2x80xi32, #tpu.memory_space<vmem>> -> memref<1x1x1x80xi32, #tpu.memory_space<vmem>>
      %dma_wait3A_1073 = tpu.memref_squeeze %dma_wait3A_1072 : memref<1x1x1x80xi32, #tpu.memory_space<vmem>> -> memref<80xi32, #tpu.memory_space<vmem>>
      %dma_wait3A_1074 = arith.constant 0 : i32
      %dma_wait3A_1075 = arith.constant 0 : i32
      %dma_wait3A_1076 = tpu.memref_slice %arg8[%dma_wait3A_1074, %dma_wait3A_1075] : memref<10240x128xf32, #tpu.memory_space<vmem_shared>> -> memref<10240x128xf32, #tpu.memory_space<vmem_shared>>
      tpu.wait_indirect_dma semaphore(%run_scoped3A_1056 : memref<!tpu.dma_semaphore, #tpu.memory_space<semaphore_mem>>) src(%dma_wait3A_1070 : memref<80x128xf32, #tpu.memory_space<vmem>>) dst(%dma_wait3A_1076 : memref<10240x128xf32, #tpu.memory_space<vmem_shared>>)
      tpu.yield
    }) : () -> ()
    %barrier3A_1046 = arith.constant 0 : index
    tpu.barrier barrier_id(%barrier3A_1046)
    %eq3A = arith.constant 0 : i32
    %eq3A_1047 = arith.cmpi eq, %arg0, %eq3A : i32
    %convert_element_type3A_1048 = arith.extui %eq3A_1047 : i1 to i32
    %cond3A_1049 = arith.constant 0 : i32
    %cond3A_1050 = arith.cmpi ne, %convert_element_type3A_1048, %cond3A_1049 : i32
    scf.if %cond3A_1050 {
      "tpu.region"() ({
        %run_scoped3A_1056 = tpu.sem_alloc : memref<!tpu.dma_semaphore, #tpu.memory_space<semaphore_mem>>
        %dma_start3A_1057 = arith.constant 0 : i32
        %dma_start3A_1058 = tpu.memref_slice %arg4[%mul3A_0, %dma_start3A_1057] : memref<10240x128xf32, #tpu.memory_space<hbm>> -> memref<640x128xf32, #tpu.memory_space<hbm>>
        %dma_start3A_1059 = arith.constant 0 : i32
        %dma_start3A_1060 = tpu.memref_slice %arg8[%mul3A_0, %dma_start3A_1059] : memref<10240x128xf32, #tpu.memory_space<vmem_shared>> -> memref<640x128xf32, #tpu.memory_space<vmem_shared>>
        tpu.enqueue_dma source(%dma_start3A_1060 : memref<640x128xf32, #tpu.memory_space<vmem_shared>>) target(%dma_start3A_1058 : memref<640x128xf32, #tpu.memory_space<hbm>>) target_semaphore(%run_scoped3A_1056 : memref<!tpu.dma_semaphore, #tpu.memory_space<semaphore_mem>>)
        %dma_wait3A_1061 = arith.constant 0 : i32
        %dma_wait3A_1062 = tpu.memref_slice %arg4[%mul3A_0, %dma_wait3A_1061] : memref<10240x128xf32, #tpu.memory_space<hbm>> -> memref<640x128xf32, #tpu.memory_space<hbm>>
        %dma_wait3A_1063 = arith.constant 0 : i32
        %dma_wait3A_1064 = tpu.memref_slice %arg8[%mul3A_0, %dma_wait3A_1063] : memref<10240x128xf32, #tpu.memory_space<vmem_shared>> -> memref<640x128xf32, #tpu.memory_space<vmem_shared>>
        tpu.wait_dma2 semaphore(%run_scoped3A_1056 : memref<!tpu.dma_semaphore, #tpu.memory_space<semaphore_mem>>) src(%dma_wait3A_1064 : memref<640x128xf32, #tpu.memory_space<vmem_shared>>) dst(%dma_wait3A_1062 : memref<640x128xf32, #tpu.memory_space<hbm>>)
        tpu.yield
      }) : () -> ()
    } else {
    }
    %eq3A_1051 = arith.constant 1 : i32
    %eq3A_1052 = arith.cmpi eq, %arg0, %eq3A_1051 : i32
    %convert_element_type3A_1053 = arith.extui %eq3A_1052 : i1 to i32
    %cond3A_1054 = arith.constant 0 : i32
    %cond3A_1055 = arith.cmpi ne, %convert_element_type3A_1053, %cond3A_1054 : i32
    scf.if %cond3A_1055 {
      "tpu.region"() ({
        %run_scoped3A_1056 = tpu.sem_alloc : memref<!tpu.dma_semaphore, #tpu.memory_space<semaphore_mem>>
        %dma_start3A_1057 = arith.constant 0 : i32
        %dma_start3A_1058 = tpu.memref_slice %arg5[%mul3A_0, %dma_start3A_1057] : memref<10240x128xf32, #tpu.memory_space<hbm>> -> memref<640x128xf32, #tpu.memory_space<hbm>>
        %dma_start3A_1059 = arith.constant 0 : i32
        %dma_start3A_1060 = tpu.memref_slice %arg8[%mul3A_0, %dma_start3A_1059] : memref<10240x128xf32, #tpu.memory_space<vmem_shared>> -> memref<640x128xf32, #tpu.memory_space<vmem_shared>>
        tpu.enqueue_dma source(%dma_start3A_1060 : memref<640x128xf32, #tpu.memory_space<vmem_shared>>) target(%dma_start3A_1058 : memref<640x128xf32, #tpu.memory_space<hbm>>) target_semaphore(%run_scoped3A_1056 : memref<!tpu.dma_semaphore, #tpu.memory_space<semaphore_mem>>)
        %dma_wait3A_1061 = arith.constant 0 : i32
        %dma_wait3A_1062 = tpu.memref_slice %arg5[%mul3A_0, %dma_wait3A_1061] : memref<10240x128xf32, #tpu.memory_space<hbm>> -> memref<640x128xf32, #tpu.memory_space<hbm>>
        %dma_wait3A_1063 = arith.constant 0 : i32
        %dma_wait3A_1064 = tpu.memref_slice %arg8[%mul3A_0, %dma_wait3A_1063] : memref<10240x128xf32, #tpu.memory_space<vmem_shared>> -> memref<640x128xf32, #tpu.memory_space<vmem_shared>>
        tpu.wait_dma2 semaphore(%run_scoped3A_1056 : memref<!tpu.dma_semaphore, #tpu.memory_space<semaphore_mem>>) src(%dma_wait3A_1064 : memref<640x128xf32, #tpu.memory_space<vmem_shared>>) dst(%dma_wait3A_1062 : memref<640x128xf32, #tpu.memory_space<hbm>>)
        tpu.yield
      }) : () -> ()
    } else {
    }
    return
  }
}

#map = affine_map<(d0, d1) -> (0)>
module attributes {stable_mosaic.version = 14 : i64} {
  func.func @_sc_degree(%arg0: i32, %arg1: i32, %arg2: memref<320000xi32, #tpu.memory_space<hbm>>, %arg3: memref<327680xf32, #tpu.memory_space<hbm>>, %arg4: memref<10240xf32, #tpu.memory_space<vmem>>, %arg5: memref<5008xi32, #tpu.memory_space<vmem>>) attributes {dimension_semantics = [#tpu.dimension_semantics<core_parallel>, #tpu.dimension_semantics<subcore_parallel>], iteration_bounds = array<i64: 2, 16>, scalar_prefetch = 0 : i64, scratch_operands = 2 : i64, tpu.core_type = #tpu.core_type<sc_vector_subcore>, window_params = [{transform_indices = #map}, {transform_indices = #map}]} {
    %broadcast_in_dim3A = arith.constant 1.000000e+00 : f32
    %broadcast_in_dim3A_0 = vector.broadcast %broadcast_in_dim3A : f32 to vector<16xf32>
    %scan3A = arith.constant 0 : i32
    %scan3A_1 = arith.constant 80 : i32
    %scan3A_2 = arith.addi %scan3A, %scan3A_1 : i32
    %scan3A_3 = arith.constant 1 : i32
    scf.for %scan3A_24 = %scan3A to %scan3A_2 step %scan3A_3  : i32 {
      %mul3A_25 = arith.constant 128 : i32
      %mul3A_26 = arith.muli %scan3A_24, %mul3A_25 : i32
      %add3A_27 = arith.constant 0 : i32
      %add3A_28 = arith.addi %add3A_27, %mul3A_26 : i32
      %broadcast_in_dim3A_29 = arith.constant 0.000000e+00 : f32
      %broadcast_in_dim3A_30 = vector.broadcast %broadcast_in_dim3A_29 : f32 to vector<16xf32>
      %add3A_31 = arith.constant 0 : i32
      %add3A_32 = arith.addi %add3A_28, %add3A_31 : i32
      %swap3A = arith.index_cast %add3A_32 : i32 to index
      %swap3A_33 = tpu.vector_load %arg4[%swap3A] {strides = array<i32>} : memref<10240xf32, #tpu.memory_space<vmem>>, vector<16xf32>,
      tpu.vector_store %arg4[%swap3A], %broadcast_in_dim3A_30 {strides = array<i32>} : memref<10240xf32, #tpu.memory_space<vmem>>, vector<16xf32>,
      %broadcast_in_dim3A_34 = arith.constant 0.000000e+00 : f32
      %broadcast_in_dim3A_35 = vector.broadcast %broadcast_in_dim3A_34 : f32 to vector<16xf32>
      %add3A_36 = arith.constant 16 : i32
      %add3A_37 = arith.addi %add3A_28, %add3A_36 : i32
      %swap3A_38 = arith.index_cast %add3A_37 : i32 to index
      %swap3A_39 = tpu.vector_load %arg4[%swap3A_38] {strides = array<i32>} : memref<10240xf32, #tpu.memory_space<vmem>>, vector<16xf32>,
      tpu.vector_store %arg4[%swap3A_38], %broadcast_in_dim3A_35 {strides = array<i32>} : memref<10240xf32, #tpu.memory_space<vmem>>, vector<16xf32>,
      %broadcast_in_dim3A_40 = arith.constant 0.000000e+00 : f32
      %broadcast_in_dim3A_41 = vector.broadcast %broadcast_in_dim3A_40 : f32 to vector<16xf32>
      %add3A_42 = arith.constant 32 : i32
      %add3A_43 = arith.addi %add3A_28, %add3A_42 : i32
      %swap3A_44 = arith.index_cast %add3A_43 : i32 to index
      %swap3A_45 = tpu.vector_load %arg4[%swap3A_44] {strides = array<i32>} : memref<10240xf32, #tpu.memory_space<vmem>>, vector<16xf32>,
      tpu.vector_store %arg4[%swap3A_44], %broadcast_in_dim3A_41 {strides = array<i32>} : memref<10240xf32, #tpu.memory_space<vmem>>, vector<16xf32>,
      %broadcast_in_dim3A_46 = arith.constant 0.000000e+00 : f32
      %broadcast_in_dim3A_47 = vector.broadcast %broadcast_in_dim3A_46 : f32 to vector<16xf32>
      %add3A_48 = arith.constant 48 : i32
      %add3A_49 = arith.addi %add3A_28, %add3A_48 : i32
      %swap3A_50 = arith.index_cast %add3A_49 : i32 to index
      %swap3A_51 = tpu.vector_load %arg4[%swap3A_50] {strides = array<i32>} : memref<10240xf32, #tpu.memory_space<vmem>>, vector<16xf32>,
      tpu.vector_store %arg4[%swap3A_50], %broadcast_in_dim3A_47 {strides = array<i32>} : memref<10240xf32, #tpu.memory_space<vmem>>, vector<16xf32>,
      %broadcast_in_dim3A_52 = arith.constant 0.000000e+00 : f32
      %broadcast_in_dim3A_53 = vector.broadcast %broadcast_in_dim3A_52 : f32 to vector<16xf32>
      %add3A_54 = arith.constant 64 : i32
      %add3A_55 = arith.addi %add3A_28, %add3A_54 : i32
      %swap3A_56 = arith.index_cast %add3A_55 : i32 to index
      %swap3A_57 = tpu.vector_load %arg4[%swap3A_56] {strides = array<i32>} : memref<10240xf32, #tpu.memory_space<vmem>>, vector<16xf32>,
      tpu.vector_store %arg4[%swap3A_56], %broadcast_in_dim3A_53 {strides = array<i32>} : memref<10240xf32, #tpu.memory_space<vmem>>, vector<16xf32>,
      %broadcast_in_dim3A_58 = arith.constant 0.000000e+00 : f32
      %broadcast_in_dim3A_59 = vector.broadcast %broadcast_in_dim3A_58 : f32 to vector<16xf32>
      %add3A_60 = arith.constant 80 : i32
      %add3A_61 = arith.addi %add3A_28, %add3A_60 : i32
      %swap3A_62 = arith.index_cast %add3A_61 : i32 to index
      %swap3A_63 = tpu.vector_load %arg4[%swap3A_62] {strides = array<i32>} : memref<10240xf32, #tpu.memory_space<vmem>>, vector<16xf32>,
      tpu.vector_store %arg4[%swap3A_62], %broadcast_in_dim3A_59 {strides = array<i32>} : memref<10240xf32, #tpu.memory_space<vmem>>, vector<16xf32>,
      %broadcast_in_dim3A_64 = arith.constant 0.000000e+00 : f32
      %broadcast_in_dim3A_65 = vector.broadcast %broadcast_in_dim3A_64 : f32 to vector<16xf32>
      %add3A_66 = arith.constant 96 : i32
      %add3A_67 = arith.addi %add3A_28, %add3A_66 : i32
      %swap3A_68 = arith.index_cast %add3A_67 : i32 to index
      %swap3A_69 = tpu.vector_load %arg4[%swap3A_68] {strides = array<i32>} : memref<10240xf32, #tpu.memory_space<vmem>>, vector<16xf32>,
      tpu.vector_store %arg4[%swap3A_68], %broadcast_in_dim3A_65 {strides = array<i32>} : memref<10240xf32, #tpu.memory_space<vmem>>, vector<16xf32>,
      %broadcast_in_dim3A_70 = arith.constant 0.000000e+00 : f32
      %broadcast_in_dim3A_71 = vector.broadcast %broadcast_in_dim3A_70 : f32 to vector<16xf32>
      %add3A_72 = arith.constant 112 : i32
      %add3A_73 = arith.addi %add3A_28, %add3A_72 : i32
      %swap3A_74 = arith.index_cast %add3A_73 : i32 to index
      %swap3A_75 = tpu.vector_load %arg4[%swap3A_74] {strides = array<i32>} : memref<10240xf32, #tpu.memory_space<vmem>>, vector<16xf32>,
      tpu.vector_store %arg4[%swap3A_74], %broadcast_in_dim3A_71 {strides = array<i32>} : memref<10240xf32, #tpu.memory_space<vmem>>, vector<16xf32>,
    }
    %scan3A_4 = arith.constant 80 : i32
    %mul3A = arith.constant 16 : i32
    %mul3A_5 = arith.muli %arg0, %mul3A : i32
    %add3A = arith.addi %mul3A_5, %arg1 : i32
    %mul3A_6 = arith.constant 5000 : i32
    %mul3A_7 = arith.muli %add3A, %mul3A_6 : i32
    %add3A_8 = arith.constant 160000 : i32
    %add3A_9 = arith.addi %add3A_8, %mul3A_7 : i32
    "tpu.region"() ({
      %run_scoped3A = tpu.sem_alloc : memref<!tpu.dma_semaphore, #tpu.memory_space<semaphore_mem>>
      %dma_start3A = arith.constant 0 : i32
      %dma_start3A_24 = tpu.memref_slice %arg5[%dma_start3A] : memref<5008xi32, #tpu.memory_space<vmem>> -> memref<5000xi32, #tpu.memory_space<vmem>>
      %dma_start3A_25 = tpu.memref_slice %arg2[%add3A_9] : memref<320000xi32, #tpu.memory_space<hbm>> -> memref<5000xi32, #tpu.memory_space<hbm>>
      %dma_start3A_26 = arith.constant 0 : i32
      %dma_start3A_27 = tpu.memref_slice %arg5[%dma_start3A_26] : memref<5008xi32, #tpu.memory_space<vmem>> -> memref<5000xi32, #tpu.memory_space<vmem>>
      %dma_start3A_28 = tpu.memref_slice %arg2[%add3A_9] : memref<320000xi32, #tpu.memory_space<hbm>> -> memref<5000xi32, #tpu.memory_space<hbm>>
      tpu.enqueue_dma source(%dma_start3A_28 : memref<5000xi32, #tpu.memory_space<hbm>>) target(%dma_start3A_27 : memref<5000xi32, #tpu.memory_space<vmem>>) target_semaphore(%run_scoped3A : memref<!tpu.dma_semaphore, #tpu.memory_space<semaphore_mem>>)
      %dma_wait3A = arith.constant 0 : i32
      %dma_wait3A_29 = tpu.memref_slice %arg5[%dma_wait3A] : memref<5008xi32, #tpu.memory_space<vmem>> -> memref<5000xi32, #tpu.memory_space<vmem>>
      %dma_wait3A_30 = tpu.memref_slice %arg2[%add3A_9] : memref<320000xi32, #tpu.memory_space<hbm>> -> memref<5000xi32, #tpu.memory_space<hbm>>
      %dma_wait3A_31 = arith.constant 0 : i32
      %dma_wait3A_32 = tpu.memref_slice %arg5[%dma_wait3A_31] : memref<5008xi32, #tpu.memory_space<vmem>> -> memref<5000xi32, #tpu.memory_space<vmem>>
      %dma_wait3A_33 = tpu.memref_slice %arg2[%add3A_9] : memref<320000xi32, #tpu.memory_space<hbm>> -> memref<5000xi32, #tpu.memory_space<hbm>>
      tpu.wait_dma2 semaphore(%run_scoped3A : memref<!tpu.dma_semaphore, #tpu.memory_space<semaphore_mem>>) src(%dma_wait3A_33 : memref<5000xi32, #tpu.memory_space<hbm>>) dst(%dma_wait3A_32 : memref<5000xi32, #tpu.memory_space<vmem>>)
      tpu.yield
    }) : () -> ()
    %scan3A_10 = arith.constant 0 : i32
    %scan3A_11 = arith.constant 78 : i32
    %scan3A_12 = arith.addi %scan3A_10, %scan3A_11 : i32
    %scan3A_13 = arith.constant 1 : i32
    scf.for %scan3A_24 = %scan3A_10 to %scan3A_12 step %scan3A_13  : i32 {
      %mul3A_25 = arith.constant 64 : i32
      %mul3A_26 = arith.muli %scan3A_24, %mul3A_25 : i32
      %add3A_27 = arith.constant 0 : i32
      %add3A_28 = arith.addi %add3A_27, %mul3A_26 : i32
      %add3A_29 = arith.constant 0 : i32
      %add3A_30 = arith.addi %add3A_28, %add3A_29 : i32
      %get3A_31 = arith.index_cast %add3A_30 : i32 to index
      %get3A_32 = tpu.vector_load %arg5[%get3A_31] {strides = array<i32>} : memref<5008xi32, #tpu.memory_space<vmem>>, vector<16xi32>,
      tpu.vector_store_idx %arg4[%get3A_32], %broadcast_in_dim3A_0 {add = true} : memref<10240xf32, #tpu.memory_space<vmem>>[vector<16xi32>], vector<16xf32>,
      %add3A_33 = arith.constant 16 : i32
      %add3A_34 = arith.addi %add3A_28, %add3A_33 : i32
      %get3A_35 = arith.index_cast %add3A_34 : i32 to index
      %get3A_36 = tpu.vector_load %arg5[%get3A_35] {strides = array<i32>} : memref<5008xi32, #tpu.memory_space<vmem>>, vector<16xi32>,
      tpu.vector_store_idx %arg4[%get3A_36], %broadcast_in_dim3A_0 {add = true} : memref<10240xf32, #tpu.memory_space<vmem>>[vector<16xi32>], vector<16xf32>,
      %add3A_37 = arith.constant 32 : i32
      %add3A_38 = arith.addi %add3A_28, %add3A_37 : i32
      %get3A_39 = arith.index_cast %add3A_38 : i32 to index
      %get3A_40 = tpu.vector_load %arg5[%get3A_39] {strides = array<i32>} : memref<5008xi32, #tpu.memory_space<vmem>>, vector<16xi32>,
      tpu.vector_store_idx %arg4[%get3A_40], %broadcast_in_dim3A_0 {add = true} : memref<10240xf32, #tpu.memory_space<vmem>>[vector<16xi32>], vector<16xf32>,
      %add3A_41 = arith.constant 48 : i32
      %add3A_42 = arith.addi %add3A_28, %add3A_41 : i32
      %get3A_43 = arith.index_cast %add3A_42 : i32 to index
      %get3A_44 = tpu.vector_load %arg5[%get3A_43] {strides = array<i32>} : memref<5008xi32, #tpu.memory_space<vmem>>, vector<16xi32>,
      tpu.vector_store_idx %arg4[%get3A_44], %broadcast_in_dim3A_0 {add = true} : memref<10240xf32, #tpu.memory_space<vmem>>[vector<16xi32>], vector<16xf32>,
    }
    %scan3A_14 = arith.constant 78 : i32
    %iota3A = tpu.iota {dimensions = array<i32: 0>} : vector<16xi32>
    %lt3A = arith.constant 8 : i32
    %lt3A_15 = vector.broadcast %lt3A : i32 to vector<16xi32>
    %lt3A_16 = arith.cmpi slt, %iota3A, %lt3A_15 : vector<16xi32>
    %get3A = arith.constant 4992 : index
    %get3A_17 = tpu.vector_load %arg5[%get3A] {strides = array<i32>} : memref<5008xi32, #tpu.memory_space<vmem>>, vector<16xi32>,
    %jit3A = arith.constant 0 : i32
    %broadcast_in_dim3A_18 = vector.broadcast %jit3A : i32 to vector<16xi32>
    %select_n3A = arith.select %lt3A_16, %get3A_17, %broadcast_in_dim3A_18 : vector<16xi1>, vector<16xi32>
    tpu.vector_store_idx %arg4[%select_n3A], %broadcast_in_dim3A_0 masked %lt3A_16 {add = true} : memref<10240xf32, #tpu.memory_space<vmem>>[vector<16xi32>], vector<16xf32>, vector<16xi1>
    %mul3A_19 = arith.constant 16 : i32
    %mul3A_20 = arith.muli %arg0, %mul3A_19 : i32
    %add3A_21 = arith.addi %mul3A_20, %arg1 : i32
    %mul3A_22 = arith.constant 10240 : i32
    %mul3A_23 = arith.muli %add3A_21, %mul3A_22 : i32
    "tpu.region"() ({
      %run_scoped3A = tpu.sem_alloc : memref<!tpu.dma_semaphore, #tpu.memory_space<semaphore_mem>>
      %dma_start3A = tpu.memref_slice %arg3[%mul3A_23] : memref<327680xf32, #tpu.memory_space<hbm>> -> memref<10240xf32, #tpu.memory_space<hbm>>
      %dma_start3A_24 = tpu.memref_slice %arg3[%mul3A_23] : memref<327680xf32, #tpu.memory_space<hbm>> -> memref<10240xf32, #tpu.memory_space<hbm>>
      tpu.enqueue_dma source(%arg4 : memref<10240xf32, #tpu.memory_space<vmem>>) target(%dma_start3A_24 : memref<10240xf32, #tpu.memory_space<hbm>>) target_semaphore(%run_scoped3A : memref<!tpu.dma_semaphore, #tpu.memory_space<semaphore_mem>>)
      %dma_wait3A = tpu.memref_slice %arg3[%mul3A_23] : memref<327680xf32, #tpu.memory_space<hbm>> -> memref<10240xf32, #tpu.memory_space<hbm>>
      %dma_wait3A_25 = tpu.memref_slice %arg3[%mul3A_23] : memref<327680xf32, #tpu.memory_space<hbm>> -> memref<10240xf32, #tpu.memory_space<hbm>>
      tpu.wait_dma2 semaphore(%run_scoped3A : memref<!tpu.dma_semaphore, #tpu.memory_space<semaphore_mem>>) src(%arg4 : memref<10240xf32, #tpu.memory_space<vmem>>) dst(%dma_wait3A_25 : memref<10240xf32, #tpu.memory_space<hbm>>)
      tpu.yield
    }) : () -> ()
    return
  }
}

module attributes {stable_mosaic.version = 14 : i64} {
  func.func @_tc_prep_body(%arg0: memref<10000x256xf32, #tpu.memory_space<vmem>>, %arg1: memref<32x10240xf32, #tpu.memory_space<vmem>>, %arg2: memref<20480x128xf32, #tpu.memory_space<vmem>>, %arg3: memref<10000x1xf32, #tpu.memory_space<vmem>>) attributes {dimension_semantics = [], scalar_prefetch = 0 : i64, scratch_operands = 0 : i64, tpu.core_type = #tpu.core_type<tc>} {
    %get3A = arith.constant 0 : index
    %get3A_0 = arith.constant 0 : index
    %get3A_1 = vector.load %arg1[%get3A, %get3A_0] : memref<32x10240xf32, #tpu.memory_space<vmem>>, vector<32x10240xf32>
    %reduce_sum3A = arith.constant dense<0.000000e+00> : vector<10240xf32>
    %reduce_sum3A_2 = vector.multi_reduction <add>, %get3A_1, %reduce_sum3A [0] : vector<32x10240xf32> to vector<10240xf32>
    %add3A = arith.constant 1.000000e+00 : f32
    %add3A_3 = vector.broadcast %add3A : f32 to vector<10240xf32>
    %add3A_4 = arith.addf %reduce_sum3A_2, %add3A_3 : vector<10240xf32>
    %rsqrt3A = math.rsqrt %add3A_4 : vector<10240xf32>
    %slice3A = vector.extract_strided_slice %rsqrt3A {offsets = [0], sizes = [10000], strides = [1]} : vector<10240xf32> to vector<10000xf32>
    %reshape3A = vector.shape_cast %slice3A : vector<10000xf32> to vector<10000x1xf32>
    %swap3A = arith.constant 0 : index
    %swap3A_5 = arith.constant 0 : index
    %swap3A_6 = vector.load %arg3[%swap3A, %swap3A_5] : memref<10000x1xf32, #tpu.memory_space<vmem>>, vector<10000x1xf32>
    tpu.vector_store %arg3[%swap3A, %swap3A_5], %reshape3A {strides = array<i32>} : memref<10000x1xf32, #tpu.memory_space<vmem>>, vector<10000x1xf32>,
    %get3A_7 = arith.constant 0 : index
    %get3A_8 = arith.constant 0 : index
    %get3A_9 = vector.load %arg0[%get3A_7, %get3A_8] : memref<10000x256xf32, #tpu.memory_space<vmem>>, vector<10000x128xf32>
    %mul3A = vector.broadcast %reshape3A : vector<10000x1xf32> to vector<10000x128xf32>
    %mul3A_10 = arith.mulf %get3A_9, %mul3A : vector<10000x128xf32>
    %swap3A_11 = arith.constant 0 : index
    %swap3A_12 = arith.constant 0 : index
    %swap3A_13 = vector.load %arg2[%swap3A_11, %swap3A_12] : memref<20480x128xf32, #tpu.memory_space<vmem>>, vector<10000x128xf32>
    tpu.vector_store %arg2[%swap3A_11, %swap3A_12], %mul3A_10 {strides = array<i32>} : memref<20480x128xf32, #tpu.memory_space<vmem>>, vector<10000x128xf32>,
    %broadcast_in_dim3A = arith.constant 0.000000e+00 : f32
    %broadcast_in_dim3A_14 = vector.broadcast %broadcast_in_dim3A : f32 to vector<240x128xf32>
    %swap3A_15 = arith.constant 10000 : index
    %swap3A_16 = arith.constant 0 : index
    %swap3A_17 = vector.load %arg2[%swap3A_15, %swap3A_16] : memref<20480x128xf32, #tpu.memory_space<vmem>>, vector<240x128xf32>
    tpu.vector_store %arg2[%swap3A_15, %swap3A_16], %broadcast_in_dim3A_14 {strides = array<i32>} : memref<20480x128xf32, #tpu.memory_space<vmem>>, vector<240x128xf32>,
    %get3A_18 = arith.constant 0 : index
    %get3A_19 = arith.constant 128 : index
    %get3A_20 = vector.load %arg0[%get3A_18, %get3A_19] : memref<10000x256xf32, #tpu.memory_space<vmem>>, vector<10000x128xf32>
    %mul3A_21 = vector.broadcast %reshape3A : vector<10000x1xf32> to vector<10000x128xf32>
    %mul3A_22 = arith.mulf %get3A_20, %mul3A_21 : vector<10000x128xf32>
    %swap3A_23 = arith.constant 10240 : index
    %swap3A_24 = arith.constant 0 : index
    %swap3A_25 = vector.load %arg2[%swap3A_23, %swap3A_24] : memref<20480x128xf32, #tpu.memory_space<vmem>>, vector<10000x128xf32>
    tpu.vector_store %arg2[%swap3A_23, %swap3A_24], %mul3A_22 {strides = array<i32>} : memref<20480x128xf32, #tpu.memory_space<vmem>>, vector<10000x128xf32>,
    %broadcast_in_dim3A_26 = arith.constant 0.000000e+00 : f32
    %broadcast_in_dim3A_27 = vector.broadcast %broadcast_in_dim3A_26 : f32 to vector<240x128xf32>
    %swap3A_28 = arith.constant 20240 : index
    %swap3A_29 = arith.constant 0 : index
    %swap3A_30 = vector.load %arg2[%swap3A_28, %swap3A_29] : memref<20480x128xf32, #tpu.memory_space<vmem>>, vector<240x128xf32>
    tpu.vector_store %arg2[%swap3A_28, %swap3A_29], %broadcast_in_dim3A_27 {strides = array<i32>} : memref<20480x128xf32, #tpu.memory_space<vmem>>, vector<240x128xf32>,
    return
  }
}

module attributes {stable_mosaic.version = 14 : i64} {
  func.func @_tc_final_body(%arg0: memref<10240x128xf32, #tpu.memory_space<vmem>>, %arg1: memref<10240x128xf32, #tpu.memory_space<vmem>>, %arg2: memref<10000x1xf32, #tpu.memory_space<vmem>>, %arg3: memref<256x256xf32, #tpu.memory_space<vmem>>, %arg4: memref<256xf32, #tpu.memory_space<vmem>>, %arg5: memref<256xf32, #tpu.memory_space<vmem>>, %arg6: memref<256xf32, #tpu.memory_space<vmem>>, %arg7: memref<10000x256xf32, #tpu.memory_space<vmem>>) attributes {dimension_semantics = [], scalar_prefetch = 0 : i64, scratch_operands = 0 : i64, tpu.core_type = #tpu.core_type<tc>} {
    %get3A = arith.constant 0 : index
    %get3A_0 = arith.constant 0 : index
    %get3A_1 = vector.load %arg2[%get3A, %get3A_0] : memref<10000x1xf32, #tpu.memory_space<vmem>>, vector<10000x1xf32>
    %get3A_2 = arith.constant 0 : index
    %get3A_3 = arith.constant 0 : index
    %get3A_4 = vector.load %arg0[%get3A_2, %get3A_3] : memref<10240x128xf32, #tpu.memory_space<vmem>>, vector<10000x128xf32>
    %mul3A = vector.broadcast %get3A_1 : vector<10000x1xf32> to vector<10000x128xf32>
    %mul3A_5 = arith.mulf %get3A_4, %mul3A : vector<10000x128xf32>
    %convert_element_type3A = arith.truncf %mul3A_5 : vector<10000x128xf32> to vector<10000x128xbf16>
    %get3A_6 = arith.constant 0 : index
    %get3A_7 = arith.constant 0 : index
    %get3A_8 = vector.load %arg1[%get3A_6, %get3A_7] : memref<10240x128xf32, #tpu.memory_space<vmem>>, vector<10000x128xf32>
    %mul3A_9 = vector.broadcast %get3A_1 : vector<10000x1xf32> to vector<10000x128xf32>
    %mul3A_10 = arith.mulf %get3A_8, %mul3A_9 : vector<10000x128xf32>
    %convert_element_type3A_11 = arith.truncf %mul3A_10 : vector<10000x128xf32> to vector<10000x128xbf16>
    %get3A_12 = arith.constant 0 : index
    %get3A_13 = arith.constant 0 : index
    %get3A_14 = vector.load %arg3[%get3A_12, %get3A_13] : memref<256x256xf32, #tpu.memory_space<vmem>>, vector<128x256xf32>
    %convert_element_type3A_15 = arith.truncf %get3A_14 : vector<128x256xf32> to vector<128x256xbf16>
    %dot_general3A = arith.constant dense<0.000000e+00> : vector<10000x256xf32>
    %dot_general3A_16 = tpu.matmul %convert_element_type3A, %convert_element_type3A_15, %dot_general3A {dimension_numbers = #tpu.dot_dimension_numbers<[1], [0], [0], [1], [0, 0, 1, 1], [], []>, transpose_lhs_hint = false} : vector<10000x128xbf16>, vector<128x256xbf16>, vector<10000x256xf32> -> vector<10000x256xf32>
    %get3A_17 = arith.constant 128 : index
    %get3A_18 = arith.constant 0 : index
    %get3A_19 = vector.load %arg3[%get3A_17, %get3A_18] : memref<256x256xf32, #tpu.memory_space<vmem>>, vector<128x256xf32>
    %convert_element_type3A_20 = arith.truncf %get3A_19 : vector<128x256xf32> to vector<128x256xbf16>
    %dot_general3A_21 = arith.constant dense<0.000000e+00> : vector<10000x256xf32>
    %dot_general3A_22 = tpu.matmul %convert_element_type3A_11, %convert_element_type3A_20, %dot_general3A_21 {dimension_numbers = #tpu.dot_dimension_numbers<[1], [0], [0], [1], [0, 0, 1, 1], [], []>, transpose_lhs_hint = false} : vector<10000x128xbf16>, vector<128x256xbf16>, vector<10000x256xf32> -> vector<10000x256xf32>
    %add3A = arith.addf %dot_general3A_16, %dot_general3A_22 : vector<10000x256xf32>
    %get3A_23 = arith.constant 0 : index
    %get3A_24 = vector.load %arg4[%get3A_23] : memref<256xf32, #tpu.memory_space<vmem>>, vector<256xf32>
    %broadcast_in_dim3A = vector.shape_cast %get3A_24 : vector<256xf32> to vector<1x256xf32>
    %add3A_25 = vector.broadcast %broadcast_in_dim3A : vector<1x256xf32> to vector<10000x256xf32>
    %add3A_26 = arith.addf %add3A, %add3A_25 : vector<10000x256xf32>
    %reduce_sum3A = arith.constant dense<0.000000e+00> : vector<256xf32>
    %reduce_sum3A_27 = vector.multi_reduction <add>, %add3A_26, %reduce_sum3A [0] : vector<10000x256xf32> to vector<256xf32>
    %div3A = arith.constant 1.000000e+04 : f32
    %div3A_28 = vector.broadcast %div3A : f32 to vector<256xf32>
    %div3A_29 = arith.divf %reduce_sum3A_27, %div3A_28 : vector<256xf32>
    %mul3A_30 = arith.mulf %add3A_26, %add3A_26 : vector<10000x256xf32>
    %reduce_sum3A_31 = arith.constant dense<0.000000e+00> : vector<256xf32>
    %reduce_sum3A_32 = vector.multi_reduction <add>, %mul3A_30, %reduce_sum3A_31 [0] : vector<10000x256xf32> to vector<256xf32>
    %div3A_33 = arith.constant 1.000000e+04 : f32
    %div3A_34 = vector.broadcast %div3A_33 : f32 to vector<256xf32>
    %div3A_35 = arith.divf %reduce_sum3A_32, %div3A_34 : vector<256xf32>
    %mul3A_36 = arith.mulf %div3A_29, %div3A_29 : vector<256xf32>
    %sub3A = arith.subf %div3A_35, %mul3A_36 : vector<256xf32>
    %broadcast_in_dim3A_37 = vector.shape_cast %div3A_29 : vector<256xf32> to vector<1x256xf32>
    %sub3A_38 = vector.broadcast %broadcast_in_dim3A_37 : vector<1x256xf32> to vector<10000x256xf32>
    %sub3A_39 = arith.subf %add3A_26, %sub3A_38 : vector<10000x256xf32>
    %add3A_40 = arith.constant 9.99999974E-6 : f32
    %add3A_41 = vector.broadcast %add3A_40 : f32 to vector<256xf32>
    %add3A_42 = arith.addf %sub3A, %add3A_41 : vector<256xf32>
    %rsqrt3A = math.rsqrt %add3A_42 : vector<256xf32>
    %broadcast_in_dim3A_43 = vector.shape_cast %rsqrt3A : vector<256xf32> to vector<1x256xf32>
    %mul3A_44 = vector.broadcast %broadcast_in_dim3A_43 : vector<1x256xf32> to vector<10000x256xf32>
    %mul3A_45 = arith.mulf %sub3A_39, %mul3A_44 : vector<10000x256xf32>
    %get3A_46 = arith.constant 0 : index
    %get3A_47 = vector.load %arg5[%get3A_46] : memref<256xf32, #tpu.memory_space<vmem>>, vector<256xf32>
    %broadcast_in_dim3A_48 = vector.shape_cast %get3A_47 : vector<256xf32> to vector<1x256xf32>
    %mul3A_49 = vector.broadcast %broadcast_in_dim3A_48 : vector<1x256xf32> to vector<10000x256xf32>
    %mul3A_50 = arith.mulf %mul3A_45, %mul3A_49 : vector<10000x256xf32>
    %get3A_51 = arith.constant 0 : index
    %get3A_52 = vector.load %arg6[%get3A_51] : memref<256xf32, #tpu.memory_space<vmem>>, vector<256xf32>
    %broadcast_in_dim3A_53 = vector.shape_cast %get3A_52 : vector<256xf32> to vector<1x256xf32>
    %add3A_54 = vector.broadcast %broadcast_in_dim3A_53 : vector<1x256xf32> to vector<10000x256xf32>
    %add3A_55 = arith.addf %mul3A_50, %add3A_54 : vector<10000x256xf32>
    %ge3A = arith.constant 0.000000e+00 : f32
    %ge3A_56 = vector.broadcast %ge3A : f32 to vector<10000x256xf32>
    %ge3A_57 = arith.cmpf oge, %add3A_55, %ge3A_56 : vector<10000x256xf32>
    %mul3A_58 = arith.constant 2.000000e-01 : f32
    %mul3A_59 = vector.broadcast %mul3A_58 : f32 to vector<10000x256xf32>
    %mul3A_60 = arith.mulf %mul3A_59, %add3A_55 : vector<10000x256xf32>
    %select_n3A = arith.select %ge3A_57, %add3A_55, %mul3A_60 : vector<10000x256xi1>, vector<10000x256xf32>
    %swap3A = arith.constant 0 : index
    %swap3A_61 = arith.constant 0 : index
    %swap3A_62 = vector.load %arg7[%swap3A, %swap3A_61] : memref<10000x256xf32, #tpu.memory_space<vmem>>, vector<10000x256xf32>
    tpu.vector_store %arg7[%swap3A, %swap3A_61], %select_n3A {strides = array<i32>} : memref<10000x256xf32, #tpu.memory_space<vmem>>, vector<10000x256xf32>,
    return
  }
}

</mosaic_0001>

<sc_bundles>
// kernel: kernel.6.cloned.1.call-start
scs
__scs_entry_jumppad:
0x0: {  	(pc) =	sbr.rel $0x88, $3  }
0x1: {  	(tag) =	ssettag $0x0;
	lr =	simm.s32 $0x1  }
0x2: {  	[smem:$0x3F9B] =	sst lr;
	_ =	strace $0xD0000000  }
0x3: {  	_ = 	snop  }
0x4: {  	_ = 	snop  }
0x5: {  	_ = 	snop  }
0x6: {  	_ = 	snop  }
0x7: {  	_ = 	snop  }
__scs_overlays_trampoline_lowered:
0x8: {  	[smem:$0x3FAA] =	sst s0  }
0x9: {  	[smem:$0x3FAB] =	sst s1  }
0xa: {  	[smem:$0x3FAC] =	sst s2  }
0xb: {  	[smem:$0x3FAD] =	sst s3  }
0xc: {  	[smem:$0x3FAE] =	sst s4  }
0xd: {  	[smem:$0x3FAF] =	sst s5  }
0xe: {  	[smem:$0x3FB0] =	sst s6  }
0xf: {  	[smem:$0x3FB1] =	sst s7  }
0x10: {  	[smem:$0x3FB2] =	sst s8  }
0x11: {  	[smem:$0x3FB3] =	sst s9;
	s0 =	simm.s32 @!p0 $0x0  }
0x12: {  	s1 =	sld [smem:$0x3F99];
	s0 =	simm.s32 @p0 $0x1  }
0x13: {  	[smem:$0x3FB4] =	sst s0;
	s0 =	simm.s32 @!p1 $0x0  }
0x14: {  	s2 =	sld [smem:$0x3F98];
	s0 =	simm.s32 @p1 $0x1  }
0x15: {  	[smem:$0x3FB5] =	sst s0;
	s0 =	simm.s32 @!p2 $0x0  }
0x16: {  	s3 =	sld [smem:$0x3FDB];
	s0 =	simm.s32 @p2 $0x1  }
0x17: {  	s4 =	simm.s32 $0x1BF5;
	[smem:$0x3FB7] =	sst s0  }
0x18: {  	s0 =	sld [smem:$0x3F9A];
	_ =	swait.ge [sflag:s4], $0x0  }
0x19: {  	s7 =	sld [smem:$0x3F9B]  }
0x1a: {  	s8 =	sadd.s32 $0xFFFFE003, lr  }
0x1b: {  	s9 =	sadd.s32 $0xFFFFFEF7, lr;
	s5 =	simm.s32 $0xFFFFFFFF;
	p2 =	slt.u32 s8, $0xFFFFF086  }
0x1c: {  	p1 =	slt.u32 s9, $0xF7A;
	s5 =	simm.s32 @!p2 $0x0  }
0x1d: {  	s5 =	simm.s32 @p1 $0x1;
	p0 =	seq.s32 s7, s2  }
0x1e: {  	s7 =	smul.u32 @!p0 $0xF7A, s2;
	p2 =	seq.s32 @!p0 s5, $0x0  }
0x1f: {  	s9 =	smul.u32 $0xF7A, s1;
	s8 =	simm.s32 @!p0 $0x1BF5;
	p2 =	por !p2, p0  }
0x20: {  	[sflag:s8] =	ssyncset.s32 @!p0 $0xFFFFF086;
	s6 =	sadd.s32 @!p0 s3, s7;
	s7 =	simm.s32 @!p0 $0x108  }
0x21: {  	s3 =	sadd.s32 s3, s9;
	s6 =	sadd.s32 @!p0 $0x88, s6;
	s7 =	simm.s32 @p2 $0x1082  }
0x22: {  	[simem:s7], [sflag:s8] =	dma.local @!p0 [hbm:s6], $0xF7A  }
0x23: {  	s9 =	sor.u32 $0xD0000000, s2;
	s6 =	simm.s32 $0x108;
	_ =	swait.ge @!p0 [sflag:s8], $0x0  }
0x24: {  	s3 =	sadd.s32 $0x88, s3;
	s6 =	simm.s32 @!p1 $0x1082;
	[sflag:s4] =	ssyncset.s32 $0xFFFFF086  }
0x25: {  	[simem:s6], [sflag:s4] =	dma.local [hbm:s3], $0xF7A  }
0x26: {  	[smem:$0x3F9B] =	sst s1;
	(tag) =	ssettag s2;
	_ =	strace s9  }
0x27: {  	s1 =	sld [smem:$0x3FAB]  }
0x28: {  	s2 =	sld [smem:$0x3FAC]  }
0x29: {  	s4 =	sld [smem:$0x3FAE]  }
0x2a: {  	p0 =	seq.s32 s5, $0x0;
	s5 =	sld [smem:$0x3FAF]  }
0x2b: {  	s6 =	sld [smem:$0x3FB0]  }
0x2c: {  	s7 =	sld [smem:$0x3FB1]  }
0x2d: {  	s3 =	simm.s32 $0x108;
	s8 =	sld [smem:$0x3FB2]  }
0x2e: {  	s3 =	simm.s32 @!p0 $0x1082;
	s9 =	sld [smem:$0x3FB3]  }
0x2f: {  	lr =	sadd.s32 s0, s3;
	s0 =	sld [smem:$0x3FAA]  }
0x30: {  	s3 =	sld [smem:$0x3FAD]  }
0x31: {  	[smem:$0x3FB6] =	sst s10  }
0x32: {  	s10 =	sld [smem:$0x3FB4];
	_ =	sdelay $0x3  }
0x33: {  	p0 =	seq.s32 s10, $0x1;
	s10 =	sld [smem:$0x3FB6];
	_ =	sdelay $0x3  }
0x34: {  	[smem:$0x3FB6] =	sst s10  }
0x35: {  	s10 =	sld [smem:$0x3FB5];
	_ =	sdelay $0x3  }
0x36: {  	p1 =	seq.s32 s10, $0x1;
	s10 =	sld [smem:$0x3FB6];
	_ =	sdelay $0x3  }
0x37: {  	[smem:$0x3FB6] =	sst s10  }
0x38: {  	s10 =	sld [smem:$0x3FB7]  }
0x39: {  	_ = 	snop;
	(pc) =	sbr.ind lr, $3  }
0x3a: {  	_ = 	snop  }
0x3b: {  	_ = 	snop  }
0x3c: {  	p2 =	seq.s32 s10, $0x1;
	s10 =	sld [smem:$0x3FB6]  }
0x3d: {  	_ =	shalt  }
0x3e: {  	_ =	shalt  }
0x3f: {  	_ =	shalt  }
0x40: {  	_ =	shalt  }
0x41: {  	_ =	shalt  }
0x42: {  	_ =	shalt  }
0x43: {  	_ =	shalt  }
0x44: {  	_ =	shalt  }
0x45: {  	_ =	shalt  }
0x46: {  	_ =	shalt  }
0x47: {  	_ =	shalt  }
0x48: {  	_ =	shalt  }
0x49: {  	_ =	shalt  }
0x4a: {  	_ =	shalt  }
0x4b: {  	_ =	shalt  }
0x4c: {  	_ =	shalt  }
0x4d: {  	_ =	shalt  }
0x4e: {  	_ =	shalt  }
0x4f: {  	_ =	shalt  }
0x50: {  	_ =	shalt  }
0x51: {  	_ =	shalt  }
0x52: {  	_ =	shalt  }
0x53: {  	_ =	shalt  }
0x54: {  	_ =	shalt  }
0x55: {  	_ =	shalt  }
0x56: {  	_ =	shalt  }
0x57: {  	_ =	shalt  }
0x58: {  	_ =	shalt  }
0x59: {  	_ =	shalt  }
0x5a: {  	_ =	shalt  }
0x5b: {  	_ =	shalt  }
0x5c: {  	_ =	shalt  }
0x5d: {  	_ =	shalt  }
0x5e: {  	_ =	shalt  }
0x5f: {  	_ =	shalt  }
0x60: {  	_ =	shalt  }
0x61: {  	_ =	shalt  }
0x62: {  	_ =	shalt  }
0x63: {  	_ =	shalt  }
0x64: {  	_ =	shalt  }
0x65: {  	_ =	shalt  }
0x66: {  	_ =	shalt  }
0x67: {  	_ =	shalt  }
0x68: {  	_ =	shalt  }
0x69: {  	_ =	shalt  }
0x6a: {  	_ =	shalt  }
0x6b: {  	_ =	shalt  }
0x6c: {  	_ =	shalt  }
0x6d: {  	_ =	shalt  }
0x6e: {  	_ =	shalt  }
0x6f: {  	_ =	shalt  }
0x70: {  	_ =	shalt  }
0x71: {  	_ =	shalt  }
0x72: {  	_ =	shalt  }
0x73: {  	_ =	shalt  }
0x74: {  	_ =	shalt  }
0x75: {  	_ =	shalt  }
0x76: {  	_ =	shalt  }
0x77: {  	_ =	shalt  }
0x78: {  	_ =	shalt  }
0x79: {  	_ =	shalt  }
0x7a: {  	_ =	shalt  }
0x7b: {  	_ =	shalt  }
0x7c: {  	_ =	shalt  }
0x7d: {  	_ =	shalt  }
0x7e: {  	_ =	shalt  }
0x7f: {  	_ =	shalt  }
0x80: {  	_ =	shalt  }
0x81: {  	_ =	shalt  }
0x82: {  	_ =	shalt  }
0x83: {  	_ =	shalt  }
0x84: {  	_ =	shalt  }
0x85: {  	_ =	shalt  }
0x86: {  	_ =	shalt  }
0x87: {  	_ =	shalt  }
.Lfunc_end0:
.L_simem_size_0:
called_computation_lowered:
.L_overlay_start_0:
0x88: {  	s2 =	sld [smem:$0x3FD9]  }
0x89: {  	s3 =	sld [smem:$0x3FFE];
	_ =	sdelay $0x1  }
0x8a: {  	s1 =	srdreg.scid  }
0x8b: {  	s0 =	sand.u32 $0x1, s1  }
0x8c: {  	s17 =	sshll.u32 s0, $0xA;
	s2 =	sadd.s32 s3, s2  }
0x8d: {  	s2 =	sadd.s32 s2, s17  }
0x8e: {  	[smem:$0x3FC2] =	sst s2  }
0x8f: {  	_ = 	snop  }
0x90: {  	s2 =	sld [smem:$0x3FD0];
	(tm) =	ssettm $0x1  }
0x91: {  	s18 =	sld [smem:$0x3FFB];
	_ =	sdelay $0x3  }
0x92: {  	_ =	strace s18  }
0x93: {  	s3 =	sld [smem:$0x3FFC];
	_ =	sdelay $0x3  }
0x94: {  	_ =	strace s3  }
0x95: {  	s3 =	sld [smem:$0x3FFD];
	_ =	sdelay $0x3  }
0x96: {  	_ =	strace s3  }
0x97: {  	_ =	strace $0x8FFFFFFF  }
0x98: {  	s19 =	sld [smem:$0x3FDB];
	_ =	sdelay $0x1  }
0x99: {  	s4 =	simm.s32 $_scs_section_size  }
0x9a: {  	s5 =	simm.s32 $_size__tile_overlayer_lowered;
	s6 =	simm.s32 $_tile_overlayer_lowered  }
0x9b: {  	s22 =	simm.s32 $0x1BFF;
	s21 =	sshll.u32 s6, $0x1;
	s3 =	sadd.s32 s4, s19  }
0x9c: {  	s7 =	simm.s32 $0x0;
	s20 =	sshll.u32 s5, $0x1;
	s5 =	sadd.s32 s21, s3  }
0x9d: {  	[timem:s7], [sflag:s22] =	dma.local [hbm:s5], s20  }
0x9e: {  	_ =	swait.ge [sflag:s22], s20  }
0x9f: {  	s4 =	ssub.s32 $0x0, s20;
	[sflag:s22] =	ssyncset.done $0x0  }
0xa0: {  	[sflag:s22] =	ssyncadd.s32 s4;
	_ =	sdelay $0x1  }
0xa1: {  	s23 =	simm.s32 $0x1B8B  }
0xa2: {  	_ =	swait.ge [sflag:s23], $0x1  }
0xa3: {  	[sflag:s23] =	ssyncset.done $0x0  }
0xa4: {  	s25 =	simm.s32 $0x1B8E;
	s24 =	sld [smem:$0x3FFE];
	[sflag:s23] =	ssyncadd.s32 $0xFFFFFFFF  }
0xa5: {  	s26 =	simm.s32 $execute0_lowered;
	[smem:$0x3FD2] =	sst s25  }
0xa6: {  	s5 =	sshll.u32 s26, $0x1;
	_ =	strace $0x80000046;
	[dreg:$0x1] =	wrdreg $0xFFFFFFFF  }
0xa7: {  	s28 =	simm.s32 $_size_execute0_lowered;
	s3 =	sadd.s32 s3, s5;
	[dreg:$0x0] =	wrdreg $0x0  }
0xa8: {  	s5 =	sshll.u32 s28, $0x1;
	[dreg:$0x2] =	wrdreg s3  }
0xa9: {  	[dreg:$0x3] =	wrdreg s5  }
0xaa: {  	[dreg:$0x4] =	wrdreg $0xC0  }
0xab: {  	_ =	task [dreg:s7], $0x5FFFF  }
0xac: {  	[dreg:$0x1] =	wrdreg $0xFFFFFFFF  }
0xad: {  	[dreg:$0x0] =	wrdreg $0x60  }
0xae: {  	[dreg:$0x2] =	wrdreg s24  }
0xaf: {  	[dreg:$0x3] =	wrdreg s2  }
0xb0: {  	[dreg:$0x4] =	wrdreg $0x9  }
0xb1: {  	_ =	task.clear_ibuf [dreg:s7], $0x5FFFF;
	_ =	strace $0x90000046  }
0xb2: {  	s29 =	simm.s32 $0x9;
	_ =	strace $0x80000048  }
0xb3: {  	_ =	swait.ge [sflag:s29], $0x1  }
0xb4: {  	[sflag:s29] =	ssyncadd.s32 $0xFFFFFFFF  }
0xb5: {  	_ =	strace $0x90000048  }
0xb6: {  	_ =	sfence  }
0xb7: {  	s30 =	sld [smem:$0x0];
	_ =	sdelay $0x2  }
0xb8: {  	s31 =	sshll.u32 s1, $0xD;
	s1 =	sshrl.u32 s1, $0x2  }
0xb9: {  	s3 =	sand.u32 $0x4000, s31;
	s1 =	sadd.s32 s1, s30  }
0xba: {  	s0 =	sor.u32 s3, s0;
	s1 =	sshll.u32 s1, $0x11  }
0xbb: {  	s0 =	sor.u32 s1, s0  }
0xbc: {  	s0 =	sadd.s32 $0x8F2B, s0  }
0xbd: {  	[sflag:s0] =	ssyncadd.remote.s32 $0x1  }
0xbe: {  	_ =	sfence.sel $0xFFFF  }
0xbf: {  	[dreg:$0x0] =	wrdreg $0xFFFFFFFF;
	(pc) =	sbr.abs _section_cstart, $3  }
0xc0: {  	[dreg:$0x1] =	wrdreg $0xFFFFFFFF  }
0xc1: {  	_ =	task.clear_ibuf [dreg:s7], $0x2FFFF;
	_ =	strace $0x9FFFFFFF  }
0xc2: {  	(tm) =	ssettm $0x7FFFFFFF  }
0xc3: {  	_ =	shalt  }
tec
execute0_lowered:
.L_overlay_start_1:
0x0: {  	(tag) =	ssettag $0x1  }
0x1: {  	s0 =	srdreg.scid  }
0x2: {  	s3 =	sand.u32 $0x1, s0  }
0x3: {  	s4 =	rddreg [dreg:$0x0];
	s0 =	stileid.u32;
	s1 =	sshll.u32 s3, $0x4  }
0x4: {  	s5 =	rddreg [dreg:$0x1];
	s2 =	simm.s32 $0x0;
	s6 =	sor.u32 s0, s1  }
0x5: {  	[smem:$0x7FF] =	sst s2;
	s7 =	smul.u32 $0x1388, s6  }
0x6: {  	s3 =	ssub.s32 $0x2, s3;
	s1 =	rddreg [dreg:$0x2]  }
0x7: {  	s8 =	sshrl.u32 s3, $0x1;
	s6 =	smul.u32 $0x500, s6;
	s7 =	sshrl.u32 s7, $0x3  }
0x8: {  	_ =	strace $0x80000047;
	s8 =	ssub.s32 s3, s8;
	s31 =	sadd.s32 s4, s7  }
0x9: {  	s4 =	sadd.s32 s5, s6;
	s5 =	smax.u32 s8, $0x1;
	s6 =	simm.s32 $0x2800  }
0xa: {  	v0 =	vimm.f32 $0.0e+00;
	v1 =	vimm.f32 $1.000000000e+00;
	vm0 =	vmmov $0xff;
	s7 =	simm.s32 $0x1;
	s8 =	simm.s32 $0x0;
	s3 =	sadd.s32 $0x6E20, s31  }
.LBB2_1:
0xb: {  	s9 =	simm.s32 $0x0;
	s10 =	simm.s32 $0x200  }
.LBB2_2:
0xc: {  	p0 =	sne.s32 s10, $0x9E00;
	[tilespmem:s9+$0x70] =	vst v0  }
0xd: {  	[tilespmem:s9+$0x0] =	vst v0  }
0xe: {  	[tilespmem:s9+$0x10] =	vst v0  }
.Ltmp0:
0xf: {  	[tilespmem:s9+$0x20] =	vst v0;
	(pc) =	sbr.rel @p0 .LBB2_2-.Ltmp0, $4  }
0x10: {  	[tilespmem:s9+$0x30] =	vst v0  }
0x11: {  	[tilespmem:s9+$0x40] =	vst v0  }
0x12: {  	[tilespmem:s9+$0x50] =	vst v0  }
0x13: {  	[tilespmem:s9+$0x60] =	vst v0;
	s9 =	sshra.s32 s10, $0x2;
	s10 =	sadd.s32 $0x200, s10  }
0x14: {  	[tilespmem:s9+$0x70] =	vst v0  }
0x15: {  	[tilespmem:s9+$0x0] =	vst v0  }
0x16: {  	[tilespmem:s9+$0x10] =	vst v0  }
0x17: {  	[tilespmem:s9+$0x20] =	vst v0  }
0x18: {  	[tilespmem:s9+$0x30] =	vst v0  }
0x19: {  	[tilespmem:s9+$0x40] =	vst v0  }
0x1a: {  	[tilespmem:s9+$0x50] =	vst v0  }
0x1b: {  	[tilespmem:s9+$0x60] =	vst v0;
	s9 =	simm.s32 $0x0  }
0x1c: {  	[tilespmem:s6], [sflag:$0x1] =	stream.linear.gather [hbm4b:s3+s9], $0x1388, $0x38;
	[tilespmem:$0x3C00] =	vst v63  }
0x1d: {  	_ =	swait.ge [sflag:s7], $0x1388  }
0x1e: {  	[sflag:s7] =	ssyncset.done $0x0  }
0x1f: {  	[sflag:s7] =	ssyncadd.s32 $0xFFFFEC78  }
.LBB2_4:
0x20: {  	s10 =	sshra.s32 s9, $0x2  }
0x21: {  	v2 =	vld [tilespmem:s10+$0x2800];
	_ =	sdelay $0x7  }
0x22: {  	[tilespmem:v2+s2+$0x0] =	vst.idx.add.f32.msk $0xffff, v1  }
0x23: {  	v2 =	vld [tilespmem:s10+$0x2810];
	_ =	sdelay $0x7  }
0x24: {  	[tilespmem:v2+s2+$0x0] =	vst.idx.add.f32.msk $0xffff, v1  }
0x25: {  	v2 =	vld [tilespmem:s10+$0x2820];
	_ =	sdelay $0x7  }
0x26: {  	[tilespmem:v2+s2+$0x0] =	vst.idx.add.f32.msk $0xffff, v1  }
0x27: {  	v2 =	vld [tilespmem:s10+$0x2830];
	_ =	sdelay $0x2  }
0x28: {  	p0 =	sne.s32 s9, $0x4D00  }
.Ltmp1:
0x29: {  	_ = 	snop;
	(pc) =	sbr.rel @p0 .LBB2_4-.Ltmp1, $2  }
0x2a: {  	_ =	sdelay $0x2  }
0x2b: {  	s9 =	sadd.s32 $0x100, s9;
	[tilespmem:v2+s2+$0x0] =	vst.idx.add.f32.msk $0xffff, v1  }
0x2c: {  	v2 =	vld [tilespmem:$0x3B80];
	_ =	sdelay $0x4  }
0x2d: {  	v2 =	vnsel vm0, $0x0, v2;
	_ =	sdelay $0x2  }
0x2e: {  	s8 =	sadd.s32 $0x1, s8  }
0x2f: {  	p0 =	sne.s32 s8, s5  }
.Ltmp2:
0x30: {  	[tilespmem:v2+s2+$0x0] =	vst.idx.add.f32.msk $0xff, v1;
	(pc) =	sbr.rel @p0 .LBB2_1-.Ltmp2, $4  }
0x31: {  	[hbm4b:s4+s2] =	stream.linear.scatter [tilespmem:s2], [sflag:$0x1], $0x2800, $0x38;
	[tilespmem:$0x3C00] =	vst v63  }
0x32: {  	_ =	swait.ge [sflag:s7], $0x2800  }
0x33: {  	[sflag:s7] =	ssyncset.done $0x0  }
0x34: {  	[sflag:s7] =	ssyncadd.s32 $0xFFFFD800  }
0x35: {  	_ =	sfence.sel $0x180000  }
0x36: {  	[bflag:$0x0] =	sbarrier.arrive $0xFFFF  }
0x37: {  	p0 =	sne.s32 s0, $0x0;
	_ =	strace $0x90000047  }
0x38: {  	s0 =	sadd.s32 @!p0 $0x100000, s1;
	[bflag:$0x2] =	sbarrier.arrive $0xFFFF  }
0x39: {  	[sflag:s0] =	ssyncadd.tile.s32 @!p0 $0x1;
	_ =	shalt  }
.Lfunc_end2:
_tile_overlayer_lowered:
.L_overlay_start_2:
0x3a: {  	(tag) =	ssettag $0x2  }
0x3b: {  	s0 =	rddreg [dreg:$0x0];
	s2 =	stileid.u32  }
0x3c: {  	s1 =	rddreg [dreg:$0x1];
	p0 =	sne.s32 s2, $0x0  }
0x3d: {  	s3 =	rddreg [dreg:$0x2];
	[bflag:$0x3] =	sbarrier.arrive $0xFFFF;
	s2 =	simm.s32 @!p0 $0x1C01  }
0x3e: {  	[timem:s3], [sflag:s2] =	dma.local @!p0 [hbm:s0], s1  }
0x3f: {  	s0 =	simm.s32 @!p0 $0x1  }
0x40: {  	_ =	swait.ge @!p0 [sflag:s0], s1  }
0x41: {  	s1 =	ssub.s32 @!p0 $0x0, s1;
	[sflag:s0] =	ssyncset.done @!p0 $0x0  }
0x42: {  	[sflag:s0] =	ssyncadd.s32 @!p0 s1  }
0x43: {  	[bflag:$0x3] =	sbarrier.arrive $0xFFFF  }
0x44: {  	_ =	shalt  }

// kernel: kernel.9.cloned.1.call-start
scs
__scs_entry_jumppad:
0x0: {  	(pc) =	sbr.rel $0x88, $3  }
0x1: {  	(tag) =	ssettag $0x0;
	lr =	simm.s32 $0x1  }
0x2: {  	[smem:$0x3F9B] =	sst lr;
	_ =	strace $0xD0000000  }
0x3: {  	_ = 	snop  }
0x4: {  	_ = 	snop  }
0x5: {  	_ = 	snop  }
0x6: {  	_ = 	snop  }
0x7: {  	_ = 	snop  }
__scs_overlays_trampoline_lowered:
0x8: {  	[smem:$0x3FAA] =	sst s0  }
0x9: {  	[smem:$0x3FAB] =	sst s1  }
0xa: {  	[smem:$0x3FAC] =	sst s2  }
0xb: {  	[smem:$0x3FAD] =	sst s3  }
0xc: {  	[smem:$0x3FAE] =	sst s4  }
0xd: {  	[smem:$0x3FAF] =	sst s5  }
0xe: {  	[smem:$0x3FB0] =	sst s6  }
0xf: {  	[smem:$0x3FB1] =	sst s7  }
0x10: {  	[smem:$0x3FB2] =	sst s8  }
0x11: {  	[smem:$0x3FB3] =	sst s9;
	s0 =	simm.s32 @!p0 $0x0  }
0x12: {  	s1 =	sld [smem:$0x3F99];
	s0 =	simm.s32 @p0 $0x1  }
0x13: {  	[smem:$0x3FB4] =	sst s0;
	s0 =	simm.s32 @!p1 $0x0  }
0x14: {  	s2 =	sld [smem:$0x3F98];
	s0 =	simm.s32 @p1 $0x1  }
0x15: {  	[smem:$0x3FB5] =	sst s0;
	s0 =	simm.s32 @!p2 $0x0  }
0x16: {  	s3 =	sld [smem:$0x3FDB];
	s0 =	simm.s32 @p2 $0x1  }
0x17: {  	s4 =	simm.s32 $0x1BF5;
	[smem:$0x3FB7] =	sst s0  }
0x18: {  	s0 =	sld [smem:$0x3F9A];
	_ =	swait.ge [sflag:s4], $0x0  }
0x19: {  	s7 =	sld [smem:$0x3F9B]  }
0x1a: {  	s8 =	sadd.s32 $0xFFFFE003, lr  }
0x1b: {  	s9 =	sadd.s32 $0xFFFFFEF7, lr;
	s5 =	simm.s32 $0xFFFFFFFF;
	p2 =	slt.u32 s8, $0xFFFFF086  }
0x1c: {  	p1 =	slt.u32 s9, $0xF7A;
	s5 =	simm.s32 @!p2 $0x0  }
0x1d: {  	s5 =	simm.s32 @p1 $0x1;
	p0 =	seq.s32 s7, s2  }
0x1e: {  	s7 =	smul.u32 @!p0 $0xF7A, s2;
	p2 =	seq.s32 @!p0 s5, $0x0  }
0x1f: {  	s9 =	smul.u32 $0xF7A, s1;
	s8 =	simm.s32 @!p0 $0x1BF5;
	p2 =	por !p2, p0  }
0x20: {  	[sflag:s8] =	ssyncset.s32 @!p0 $0xFFFFF086;
	s6 =	sadd.s32 @!p0 s3, s7;
	s7 =	simm.s32 @!p0 $0x108  }
0x21: {  	s3 =	sadd.s32 s3, s9;
	s6 =	sadd.s32 @!p0 $0x88, s6;
	s7 =	simm.s32 @p2 $0x1082  }
0x22: {  	[simem:s7], [sflag:s8] =	dma.local @!p0 [hbm:s6], $0xF7A  }
0x23: {  	s9 =	sor.u32 $0xD0000000, s2;
	s6 =	simm.s32 $0x108;
	_ =	swait.ge @!p0 [sflag:s8], $0x0  }
0x24: {  	s3 =	sadd.s32 $0x88, s3;
	s6 =	simm.s32 @!p1 $0x1082;
	[sflag:s4] =	ssyncset.s32 $0xFFFFF086  }
0x25: {  	[simem:s6], [sflag:s4] =	dma.local [hbm:s3], $0xF7A  }
0x26: {  	[smem:$0x3F9B] =	sst s1;
	(tag) =	ssettag s2;
	_ =	strace s9  }
0x27: {  	s1 =	sld [smem:$0x3FAB]  }
0x28: {  	s2 =	sld [smem:$0x3FAC]  }
0x29: {  	s4 =	sld [smem:$0x3FAE]  }
0x2a: {  	p0 =	seq.s32 s5, $0x0;
	s5 =	sld [smem:$0x3FAF]  }
0x2b: {  	s6 =	sld [smem:$0x3FB0]  }
0x2c: {  	s7 =	sld [smem:$0x3FB1]  }
0x2d: {  	s3 =	simm.s32 $0x108;
	s8 =	sld [smem:$0x3FB2]  }
0x2e: {  	s3 =	simm.s32 @!p0 $0x1082;
	s9 =	sld [smem:$0x3FB3]  }
0x2f: {  	lr =	sadd.s32 s0, s3;
	s0 =	sld [smem:$0x3FAA]  }
0x30: {  	s3 =	sld [smem:$0x3FAD]  }
0x31: {  	[smem:$0x3FB6] =	sst s10  }
0x32: {  	s10 =	sld [smem:$0x3FB4];
	_ =	sdelay $0x3  }
0x33: {  	p0 =	seq.s32 s10, $0x1;
	s10 =	sld [smem:$0x3FB6];
	_ =	sdelay $0x3  }
0x34: {  	[smem:$0x3FB6] =	sst s10  }
0x35: {  	s10 =	sld [smem:$0x3FB5];
	_ =	sdelay $0x3  }
0x36: {  	p1 =	seq.s32 s10, $0x1;
	s10 =	sld [smem:$0x3FB6];
	_ =	sdelay $0x3  }
0x37: {  	[smem:$0x3FB6] =	sst s10  }
0x38: {  	s10 =	sld [smem:$0x3FB7]  }
0x39: {  	_ = 	snop;
	(pc) =	sbr.ind lr, $3  }
0x3a: {  	_ = 	snop  }
0x3b: {  	_ = 	snop  }
0x3c: {  	p2 =	seq.s32 s10, $0x1;
	s10 =	sld [smem:$0x3FB6]  }
0x3d: {  	_ =	shalt  }
0x3e: {  	_ =	shalt  }
0x3f: {  	_ =	shalt  }
0x40: {  	_ =	shalt  }
0x41: {  	_ =	shalt  }
0x42: {  	_ =	shalt  }
0x43: {  	_ =	shalt  }
0x44: {  	_ =	shalt  }
0x45: {  	_ =	shalt  }
0x46: {  	_ =	shalt  }
0x47: {  	_ =	shalt  }
0x48: {  	_ =	shalt  }
0x49: {  	_ =	shalt  }
0x4a: {  	_ =	shalt  }
0x4b: {  	_ =	shalt  }
0x4c: {  	_ =	shalt  }
0x4d: {  	_ =	shalt  }
0x4e: {  	_ =	shalt  }
0x4f: {  	_ =	shalt  }
0x50: {  	_ =	shalt  }
0x51: {  	_ =	shalt  }
0x52: {  	_ =	shalt  }
0x53: {  	_ =	shalt  }
0x54: {  	_ =	shalt  }
0x55: {  	_ =	shalt  }
0x56: {  	_ =	shalt  }
0x57: {  	_ =	shalt  }
0x58: {  	_ =	shalt  }
0x59: {  	_ =	shalt  }
0x5a: {  	_ =	shalt  }
0x5b: {  	_ =	shalt  }
0x5c: {  	_ =	shalt  }
0x5d: {  	_ =	shalt  }
0x5e: {  	_ =	shalt  }
0x5f: {  	_ =	shalt  }
0x60: {  	_ =	shalt  }
0x61: {  	_ =	shalt  }
0x62: {  	_ =	shalt  }
0x63: {  	_ =	shalt  }
0x64: {  	_ =	shalt  }
0x65: {  	_ =	shalt  }
0x66: {  	_ =	shalt  }
0x67: {  	_ =	shalt  }
0x68: {  	_ =	shalt  }
0x69: {  	_ =	shalt  }
0x6a: {  	_ =	shalt  }
0x6b: {  	_ =	shalt  }
0x6c: {  	_ =	shalt  }
0x6d: {  	_ =	shalt  }
0x6e: {  	_ =	shalt  }
0x6f: {  	_ =	shalt  }
0x70: {  	_ =	shalt  }
0x71: {  	_ =	shalt  }
0x72: {  	_ =	shalt  }
0x73: {  	_ =	shalt  }
0x74: {  	_ =	shalt  }
0x75: {  	_ =	shalt  }
0x76: {  	_ =	shalt  }
0x77: {  	_ =	shalt  }
0x78: {  	_ =	shalt  }
0x79: {  	_ =	shalt  }
0x7a: {  	_ =	shalt  }
0x7b: {  	_ =	shalt  }
0x7c: {  	_ =	shalt  }
0x7d: {  	_ =	shalt  }
0x7e: {  	_ =	shalt  }
0x7f: {  	_ =	shalt  }
0x80: {  	_ =	shalt  }
0x81: {  	_ =	shalt  }
0x82: {  	_ =	shalt  }
0x83: {  	_ =	shalt  }
0x84: {  	_ =	shalt  }
0x85: {  	_ =	shalt  }
0x86: {  	_ =	shalt  }
0x87: {  	_ =	shalt  }
.Lfunc_end0:
.L_simem_size_0:
called_computation.1_lowered:
.L_overlay_start_0:
0x88: {  	s2 =	sld [smem:$0x3FD9]  }
0x89: {  	s3 =	sld [smem:$0x3FFE];
	_ =	sdelay $0x1  }
0x8a: {  	s1 =	srdreg.scid  }
0x8b: {  	s0 =	sand.u32 $0x1, s1  }
0x8c: {  	s17 =	sshll.u32 s0, $0xA;
	s2 =	sadd.s32 s3, s2  }
0x8d: {  	s2 =	sadd.s32 s2, s17  }
0x8e: {  	[smem:$0x3FC2] =	sst s2  }
0x8f: {  	_ = 	snop  }
0x90: {  	s2 =	sld [smem:$0x3FD0];
	(tm) =	ssettm $0x1  }
0x91: {  	s18 =	sld [smem:$0x3FFB];
	_ =	sdelay $0x3  }
0x92: {  	_ =	strace s18  }
0x93: {  	s3 =	sld [smem:$0x3FFC];
	_ =	sdelay $0x3  }
0x94: {  	_ =	strace s3  }
0x95: {  	s3 =	sld [smem:$0x3FFD];
	_ =	sdelay $0x3  }
0x96: {  	_ =	strace s3  }
0x97: {  	_ =	strace $0x8FFFFFFF  }
0x98: {  	s19 =	sld [smem:$0x3FDB];
	_ =	sdelay $0x1  }
0x99: {  	s4 =	simm.s32 $_scs_section_size  }
0x9a: {  	s5 =	simm.s32 $_size__tile_overlayer_lowered;
	s6 =	simm.s32 $_tile_overlayer_lowered  }
0x9b: {  	s22 =	simm.s32 $0x1BFF;
	s21 =	sshll.u32 s6, $0x1;
	s3 =	sadd.s32 s4, s19  }
0x9c: {  	s7 =	simm.s32 $0x0;
	s20 =	sshll.u32 s5, $0x1;
	s5 =	sadd.s32 s21, s3  }
0x9d: {  	[timem:s7], [sflag:s22] =	dma.local [hbm:s5], s20  }
0x9e: {  	_ =	swait.ge [sflag:s22], s20  }
0x9f: {  	s4 =	ssub.s32 $0x0, s20;
	[sflag:s22] =	ssyncset.done $0x0  }
0xa0: {  	[sflag:s22] =	ssyncadd.s32 s4;
	_ =	sdelay $0x1  }
0xa1: {  	s23 =	simm.s32 $0x1B8B  }
0xa2: {  	_ =	swait.ge [sflag:s23], $0x1  }
0xa3: {  	[sflag:s23] =	ssyncset.done $0x0  }
0xa4: {  	s25 =	simm.s32 $0x1B8E;
	s24 =	sld [smem:$0x3FFE];
	[sflag:s23] =	ssyncadd.s32 $0xFFFFFFFF  }
0xa5: {  	s26 =	simm.s32 $execute0_lowered;
	[smem:$0x3FD2] =	sst s25  }
0xa6: {  	s5 =	sshll.u32 s26, $0x1;
	_ =	strace $0x80000049;
	[dreg:$0x1] =	wrdreg $0xFFFFFFFF  }
0xa7: {  	s28 =	simm.s32 $_size_execute0_lowered;
	s3 =	sadd.s32 s3, s5;
	[dreg:$0x0] =	wrdreg $0x0  }
0xa8: {  	s5 =	sshll.u32 s28, $0x1;
	[dreg:$0x2] =	wrdreg s3  }
0xa9: {  	[dreg:$0x3] =	wrdreg s5  }
0xaa: {  	[dreg:$0x4] =	wrdreg $0xC0  }
0xab: {  	_ =	task [dreg:s7], $0x5FFFF  }
0xac: {  	[dreg:$0x1] =	wrdreg $0xFFFFFFFF  }
0xad: {  	[dreg:$0x0] =	wrdreg $0x60  }
0xae: {  	[dreg:$0x2] =	wrdreg s24  }
0xaf: {  	[dreg:$0x3] =	wrdreg s2  }
0xb0: {  	[dreg:$0x4] =	wrdreg $0xA8000  }
0xb1: {  	[dreg:$0x5] =	wrdreg $0x9  }
0xb2: {  	_ =	task.clear_ibuf [dreg:s7], $0x6FFFF;
	_ =	strace $0x90000049  }
0xb3: {  	s29 =	simm.s32 $0x9;
	_ =	strace $0x8000004B  }
0xb4: {  	_ =	swait.ge [sflag:s29], $0x1  }
0xb5: {  	[sflag:s29] =	ssyncadd.s32 $0xFFFFFFFF  }
0xb6: {  	_ =	strace $0x9000004B  }
0xb7: {  	_ =	sfence  }
0xb8: {  	s30 =	sld [smem:$0x0];
	_ =	sdelay $0x2  }
0xb9: {  	s31 =	sshll.u32 s1, $0xD;
	s1 =	sshrl.u32 s1, $0x2  }
0xba: {  	s3 =	sand.u32 $0x4000, s31;
	s1 =	sadd.s32 s1, s30  }
0xbb: {  	s0 =	sor.u32 s3, s0;
	s1 =	sshll.u32 s1, $0x11  }
0xbc: {  	s0 =	sor.u32 s1, s0  }
0xbd: {  	s0 =	sadd.s32 $0x8F2B, s0  }
0xbe: {  	[sflag:s0] =	ssyncadd.remote.s32 $0x1  }
0xbf: {  	_ =	sfence.sel $0xFFFF  }
0xc0: {  	[dreg:$0x0] =	wrdreg $0xFFFFFFFF;
	(pc) =	sbr.abs _section_cstart, $3  }
0xc1: {  	[dreg:$0x1] =	wrdreg $0xFFFFFFFF  }
0xc2: {  	_ =	task.clear_ibuf [dreg:s7], $0x2FFFF;
	_ =	strace $0x9FFFFFFF  }
0xc3: {  	(tm) =	ssettm $0x7FFFFFFF  }
tec
execute0_lowered:
.L_overlay_start_1:
0x0: {  	(tag) =	ssettag $0x1  }
0x1: {  	s0 =	rddreg [dreg:$0x0]  }
0x2: {  	s3 =	rddreg [dreg:$0x1]  }
0x3: {  	s1 =	rddreg [dreg:$0x2]  }
0x4: {  	s2 =	simm.s32 $0x0;
	s4 =	srdreg.scid;
	s13 =	stileid.u32  }
0x5: {  	s30 =	simm.s32 $0x100;
	s28 =	simm.s32 $0x3000;
	s31 =	simm.s32 $0x580  }
0x6: {  	s29 =	simm.s32 $0xA;
	[smem:$0x7FF] =	sst s2;
	s4 =	sand.u32 $0x1, s4  }
0x7: {  	s5 =	sadd.s32 $0xBE00, s0;
	s9 =	smul.u32 $0x50, s13;
	s6 =	sadd.s32 $0x1AA00, s0  }
0x8: {  	s0 =	sadd.s32 $0x6AA00, s0;
	s12 =	smul.u32 $0x50000, s13;
	s18 =	sshll.u32 s13, $0x6  }
0x9: {  	_ =	strace $0x8000004A;
	s7 =	ssub.s32 $0x2, s4;
	s14 =	smul.u32 $0x27100, s4  }
0xa: {  	s25 =	smul.u32 $0x28000, s4;
	p0 =	seq.s32 s4, $0x1;
	[smem:$0x7FC] =	sst s5  }
0xb: {  	s8 =	sshrl.u32 s7, $0x1;
	s12 =	sshrl.u32 s12, $0x2;
	s3 =	smov.u32 @p0 s0  }
0xc: {  	s7 =	ssub.s32 s7, s8;
	s8 =	smul.u32 $0x2800, s13;
	s10 =	sadd.s32 s9, s14  }
0xd: {  	s9 =	sshrl.u32 s9, $0x3;
	s12 =	sadd.s32 s12, s1;
	[dreg:$0x4] =	wrdreg s14  }
0xe: {  	s11 =	sshrl.u32 s10, $0x3;
	s9 =	sadd.s32 s5, s9;
	[dreg:$0xa] =	wrdreg s12  }
0xf: {  	s19 =	sadd.s32 $0x1400, s10;
	s21 =	sadd.s32 $0x1900, s10;
	s24 =	sadd.s32 $0x9C40, s9  }
0x10: {  	s23 =	sadd.s32 $0x1E00, s10;
	s16 =	sadd.s32 $0x9CE0, s9;
	[dreg:$0x6] =	wrdreg s24  }
0x11: {  	s4 =	sadd.s32 $0x2300, s10;
	s26 =	sadd.s32 $0x9D80, s9;
	[dreg:$0x7] =	wrdreg s16  }
0x12: {  	s15 =	sadd.s32 s5, s11;
	s17 =	sadd.s32 $0x9E20, s9;
	[dreg:$0x8] =	wrdreg s26  }
0x13: {  	s11 =	sadd.s32 s8, s25;
	s25 =	sadd.s32 $0x9F60, s9;
	[dreg:$0x9] =	wrdreg s17  }
0x14: {  	s10 =	smul.u32 $0xA, s13;
	s1 =	sadd.s32 $0xA000, s9;
	[dreg:$0x10] =	wrdreg s25  }
0x15: {  	s20 =	sshrl.u32 s19, $0x3;
	s3 =	sadd.s32 s3, s8;
	[dreg:$0x12] =	wrdreg s1  }
0x16: {  	s22 =	sshrl.u32 s21, $0x3;
	s12 =	sadd.s32 $0xE9C0, s9;
	[dreg:$0x13] =	wrdreg s3  }
0x17: {  	s0 =	sshrl.u32 s4, $0x3;
	s8 =	simm.s32 $0x800;
	[dreg:$0x16] =	wrdreg s12  }
0x18: {  	s4 =	simm.s32 $0x700;
	s11 =	sadd.s32 s6, s11;
	[dreg:$0x5] =	wrdreg s15  }
0x19: {  	s16 =	sor.u32 $0x1C11, s18;
	s17 =	sadd.s32 $0x9EC0, s9;
	[dreg:$0xb] =	wrdreg s11  }
0x1a: {  	s24 =	sshrl.u32 s23, $0x3;
	s0 =	sadd.s32 s5, s0;
	[dreg:$0xe] =	wrdreg s17  }
0x1b: {  	s18 =	sadd.s32 s10, s5;
	s19 =	sadd.s32 $0xA0, s15;
	[dreg:$0x14] =	wrdreg s0  }
0x1c: {  	s21 =	sadd.s32 $0x1E0, s15;
	s23 =	sadd.s32 $0x500, s14;
	[dreg:$0x18] =	wrdreg s18  }
0x1d: {  	s25 =	sadd.s32 $0xF00, s14;
	s10 =	simm.s32 $0x80;
	[dreg:$0x19] =	wrdreg s19  }
0x1e: {  	s12 =	simm.s32 $0x480;
	s11 =	sadd.s32 s5, s20;
	[dreg:$0x1b] =	wrdreg s21  }
0x1f: {  	s26 =	sadd.s32 s5, s24;
	s17 =	smax.u32 s7, $0x1;
	[dreg:$0x1d] =	wrdreg s23  }
0x20: {  	s20 =	sadd.s32 $0x140, s15;
	s24 =	sadd.s32 $0xA00, s14;
	[dreg:$0x1f] =	wrdreg s25  }
0x21: {  	s14 =	simm.s32 $0x600;
	s23 =	simm.s32 $0x680;
	[dreg:$0xc] =	wrdreg s16  }
0x22: {  	s25 =	simm.s32 $0x11;
	s19 =	simm.s32 $0x3;
	[dreg:$0xd] =	wrdreg s11  }
0x23: {  	s18 =	simm.s32 $0x5;
	s21 =	simm.s32 $0x8000;
	[dreg:$0x11] =	wrdreg s26  }
0x24: {  	s7 =	simm.s32 $0x780;
	s0 =	simm.s32 $0x0;
	[dreg:$0x17] =	wrdreg s17  }
0x25: {  	s11 =	sadd.s32 s5, s22;
	[dreg:$0x1a] =	wrdreg s20;
	s22 =	sor.u32 $0x80, s13  }
0x26: {  	[dreg:$0x1e] =	wrdreg s24;
	s26 =	sadd.s32 $0x4D80, s15;
	s20 =	simm.s32 $0x400  }
.Ltmp0:
0x27: {  	s24 =	simm.s32 $0x50;
	s17 =	simm.s32 $0x300;
	(pc) =	sbr.rel .LBB2_1-.Ltmp0, $4  }
0x28: {  	s13 =	simm.s32 $0x5800;
	s15 =	simm.s32 $0x500;
	[dreg:$0xf] =	wrdreg s11  }
0x29: {  	s5 =	simm.s32 $0xE;
	s11 =	sadd.s32 $0xA0A0, s9;
	[dreg:$0x1c] =	wrdreg s22  }
0x2a: {  	[smem:$0x7FD] =	sst s26;
	s22 =	simm.s32 $0x200;
	s9 =	simm.s32 $0x280  }
0x2b: {  	s26 =	simm.s32 $0x1;
	[dreg:$0x15] =	wrdreg s11;
	s11 =	simm.s32 $0x7  }
.LBB2_6:
0x2c: {  	s4 =	simm.s32 $0xD  }
0x2d: {  	_ =	swait.ge [sflag:s4], $0x2800  }
0x2e: {  	[sflag:s4] =	ssyncset.done $0x0  }
0x2f: {  	[sflag:s4] =	ssyncadd.s32 $0xFFFFD800  }
0x30: {  	_ =	swait.ge [sflag:s26], $0x50  }
0x31: {  	[sflag:s26] =	ssyncset.done $0x0  }
0x32: {  	[sflag:s26] =	ssyncadd.s32 $0xFFFFFFB0  }
0x33: {  	_ =	swait.ge [sflag:s26], $0x50  }
0x34: {  	[sflag:s26] =	ssyncset.done $0x0  }
0x35: {  	s2 =	simm.s32 $0x0;
	[sflag:s26] =	ssyncadd.s32 $0xFFFFFFB0  }
0x36: {  	[tilespmem:s25], [sflag:$0x9] =	stream.indirect.gather [hbm4b:s6+s24], $0x80, s2, s24, $0xb8;
	[tilespmem:$0x1E800] =	vst v63  }
0x37: {  	_ =	swait.ge [sflag:s5], $0x2800  }
0x38: {  	[sflag:s5] =	ssyncset.done $0x0  }
0x39: {  	s19 =	simm.s32 $0x3;
	[sflag:s5] =	ssyncadd.s32 $0xFFFFD800  }
0x3a: {  	_ =	swait.ge [sflag:s19], $0x50  }
0x3b: {  	[sflag:s19] =	ssyncset.done $0x0  }
0x3c: {  	[sflag:s19] =	ssyncadd.s32 $0xFFFFFFB0  }
0x3d: {  	_ =	swait.ge [sflag:s19], $0x50  }
0x3e: {  	s28 =	simm.s32 $0x3000;
	[sflag:s19] =	ssyncset.done $0x0  }
0x3f: {  	s22 =	simm.s32 $0x200;
	s8 =	simm.s32 $0xF;
	[sflag:s19] =	ssyncadd.s32 $0xFFFFFFB0  }
0x40: {  	[tilespmem:s28], [sflag:$0xA] =	stream.indirect.gather [hbm4b:s6+s24], $0x80, s22, s24, $0xb8;
	[tilespmem:$0x1E800] =	vst v63  }
0x41: {  	_ =	swait.ge [sflag:s8], $0x2800  }
0x42: {  	[sflag:s8] =	ssyncset.done $0x0  }
0x43: {  	s18 =	simm.s32 $0x5;
	[sflag:s8] =	ssyncadd.s32 $0xFFFFD800  }
0x44: {  	_ =	swait.ge [sflag:s18], $0x50  }
0x45: {  	[sflag:s18] =	ssyncset.done $0x0  }
0x46: {  	[sflag:s18] =	ssyncadd.s32 $0xFFFFFFB0  }
0x47: {  	_ =	swait.ge [sflag:s18], $0x50  }
0x48: {  	[sflag:s18] =	ssyncset.done $0x0  }
0x49: {  	s15 =	simm.s32 $0x10;
	[sflag:s18] =	ssyncadd.s32 $0xFFFFFFB0  }
0x4a: {  	[tilespmem:s13], [sflag:$0xB] =	stream.indirect.gather [hbm4b:s6+s24], $0x80, s20, s24, $0xb8;
	[tilespmem:$0x1E800] =	vst v63  }
0x4b: {  	_ =	swait.ge [sflag:s15], $0x2800  }
0x4c: {  	[sflag:s15] =	ssyncset.done $0x0  }
0x4d: {  	[sflag:s15] =	ssyncadd.s32 $0xFFFFD800  }
0x4e: {  	_ =	swait.ge [sflag:s11], $0x50  }
0x4f: {  	[sflag:s11] =	ssyncset.done $0x0  }
0x50: {  	[sflag:s11] =	ssyncadd.s32 $0xFFFFFFB0  }
0x51: {  	_ =	swait.ge [sflag:s11], $0x50  }
0x52: {  	[sflag:s11] =	ssyncset.done $0x0  }
0x53: {  	s21 =	simm.s32 $0x8000;
	s3 =	simm.s32 $0x9;
	[sflag:s11] =	ssyncadd.s32 $0xFFFFFFB0  }
0x54: {  	[tilespmem:s21], [sflag:$0xC] =	stream.indirect.gather [hbm4b:s6+s24], $0x80, s14, s24, $0xb8;
	[tilespmem:$0x1E800] =	vst v63  }
0x55: {  	_ =	swait.ge [sflag:s3], $0x2800  }
0x56: {  	[sflag:s3] =	ssyncset.done $0x0  }
0x57: {  	[sflag:s3] =	ssyncadd.s32 $0xFFFFD800  }
0x58: {  	s10 =	simm.s32 $0x80;
	s16 =	simm.s32 $0xA;
	s1 =	rddreg [dreg:$0x2]  }
0x59: {  	[spmem:s1] =	stream.indirect.scatter.add.f32 [tilespmem:s25], [sflag:$0xD], $0x80, s10, s24, $0xb8;
	[tilespmem:$0x1E800] =	vst v63  }
0x5a: {  	_ =	swait.ge [sflag:s16], $0x2800  }
0x5b: {  	[sflag:s16] =	ssyncset.done $0x0  }
0x5c: {  	s9 =	simm.s32 $0x280;
	s0 =	simm.s32 $0xB;
	[sflag:s16] =	ssyncadd.s32 $0xFFFFD800  }
0x5d: {  	[spmem:s1] =	stream.indirect.scatter.add.f32 [tilespmem:s28], [sflag:$0xE], $0x80, s9, s24, $0xb8;
	[tilespmem:$0x1E800] =	vst v63  }
0x5e: {  	_ =	swait.ge [sflag:s0], $0x2800  }
0x5f: {  	[sflag:s0] =	ssyncset.done $0x0  }
0x60: {  	s12 =	simm.s32 $0x480;
	s17 =	simm.s32 $0xC;
	[sflag:s0] =	ssyncadd.s32 $0xFFFFD800  }
0x61: {  	[spmem:s1] =	stream.indirect.scatter.add.f32 [tilespmem:s13], [sflag:$0xF], $0x80, s12, s24, $0xb8;
	[tilespmem:$0x1E800] =	vst v63  }
0x62: {  	_ =	swait.ge [sflag:s17], $0x2800  }
0x63: {  	[sflag:s17] =	ssyncset.done $0x0  }
0x64: {  	[sflag:s17] =	ssyncadd.s32 $0xFFFFD800  }
0x65: {  	[spmem:s1] =	stream.indirect.scatter.add.f32 [tilespmem:s21], [sflag:$0x10], $0x80, s23, s24, $0xb8;
	[tilespmem:$0x1E800] =	vst v63  }
0x66: {  	_ =	swait.ge [sflag:s4], $0x2800  }
0x67: {  	[sflag:s4] =	ssyncset.done $0x0  }
0x68: {  	[sflag:s4] =	ssyncadd.s32 $0xFFFFD800  }
0x69: {  	_ =	swait.ge [sflag:s5], $0x2800  }
0x6a: {  	[sflag:s5] =	ssyncset.done $0x0  }
0x6b: {  	[sflag:s5] =	ssyncadd.s32 $0xFFFFD800  }
0x6c: {  	_ =	swait.ge [sflag:s8], $0x2800  }
0x6d: {  	[sflag:s8] =	ssyncset.done $0x0  }
0x6e: {  	[sflag:s8] =	ssyncadd.s32 $0xFFFFD800  }
0x6f: {  	_ =	swait.ge [sflag:s15], $0x2800  }
0x70: {  	s25 =	sld [smem:$0x7FD]  }
0x71: {  	[sflag:s15] =	ssyncset.done $0x0  }
0x72: {  	[sflag:s15] =	ssyncadd.s32 $0xFFFFD800  }
0x73: {  	[tilespmem:s2], [sflag:$0x11] =	stream.linear.gather [hbm4b:s25+s2], $0x50, $0x38;
	[tilespmem:$0x1E800] =	vst v63  }
0x74: {  	s25 =	simm.s32 $0x11  }
0x75: {  	_ =	swait.ge [sflag:s25], $0x50  }
0x76: {  	[sflag:s25] =	ssyncset.done $0x0  }
0x77: {  	s0 =	rddreg [dreg:$0x16];
	[sflag:s25] =	ssyncadd.s32 $0xFFFFFFB0  }
0x78: {  	[tilespmem:s10], [sflag:$0x11] =	stream.linear.gather [hbm4b:s0+s2], $0x50, $0x38;
	[tilespmem:$0x1E800] =	vst v63  }
0x79: {  	_ =	swait.ge [sflag:s25], $0x50  }
0x7a: {  	[sflag:s25] =	ssyncset.done $0x0  }
0x7b: {  	s8 =	simm.s32 $0x800;
	[sflag:s25] =	ssyncadd.s32 $0xFFFFFFB0  }
0x7c: {  	[tilespmem:s8], [sflag:$0x11] =	stream.indirect.gather [hbm4b:s6+s24], $0x80, s2, s24, $0xb8;
	[tilespmem:$0x1E800] =	vst v63  }
0x7d: {  	_ =	swait.ge [sflag:s25], $0x2800  }
0x7e: {  	[sflag:s25] =	ssyncset.done $0x0  }
0x7f: {  	[sflag:s25] =	ssyncadd.s32 $0xFFFFD800  }
0x80: {  	[spmem:s1] =	stream.indirect.scatter.add.f32 [tilespmem:s8], [sflag:$0x11], $0x80, s10, s24, $0xb8;
	[tilespmem:$0x1E800] =	vst v63  }
0x81: {  	_ =	swait.ge [sflag:s25], $0x2800  }
0x82: {  	[sflag:s25] =	ssyncset.done $0x0  }
0x83: {  	[sflag:s25] =	ssyncadd.s32 $0xFFFFD800  }
0x84: {  	[bflag:$0x0] =	sbarrier.arrive $0xFFFF  }
0x85: {  	s4 =	sld [smem:$0x7FB]  }
0x86: {  	s16 =	rddreg [dreg:$0xc]  }
0x87: {  	s1 =	rddreg [dreg:$0x13]  }
0x88: {  	[hbm:s1], [sflag:s16] =	dma.local [spmem:s4], $0x2800  }
0x89: {  	_ =	swait.ge [sflag:s25], $0x2800  }
0x8a: {  	s15 =	sld [smem:$0x7FA];
	_ =	sdelay $0x2  }
0x8b: {  	s17 =	rddreg [dreg:$0x17];
	s0 =	sadd.s32 $0x1, s15  }
0x8c: {  	p0 =	sne.s32 s0, s17  }
.Ltmp1:
0x8d: {  	_ = 	snop;
	(pc) =	sbr.rel @!p0 .LBB2_7-.Ltmp1, $3  }
0x8e: {  	_ =	sdelay $0x1  }
0x8f: {  	s4 =	simm.s32 $0x700;
	[sflag:s25] =	ssyncset.done $0x0  }
0x90: {  	[sflag:s25] =	ssyncadd.s32 $0xFFFFD800;
	s15 =	simm.s32 $0x500;
	s17 =	simm.s32 $0x300  }
.LBB2_1:
0x91: {  	[smem:$0x7FA] =	sst s0  }
0x92: {  	s3 =	rddreg [dreg:$0x5]  }
0x93: {  	s1 =	rddreg [dreg:$0x6]  }
0x94: {  	[tilespmem:s2], [sflag:$0x1] =	stream.linear.gather [hbm4b:s3+s2], $0x50, $0x38;
	[tilespmem:$0x1E800] =	vst v63  }
0x95: {  	s0 =	rddreg [dreg:$0x19]  }
0x96: {  	[tilespmem:s10], [sflag:$0x1] =	stream.linear.gather [hbm4b:s1+s2], $0x50, $0x38;
	[tilespmem:$0x1E800] =	vst v63  }
0x97: {  	s1 =	rddreg [dreg:$0x7]  }
0x98: {  	[tilespmem:s22], [sflag:$0x3] =	stream.linear.gather [hbm4b:s0+s2], $0x50, $0x38;
	[tilespmem:$0x1E800] =	vst v63  }
0x99: {  	s10 =	rddreg [dreg:$0x8]  }
0x9a: {  	[tilespmem:s9], [sflag:$0x3] =	stream.linear.gather [hbm4b:s1+s2], $0x50, $0x38;
	[tilespmem:$0x1E800] =	vst v63  }
0x9b: {  	s9 =	rddreg [dreg:$0x1a]  }
0x9c: {  	s1 =	rddreg [dreg:$0xa]  }
0x9d: {  	[tilespmem:s20], [sflag:$0x5] =	stream.linear.gather [hbm4b:s9+s2], $0x50, $0x38;
	[tilespmem:$0x1E800] =	vst v63  }
0x9e: {  	s0 =	rddreg [dreg:$0x9];
	s9 =	sshrl.u32 s1, $0x3  }
0x9f: {  	[smem:$0x7FB] =	sst s9  }
0xa0: {  	[tilespmem:s12], [sflag:$0x5] =	stream.linear.gather [hbm4b:s10+s2], $0x50, $0x38;
	[tilespmem:$0x1E800] =	vst v63  }
0xa1: {  	s12 =	rddreg [dreg:$0x1b]  }
0xa2: {  	[tilespmem:s14], [sflag:$0x7] =	stream.linear.gather [hbm4b:s12+s2], $0x50, $0x38;
	[tilespmem:$0x1E800] =	vst v63  }
0xa3: {  	s10 =	rddreg [dreg:$0xb]  }
0xa4: {  	[tilespmem:s23], [sflag:$0x7] =	stream.linear.gather [hbm4b:s0+s2], $0x50, $0x38;
	[tilespmem:$0x1E800] =	vst v63  }
0xa5: {  	[spmem:s9], [sflag:s16] =	dma.local [hbm:s10], $0x2800  }
0xa6: {  	_ =	swait.ge [sflag:s25], $0x2800  }
0xa7: {  	[sflag:s25] =	ssyncset.done $0x0  }
0xa8: {  	[sflag:s25] =	ssyncadd.s32 $0xFFFFD800  }
0xa9: {  	_ =	swait.ge [sflag:s26], $0x50  }
0xaa: {  	[sflag:s26] =	ssyncset.done $0x0  }
0xab: {  	[sflag:s26] =	ssyncadd.s32 $0xFFFFFFB0  }
0xac: {  	_ =	swait.ge [sflag:s26], $0x50  }
0xad: {  	[sflag:s26] =	ssyncset.done $0x0  }
0xae: {  	[sflag:s26] =	ssyncadd.s32 $0xFFFFFFB0  }
0xaf: {  	[tilespmem:s8], [sflag:$0x9] =	stream.indirect.gather [hbm4b:s6+s24], $0x80, s2, s24, $0xb8;
	[tilespmem:$0x1E800] =	vst v63  }
0xb0: {  	s12 =	rddreg [dreg:$0xd]  }
0xb1: {  	[tilespmem:s30], [sflag:$0x2] =	stream.linear.gather [hbm4b:s12+s2], $0x50, $0x38;
	[tilespmem:$0x1E800] =	vst v63  }
0xb2: {  	s9 =	simm.s32 $0x180;
	s16 =	rddreg [dreg:$0xe]  }
0xb3: {  	[tilespmem:s9], [sflag:$0x2] =	stream.linear.gather [hbm4b:s16+s2], $0x50, $0x38;
	[tilespmem:$0x1E800] =	vst v63  }
0xb4: {  	_ =	swait.ge [sflag:s19], $0x50  }
0xb5: {  	[sflag:s19] =	ssyncset.done $0x0  }
0xb6: {  	[sflag:s19] =	ssyncadd.s32 $0xFFFFFFB0  }
0xb7: {  	_ =	swait.ge [sflag:s19], $0x50  }
0xb8: {  	[sflag:s19] =	ssyncset.done $0x0  }
0xb9: {  	[sflag:s19] =	ssyncadd.s32 $0xFFFFFFB0  }
0xba: {  	[tilespmem:s28], [sflag:$0xA] =	stream.indirect.gather [hbm4b:s6+s24], $0x80, s22, s24, $0xb8;
	[tilespmem:$0x1E800] =	vst v63  }
0xbb: {  	s19 =	rddreg [dreg:$0xf]  }
0xbc: {  	[tilespmem:s17], [sflag:$0x4] =	stream.linear.gather [hbm4b:s19+s2], $0x50, $0x38;
	[tilespmem:$0x1E800] =	vst v63  }
0xbd: {  	s22 =	rddreg [dreg:$0x10];
	s19 =	simm.s32 $0x380  }
0xbe: {  	[tilespmem:s19], [sflag:$0x4] =	stream.linear.gather [hbm4b:s22+s2], $0x50, $0x38;
	[tilespmem:$0x1E800] =	vst v63  }
0xbf: {  	_ =	swait.ge [sflag:s18], $0x50  }
0xc0: {  	[sflag:s18] =	ssyncset.done $0x0  }
0xc1: {  	[sflag:s18] =	ssyncadd.s32 $0xFFFFFFB0  }
0xc2: {  	_ =	swait.ge [sflag:s18], $0x50  }
0xc3: {  	[sflag:s18] =	ssyncset.done $0x0  }
0xc4: {  	[sflag:s18] =	ssyncadd.s32 $0xFFFFFFB0  }
0xc5: {  	[tilespmem:s13], [sflag:$0xB] =	stream.indirect.gather [hbm4b:s6+s24], $0x80, s20, s24, $0xb8;
	[tilespmem:$0x1E800] =	vst v63  }
0xc6: {  	s23 =	rddreg [dreg:$0x11]  }
0xc7: {  	[tilespmem:s15], [sflag:$0x6] =	stream.linear.gather [hbm4b:s23+s2], $0x50, $0x38;
	[tilespmem:$0x1E800] =	vst v63  }
0xc8: {  	s25 =	rddreg [dreg:$0x12]  }
0xc9: {  	[tilespmem:s31], [sflag:$0x6] =	stream.linear.gather [hbm4b:s25+s2], $0x50, $0x38;
	[tilespmem:$0x1E800] =	vst v63  }
0xca: {  	_ =	swait.ge [sflag:s11], $0x50  }
0xcb: {  	[sflag:s11] =	ssyncset.done $0x0  }
0xcc: {  	[sflag:s11] =	ssyncadd.s32 $0xFFFFFFB0  }
0xcd: {  	_ =	swait.ge [sflag:s11], $0x50  }
0xce: {  	[sflag:s11] =	ssyncset.done $0x0  }
0xcf: {  	[sflag:s11] =	ssyncadd.s32 $0xFFFFFFB0  }
0xd0: {  	[tilespmem:s21], [sflag:$0xC] =	stream.indirect.gather [hbm4b:s6+s24], $0x80, s14, s24, $0xb8;
	[tilespmem:$0x1E800] =	vst v63  }
0xd1: {  	s28 =	rddreg [dreg:$0x14]  }
0xd2: {  	[tilespmem:s4], [sflag:$0x8] =	stream.linear.gather [hbm4b:s28+s2], $0x50, $0x38;
	[tilespmem:$0x1E800] =	vst v63  }
.Ltmp2:
0xd3: {  	_ = 	snop;
	(pc) =	sbr.rel .LBB2_2-.Ltmp2, $4  }
0xd4: {  	s30 =	rddreg [dreg:$0x15]  }
0xd5: {  	[tilespmem:s7], [sflag:$0x8] =	stream.linear.gather [hbm4b:s30+s2], $0x50, $0x38;
	[tilespmem:$0x1E800] =	vst v63  }
0xd6: {  	s3 =	simm.s32 $0x0;
	[bflag:$0x0] =	sbarrier.arrive $0xFFFF  }
0xd7: {  	s12 =	simm.s32 $0x0;
	s18 =	simm.s32 $0x3000;
	s25 =	simm.s32 $0x800  }
.LBB2_4:
0xd8: {  	s30 =	simm.s32 $0xD  }
0xd9: {  	_ =	swait.ge [sflag:s30], $0x2800  }
0xda: {  	[sflag:s30] =	ssyncset.done $0x0  }
0xdb: {  	[sflag:s30] =	ssyncadd.s32 $0xFFFFD800  }
0xdc: {  	_ =	swait.ge [sflag:s26], $0x50  }
0xdd: {  	[sflag:s26] =	ssyncset.done $0x0  }
0xde: {  	[sflag:s26] =	ssyncadd.s32 $0xFFFFFFB0  }
0xdf: {  	_ =	swait.ge [sflag:s26], $0x50  }
0xe0: {  	[sflag:s26] =	ssyncset.done $0x0  }
0xe1: {  	s28 =	simm.s32 $0x0;
	s8 =	rddreg [dreg:$0xd];
	[sflag:s26] =	ssyncadd.s32 $0xFFFFFFB0  }
0xe2: {  	[tilespmem:s25], [sflag:$0x9] =	stream.indirect.gather [hbm4b:s6+s24], $0x80, s28, s24, $0xb8;
	[tilespmem:$0x1E800] =	vst v63  }
0xe3: {  	s21 =	simm.s32 $0x100;
	s4 =	rddreg [dreg:$0x18];
	s8 =	sadd.s32 s3, s8  }
0xe4: {  	[tilespmem:s21], [sflag:$0x2] =	stream.linear.gather [hbm4b:s8+s28], $0x50, $0x38;
	[tilespmem:$0x1E800] =	vst v63  }
0xe5: {  	s8 =	sadd.s32 s3, s4  }
0xe6: {  	s16 =	sadd.s32 $0x9EC0, s8  }
0xe7: {  	[tilespmem:s9], [sflag:$0x2] =	stream.linear.gather [hbm4b:s16+s28], $0x50, $0x38;
	[tilespmem:$0x1E800] =	vst v63  }
0xe8: {  	_ =	swait.ge [sflag:s5], $0x2800  }
0xe9: {  	[sflag:s5] =	ssyncset.done $0x0  }
0xea: {  	s7 =	simm.s32 $0x3;
	[sflag:s5] =	ssyncadd.s32 $0xFFFFD800  }
0xeb: {  	_ =	swait.ge [sflag:s7], $0x50  }
0xec: {  	[sflag:s7] =	ssyncset.done $0x0  }
0xed: {  	[sflag:s7] =	ssyncadd.s32 $0xFFFFFFB0  }
0xee: {  	_ =	swait.ge [sflag:s7], $0x50  }
0xef: {  	[sflag:s7] =	ssyncset.done $0x0  }
0xf0: {  	s10 =	simm.s32 $0x200;
	s9 =	rddreg [dreg:$0xf];
	[sflag:s7] =	ssyncadd.s32 $0xFFFFFFB0  }
0xf1: {  	[tilespmem:s18], [sflag:$0xA] =	stream.indirect.gather [hbm4b:s6+s24], $0x80, s10, s24, $0xb8;
	[tilespmem:$0x1E800] =	vst v63  }
0xf2: {  	s17 =	simm.s32 $0x300;
	s16 =	sadd.s32 s3, s9  }
0xf3: {  	[tilespmem:s17], [sflag:$0x4] =	stream.linear.gather [hbm4b:s16+s28], $0x50, $0x38;
	[tilespmem:$0x1E800] =	vst v63  }
0xf4: {  	s15 =	sadd.s32 $0x9F60, s8  }
0xf5: {  	[tilespmem:s19], [sflag:$0x4] =	stream.linear.gather [hbm4b:s15+s28], $0x50, $0x38;
	[tilespmem:$0x1E800] =	vst v63  }
0xf6: {  	s19 =	simm.s32 $0xF  }
0xf7: {  	_ =	swait.ge [sflag:s19], $0x2800  }
0xf8: {  	[sflag:s19] =	ssyncset.done $0x0  }
0xf9: {  	s18 =	simm.s32 $0x5;
	[sflag:s19] =	ssyncadd.s32 $0xFFFFD800  }
0xfa: {  	_ =	swait.ge [sflag:s18], $0x50  }
0xfb: {  	[sflag:s18] =	ssyncset.done $0x0  }
0xfc: {  	[sflag:s18] =	ssyncadd.s32 $0xFFFFFFB0  }
0xfd: {  	_ =	swait.ge [sflag:s18], $0x50  }
0xfe: {  	[sflag:s18] =	ssyncset.done $0x0  }
0xff: {  	s22 =	rddreg [dreg:$0x11];
	[sflag:s18] =	ssyncadd.s32 $0xFFFFFFB0  }
0x100: {  	[tilespmem:s13], [sflag:$0xB] =	stream.indirect.gather [hbm4b:s6+s24], $0x80, s20, s24, $0xb8;
	[tilespmem:$0x1E800] =	vst v63  }
0x101: {  	s15 =	simm.s32 $0x500;
	s16 =	sadd.s32 s3, s22  }
0x102: {  	[tilespmem:s15], [sflag:$0x6] =	stream.linear.gather [hbm4b:s16+s28], $0x50, $0x38;
	[tilespmem:$0x1E800] =	vst v63  }
0x103: {  	s23 =	sadd.s32 $0xA000, s8;
	s22 =	simm.s32 $0x10  }
0x104: {  	[tilespmem:s31], [sflag:$0x6] =	stream.linear.gather [hbm4b:s23+s28], $0x50, $0x38;
	[tilespmem:$0x1E800] =	vst v63  }
0x105: {  	_ =	swait.ge [sflag:s22], $0x2800  }
0x106: {  	[sflag:s22] =	ssyncset.done $0x0  }
0x107: {  	[sflag:s22] =	ssyncadd.s32 $0xFFFFD800  }
0x108: {  	_ =	swait.ge [sflag:s11], $0x50  }
0x109: {  	[sflag:s11] =	ssyncset.done $0x0  }
0x10a: {  	[sflag:s11] =	ssyncadd.s32 $0xFFFFFFB0  }
0x10b: {  	_ =	swait.ge [sflag:s11], $0x50  }
0x10c: {  	s2 =	smov.u32 s6;
	s4 =	simm.s32 $0x700;
	[sflag:s11] =	ssyncset.done $0x0  }
0x10d: {  	s7 =	simm.s32 $0x8000;
	s26 =	rddreg [dreg:$0x14];
	[sflag:s11] =	ssyncadd.s32 $0xFFFFFFB0  }
0x10e: {  	[tilespmem:s7], [sflag:$0xC] =	stream.indirect.gather [hbm4b:s6+s24], $0x80, s14, s24, $0xb8;
	[tilespmem:$0x1E800] =	vst v63  }
0x10f: {  	s8 =	sadd.s32 $0xA0A0, s8;
	s18 =	simm.s32 $0x3000;
	s16 =	sadd.s32 s3, s26  }
0x110: {  	[tilespmem:s4], [sflag:$0x8] =	stream.linear.gather [hbm4b:s16+s28], $0x50, $0x38;
	[tilespmem:$0x1E800] =	vst v63  }
0x111: {  	s23 =	simm.s32 $0x600;
	s31 =	simm.s32 $0x5800;
	s14 =	simm.s32 $0x780  }
0x112: {  	[tilespmem:s14], [sflag:$0x8] =	stream.linear.gather [hbm4b:s8+s28], $0x50, $0x38;
	[tilespmem:$0x1E800] =	vst v63  }
0x113: {  	s26 =	simm.s32 $0x400;
	s6 =	simm.s32 $0xE;
	s8 =	smov.u32 s12  }
.LBB2_5:
0x114: {  	s13 =	simm.s32 $0x9  }
0x115: {  	_ =	swait.ge [sflag:s13], $0x2800  }
0x116: {  	[sflag:s13] =	ssyncset.done $0x0  }
0x117: {  	[sflag:s13] =	ssyncadd.s32 $0xFFFFD800  }
0x118: {  	s9 =	simm.s32 $0x80;
	s5 =	rddreg [dreg:$0x2]  }
0x119: {  	[spmem:s5] =	stream.indirect.scatter.add.f32 [tilespmem:s25], [sflag:$0xD], $0x80, s9, s24, $0xb8;
	[tilespmem:$0x1E800] =	vst v63  }
0x11a: {  	_ =	swait.ge [sflag:s29], $0x2800  }
0x11b: {  	[sflag:s29] =	ssyncset.done $0x0  }
0x11c: {  	s0 =	simm.s32 $0xB;
	s25 =	simm.s32 $0x280;
	[sflag:s29] =	ssyncadd.s32 $0xFFFFD800  }
0x11d: {  	[spmem:s5] =	stream.indirect.scatter.add.f32 [tilespmem:s18], [sflag:$0xE], $0x80, s25, s24, $0xb8;
	[tilespmem:$0x1E800] =	vst v63  }
0x11e: {  	_ =	swait.ge [sflag:s0], $0x2800  }
0x11f: {  	[sflag:s0] =	ssyncset.done $0x0  }
0x120: {  	s11 =	simm.s32 $0x480;
	s1 =	simm.s32 $0xC;
	[sflag:s0] =	ssyncadd.s32 $0xFFFFD800  }
0x121: {  	[spmem:s5] =	stream.indirect.scatter.add.f32 [tilespmem:s31], [sflag:$0xF], $0x80, s11, s24, $0xb8;
	[tilespmem:$0x1E800] =	vst v63  }
0x122: {  	_ =	swait.ge [sflag:s1], $0x2800  }
0x123: {  	[sflag:s1] =	ssyncset.done $0x0  }
0x124: {  	s16 =	simm.s32 $0x680;
	[sflag:s1] =	ssyncadd.s32 $0xFFFFD800  }
0x125: {  	[spmem:s5] =	stream.indirect.scatter.add.f32 [tilespmem:s7], [sflag:$0x10], $0x80, s16, s24, $0xb8;
	[tilespmem:$0x1E800] =	vst v63  }
0x126: {  	_ =	swait.ge [sflag:s30], $0x2800  }
0x127: {  	[sflag:s30] =	ssyncset.done $0x0  }
0x128: {  	s7 =	simm.s32 $0x2;
	[sflag:s30] =	ssyncadd.s32 $0xFFFFD800  }
0x129: {  	_ =	swait.ge [sflag:s7], $0x50  }
0x12a: {  	[sflag:s7] =	ssyncset.done $0x0  }
0x12b: {  	[sflag:s7] =	ssyncadd.s32 $0xFFFFFFB0  }
0x12c: {  	_ =	swait.ge [sflag:s7], $0x50  }
0x12d: {  	s16 =	rddreg [dreg:$0x1c]  }
0x12e: {  	[sflag:s7] =	ssyncset.done $0x0;
	s8 =	sadd.s32 s16, s8  }
0x12f: {  	s20 =	simm.s32 $0x800;
	[sflag:s7] =	ssyncadd.s32 $0xFFFFFFB0;
	s8 =	smul.u32 $0x50, s8  }
0x130: {  	[tilespmem:s20], [sflag:$0x9] =	stream.indirect.gather [hbm4b:s2+s24], $0x80, s21, s24, $0xb8;
	[tilespmem:$0x1E800] =	vst v63  }
0x131: {  	s21 =	rddreg [dreg:$0x4]  }
0x132: {  	s16 =	sadd.s32 s21, s8;
	s21 =	sld [smem:$0x7FC];
	_ =	sdelay $0x1  }
0x133: {  	s16 =	sshrl.u32 s16, $0x3  }
0x134: {  	s20 =	sshrl.u32 s8, $0x3;
	s16 =	sadd.s32 s21, s16  }
0x135: {  	[tilespmem:s28], [sflag:$0x1] =	stream.linear.gather [hbm4b:s16+s28], $0x50, $0x38;
	[tilespmem:$0x1E800] =	vst v63  }
0x136: {  	s16 =	sadd.s32 s21, s20  }
0x137: {  	s20 =	sadd.s32 $0x9C40, s16  }
0x138: {  	[tilespmem:s9], [sflag:$0x1] =	stream.linear.gather [hbm4b:s20+s28], $0x50, $0x38;
	[tilespmem:$0x1E800] =	vst v63  }
0x139: {  	_ =	swait.ge [sflag:s6], $0x2800  }
0x13a: {  	[sflag:s6] =	ssyncset.done $0x0  }
0x13b: {  	s9 =	simm.s32 $0x4;
	[sflag:s6] =	ssyncadd.s32 $0xFFFFD800  }
0x13c: {  	_ =	swait.ge [sflag:s9], $0x50  }
0x13d: {  	[sflag:s9] =	ssyncset.done $0x0  }
0x13e: {  	[sflag:s9] =	ssyncadd.s32 $0xFFFFFFB0  }
0x13f: {  	_ =	swait.ge [sflag:s9], $0x50  }
0x140: {  	[sflag:s9] =	ssyncset.done $0x0  }
0x141: {  	[sflag:s9] =	ssyncadd.s32 $0xFFFFFFB0  }
0x142: {  	[tilespmem:s18], [sflag:$0xA] =	stream.indirect.gather [hbm4b:s2+s24], $0x80, s17, s24, $0xb8;
	[tilespmem:$0x1E800] =	vst v63  }
0x143: {  	s17 =	rddreg [dreg:$0x1d]  }
0x144: {  	s20 =	sadd.s32 s8, s17  }
0x145: {  	s20 =	sshrl.u32 s20, $0x3  }
0x146: {  	s20 =	sadd.s32 s21, s20  }
0x147: {  	[tilespmem:s10], [sflag:$0x3] =	stream.linear.gather [hbm4b:s20+s28], $0x50, $0x38;
	[tilespmem:$0x1E800] =	vst v63  }
0x148: {  	s6 =	sadd.s32 $0x9CE0, s16  }
0x149: {  	[tilespmem:s25], [sflag:$0x3] =	stream.linear.gather [hbm4b:s6+s28], $0x50, $0x38;
	[tilespmem:$0x1E800] =	vst v63  }
0x14a: {  	_ =	swait.ge [sflag:s19], $0x2800  }
0x14b: {  	[sflag:s19] =	ssyncset.done $0x0  }
0x14c: {  	s9 =	simm.s32 $0x6;
	[sflag:s19] =	ssyncadd.s32 $0xFFFFD800  }
0x14d: {  	_ =	swait.ge [sflag:s9], $0x50  }
0x14e: {  	[sflag:s9] =	ssyncset.done $0x0  }
0x14f: {  	[sflag:s9] =	ssyncadd.s32 $0xFFFFFFB0  }
0x150: {  	_ =	swait.ge [sflag:s9], $0x50  }
0x151: {  	[sflag:s9] =	ssyncset.done $0x0;
	s10 =	rddreg [dreg:$0x1e]  }
0x152: {  	[sflag:s9] =	ssyncadd.s32 $0xFFFFFFB0;
	s20 =	sadd.s32 s8, s10  }
0x153: {  	[tilespmem:s31], [sflag:$0xB] =	stream.indirect.gather [hbm4b:s2+s24], $0x80, s15, s24, $0xb8;
	[tilespmem:$0x1E800] =	vst v63  }
0x154: {  	s20 =	sshrl.u32 s20, $0x3  }
0x155: {  	s20 =	sadd.s32 s21, s20  }
0x156: {  	[tilespmem:s26], [sflag:$0x5] =	stream.linear.gather [hbm4b:s20+s28], $0x50, $0x38;
	[tilespmem:$0x1E800] =	vst v63  }
0x157: {  	s15 =	sadd.s32 $0x9D80, s16  }
0x158: {  	[tilespmem:s11], [sflag:$0x5] =	stream.linear.gather [hbm4b:s15+s28], $0x50, $0x38;
	[tilespmem:$0x1E800] =	vst v63  }
0x159: {  	_ =	swait.ge [sflag:s22], $0x2800  }
0x15a: {  	[sflag:s22] =	ssyncset.done $0x0  }
0x15b: {  	s17 =	simm.s32 $0x8;
	[sflag:s22] =	ssyncadd.s32 $0xFFFFD800  }
0x15c: {  	_ =	swait.ge [sflag:s17], $0x50  }
0x15d: {  	[sflag:s17] =	ssyncset.done $0x0  }
0x15e: {  	[sflag:s17] =	ssyncadd.s32 $0xFFFFFFB0  }
0x15f: {  	_ =	swait.ge [sflag:s17], $0x50  }
0x160: {  	[sflag:s17] =	ssyncset.done $0x0;
	s19 =	rddreg [dreg:$0x1f]  }
0x161: {  	s7 =	simm.s32 $0x8000;
	[sflag:s17] =	ssyncadd.s32 $0xFFFFFFB0;
	s8 =	sadd.s32 s8, s19  }
0x162: {  	[tilespmem:s7], [sflag:$0xC] =	stream.indirect.gather [hbm4b:s2+s24], $0x80, s4, s24, $0xb8;
	[tilespmem:$0x1E800] =	vst v63  }
0x163: {  	s8 =	sshrl.u32 s8, $0x3  }
0x164: {  	s8 =	sadd.s32 s21, s8  }
0x165: {  	[tilespmem:s23], [sflag:$0x7] =	stream.linear.gather [hbm4b:s8+s28], $0x50, $0x38;
	[tilespmem:$0x1E800] =	vst v63  }
0x166: {  	s21 =	sadd.s32 $0x9E20, s16;
	s23 =	simm.s32 $0x680  }
0x167: {  	[tilespmem:s23], [sflag:$0x7] =	stream.linear.gather [hbm4b:s21+s28], $0x50, $0x38;
	[tilespmem:$0x1E800] =	vst v63  }
0x168: {  	_ =	swait.ge [sflag:s13], $0x2800  }
0x169: {  	[sflag:s13] =	ssyncset.done $0x0  }
0x16a: {  	s25 =	simm.s32 $0x800;
	s22 =	simm.s32 $0x180;
	[sflag:s13] =	ssyncadd.s32 $0xFFFFD800  }
0x16b: {  	[spmem:s5] =	stream.indirect.scatter.add.f32 [tilespmem:s25], [sflag:$0xD], $0x80, s22, s24, $0xb8;
	[tilespmem:$0x1E800] =	vst v63  }
0x16c: {  	_ =	swait.ge [sflag:s29], $0x2800  }
0x16d: {  	s3 =	sadd.s32 $0x500, s3;
	s12 =	sadd.s32 $0x80, s12;
	[sflag:s29] =	ssyncset.done $0x0  }
0x16e: {  	p0 =	sne.s32 s3, $0x4B00;
	s26 =	simm.s32 $0x380;
	[sflag:s29] =	ssyncadd.s32 $0xFFFFD800  }
0x16f: {  	[spmem:s5] =	stream.indirect.scatter.add.f32 [tilespmem:s18], [sflag:$0xE], $0x80, s26, s24, $0xb8;
	[tilespmem:$0x1E800] =	vst v63  }
0x170: {  	s30 =	simm.s32 $0x100;
	s6 =	smov.u32 s2;
	_ =	swait.ge [sflag:s0], $0x2800  }
0x171: {  	s9 =	simm.s32 $0x180;
	s20 =	simm.s32 $0x400;
	[sflag:s0] =	ssyncset.done $0x0  }
0x172: {  	s11 =	simm.s32 $0x7;
	s28 =	simm.s32 $0x580;
	[sflag:s0] =	ssyncadd.s32 $0xFFFFD800  }
0x173: {  	[spmem:s5] =	stream.indirect.scatter.add.f32 [tilespmem:s31], [sflag:$0xF], $0x80, s28, s24, $0xb8;
	[tilespmem:$0x1E800] =	vst v63  }
.Ltmp3:
0x174: {  	s19 =	simm.s32 $0x380;
	_ =	swait.ge [sflag:s1], $0x2800;
	(pc) =	sbr.rel @!p0 .LBB2_6-.Ltmp3, $4  }
0x175: {  	s13 =	simm.s32 $0x5800;
	s26 =	simm.s32 $0x1;
	[sflag:s1] =	ssyncset.done $0x0  }
0x176: {  	s18 =	simm.s32 $0x3000;
	s31 =	simm.s32 $0x580;
	[sflag:s1] =	ssyncadd.s32 $0xFFFFD800  }
0x177: {  	[spmem:s5] =	stream.indirect.scatter.add.f32 [tilespmem:s7], [sflag:$0x10], $0x80, s14, s24, $0xb8;
	[tilespmem:$0x1E800] =	vst v63  }
0x178: {  	s14 =	simm.s32 $0x600;
	s7 =	simm.s32 $0x780;
	s5 =	simm.s32 $0xE  }
.LBB2_2:
0x179: {  	p0 =	seq.s32 s3, $0x0  }
.Ltmp4:
0x17a: {  	_ = 	snop;
	(pc) =	sbr.rel @!p0 .LBB2_4-.Ltmp4, $1  }
0x17b: {  	_ =	sdelay $0x3  }
0x17c: {  	s8 =	simm.s32 $0x0  }
0x17d: {  	s10 =	simm.s32 $0x200;
	s26 =	simm.s32 $0x400;
	s23 =	simm.s32 $0x600  }
.Ltmp5:
0x17e: {  	s21 =	simm.s32 $0x100;
	s18 =	simm.s32 $0x3000;
	(pc) =	sbr.rel .LBB2_5-.Ltmp5, $4  }
0x17f: {  	s31 =	simm.s32 $0x5800;
	s17 =	simm.s32 $0x300;
	s15 =	simm.s32 $0x500  }
0x180: {  	s7 =	simm.s32 $0x8000;
	s4 =	simm.s32 $0x700;
	s14 =	simm.s32 $0x780  }
0x181: {  	s30 =	simm.s32 $0xD;
	s2 =	smov.u32 s6;
	s6 =	simm.s32 $0xE  }
0x182: {  	s28 =	simm.s32 $0x0;
	s19 =	simm.s32 $0xF;
	s22 =	simm.s32 $0x10  }
.LBB2_7:
0x183: {  	_ =	sfence.sel $0x180000  }
0x184: {  	[bflag:$0x0] =	sbarrier.arrive $0xFFFF  }
0x185: {  	_ =	strace $0x9000004A  }
0x186: {  	s0 =	stileid.u32;
	[bflag:$0x2] =	sbarrier.arrive $0xFFFF  }
0x187: {  	p0 =	sne.s32 s0, $0x0;
	s0 =	rddreg [dreg:$0x3]  }
0x188: {  	s0 =	sadd.s32 @!p0 $0x100000, s0  }
0x189: {  	[sflag:s0] =	ssyncadd.tile.s32 @!p0 $0x1;
	_ =	shalt  }
.Lfunc_end2:
_tile_overlayer_lowered:
.L_overlay_start_2:
0x18a: {  	(tag) =	ssettag $0x2  }
0x18b: {  	s0 =	rddreg [dreg:$0x0];
	s2 =	stileid.u32  }
0x18c: {  	s1 =	rddreg [dreg:$0x1];
	p0 =	sne.s32 s2, $0x0  }
0x18d: {  	s3 =	rddreg [dreg:$0x2];
	[bflag:$0x3] =	sbarrier.arrive $0xFFFF;
	s2 =	simm.s32 @!p0 $0x1C11  }
0x18e: {  	[timem:s3], [sflag:s2] =	dma.local @!p0 [hbm:s0], s1  }
0x18f: {  	s0 =	simm.s32 @!p0 $0x11  }
0x190: {  	_ =	swait.ge @!p0 [sflag:s0], s1  }
0x191: {  	s1 =	ssub.s32 @!p0 $0x0, s1;
	[sflag:s0] =	ssyncset.done @!p0 $0x0  }
0x192: {  	[sflag:s0] =	ssyncadd.s32 @!p0 s1  }
0x193: {  	[bflag:$0x3] =	sbarrier.arrive $0xFFFF  }
0x194: {  	_ =	shalt  }

</sc_bundles>
